<compile_context>
chip_gen: v7x
topology: tpu7x:2x2x1
jax: 0.10.2.dev20260603
libtpu: 0.0.44.dev20260713+nightly
codegen_flags: <defaults>
</compile_context>

<pallas_src>
import functools

import jax
import jax.numpy as jnp
from jax import lax
from jax.experimental import pallas as pl
from jax.experimental.pallas import tpu as pltpu
from jax.experimental.pallas import tpu_sc as plsc

_DIM = 32
_SEQ = 50
_BATCH = 16384
_NW = 32
_BPW = _BATCH // _NW
_BLK = 256
_NIT = _SEQ * (_BPW // _BLK)


def _make_lookup():
    mesh = plsc.VectorSubcoreMesh(core_axis_name="c", subcore_axis_name="s")

    @functools.partial(
        pl.kernel,
        mesh=mesh,
        out_type=jax.ShapeDtypeStruct((_SEQ, _DIM, _BATCH), jnp.float32),
        scratch_types=[
            pltpu.VMEM((_SEQ, _BPW), jnp.int32),
            pltpu.VMEM((_BLK,), jnp.int32),
            pltpu.VMEM((_BLK,), jnp.int32),
            pltpu.VMEM((_BLK,), jnp.int32),
            pltpu.VMEM((_BLK,), jnp.int32),
            pltpu.VMEM((_BLK, 128), jnp.float32),
            pltpu.VMEM((_BLK, 128), jnp.float32),
            pltpu.VMEM((_DIM, 257), jnp.float32),
            pltpu.VMEM((_DIM, 257), jnp.float32),
            pltpu.HBM((_DIM, _BLK), jnp.float32),
            pltpu.SemaphoreType.DMA,
            pltpu.SemaphoreType.DMA,
            pltpu.SemaphoreType.DMA,
            pltpu.SemaphoreType.DMA,
            pltpu.SemaphoreType.DMA,
        ],
        compiler_params=pltpu.CompilerParams(
            use_tc_tiling_on_sc=True, needs_layout_passes=False),
    )
    def k(idxT, W2, out, idxall, gi0, gi1, cb0, cb1, rows0, rows1,
          ob0, ob1, dmy, sidx, sg0, sg1, so0, so1):
        wid = lax.axis_index("s") * 2 + lax.axis_index("c")
        b0 = wid * _BPW
        gi = (gi0, gi1)
        cb = (cb0, cb1)
        rows = (rows0, rows1)
        ob = (ob0, ob1)
        sg = (sg0, sg1)
        so = (so0, so1)
        iota = lax.iota(jnp.int32, 16)
        iota16 = iota + 16
        zero16 = iota * 0

        idx_copies = []
        for s8 in range(6):
            idx_copies.append(pltpu.async_copy(
                idxT.at[pl.ds(s8 * 8, 8), pl.ds(b0, _BPW)],
                idxall.at[pl.ds(s8 * 8, 8), :], sidx))
        idx_copies.append(pltpu.async_copy(
            idxT.at[pl.ds(48, 2), pl.ds(b0, _BPW)],
            idxall.at[pl.ds(48, 2), :], sidx))
        for c in idx_copies:
            c.wait()

        pltpu.async_copy(ob0.at[:, pl.ds(0, _BLK)], dmy, so0)
        pltpu.async_copy(ob1.at[:, pl.ds(0, _BLK)], dmy, so1)

        def stage_a(i, b):
            s = i >> 1
            ch = (i & 1) * _BLK
            for j in range(_BLK // 16):
                v = idxall[s, pl.ds(ch + j * 16, 16)]
                gi[b][pl.ds(j * 16, 16)] = lax.shift_right_logical(v, 2)
                cb[b][pl.ds(j * 16, 16)] = lax.shift_left(v & 3, 5)
            pltpu.async_copy(W2.at[gi[b]], rows[b], sg[b])

        def stage_b(i, b):
            s = i >> 1
            c0 = b0 + (i & 1) * _BLK
            pltpu.make_async_copy(W2.at[pl.ds(0, _BLK)], rows[b], sg[b]).wait()
            pltpu.make_async_copy(
                ob[b].at[:, pl.ds(0, _BLK)], dmy, so[b]).wait()

            def extract(q, carry):
                cvec = cb[b][pl.ds(q * 16, 16)]
                for u in range(16):
                    j = q * 16 + u
                    c = cvec[u]
                    jsplat = zero16 + j
                    v0 = rows[b][j, pl.ds(c, 16)]
                    v1 = rows[b][j, pl.ds(c + 16, 16)]
                    plsc.store_scatter(ob[b], [iota, jsplat], v0)
                    plsc.store_scatter(ob[b], [iota16, jsplat], v1)
                return carry

            lax.fori_loop(0, _BLK // 16, extract, 0)
            pltpu.async_copy(
                ob[b].at[:, pl.ds(0, _BLK)],
                out.at[s, :, pl.ds(c0, _BLK)], so[b])

        stage_a(0, 0)

        def body(i2, carry):
            i = i2 * 2
            stage_a(i + 1, 1)
            stage_b(i, 0)
            stage_a(i + 2, 0)
            stage_b(i + 1, 1)
            return carry

        lax.fori_loop(0, _NIT // 2 - 1, body, 0)
        stage_a(_NIT - 1, 1)
        stage_b(_NIT - 2, 0)
        stage_b(_NIT - 1, 1)
        pltpu.make_async_copy(ob0.at[:, pl.ds(0, _BLK)], dmy, so0).wait()
        pltpu.make_async_copy(ob1.at[:, pl.ds(0, _BLK)], dmy, so1).wait()

    return k


_lookup = _make_lookup()


def kernel(token_ids, W):
    idxT = token_ids.T
    W2 = W.reshape(250000, 128)
    out3 = _lookup(idxT, W2)
    return out3.transpose(2, 0, 1)

# --- scband reference (transcript-rebuilt; emitter-appended) ---
"""Pipeline reference for scband-embedding-10033043604031 (READ-ONLY COPY).

The authoritative reference and input builder live on the scoring server;
editing this copy changes nothing except your own understanding.
"""

import jax, jax.numpy as jnp
import numpy as np

NUM_EMBEDDINGS = 1000000
EMBEDDING_DIM = 32

def setup_inputs(seed: int = 0) -> dict:
    key = jax.random.key(seed)
    k_idx, k_w = jax.random.split(key)
    token_ids = jax.random.randint(k_idx, (16384, 50), 0, NUM_EMBEDDINGS, dtype=jnp.int64 if jax.config.jax_enable_x64 else jnp.int32)
    # trunc_normal_(a=-3, b=3) ~ standard normal truncated to [-3, 3]
    W = jax.random.truncated_normal(k_w, -3.0, 3.0, (NUM_EMBEDDINGS, EMBEDDING_DIM), dtype=jnp.float32)
    return {"token_ids": token_ids, "W": W}

def reference(token_ids, W):
    # Embedding lookup: W[token_ids]
    return jnp.take(W, token_ids, axis=0)

if __name__ == "__main__":
    import jax
    _d = setup_inputs()
    print(jax.jit(kernel)(*tuple(_d.values())))

</pallas_src>

<mosaic_0001>
#map = affine_map<(d0, d1) -> (0, 0)>
#map1 = affine_map<(d0, d1) -> (0, 0, 0)>
module attributes {stable_mosaic.version = 14 : i64} {
  func.func @k(%arg0: i32, %arg1: i32, %arg2: memref<50x16384xi32, #tpu.memory_space<hbm>>, %arg3: memref<250000x128xf32, #tpu.memory_space<hbm>>, %arg4: memref<50x32x16384xf32, #tpu.memory_space<hbm>>, %arg5: memref<50x512xi32, #tpu.memory_space<vmem>>, %arg6: memref<256xi32, #tpu.memory_space<vmem>>, %arg7: memref<256xi32, #tpu.memory_space<vmem>>, %arg8: memref<256xi32, #tpu.memory_space<vmem>>, %arg9: memref<256xi32, #tpu.memory_space<vmem>>, %arg10: memref<256x128xf32, #tpu.memory_space<vmem>>, %arg11: memref<256x128xf32, #tpu.memory_space<vmem>>, %arg12: memref<32x257xf32, #tpu.memory_space<vmem>>, %arg13: memref<32x257xf32, #tpu.memory_space<vmem>>, %arg14: memref<32x256xf32, #tpu.memory_space<hbm>>, %arg15: memref<!tpu.dma_semaphore, #tpu.memory_space<semaphore_mem>>, %arg16: memref<!tpu.dma_semaphore, #tpu.memory_space<semaphore_mem>>, %arg17: memref<!tpu.dma_semaphore, #tpu.memory_space<semaphore_mem>>, %arg18: memref<!tpu.dma_semaphore, #tpu.memory_space<semaphore_mem>>, %arg19: memref<!tpu.dma_semaphore, #tpu.memory_space<semaphore_mem>>) attributes {dimension_semantics = [#tpu.dimension_semantics<core_parallel>, #tpu.dimension_semantics<subcore_parallel>], iteration_bounds = array<i64: 2, 16>, scalar_prefetch = 0 : i64, scratch_operands = 15 : i64, tpu.core_type = #tpu.core_type<sc_vector_subcore>, window_params = [{transform_indices = #map}, {transform_indices = #map}, {transform_indices = #map1}]} {
    %mul3A = arith.constant 2 : i32
    %mul3A_0 = arith.muli %arg1, %mul3A : i32
    %add3A = arith.addi %mul3A_0, %arg0 : i32
    %mul3A_1 = arith.constant 512 : i32
    %mul3A_2 = arith.muli %add3A, %mul3A_1 : i32
    %iota3A = tpu.iota {dimensions = array<i32: 0>} : vector<16xi32>
    %add3A_3 = arith.constant 16 : i32
    %add3A_4 = vector.broadcast %add3A_3 : i32 to vector<16xi32>
    %add3A_5 = arith.addi %iota3A, %add3A_4 : vector<16xi32>
    %mul3A_6 = arith.constant 0 : i32
    %mul3A_7 = vector.broadcast %mul3A_6 : i32 to vector<16xi32>
    %mul3A_8 = arith.muli %iota3A, %mul3A_7 : vector<16xi32>
    %dma_start3A = arith.constant 0 : i32
    %dma_start3A_9 = arith.constant 0 : i32
    %dma_start3A_10 = tpu.memref_slice %arg5[%dma_start3A, %dma_start3A_9] : memref<50x512xi32, #tpu.memory_space<vmem>> -> memref<8x512xi32, #tpu.memory_space<vmem>>
    %dma_start3A_11 = arith.constant 0 : i32
    %dma_start3A_12 = tpu.memref_slice %arg2[%dma_start3A_11, %mul3A_2] : memref<50x16384xi32, #tpu.memory_space<hbm>> -> memref<8x512xi32, #tpu.memory_space<hbm>>
    %dma_start3A_13 = arith.constant 0 : i32
    %dma_start3A_14 = arith.constant 0 : i32
    %dma_start3A_15 = tpu.memref_slice %arg5[%dma_start3A_13, %dma_start3A_14] : memref<50x512xi32, #tpu.memory_space<vmem>> -> memref<8x512xi32, #tpu.memory_space<vmem>>
    %dma_start3A_16 = arith.constant 0 : i32
    %dma_start3A_17 = tpu.memref_slice %arg2[%dma_start3A_16, %mul3A_2] : memref<50x16384xi32, #tpu.memory_space<hbm>> -> memref<8x512xi32, #tpu.memory_space<hbm>>
    tpu.enqueue_dma source(%dma_start3A_17 : memref<8x512xi32, #tpu.memory_space<hbm>>) target(%dma_start3A_15 : memref<8x512xi32, #tpu.memory_space<vmem>>) target_semaphore(%arg15 : memref<!tpu.dma_semaphore, #tpu.memory_space<semaphore_mem>>)
    %dma_start3A_18 = arith.constant 8 : i32
    %dma_start3A_19 = arith.constant 0 : i32
    %dma_start3A_20 = tpu.memref_slice %arg5[%dma_start3A_18, %dma_start3A_19] : memref<50x512xi32, #tpu.memory_space<vmem>> -> memref<8x512xi32, #tpu.memory_space<vmem>>
    %dma_start3A_21 = arith.constant 8 : i32
    %dma_start3A_22 = tpu.memref_slice %arg2[%dma_start3A_21, %mul3A_2] : memref<50x16384xi32, #tpu.memory_space<hbm>> -> memref<8x512xi32, #tpu.memory_space<hbm>>
    %dma_start3A_23 = arith.constant 8 : i32
    %dma_start3A_24 = arith.constant 0 : i32
    %dma_start3A_25 = tpu.memref_slice %arg5[%dma_start3A_23, %dma_start3A_24] : memref<50x512xi32, #tpu.memory_space<vmem>> -> memref<8x512xi32, #tpu.memory_space<vmem>>
    %dma_start3A_26 = arith.constant 8 : i32
    %dma_start3A_27 = tpu.memref_slice %arg2[%dma_start3A_26, %mul3A_2] : memref<50x16384xi32, #tpu.memory_space<hbm>> -> memref<8x512xi32, #tpu.memory_space<hbm>>
    tpu.enqueue_dma source(%dma_start3A_27 : memref<8x512xi32, #tpu.memory_space<hbm>>) target(%dma_start3A_25 : memref<8x512xi32, #tpu.memory_space<vmem>>) target_semaphore(%arg15 : memref<!tpu.dma_semaphore, #tpu.memory_space<semaphore_mem>>)
    %dma_start3A_28 = arith.constant 16 : i32
    %dma_start3A_29 = arith.constant 0 : i32
    %dma_start3A_30 = tpu.memref_slice %arg5[%dma_start3A_28, %dma_start3A_29] : memref<50x512xi32, #tpu.memory_space<vmem>> -> memref<8x512xi32, #tpu.memory_space<vmem>>
    %dma_start3A_31 = arith.constant 16 : i32
    %dma_start3A_32 = tpu.memref_slice %arg2[%dma_start3A_31, %mul3A_2] : memref<50x16384xi32, #tpu.memory_space<hbm>> -> memref<8x512xi32, #tpu.memory_space<hbm>>
    %dma_start3A_33 = arith.constant 16 : i32
    %dma_start3A_34 = arith.constant 0 : i32
    %dma_start3A_35 = tpu.memref_slice %arg5[%dma_start3A_33, %dma_start3A_34] : memref<50x512xi32, #tpu.memory_space<vmem>> -> memref<8x512xi32, #tpu.memory_space<vmem>>
    %dma_start3A_36 = arith.constant 16 : i32
    %dma_start3A_37 = tpu.memref_slice %arg2[%dma_start3A_36, %mul3A_2] : memref<50x16384xi32, #tpu.memory_space<hbm>> -> memref<8x512xi32, #tpu.memory_space<hbm>>
    tpu.enqueue_dma source(%dma_start3A_37 : memref<8x512xi32, #tpu.memory_space<hbm>>) target(%dma_start3A_35 : memref<8x512xi32, #tpu.memory_space<vmem>>) target_semaphore(%arg15 : memref<!tpu.dma_semaphore, #tpu.memory_space<semaphore_mem>>)
    %dma_start3A_38 = arith.constant 24 : i32
    %dma_start3A_39 = arith.constant 0 : i32
    %dma_start3A_40 = tpu.memref_slice %arg5[%dma_start3A_38, %dma_start3A_39] : memref<50x512xi32, #tpu.memory_space<vmem>> -> memref<8x512xi32, #tpu.memory_space<vmem>>
    %dma_start3A_41 = arith.constant 24 : i32
    %dma_start3A_42 = tpu.memref_slice %arg2[%dma_start3A_41, %mul3A_2] : memref<50x16384xi32, #tpu.memory_space<hbm>> -> memref<8x512xi32, #tpu.memory_space<hbm>>
    %dma_start3A_43 = arith.constant 24 : i32
    %dma_start3A_44 = arith.constant 0 : i32
    %dma_start3A_45 = tpu.memref_slice %arg5[%dma_start3A_43, %dma_start3A_44] : memref<50x512xi32, #tpu.memory_space<vmem>> -> memref<8x512xi32, #tpu.memory_space<vmem>>
    %dma_start3A_46 = arith.constant 24 : i32
    %dma_start3A_47 = tpu.memref_slice %arg2[%dma_start3A_46, %mul3A_2] : memref<50x16384xi32, #tpu.memory_space<hbm>> -> memref<8x512xi32, #tpu.memory_space<hbm>>
    tpu.enqueue_dma source(%dma_start3A_47 : memref<8x512xi32, #tpu.memory_space<hbm>>) target(%dma_start3A_45 : memref<8x512xi32, #tpu.memory_space<vmem>>) target_semaphore(%arg15 : memref<!tpu.dma_semaphore, #tpu.memory_space<semaphore_mem>>)
    %dma_start3A_48 = arith.constant 32 : i32
    %dma_start3A_49 = arith.constant 0 : i32
    %dma_start3A_50 = tpu.memref_slice %arg5[%dma_start3A_48, %dma_start3A_49] : memref<50x512xi32, #tpu.memory_space<vmem>> -> memref<8x512xi32, #tpu.memory_space<vmem>>
    %dma_start3A_51 = arith.constant 32 : i32
    %dma_start3A_52 = tpu.memref_slice %arg2[%dma_start3A_51, %mul3A_2] : memref<50x16384xi32, #tpu.memory_space<hbm>> -> memref<8x512xi32, #tpu.memory_space<hbm>>
    %dma_start3A_53 = arith.constant 32 : i32
    %dma_start3A_54 = arith.constant 0 : i32
    %dma_start3A_55 = tpu.memref_slice %arg5[%dma_start3A_53, %dma_start3A_54] : memref<50x512xi32, #tpu.memory_space<vmem>> -> memref<8x512xi32, #tpu.memory_space<vmem>>
    %dma_start3A_56 = arith.constant 32 : i32
    %dma_start3A_57 = tpu.memref_slice %arg2[%dma_start3A_56, %mul3A_2] : memref<50x16384xi32, #tpu.memory_space<hbm>> -> memref<8x512xi32, #tpu.memory_space<hbm>>
    tpu.enqueue_dma source(%dma_start3A_57 : memref<8x512xi32, #tpu.memory_space<hbm>>) target(%dma_start3A_55 : memref<8x512xi32, #tpu.memory_space<vmem>>) target_semaphore(%arg15 : memref<!tpu.dma_semaphore, #tpu.memory_space<semaphore_mem>>)
    %dma_start3A_58 = arith.constant 40 : i32
    %dma_start3A_59 = arith.constant 0 : i32
    %dma_start3A_60 = tpu.memref_slice %arg5[%dma_start3A_58, %dma_start3A_59] : memref<50x512xi32, #tpu.memory_space<vmem>> -> memref<8x512xi32, #tpu.memory_space<vmem>>
    %dma_start3A_61 = arith.constant 40 : i32
    %dma_start3A_62 = tpu.memref_slice %arg2[%dma_start3A_61, %mul3A_2] : memref<50x16384xi32, #tpu.memory_space<hbm>> -> memref<8x512xi32, #tpu.memory_space<hbm>>
    %dma_start3A_63 = arith.constant 40 : i32
    %dma_start3A_64 = arith.constant 0 : i32
    %dma_start3A_65 = tpu.memref_slice %arg5[%dma_start3A_63, %dma_start3A_64] : memref<50x512xi32, #tpu.memory_space<vmem>> -> memref<8x512xi32, #tpu.memory_space<vmem>>
    %dma_start3A_66 = arith.constant 40 : i32
    %dma_start3A_67 = tpu.memref_slice %arg2[%dma_start3A_66, %mul3A_2] : memref<50x16384xi32, #tpu.memory_space<hbm>> -> memref<8x512xi32, #tpu.memory_space<hbm>>
    tpu.enqueue_dma source(%dma_start3A_67 : memref<8x512xi32, #tpu.memory_space<hbm>>) target(%dma_start3A_65 : memref<8x512xi32, #tpu.memory_space<vmem>>) target_semaphore(%arg15 : memref<!tpu.dma_semaphore, #tpu.memory_space<semaphore_mem>>)
    %dma_start3A_68 = arith.constant 48 : i32
    %dma_start3A_69 = arith.constant 0 : i32
    %dma_start3A_70 = tpu.memref_slice %arg5[%dma_start3A_68, %dma_start3A_69] : memref<50x512xi32, #tpu.memory_space<vmem>> -> memref<2x512xi32, #tpu.memory_space<vmem>>
    %dma_start3A_71 = arith.constant 48 : i32
    %dma_start3A_72 = tpu.memref_slice %arg2[%dma_start3A_71, %mul3A_2] : memref<50x16384xi32, #tpu.memory_space<hbm>> -> memref<2x512xi32, #tpu.memory_space<hbm>>
    %dma_start3A_73 = arith.constant 48 : i32
    %dma_start3A_74 = arith.constant 0 : i32
    %dma_start3A_75 = tpu.memref_slice %arg5[%dma_start3A_73, %dma_start3A_74] : memref<50x512xi32, #tpu.memory_space<vmem>> -> memref<2x512xi32, #tpu.memory_space<vmem>>
    %dma_start3A_76 = arith.constant 48 : i32
    %dma_start3A_77 = tpu.memref_slice %arg2[%dma_start3A_76, %mul3A_2] : memref<50x16384xi32, #tpu.memory_space<hbm>> -> memref<2x512xi32, #tpu.memory_space<hbm>>
    tpu.enqueue_dma source(%dma_start3A_77 : memref<2x512xi32, #tpu.memory_space<hbm>>) target(%dma_start3A_75 : memref<2x512xi32, #tpu.memory_space<vmem>>) target_semaphore(%arg15 : memref<!tpu.dma_semaphore, #tpu.memory_space<semaphore_mem>>)
    %dma_wait3A = arith.constant 0 : i32
    %dma_wait3A_78 = arith.constant 0 : i32
    %dma_wait3A_79 = tpu.memref_slice %arg5[%dma_wait3A, %dma_wait3A_78] : memref<50x512xi32, #tpu.memory_space<vmem>> -> memref<8x512xi32, #tpu.memory_space<vmem>>
    %dma_wait3A_80 = arith.constant 0 : i32
    %dma_wait3A_81 = tpu.memref_slice %arg2[%dma_wait3A_80, %mul3A_2] : memref<50x16384xi32, #tpu.memory_space<hbm>> -> memref<8x512xi32, #tpu.memory_space<hbm>>
    %dma_wait3A_82 = arith.constant 0 : i32
    %dma_wait3A_83 = arith.constant 0 : i32
    %dma_wait3A_84 = tpu.memref_slice %arg5[%dma_wait3A_82, %dma_wait3A_83] : memref<50x512xi32, #tpu.memory_space<vmem>> -> memref<8x512xi32, #tpu.memory_space<vmem>>
    %dma_wait3A_85 = arith.constant 0 : i32
    %dma_wait3A_86 = tpu.memref_slice %arg2[%dma_wait3A_85, %mul3A_2] : memref<50x16384xi32, #tpu.memory_space<hbm>> -> memref<8x512xi32, #tpu.memory_space<hbm>>
    tpu.wait_dma2 semaphore(%arg15 : memref<!tpu.dma_semaphore, #tpu.memory_space<semaphore_mem>>) src(%dma_wait3A_86 : memref<8x512xi32, #tpu.memory_space<hbm>>) dst(%dma_wait3A_84 : memref<8x512xi32, #tpu.memory_space<vmem>>)
    %dma_wait3A_87 = arith.constant 8 : i32
    %dma_wait3A_88 = arith.constant 0 : i32
    %dma_wait3A_89 = tpu.memref_slice %arg5[%dma_wait3A_87, %dma_wait3A_88] : memref<50x512xi32, #tpu.memory_space<vmem>> -> memref<8x512xi32, #tpu.memory_space<vmem>>
    %dma_wait3A_90 = arith.constant 8 : i32
    %dma_wait3A_91 = tpu.memref_slice %arg2[%dma_wait3A_90, %mul3A_2] : memref<50x16384xi32, #tpu.memory_space<hbm>> -> memref<8x512xi32, #tpu.memory_space<hbm>>
    %dma_wait3A_92 = arith.constant 8 : i32
    %dma_wait3A_93 = arith.constant 0 : i32
    %dma_wait3A_94 = tpu.memref_slice %arg5[%dma_wait3A_92, %dma_wait3A_93] : memref<50x512xi32, #tpu.memory_space<vmem>> -> memref<8x512xi32, #tpu.memory_space<vmem>>
    %dma_wait3A_95 = arith.constant 8 : i32
    %dma_wait3A_96 = tpu.memref_slice %arg2[%dma_wait3A_95, %mul3A_2] : memref<50x16384xi32, #tpu.memory_space<hbm>> -> memref<8x512xi32, #tpu.memory_space<hbm>>
    tpu.wait_dma2 semaphore(%arg15 : memref<!tpu.dma_semaphore, #tpu.memory_space<semaphore_mem>>) src(%dma_wait3A_96 : memref<8x512xi32, #tpu.memory_space<hbm>>) dst(%dma_wait3A_94 : memref<8x512xi32, #tpu.memory_space<vmem>>)
    %dma_wait3A_97 = arith.constant 16 : i32
    %dma_wait3A_98 = arith.constant 0 : i32
    %dma_wait3A_99 = tpu.memref_slice %arg5[%dma_wait3A_97, %dma_wait3A_98] : memref<50x512xi32, #tpu.memory_space<vmem>> -> memref<8x512xi32, #tpu.memory_space<vmem>>
    %dma_wait3A_100 = arith.constant 16 : i32
    %dma_wait3A_101 = tpu.memref_slice %arg2[%dma_wait3A_100, %mul3A_2] : memref<50x16384xi32, #tpu.memory_space<hbm>> -> memref<8x512xi32, #tpu.memory_space<hbm>>
    %dma_wait3A_102 = arith.constant 16 : i32
    %dma_wait3A_103 = arith.constant 0 : i32
    %dma_wait3A_104 = tpu.memref_slice %arg5[%dma_wait3A_102, %dma_wait3A_103] : memref<50x512xi32, #tpu.memory_space<vmem>> -> memref<8x512xi32, #tpu.memory_space<vmem>>
    %dma_wait3A_105 = arith.constant 16 : i32
    %dma_wait3A_106 = tpu.memref_slice %arg2[%dma_wait3A_105, %mul3A_2] : memref<50x16384xi32, #tpu.memory_space<hbm>> -> memref<8x512xi32, #tpu.memory_space<hbm>>
    tpu.wait_dma2 semaphore(%arg15 : memref<!tpu.dma_semaphore, #tpu.memory_space<semaphore_mem>>) src(%dma_wait3A_106 : memref<8x512xi32, #tpu.memory_space<hbm>>) dst(%dma_wait3A_104 : memref<8x512xi32, #tpu.memory_space<vmem>>)
    %dma_wait3A_107 = arith.constant 24 : i32
    %dma_wait3A_108 = arith.constant 0 : i32
    %dma_wait3A_109 = tpu.memref_slice %arg5[%dma_wait3A_107, %dma_wait3A_108] : memref<50x512xi32, #tpu.memory_space<vmem>> -> memref<8x512xi32, #tpu.memory_space<vmem>>
    %dma_wait3A_110 = arith.constant 24 : i32
    %dma_wait3A_111 = tpu.memref_slice %arg2[%dma_wait3A_110, %mul3A_2] : memref<50x16384xi32, #tpu.memory_space<hbm>> -> memref<8x512xi32, #tpu.memory_space<hbm>>
    %dma_wait3A_112 = arith.constant 24 : i32
    %dma_wait3A_113 = arith.constant 0 : i32
    %dma_wait3A_114 = tpu.memref_slice %arg5[%dma_wait3A_112, %dma_wait3A_113] : memref<50x512xi32, #tpu.memory_space<vmem>> -> memref<8x512xi32, #tpu.memory_space<vmem>>
    %dma_wait3A_115 = arith.constant 24 : i32
    %dma_wait3A_116 = tpu.memref_slice %arg2[%dma_wait3A_115, %mul3A_2] : memref<50x16384xi32, #tpu.memory_space<hbm>> -> memref<8x512xi32, #tpu.memory_space<hbm>>
    tpu.wait_dma2 semaphore(%arg15 : memref<!tpu.dma_semaphore, #tpu.memory_space<semaphore_mem>>) src(%dma_wait3A_116 : memref<8x512xi32, #tpu.memory_space<hbm>>) dst(%dma_wait3A_114 : memref<8x512xi32, #tpu.memory_space<vmem>>)
    %dma_wait3A_117 = arith.constant 32 : i32
    %dma_wait3A_118 = arith.constant 0 : i32
    %dma_wait3A_119 = tpu.memref_slice %arg5[%dma_wait3A_117, %dma_wait3A_118] : memref<50x512xi32, #tpu.memory_space<vmem>> -> memref<8x512xi32, #tpu.memory_space<vmem>>
    %dma_wait3A_120 = arith.constant 32 : i32
    %dma_wait3A_121 = tpu.memref_slice %arg2[%dma_wait3A_120, %mul3A_2] : memref<50x16384xi32, #tpu.memory_space<hbm>> -> memref<8x512xi32, #tpu.memory_space<hbm>>
    %dma_wait3A_122 = arith.constant 32 : i32
    %dma_wait3A_123 = arith.constant 0 : i32
    %dma_wait3A_124 = tpu.memref_slice %arg5[%dma_wait3A_122, %dma_wait3A_123] : memref<50x512xi32, #tpu.memory_space<vmem>> -> memref<8x512xi32, #tpu.memory_space<vmem>>
    %dma_wait3A_125 = arith.constant 32 : i32
    %dma_wait3A_126 = tpu.memref_slice %arg2[%dma_wait3A_125, %mul3A_2] : memref<50x16384xi32, #tpu.memory_space<hbm>> -> memref<8x512xi32, #tpu.memory_space<hbm>>
    tpu.wait_dma2 semaphore(%arg15 : memref<!tpu.dma_semaphore, #tpu.memory_space<semaphore_mem>>) src(%dma_wait3A_126 : memref<8x512xi32, #tpu.memory_space<hbm>>) dst(%dma_wait3A_124 : memref<8x512xi32, #tpu.memory_space<vmem>>)
    %dma_wait3A_127 = arith.constant 40 : i32
    %dma_wait3A_128 = arith.constant 0 : i32
    %dma_wait3A_129 = tpu.memref_slice %arg5[%dma_wait3A_127, %dma_wait3A_128] : memref<50x512xi32, #tpu.memory_space<vmem>> -> memref<8x512xi32, #tpu.memory_space<vmem>>
    %dma_wait3A_130 = arith.constant 40 : i32
    %dma_wait3A_131 = tpu.memref_slice %arg2[%dma_wait3A_130, %mul3A_2] : memref<50x16384xi32, #tpu.memory_space<hbm>> -> memref<8x512xi32, #tpu.memory_space<hbm>>
    %dma_wait3A_132 = arith.constant 40 : i32
    %dma_wait3A_133 = arith.constant 0 : i32
    %dma_wait3A_134 = tpu.memref_slice %arg5[%dma_wait3A_132, %dma_wait3A_133] : memref<50x512xi32, #tpu.memory_space<vmem>> -> memref<8x512xi32, #tpu.memory_space<vmem>>
    %dma_wait3A_135 = arith.constant 40 : i32
    %dma_wait3A_136 = tpu.memref_slice %arg2[%dma_wait3A_135, %mul3A_2] : memref<50x16384xi32, #tpu.memory_space<hbm>> -> memref<8x512xi32, #tpu.memory_space<hbm>>
    tpu.wait_dma2 semaphore(%arg15 : memref<!tpu.dma_semaphore, #tpu.memory_space<semaphore_mem>>) src(%dma_wait3A_136 : memref<8x512xi32, #tpu.memory_space<hbm>>) dst(%dma_wait3A_134 : memref<8x512xi32, #tpu.memory_space<vmem>>)
    %dma_wait3A_137 = arith.constant 48 : i32
    %dma_wait3A_138 = arith.constant 0 : i32
    %dma_wait3A_139 = tpu.memref_slice %arg5[%dma_wait3A_137, %dma_wait3A_138] : memref<50x512xi32, #tpu.memory_space<vmem>> -> memref<2x512xi32, #tpu.memory_space<vmem>>
    %dma_wait3A_140 = arith.constant 48 : i32
    %dma_wait3A_141 = tpu.memref_slice %arg2[%dma_wait3A_140, %mul3A_2] : memref<50x16384xi32, #tpu.memory_space<hbm>> -> memref<2x512xi32, #tpu.memory_space<hbm>>
    %dma_wait3A_142 = arith.constant 48 : i32
    %dma_wait3A_143 = arith.constant 0 : i32
    %dma_wait3A_144 = tpu.memref_slice %arg5[%dma_wait3A_142, %dma_wait3A_143] : memref<50x512xi32, #tpu.memory_space<vmem>> -> memref<2x512xi32, #tpu.memory_space<vmem>>
    %dma_wait3A_145 = arith.constant 48 : i32
    %dma_wait3A_146 = tpu.memref_slice %arg2[%dma_wait3A_145, %mul3A_2] : memref<50x16384xi32, #tpu.memory_space<hbm>> -> memref<2x512xi32, #tpu.memory_space<hbm>>
    tpu.wait_dma2 semaphore(%arg15 : memref<!tpu.dma_semaphore, #tpu.memory_space<semaphore_mem>>) src(%dma_wait3A_146 : memref<2x512xi32, #tpu.memory_space<hbm>>) dst(%dma_wait3A_144 : memref<2x512xi32, #tpu.memory_space<vmem>>)
    %dma_start3A_147 = arith.constant 0 : i32
    %dma_start3A_148 = arith.constant 0 : i32
    %dma_start3A_149 = tpu.memref_slice %arg12[%dma_start3A_147, %dma_start3A_148] : memref<32x257xf32, #tpu.memory_space<vmem>> -> memref<32x256xf32, #tpu.memory_space<vmem>>
    %dma_start3A_150 = arith.constant 0 : i32
    %dma_start3A_151 = arith.constant 0 : i32
    %dma_start3A_152 = tpu.memref_slice %arg12[%dma_start3A_150, %dma_start3A_151] : memref<32x257xf32, #tpu.memory_space<vmem>> -> memref<32x256xf32, #tpu.memory_space<vmem>>
    tpu.enqueue_dma source(%dma_start3A_152 : memref<32x256xf32, #tpu.memory_space<vmem>>) target(%arg14 : memref<32x256xf32, #tpu.memory_space<hbm>>) target_semaphore(%arg18 : memref<!tpu.dma_semaphore, #tpu.memory_space<semaphore_mem>>)
    %dma_start3A_153 = arith.constant 0 : i32
    %dma_start3A_154 = arith.constant 0 : i32
    %dma_start3A_155 = tpu.memref_slice %arg13[%dma_start3A_153, %dma_start3A_154] : memref<32x257xf32, #tpu.memory_space<vmem>> -> memref<32x256xf32, #tpu.memory_space<vmem>>
    %dma_start3A_156 = arith.constant 0 : i32
    %dma_start3A_157 = arith.constant 0 : i32
    %dma_start3A_158 = tpu.memref_slice %arg13[%dma_start3A_156, %dma_start3A_157] : memref<32x257xf32, #tpu.memory_space<vmem>> -> memref<32x256xf32, #tpu.memory_space<vmem>>
    tpu.enqueue_dma source(%dma_start3A_158 : memref<32x256xf32, #tpu.memory_space<vmem>>) target(%arg14 : memref<32x256xf32, #tpu.memory_space<hbm>>) target_semaphore(%arg19 : memref<!tpu.dma_semaphore, #tpu.memory_space<semaphore_mem>>)
    %get3A = arith.constant 0 : i32
    %get3A_159 = arith.index_cast %get3A : i32 to index
    %get3A_160 = arith.constant 0 : index
    %get3A_161 = tpu.vector_load %arg5[%get3A_159, %get3A_160] {strides = array<i32>} : memref<50x512xi32, #tpu.memory_space<vmem>>, vector<16xi32>,
    %shift_right_logical3A = arith.constant 2 : i32
    %shift_right_logical3A_162 = vector.broadcast %shift_right_logical3A : i32 to vector<16xi32>
    %shift_right_logical3A_163 = arith.shrui %get3A_161, %shift_right_logical3A_162 : vector<16xi32>
    %swap3A = arith.constant 0 : index
    %swap3A_164 = tpu.vector_load %arg6[%swap3A] {strides = array<i32>} : memref<256xi32, #tpu.memory_space<vmem>>, vector<16xi32>,
    tpu.vector_store %arg6[%swap3A], %shift_right_logical3A_163 {strides = array<i32>} : memref<256xi32, #tpu.memory_space<vmem>>, vector<16xi32>,
    %and3A = arith.constant 3 : i32
    %and3A_165 = vector.broadcast %and3A : i32 to vector<16xi32>
    %and3A_166 = arith.andi %get3A_161, %and3A_165 : vector<16xi32>
    %shift_left3A = arith.constant 5 : i32
    %shift_left3A_167 = vector.broadcast %shift_left3A : i32 to vector<16xi32>
    %shift_left3A_168 = arith.shli %and3A_166, %shift_left3A_167 : vector<16xi32>
    %swap3A_169 = arith.constant 0 : index
    %swap3A_170 = tpu.vector_load %arg8[%swap3A_169] {strides = array<i32>} : memref<256xi32, #tpu.memory_space<vmem>>, vector<16xi32>,
    tpu.vector_store %arg8[%swap3A_169], %shift_left3A_168 {strides = array<i32>} : memref<256xi32, #tpu.memory_space<vmem>>, vector<16xi32>,
    %get3A_171 = arith.constant 0 : i32
    %get3A_172 = arith.index_cast %get3A_171 : i32 to index
    %get3A_173 = arith.constant 16 : index
    %get3A_174 = tpu.vector_load %arg5[%get3A_172, %get3A_173] {strides = array<i32>} : memref<50x512xi32, #tpu.memory_space<vmem>>, vector<16xi32>,
    %shift_right_logical3A_175 = arith.constant 2 : i32
    %shift_right_logical3A_176 = vector.broadcast %shift_right_logical3A_175 : i32 to vector<16xi32>
    %shift_right_logical3A_177 = arith.shrui %get3A_174, %shift_right_logical3A_176 : vector<16xi32>
    %swap3A_178 = arith.constant 16 : index
    %swap3A_179 = tpu.vector_load %arg6[%swap3A_178] {strides = array<i32>} : memref<256xi32, #tpu.memory_space<vmem>>, vector<16xi32>,
    tpu.vector_store %arg6[%swap3A_178], %shift_right_logical3A_177 {strides = array<i32>} : memref<256xi32, #tpu.memory_space<vmem>>, vector<16xi32>,
    %and3A_180 = arith.constant 3 : i32
    %and3A_181 = vector.broadcast %and3A_180 : i32 to vector<16xi32>
    %and3A_182 = arith.andi %get3A_174, %and3A_181 : vector<16xi32>
    %shift_left3A_183 = arith.constant 5 : i32
    %shift_left3A_184 = vector.broadcast %shift_left3A_183 : i32 to vector<16xi32>
    %shift_left3A_185 = arith.shli %and3A_182, %shift_left3A_184 : vector<16xi32>
    %swap3A_186 = arith.constant 16 : index
    %swap3A_187 = tpu.vector_load %arg8[%swap3A_186] {strides = array<i32>} : memref<256xi32, #tpu.memory_space<vmem>>, vector<16xi32>,
    tpu.vector_store %arg8[%swap3A_186], %shift_left3A_185 {strides = array<i32>} : memref<256xi32, #tpu.memory_space<vmem>>, vector<16xi32>,
    %get3A_188 = arith.constant 0 : i32
    %get3A_189 = arith.index_cast %get3A_188 : i32 to index
    %get3A_190 = arith.constant 32 : index
    %get3A_191 = tpu.vector_load %arg5[%get3A_189, %get3A_190] {strides = array<i32>} : memref<50x512xi32, #tpu.memory_space<vmem>>, vector<16xi32>,
    %shift_right_logical3A_192 = arith.constant 2 : i32
    %shift_right_logical3A_193 = vector.broadcast %shift_right_logical3A_192 : i32 to vector<16xi32>
    %shift_right_logical3A_194 = arith.shrui %get3A_191, %shift_right_logical3A_193 : vector<16xi32>
    %swap3A_195 = arith.constant 32 : index
    %swap3A_196 = tpu.vector_load %arg6[%swap3A_195] {strides = array<i32>} : memref<256xi32, #tpu.memory_space<vmem>>, vector<16xi32>,
    tpu.vector_store %arg6[%swap3A_195], %shift_right_logical3A_194 {strides = array<i32>} : memref<256xi32, #tpu.memory_space<vmem>>, vector<16xi32>,
    %and3A_197 = arith.constant 3 : i32
    %and3A_198 = vector.broadcast %and3A_197 : i32 to vector<16xi32>
    %and3A_199 = arith.andi %get3A_191, %and3A_198 : vector<16xi32>
    %shift_left3A_200 = arith.constant 5 : i32
    %shift_left3A_201 = vector.broadcast %shift_left3A_200 : i32 to vector<16xi32>
    %shift_left3A_202 = arith.shli %and3A_199, %shift_left3A_201 : vector<16xi32>
    %swap3A_203 = arith.constant 32 : index
    %swap3A_204 = tpu.vector_load %arg8[%swap3A_203] {strides = array<i32>} : memref<256xi32, #tpu.memory_space<vmem>>, vector<16xi32>,
    tpu.vector_store %arg8[%swap3A_203], %shift_left3A_202 {strides = array<i32>} : memref<256xi32, #tpu.memory_space<vmem>>, vector<16xi32>,
    %get3A_205 = arith.constant 0 : i32
    %get3A_206 = arith.index_cast %get3A_205 : i32 to index
    %get3A_207 = arith.constant 48 : index
    %get3A_208 = tpu.vector_load %arg5[%get3A_206, %get3A_207] {strides = array<i32>} : memref<50x512xi32, #tpu.memory_space<vmem>>, vector<16xi32>,
    %shift_right_logical3A_209 = arith.constant 2 : i32
    %shift_right_logical3A_210 = vector.broadcast %shift_right_logical3A_209 : i32 to vector<16xi32>
    %shift_right_logical3A_211 = arith.shrui %get3A_208, %shift_right_logical3A_210 : vector<16xi32>
    %swap3A_212 = arith.constant 48 : index
    %swap3A_213 = tpu.vector_load %arg6[%swap3A_212] {strides = array<i32>} : memref<256xi32, #tpu.memory_space<vmem>>, vector<16xi32>,
    tpu.vector_store %arg6[%swap3A_212], %shift_right_logical3A_211 {strides = array<i32>} : memref<256xi32, #tpu.memory_space<vmem>>, vector<16xi32>,
    %and3A_214 = arith.constant 3 : i32
    %and3A_215 = vector.broadcast %and3A_214 : i32 to vector<16xi32>
    %and3A_216 = arith.andi %get3A_208, %and3A_215 : vector<16xi32>
    %shift_left3A_217 = arith.constant 5 : i32
    %shift_left3A_218 = vector.broadcast %shift_left3A_217 : i32 to vector<16xi32>
    %shift_left3A_219 = arith.shli %and3A_216, %shift_left3A_218 : vector<16xi32>
    %swap3A_220 = arith.constant 48 : index
    %swap3A_221 = tpu.vector_load %arg8[%swap3A_220] {strides = array<i32>} : memref<256xi32, #tpu.memory_space<vmem>>, vector<16xi32>,
    tpu.vector_store %arg8[%swap3A_220], %shift_left3A_219 {strides = array<i32>} : memref<256xi32, #tpu.memory_space<vmem>>, vector<16xi32>,
    %get3A_222 = arith.constant 0 : i32
    %get3A_223 = arith.index_cast %get3A_222 : i32 to index
    %get3A_224 = arith.constant 64 : index
    %get3A_225 = tpu.vector_load %arg5[%get3A_223, %get3A_224] {strides = array<i32>} : memref<50x512xi32, #tpu.memory_space<vmem>>, vector<16xi32>,
    %shift_right_logical3A_226 = arith.constant 2 : i32
    %shift_right_logical3A_227 = vector.broadcast %shift_right_logical3A_226 : i32 to vector<16xi32>
    %shift_right_logical3A_228 = arith.shrui %get3A_225, %shift_right_logical3A_227 : vector<16xi32>
    %swap3A_229 = arith.constant 64 : index
    %swap3A_230 = tpu.vector_load %arg6[%swap3A_229] {strides = array<i32>} : memref<256xi32, #tpu.memory_space<vmem>>, vector<16xi32>,
    tpu.vector_store %arg6[%swap3A_229], %shift_right_logical3A_228 {strides = array<i32>} : memref<256xi32, #tpu.memory_space<vmem>>, vector<16xi32>,
    %and3A_231 = arith.constant 3 : i32
    %and3A_232 = vector.broadcast %and3A_231 : i32 to vector<16xi32>
    %and3A_233 = arith.andi %get3A_225, %and3A_232 : vector<16xi32>
    %shift_left3A_234 = arith.constant 5 : i32
    %shift_left3A_235 = vector.broadcast %shift_left3A_234 : i32 to vector<16xi32>
    %shift_left3A_236 = arith.shli %and3A_233, %shift_left3A_235 : vector<16xi32>
    %swap3A_237 = arith.constant 64 : index
    %swap3A_238 = tpu.vector_load %arg8[%swap3A_237] {strides = array<i32>} : memref<256xi32, #tpu.memory_space<vmem>>, vector<16xi32>,
    tpu.vector_store %arg8[%swap3A_237], %shift_left3A_236 {strides = array<i32>} : memref<256xi32, #tpu.memory_space<vmem>>, vector<16xi32>,
    %get3A_239 = arith.constant 0 : i32
    %get3A_240 = arith.index_cast %get3A_239 : i32 to index
    %get3A_241 = arith.constant 80 : index
    %get3A_242 = tpu.vector_load %arg5[%get3A_240, %get3A_241] {strides = array<i32>} : memref<50x512xi32, #tpu.memory_space<vmem>>, vector<16xi32>,
    %shift_right_logical3A_243 = arith.constant 2 : i32
    %shift_right_logical3A_244 = vector.broadcast %shift_right_logical3A_243 : i32 to vector<16xi32>
    %shift_right_logical3A_245 = arith.shrui %get3A_242, %shift_right_logical3A_244 : vector<16xi32>
    %swap3A_246 = arith.constant 80 : index
    %swap3A_247 = tpu.vector_load %arg6[%swap3A_246] {strides = array<i32>} : memref<256xi32, #tpu.memory_space<vmem>>, vector<16xi32>,
    tpu.vector_store %arg6[%swap3A_246], %shift_right_logical3A_245 {strides = array<i32>} : memref<256xi32, #tpu.memory_space<vmem>>, vector<16xi32>,
    %and3A_248 = arith.constant 3 : i32
    %and3A_249 = vector.broadcast %and3A_248 : i32 to vector<16xi32>
    %and3A_250 = arith.andi %get3A_242, %and3A_249 : vector<16xi32>
    %shift_left3A_251 = arith.constant 5 : i32
    %shift_left3A_252 = vector.broadcast %shift_left3A_251 : i32 to vector<16xi32>
    %shift_left3A_253 = arith.shli %and3A_250, %shift_left3A_252 : vector<16xi32>
    %swap3A_254 = arith.constant 80 : index
    %swap3A_255 = tpu.vector_load %arg8[%swap3A_254] {strides = array<i32>} : memref<256xi32, #tpu.memory_space<vmem>>, vector<16xi32>,
    tpu.vector_store %arg8[%swap3A_254], %shift_left3A_253 {strides = array<i32>} : memref<256xi32, #tpu.memory_space<vmem>>, vector<16xi32>,
    %get3A_256 = arith.constant 0 : i32
    %get3A_257 = arith.index_cast %get3A_256 : i32 to index
    %get3A_258 = arith.constant 96 : index
    %get3A_259 = tpu.vector_load %arg5[%get3A_257, %get3A_258] {strides = array<i32>} : memref<50x512xi32, #tpu.memory_space<vmem>>, vector<16xi32>,
    %shift_right_logical3A_260 = arith.constant 2 : i32
    %shift_right_logical3A_261 = vector.broadcast %shift_right_logical3A_260 : i32 to vector<16xi32>
    %shift_right_logical3A_262 = arith.shrui %get3A_259, %shift_right_logical3A_261 : vector<16xi32>
    %swap3A_263 = arith.constant 96 : index
    %swap3A_264 = tpu.vector_load %arg6[%swap3A_263] {strides = array<i32>} : memref<256xi32, #tpu.memory_space<vmem>>, vector<16xi32>,
    tpu.vector_store %arg6[%swap3A_263], %shift_right_logical3A_262 {strides = array<i32>} : memref<256xi32, #tpu.memory_space<vmem>>, vector<16xi32>,
    %and3A_265 = arith.constant 3 : i32
    %and3A_266 = vector.broadcast %and3A_265 : i32 to vector<16xi32>
    %and3A_267 = arith.andi %get3A_259, %and3A_266 : vector<16xi32>
    %shift_left3A_268 = arith.constant 5 : i32
    %shift_left3A_269 = vector.broadcast %shift_left3A_268 : i32 to vector<16xi32>
    %shift_left3A_270 = arith.shli %and3A_267, %shift_left3A_269 : vector<16xi32>
    %swap3A_271 = arith.constant 96 : index
    %swap3A_272 = tpu.vector_load %arg8[%swap3A_271] {strides = array<i32>} : memref<256xi32, #tpu.memory_space<vmem>>, vector<16xi32>,
    tpu.vector_store %arg8[%swap3A_271], %shift_left3A_270 {strides = array<i32>} : memref<256xi32, #tpu.memory_space<vmem>>, vector<16xi32>,
    %get3A_273 = arith.constant 0 : i32
    %get3A_274 = arith.index_cast %get3A_273 : i32 to index
    %get3A_275 = arith.constant 112 : index
    %get3A_276 = tpu.vector_load %arg5[%get3A_274, %get3A_275] {strides = array<i32>} : memref<50x512xi32, #tpu.memory_space<vmem>>, vector<16xi32>,
    %shift_right_logical3A_277 = arith.constant 2 : i32
    %shift_right_logical3A_278 = vector.broadcast %shift_right_logical3A_277 : i32 to vector<16xi32>
    %shift_right_logical3A_279 = arith.shrui %get3A_276, %shift_right_logical3A_278 : vector<16xi32>
    %swap3A_280 = arith.constant 112 : index
    %swap3A_281 = tpu.vector_load %arg6[%swap3A_280] {strides = array<i32>} : memref<256xi32, #tpu.memory_space<vmem>>, vector<16xi32>,
    tpu.vector_store %arg6[%swap3A_280], %shift_right_logical3A_279 {strides = array<i32>} : memref<256xi32, #tpu.memory_space<vmem>>, vector<16xi32>,
    %and3A_282 = arith.constant 3 : i32
    %and3A_283 = vector.broadcast %and3A_282 : i32 to vector<16xi32>
    %and3A_284 = arith.andi %get3A_276, %and3A_283 : vector<16xi32>
    %shift_left3A_285 = arith.constant 5 : i32
    %shift_left3A_286 = vector.broadcast %shift_left3A_285 : i32 to vector<16xi32>
    %shift_left3A_287 = arith.shli %and3A_284, %shift_left3A_286 : vector<16xi32>
    %swap3A_288 = arith.constant 112 : index
    %swap3A_289 = tpu.vector_load %arg8[%swap3A_288] {strides = array<i32>} : memref<256xi32, #tpu.memory_space<vmem>>, vector<16xi32>,
    tpu.vector_store %arg8[%swap3A_288], %shift_left3A_287 {strides = array<i32>} : memref<256xi32, #tpu.memory_space<vmem>>, vector<16xi32>,
    %get3A_290 = arith.constant 0 : i32
    %get3A_291 = arith.index_cast %get3A_290 : i32 to index
    %get3A_292 = arith.constant 128 : index
    %get3A_293 = tpu.vector_load %arg5[%get3A_291, %get3A_292] {strides = array<i32>} : memref<50x512xi32, #tpu.memory_space<vmem>>, vector<16xi32>,
    %shift_right_logical3A_294 = arith.constant 2 : i32
    %shift_right_logical3A_295 = vector.broadcast %shift_right_logical3A_294 : i32 to vector<16xi32>
    %shift_right_logical3A_296 = arith.shrui %get3A_293, %shift_right_logical3A_295 : vector<16xi32>
    %swap3A_297 = arith.constant 128 : index
    %swap3A_298 = tpu.vector_load %arg6[%swap3A_297] {strides = array<i32>} : memref<256xi32, #tpu.memory_space<vmem>>, vector<16xi32>,
    tpu.vector_store %arg6[%swap3A_297], %shift_right_logical3A_296 {strides = array<i32>} : memref<256xi32, #tpu.memory_space<vmem>>, vector<16xi32>,
    %and3A_299 = arith.constant 3 : i32
    %and3A_300 = vector.broadcast %and3A_299 : i32 to vector<16xi32>
    %and3A_301 = arith.andi %get3A_293, %and3A_300 : vector<16xi32>
    %shift_left3A_302 = arith.constant 5 : i32
    %shift_left3A_303 = vector.broadcast %shift_left3A_302 : i32 to vector<16xi32>
    %shift_left3A_304 = arith.shli %and3A_301, %shift_left3A_303 : vector<16xi32>
    %swap3A_305 = arith.constant 128 : index
    %swap3A_306 = tpu.vector_load %arg8[%swap3A_305] {strides = array<i32>} : memref<256xi32, #tpu.memory_space<vmem>>, vector<16xi32>,
    tpu.vector_store %arg8[%swap3A_305], %shift_left3A_304 {strides = array<i32>} : memref<256xi32, #tpu.memory_space<vmem>>, vector<16xi32>,
    %get3A_307 = arith.constant 0 : i32
    %get3A_308 = arith.index_cast %get3A_307 : i32 to index
    %get3A_309 = arith.constant 144 : index
    %get3A_310 = tpu.vector_load %arg5[%get3A_308, %get3A_309] {strides = array<i32>} : memref<50x512xi32, #tpu.memory_space<vmem>>, vector<16xi32>,
    %shift_right_logical3A_311 = arith.constant 2 : i32
    %shift_right_logical3A_312 = vector.broadcast %shift_right_logical3A_311 : i32 to vector<16xi32>
    %shift_right_logical3A_313 = arith.shrui %get3A_310, %shift_right_logical3A_312 : vector<16xi32>
    %swap3A_314 = arith.constant 144 : index
    %swap3A_315 = tpu.vector_load %arg6[%swap3A_314] {strides = array<i32>} : memref<256xi32, #tpu.memory_space<vmem>>, vector<16xi32>,
    tpu.vector_store %arg6[%swap3A_314], %shift_right_logical3A_313 {strides = array<i32>} : memref<256xi32, #tpu.memory_space<vmem>>, vector<16xi32>,
    %and3A_316 = arith.constant 3 : i32
    %and3A_317 = vector.broadcast %and3A_316 : i32 to vector<16xi32>
    %and3A_318 = arith.andi %get3A_310, %and3A_317 : vector<16xi32>
    %shift_left3A_319 = arith.constant 5 : i32
    %shift_left3A_320 = vector.broadcast %shift_left3A_319 : i32 to vector<16xi32>
    %shift_left3A_321 = arith.shli %and3A_318, %shift_left3A_320 : vector<16xi32>
    %swap3A_322 = arith.constant 144 : index
    %swap3A_323 = tpu.vector_load %arg8[%swap3A_322] {strides = array<i32>} : memref<256xi32, #tpu.memory_space<vmem>>, vector<16xi32>,
    tpu.vector_store %arg8[%swap3A_322], %shift_left3A_321 {strides = array<i32>} : memref<256xi32, #tpu.memory_space<vmem>>, vector<16xi32>,
    %get3A_324 = arith.constant 0 : i32
    %get3A_325 = arith.index_cast %get3A_324 : i32 to index
    %get3A_326 = arith.constant 160 : index
    %get3A_327 = tpu.vector_load %arg5[%get3A_325, %get3A_326] {strides = array<i32>} : memref<50x512xi32, #tpu.memory_space<vmem>>, vector<16xi32>,
    %shift_right_logical3A_328 = arith.constant 2 : i32
    %shift_right_logical3A_329 = vector.broadcast %shift_right_logical3A_328 : i32 to vector<16xi32>
    %shift_right_logical3A_330 = arith.shrui %get3A_327, %shift_right_logical3A_329 : vector<16xi32>
    %swap3A_331 = arith.constant 160 : index
    %swap3A_332 = tpu.vector_load %arg6[%swap3A_331] {strides = array<i32>} : memref<256xi32, #tpu.memory_space<vmem>>, vector<16xi32>,
    tpu.vector_store %arg6[%swap3A_331], %shift_right_logical3A_330 {strides = array<i32>} : memref<256xi32, #tpu.memory_space<vmem>>, vector<16xi32>,
    %and3A_333 = arith.constant 3 : i32
    %and3A_334 = vector.broadcast %and3A_333 : i32 to vector<16xi32>
    %and3A_335 = arith.andi %get3A_327, %and3A_334 : vector<16xi32>
    %shift_left3A_336 = arith.constant 5 : i32
    %shift_left3A_337 = vector.broadcast %shift_left3A_336 : i32 to vector<16xi32>
    %shift_left3A_338 = arith.shli %and3A_335, %shift_left3A_337 : vector<16xi32>
    %swap3A_339 = arith.constant 160 : index
    %swap3A_340 = tpu.vector_load %arg8[%swap3A_339] {strides = array<i32>} : memref<256xi32, #tpu.memory_space<vmem>>, vector<16xi32>,
    tpu.vector_store %arg8[%swap3A_339], %shift_left3A_338 {strides = array<i32>} : memref<256xi32, #tpu.memory_space<vmem>>, vector<16xi32>,
    %get3A_341 = arith.constant 0 : i32
    %get3A_342 = arith.index_cast %get3A_341 : i32 to index
    %get3A_343 = arith.constant 176 : index
    %get3A_344 = tpu.vector_load %arg5[%get3A_342, %get3A_343] {strides = array<i32>} : memref<50x512xi32, #tpu.memory_space<vmem>>, vector<16xi32>,
    %shift_right_logical3A_345 = arith.constant 2 : i32
    %shift_right_logical3A_346 = vector.broadcast %shift_right_logical3A_345 : i32 to vector<16xi32>
    %shift_right_logical3A_347 = arith.shrui %get3A_344, %shift_right_logical3A_346 : vector<16xi32>
    %swap3A_348 = arith.constant 176 : index
    %swap3A_349 = tpu.vector_load %arg6[%swap3A_348] {strides = array<i32>} : memref<256xi32, #tpu.memory_space<vmem>>, vector<16xi32>,
    tpu.vector_store %arg6[%swap3A_348], %shift_right_logical3A_347 {strides = array<i32>} : memref<256xi32, #tpu.memory_space<vmem>>, vector<16xi32>,
    %and3A_350 = arith.constant 3 : i32
    %and3A_351 = vector.broadcast %and3A_350 : i32 to vector<16xi32>
    %and3A_352 = arith.andi %get3A_344, %and3A_351 : vector<16xi32>
    %shift_left3A_353 = arith.constant 5 : i32
    %shift_left3A_354 = vector.broadcast %shift_left3A_353 : i32 to vector<16xi32>
    %shift_left3A_355 = arith.shli %and3A_352, %shift_left3A_354 : vector<16xi32>
    %swap3A_356 = arith.constant 176 : index
    %swap3A_357 = tpu.vector_load %arg8[%swap3A_356] {strides = array<i32>} : memref<256xi32, #tpu.memory_space<vmem>>, vector<16xi32>,
    tpu.vector_store %arg8[%swap3A_356], %shift_left3A_355 {strides = array<i32>} : memref<256xi32, #tpu.memory_space<vmem>>, vector<16xi32>,
    %get3A_358 = arith.constant 0 : i32
    %get3A_359 = arith.index_cast %get3A_358 : i32 to index
    %get3A_360 = arith.constant 192 : index
    %get3A_361 = tpu.vector_load %arg5[%get3A_359, %get3A_360] {strides = array<i32>} : memref<50x512xi32, #tpu.memory_space<vmem>>, vector<16xi32>,
    %shift_right_logical3A_362 = arith.constant 2 : i32
    %shift_right_logical3A_363 = vector.broadcast %shift_right_logical3A_362 : i32 to vector<16xi32>
    %shift_right_logical3A_364 = arith.shrui %get3A_361, %shift_right_logical3A_363 : vector<16xi32>
    %swap3A_365 = arith.constant 192 : index
    %swap3A_366 = tpu.vector_load %arg6[%swap3A_365] {strides = array<i32>} : memref<256xi32, #tpu.memory_space<vmem>>, vector<16xi32>,
    tpu.vector_store %arg6[%swap3A_365], %shift_right_logical3A_364 {strides = array<i32>} : memref<256xi32, #tpu.memory_space<vmem>>, vector<16xi32>,
    %and3A_367 = arith.constant 3 : i32
    %and3A_368 = vector.broadcast %and3A_367 : i32 to vector<16xi32>
    %and3A_369 = arith.andi %get3A_361, %and3A_368 : vector<16xi32>
    %shift_left3A_370 = arith.constant 5 : i32
    %shift_left3A_371 = vector.broadcast %shift_left3A_370 : i32 to vector<16xi32>
    %shift_left3A_372 = arith.shli %and3A_369, %shift_left3A_371 : vector<16xi32>
    %swap3A_373 = arith.constant 192 : index
    %swap3A_374 = tpu.vector_load %arg8[%swap3A_373] {strides = array<i32>} : memref<256xi32, #tpu.memory_space<vmem>>, vector<16xi32>,
    tpu.vector_store %arg8[%swap3A_373], %shift_left3A_372 {strides = array<i32>} : memref<256xi32, #tpu.memory_space<vmem>>, vector<16xi32>,
    %get3A_375 = arith.constant 0 : i32
    %get3A_376 = arith.index_cast %get3A_375 : i32 to index
    %get3A_377 = arith.constant 208 : index
    %get3A_378 = tpu.vector_load %arg5[%get3A_376, %get3A_377] {strides = array<i32>} : memref<50x512xi32, #tpu.memory_space<vmem>>, vector<16xi32>,
    %shift_right_logical3A_379 = arith.constant 2 : i32
    %shift_right_logical3A_380 = vector.broadcast %shift_right_logical3A_379 : i32 to vector<16xi32>
    %shift_right_logical3A_381 = arith.shrui %get3A_378, %shift_right_logical3A_380 : vector<16xi32>
    %swap3A_382 = arith.constant 208 : index
    %swap3A_383 = tpu.vector_load %arg6[%swap3A_382] {strides = array<i32>} : memref<256xi32, #tpu.memory_space<vmem>>, vector<16xi32>,
    tpu.vector_store %arg6[%swap3A_382], %shift_right_logical3A_381 {strides = array<i32>} : memref<256xi32, #tpu.memory_space<vmem>>, vector<16xi32>,
    %and3A_384 = arith.constant 3 : i32
    %and3A_385 = vector.broadcast %and3A_384 : i32 to vector<16xi32>
    %and3A_386 = arith.andi %get3A_378, %and3A_385 : vector<16xi32>
    %shift_left3A_387 = arith.constant 5 : i32
    %shift_left3A_388 = vector.broadcast %shift_left3A_387 : i32 to vector<16xi32>
    %shift_left3A_389 = arith.shli %and3A_386, %shift_left3A_388 : vector<16xi32>
    %swap3A_390 = arith.constant 208 : index
    %swap3A_391 = tpu.vector_load %arg8[%swap3A_390] {strides = array<i32>} : memref<256xi32, #tpu.memory_space<vmem>>, vector<16xi32>,
    tpu.vector_store %arg8[%swap3A_390], %shift_left3A_389 {strides = array<i32>} : memref<256xi32, #tpu.memory_space<vmem>>, vector<16xi32>,
    %get3A_392 = arith.constant 0 : i32
    %get3A_393 = arith.index_cast %get3A_392 : i32 to index
    %get3A_394 = arith.constant 224 : index
    %get3A_395 = tpu.vector_load %arg5[%get3A_393, %get3A_394] {strides = array<i32>} : memref<50x512xi32, #tpu.memory_space<vmem>>, vector<16xi32>,
    %shift_right_logical3A_396 = arith.constant 2 : i32
    %shift_right_logical3A_397 = vector.broadcast %shift_right_logical3A_396 : i32 to vector<16xi32>
    %shift_right_logical3A_398 = arith.shrui %get3A_395, %shift_right_logical3A_397 : vector<16xi32>
    %swap3A_399 = arith.constant 224 : index
    %swap3A_400 = tpu.vector_load %arg6[%swap3A_399] {strides = array<i32>} : memref<256xi32, #tpu.memory_space<vmem>>, vector<16xi32>,
    tpu.vector_store %arg6[%swap3A_399], %shift_right_logical3A_398 {strides = array<i32>} : memref<256xi32, #tpu.memory_space<vmem>>, vector<16xi32>,
    %and3A_401 = arith.constant 3 : i32
    %and3A_402 = vector.broadcast %and3A_401 : i32 to vector<16xi32>
    %and3A_403 = arith.andi %get3A_395, %and3A_402 : vector<16xi32>
    %shift_left3A_404 = arith.constant 5 : i32
    %shift_left3A_405 = vector.broadcast %shift_left3A_404 : i32 to vector<16xi32>
    %shift_left3A_406 = arith.shli %and3A_403, %shift_left3A_405 : vector<16xi32>
    %swap3A_407 = arith.constant 224 : index
    %swap3A_408 = tpu.vector_load %arg8[%swap3A_407] {strides = array<i32>} : memref<256xi32, #tpu.memory_space<vmem>>, vector<16xi32>,
    tpu.vector_store %arg8[%swap3A_407], %shift_left3A_406 {strides = array<i32>} : memref<256xi32, #tpu.memory_space<vmem>>, vector<16xi32>,
    %get3A_409 = arith.constant 0 : i32
    %get3A_410 = arith.index_cast %get3A_409 : i32 to index
    %get3A_411 = arith.constant 240 : index
    %get3A_412 = tpu.vector_load %arg5[%get3A_410, %get3A_411] {strides = array<i32>} : memref<50x512xi32, #tpu.memory_space<vmem>>, vector<16xi32>,
    %shift_right_logical3A_413 = arith.constant 2 : i32
    %shift_right_logical3A_414 = vector.broadcast %shift_right_logical3A_413 : i32 to vector<16xi32>
    %shift_right_logical3A_415 = arith.shrui %get3A_412, %shift_right_logical3A_414 : vector<16xi32>
    %swap3A_416 = arith.constant 240 : index
    %swap3A_417 = tpu.vector_load %arg6[%swap3A_416] {strides = array<i32>} : memref<256xi32, #tpu.memory_space<vmem>>, vector<16xi32>,
    tpu.vector_store %arg6[%swap3A_416], %shift_right_logical3A_415 {strides = array<i32>} : memref<256xi32, #tpu.memory_space<vmem>>, vector<16xi32>,
    %and3A_418 = arith.constant 3 : i32
    %and3A_419 = vector.broadcast %and3A_418 : i32 to vector<16xi32>
    %and3A_420 = arith.andi %get3A_412, %and3A_419 : vector<16xi32>
    %shift_left3A_421 = arith.constant 5 : i32
    %shift_left3A_422 = vector.broadcast %shift_left3A_421 : i32 to vector<16xi32>
    %shift_left3A_423 = arith.shli %and3A_420, %shift_left3A_422 : vector<16xi32>
    %swap3A_424 = arith.constant 240 : index
    %swap3A_425 = tpu.vector_load %arg8[%swap3A_424] {strides = array<i32>} : memref<256xi32, #tpu.memory_space<vmem>>, vector<16xi32>,
    tpu.vector_store %arg8[%swap3A_424], %shift_left3A_423 {strides = array<i32>} : memref<256xi32, #tpu.memory_space<vmem>>, vector<16xi32>,
    %dma_start3A_426 = arith.constant 0 : i32
    %dma_start3A_427 = arith.constant 0 : i32
    %dma_start3A_428 = tpu.memref_slice %arg3[%dma_start3A_426, %dma_start3A_427] : memref<250000x128xf32, #tpu.memory_space<hbm>> -> memref<250000x128xf32, #tpu.memory_space<hbm>>
    tpu.enqueue_indirect_dma source(%dma_start3A_428 : memref<250000x128xf32, #tpu.memory_space<hbm>>) target(%arg10 : memref<256x128xf32, #tpu.memory_space<vmem>>) offsets(%arg6 : memref<256xi32, #tpu.memory_space<vmem>>) semaphore(%arg16 : memref<!tpu.dma_semaphore, #tpu.memory_space<semaphore_mem>>)
    %scan3A = arith.constant 0 : i32
    %scan3A_429 = arith.constant 0 : i32
    %scan3A_430 = arith.constant 49 : i32
    %scan3A_431 = arith.addi %scan3A_429, %scan3A_430 : i32
    %scan3A_432 = arith.constant 1 : i32
    scf.for %scan3A_787 = %scan3A_429 to %scan3A_431 step %scan3A_432  : i32 {
      %mul3A_788 = arith.constant 2 : i32
      %mul3A_789 = arith.muli %scan3A_787, %mul3A_788 : i32
      %add3A_790 = arith.constant 1 : i32
      %add3A_791 = arith.addi %mul3A_789, %add3A_790 : i32
      %shift_right_arithmetic3A = arith.constant 1 : i32
      %shift_right_arithmetic3A_792 = arith.shrsi %add3A_791, %shift_right_arithmetic3A : i32
      %and3A_793 = arith.constant 1 : i32
      %and3A_794 = arith.andi %add3A_791, %and3A_793 : i32
      %mul3A_795 = arith.constant 256 : i32
      %mul3A_796 = arith.muli %and3A_794, %mul3A_795 : i32
      %add3A_797 = arith.constant 0 : i32
      %add3A_798 = arith.addi %mul3A_796, %add3A_797 : i32
      %get3A_799 = arith.index_cast %shift_right_arithmetic3A_792 : i32 to index
      %get3A_800 = arith.index_cast %add3A_798 : i32 to index
      %get3A_801 = tpu.vector_load %arg5[%get3A_799, %get3A_800] {strides = array<i32>} : memref<50x512xi32, #tpu.memory_space<vmem>>, vector<16xi32>,
      %shift_right_logical3A_802 = arith.constant 2 : i32
      %shift_right_logical3A_803 = vector.broadcast %shift_right_logical3A_802 : i32 to vector<16xi32>
      %shift_right_logical3A_804 = arith.shrui %get3A_801, %shift_right_logical3A_803 : vector<16xi32>
      %swap3A_805 = arith.constant 0 : index
      %swap3A_806 = tpu.vector_load %arg7[%swap3A_805] {strides = array<i32>} : memref<256xi32, #tpu.memory_space<vmem>>, vector<16xi32>,
      tpu.vector_store %arg7[%swap3A_805], %shift_right_logical3A_804 {strides = array<i32>} : memref<256xi32, #tpu.memory_space<vmem>>, vector<16xi32>,
      %and3A_807 = arith.constant 3 : i32
      %and3A_808 = vector.broadcast %and3A_807 : i32 to vector<16xi32>
      %and3A_809 = arith.andi %get3A_801, %and3A_808 : vector<16xi32>
      %shift_left3A_810 = arith.constant 5 : i32
      %shift_left3A_811 = vector.broadcast %shift_left3A_810 : i32 to vector<16xi32>
      %shift_left3A_812 = arith.shli %and3A_809, %shift_left3A_811 : vector<16xi32>
      %swap3A_813 = arith.constant 0 : index
      %swap3A_814 = tpu.vector_load %arg9[%swap3A_813] {strides = array<i32>} : memref<256xi32, #tpu.memory_space<vmem>>, vector<16xi32>,
      tpu.vector_store %arg9[%swap3A_813], %shift_left3A_812 {strides = array<i32>} : memref<256xi32, #tpu.memory_space<vmem>>, vector<16xi32>,
      %add3A_815 = arith.constant 16 : i32
      %add3A_816 = arith.addi %mul3A_796, %add3A_815 : i32
      %get3A_817 = arith.index_cast %shift_right_arithmetic3A_792 : i32 to index
      %get3A_818 = arith.index_cast %add3A_816 : i32 to index
      %get3A_819 = tpu.vector_load %arg5[%get3A_817, %get3A_818] {strides = array<i32>} : memref<50x512xi32, #tpu.memory_space<vmem>>, vector<16xi32>,
      %shift_right_logical3A_820 = arith.constant 2 : i32
      %shift_right_logical3A_821 = vector.broadcast %shift_right_logical3A_820 : i32 to vector<16xi32>
      %shift_right_logical3A_822 = arith.shrui %get3A_819, %shift_right_logical3A_821 : vector<16xi32>
      %swap3A_823 = arith.constant 16 : index
      %swap3A_824 = tpu.vector_load %arg7[%swap3A_823] {strides = array<i32>} : memref<256xi32, #tpu.memory_space<vmem>>, vector<16xi32>,
      tpu.vector_store %arg7[%swap3A_823], %shift_right_logical3A_822 {strides = array<i32>} : memref<256xi32, #tpu.memory_space<vmem>>, vector<16xi32>,
      %and3A_825 = arith.constant 3 : i32
      %and3A_826 = vector.broadcast %and3A_825 : i32 to vector<16xi32>
      %and3A_827 = arith.andi %get3A_819, %and3A_826 : vector<16xi32>
      %shift_left3A_828 = arith.constant 5 : i32
      %shift_left3A_829 = vector.broadcast %shift_left3A_828 : i32 to vector<16xi32>
      %shift_left3A_830 = arith.shli %and3A_827, %shift_left3A_829 : vector<16xi32>
      %swap3A_831 = arith.constant 16 : index
      %swap3A_832 = tpu.vector_load %arg9[%swap3A_831] {strides = array<i32>} : memref<256xi32, #tpu.memory_space<vmem>>, vector<16xi32>,
      tpu.vector_store %arg9[%swap3A_831], %shift_left3A_830 {strides = array<i32>} : memref<256xi32, #tpu.memory_space<vmem>>, vector<16xi32>,
      %add3A_833 = arith.constant 32 : i32
      %add3A_834 = arith.addi %mul3A_796, %add3A_833 : i32
      %get3A_835 = arith.index_cast %shift_right_arithmetic3A_792 : i32 to index
      %get3A_836 = arith.index_cast %add3A_834 : i32 to index
      %get3A_837 = tpu.vector_load %arg5[%get3A_835, %get3A_836] {strides = array<i32>} : memref<50x512xi32, #tpu.memory_space<vmem>>, vector<16xi32>,
      %shift_right_logical3A_838 = arith.constant 2 : i32
      %shift_right_logical3A_839 = vector.broadcast %shift_right_logical3A_838 : i32 to vector<16xi32>
      %shift_right_logical3A_840 = arith.shrui %get3A_837, %shift_right_logical3A_839 : vector<16xi32>
      %swap3A_841 = arith.constant 32 : index
      %swap3A_842 = tpu.vector_load %arg7[%swap3A_841] {strides = array<i32>} : memref<256xi32, #tpu.memory_space<vmem>>, vector<16xi32>,
      tpu.vector_store %arg7[%swap3A_841], %shift_right_logical3A_840 {strides = array<i32>} : memref<256xi32, #tpu.memory_space<vmem>>, vector<16xi32>,
      %and3A_843 = arith.constant 3 : i32
      %and3A_844 = vector.broadcast %and3A_843 : i32 to vector<16xi32>
      %and3A_845 = arith.andi %get3A_837, %and3A_844 : vector<16xi32>
      %shift_left3A_846 = arith.constant 5 : i32
      %shift_left3A_847 = vector.broadcast %shift_left3A_846 : i32 to vector<16xi32>
      %shift_left3A_848 = arith.shli %and3A_845, %shift_left3A_847 : vector<16xi32>
      %swap3A_849 = arith.constant 32 : index
      %swap3A_850 = tpu.vector_load %arg9[%swap3A_849] {strides = array<i32>} : memref<256xi32, #tpu.memory_space<vmem>>, vector<16xi32>,
      tpu.vector_store %arg9[%swap3A_849], %shift_left3A_848 {strides = array<i32>} : memref<256xi32, #tpu.memory_space<vmem>>, vector<16xi32>,
      %add3A_851 = arith.constant 48 : i32
      %add3A_852 = arith.addi %mul3A_796, %add3A_851 : i32
      %get3A_853 = arith.index_cast %shift_right_arithmetic3A_792 : i32 to index
      %get3A_854 = arith.index_cast %add3A_852 : i32 to index
      %get3A_855 = tpu.vector_load %arg5[%get3A_853, %get3A_854] {strides = array<i32>} : memref<50x512xi32, #tpu.memory_space<vmem>>, vector<16xi32>,
      %shift_right_logical3A_856 = arith.constant 2 : i32
      %shift_right_logical3A_857 = vector.broadcast %shift_right_logical3A_856 : i32 to vector<16xi32>
      %shift_right_logical3A_858 = arith.shrui %get3A_855, %shift_right_logical3A_857 : vector<16xi32>
      %swap3A_859 = arith.constant 48 : index
      %swap3A_860 = tpu.vector_load %arg7[%swap3A_859] {strides = array<i32>} : memref<256xi32, #tpu.memory_space<vmem>>, vector<16xi32>,
      tpu.vector_store %arg7[%swap3A_859], %shift_right_logical3A_858 {strides = array<i32>} : memref<256xi32, #tpu.memory_space<vmem>>, vector<16xi32>,
      %and3A_861 = arith.constant 3 : i32
      %and3A_862 = vector.broadcast %and3A_861 : i32 to vector<16xi32>
      %and3A_863 = arith.andi %get3A_855, %and3A_862 : vector<16xi32>
      %shift_left3A_864 = arith.constant 5 : i32
      %shift_left3A_865 = vector.broadcast %shift_left3A_864 : i32 to vector<16xi32>
      %shift_left3A_866 = arith.shli %and3A_863, %shift_left3A_865 : vector<16xi32>
      %swap3A_867 = arith.constant 48 : index
      %swap3A_868 = tpu.vector_load %arg9[%swap3A_867] {strides = array<i32>} : memref<256xi32, #tpu.memory_space<vmem>>, vector<16xi32>,
      tpu.vector_store %arg9[%swap3A_867], %shift_left3A_866 {strides = array<i32>} : memref<256xi32, #tpu.memory_space<vmem>>, vector<16xi32>,
      %add3A_869 = arith.constant 64 : i32
      %add3A_870 = arith.addi %mul3A_796, %add3A_869 : i32
      %get3A_871 = arith.index_cast %shift_right_arithmetic3A_792 : i32 to index
      %get3A_872 = arith.index_cast %add3A_870 : i32 to index
      %get3A_873 = tpu.vector_load %arg5[%get3A_871, %get3A_872] {strides = array<i32>} : memref<50x512xi32, #tpu.memory_space<vmem>>, vector<16xi32>,
      %shift_right_logical3A_874 = arith.constant 2 : i32
      %shift_right_logical3A_875 = vector.broadcast %shift_right_logical3A_874 : i32 to vector<16xi32>
      %shift_right_logical3A_876 = arith.shrui %get3A_873, %shift_right_logical3A_875 : vector<16xi32>
      %swap3A_877 = arith.constant 64 : index
      %swap3A_878 = tpu.vector_load %arg7[%swap3A_877] {strides = array<i32>} : memref<256xi32, #tpu.memory_space<vmem>>, vector<16xi32>,
      tpu.vector_store %arg7[%swap3A_877], %shift_right_logical3A_876 {strides = array<i32>} : memref<256xi32, #tpu.memory_space<vmem>>, vector<16xi32>,
      %and3A_879 = arith.constant 3 : i32
      %and3A_880 = vector.broadcast %and3A_879 : i32 to vector<16xi32>
      %and3A_881 = arith.andi %get3A_873, %and3A_880 : vector<16xi32>
      %shift_left3A_882 = arith.constant 5 : i32
      %shift_left3A_883 = vector.broadcast %shift_left3A_882 : i32 to vector<16xi32>
      %shift_left3A_884 = arith.shli %and3A_881, %shift_left3A_883 : vector<16xi32>
      %swap3A_885 = arith.constant 64 : index
      %swap3A_886 = tpu.vector_load %arg9[%swap3A_885] {strides = array<i32>} : memref<256xi32, #tpu.memory_space<vmem>>, vector<16xi32>,
      tpu.vector_store %arg9[%swap3A_885], %shift_left3A_884 {strides = array<i32>} : memref<256xi32, #tpu.memory_space<vmem>>, vector<16xi32>,
      %add3A_887 = arith.constant 80 : i32
      %add3A_888 = arith.addi %mul3A_796, %add3A_887 : i32
      %get3A_889 = arith.index_cast %shift_right_arithmetic3A_792 : i32 to index
      %get3A_890 = arith.index_cast %add3A_888 : i32 to index
      %get3A_891 = tpu.vector_load %arg5[%get3A_889, %get3A_890] {strides = array<i32>} : memref<50x512xi32, #tpu.memory_space<vmem>>, vector<16xi32>,
      %shift_right_logical3A_892 = arith.constant 2 : i32
      %shift_right_logical3A_893 = vector.broadcast %shift_right_logical3A_892 : i32 to vector<16xi32>
      %shift_right_logical3A_894 = arith.shrui %get3A_891, %shift_right_logical3A_893 : vector<16xi32>
      %swap3A_895 = arith.constant 80 : index
      %swap3A_896 = tpu.vector_load %arg7[%swap3A_895] {strides = array<i32>} : memref<256xi32, #tpu.memory_space<vmem>>, vector<16xi32>,
      tpu.vector_store %arg7[%swap3A_895], %shift_right_logical3A_894 {strides = array<i32>} : memref<256xi32, #tpu.memory_space<vmem>>, vector<16xi32>,
      %and3A_897 = arith.constant 3 : i32
      %and3A_898 = vector.broadcast %and3A_897 : i32 to vector<16xi32>
      %and3A_899 = arith.andi %get3A_891, %and3A_898 : vector<16xi32>
      %shift_left3A_900 = arith.constant 5 : i32
      %shift_left3A_901 = vector.broadcast %shift_left3A_900 : i32 to vector<16xi32>
      %shift_left3A_902 = arith.shli %and3A_899, %shift_left3A_901 : vector<16xi32>
      %swap3A_903 = arith.constant 80 : index
      %swap3A_904 = tpu.vector_load %arg9[%swap3A_903] {strides = array<i32>} : memref<256xi32, #tpu.memory_space<vmem>>, vector<16xi32>,
      tpu.vector_store %arg9[%swap3A_903], %shift_left3A_902 {strides = array<i32>} : memref<256xi32, #tpu.memory_space<vmem>>, vector<16xi32>,
      %add3A_905 = arith.constant 96 : i32
      %add3A_906 = arith.addi %mul3A_796, %add3A_905 : i32
      %get3A_907 = arith.index_cast %shift_right_arithmetic3A_792 : i32 to index
      %get3A_908 = arith.index_cast %add3A_906 : i32 to index
      %get3A_909 = tpu.vector_load %arg5[%get3A_907, %get3A_908] {strides = array<i32>} : memref<50x512xi32, #tpu.memory_space<vmem>>, vector<16xi32>,
      %shift_right_logical3A_910 = arith.constant 2 : i32
      %shift_right_logical3A_911 = vector.broadcast %shift_right_logical3A_910 : i32 to vector<16xi32>
      %shift_right_logical3A_912 = arith.shrui %get3A_909, %shift_right_logical3A_911 : vector<16xi32>
      %swap3A_913 = arith.constant 96 : index
      %swap3A_914 = tpu.vector_load %arg7[%swap3A_913] {strides = array<i32>} : memref<256xi32, #tpu.memory_space<vmem>>, vector<16xi32>,
      tpu.vector_store %arg7[%swap3A_913], %shift_right_logical3A_912 {strides = array<i32>} : memref<256xi32, #tpu.memory_space<vmem>>, vector<16xi32>,
      %and3A_915 = arith.constant 3 : i32
      %and3A_916 = vector.broadcast %and3A_915 : i32 to vector<16xi32>
      %and3A_917 = arith.andi %get3A_909, %and3A_916 : vector<16xi32>
      %shift_left3A_918 = arith.constant 5 : i32
      %shift_left3A_919 = vector.broadcast %shift_left3A_918 : i32 to vector<16xi32>
      %shift_left3A_920 = arith.shli %and3A_917, %shift_left3A_919 : vector<16xi32>
      %swap3A_921 = arith.constant 96 : index
      %swap3A_922 = tpu.vector_load %arg9[%swap3A_921] {strides = array<i32>} : memref<256xi32, #tpu.memory_space<vmem>>, vector<16xi32>,
      tpu.vector_store %arg9[%swap3A_921], %shift_left3A_920 {strides = array<i32>} : memref<256xi32, #tpu.memory_space<vmem>>, vector<16xi32>,
      %add3A_923 = arith.constant 112 : i32
      %add3A_924 = arith.addi %mul3A_796, %add3A_923 : i32
      %get3A_925 = arith.index_cast %shift_right_arithmetic3A_792 : i32 to index
      %get3A_926 = arith.index_cast %add3A_924 : i32 to index
      %get3A_927 = tpu.vector_load %arg5[%get3A_925, %get3A_926] {strides = array<i32>} : memref<50x512xi32, #tpu.memory_space<vmem>>, vector<16xi32>,
      %shift_right_logical3A_928 = arith.constant 2 : i32
      %shift_right_logical3A_929 = vector.broadcast %shift_right_logical3A_928 : i32 to vector<16xi32>
      %shift_right_logical3A_930 = arith.shrui %get3A_927, %shift_right_logical3A_929 : vector<16xi32>
      %swap3A_931 = arith.constant 112 : index
      %swap3A_932 = tpu.vector_load %arg7[%swap3A_931] {strides = array<i32>} : memref<256xi32, #tpu.memory_space<vmem>>, vector<16xi32>,
      tpu.vector_store %arg7[%swap3A_931], %shift_right_logical3A_930 {strides = array<i32>} : memref<256xi32, #tpu.memory_space<vmem>>, vector<16xi32>,
      %and3A_933 = arith.constant 3 : i32
      %and3A_934 = vector.broadcast %and3A_933 : i32 to vector<16xi32>
      %and3A_935 = arith.andi %get3A_927, %and3A_934 : vector<16xi32>
      %shift_left3A_936 = arith.constant 5 : i32
      %shift_left3A_937 = vector.broadcast %shift_left3A_936 : i32 to vector<16xi32>
      %shift_left3A_938 = arith.shli %and3A_935, %shift_left3A_937 : vector<16xi32>
      %swap3A_939 = arith.constant 112 : index
      %swap3A_940 = tpu.vector_load %arg9[%swap3A_939] {strides = array<i32>} : memref<256xi32, #tpu.memory_space<vmem>>, vector<16xi32>,
      tpu.vector_store %arg9[%swap3A_939], %shift_left3A_938 {strides = array<i32>} : memref<256xi32, #tpu.memory_space<vmem>>, vector<16xi32>,
      %add3A_941 = arith.constant 128 : i32
      %add3A_942 = arith.addi %mul3A_796, %add3A_941 : i32
      %get3A_943 = arith.index_cast %shift_right_arithmetic3A_792 : i32 to index
      %get3A_944 = arith.index_cast %add3A_942 : i32 to index
      %get3A_945 = tpu.vector_load %arg5[%get3A_943, %get3A_944] {strides = array<i32>} : memref<50x512xi32, #tpu.memory_space<vmem>>, vector<16xi32>,
      %shift_right_logical3A_946 = arith.constant 2 : i32
      %shift_right_logical3A_947 = vector.broadcast %shift_right_logical3A_946 : i32 to vector<16xi32>
      %shift_right_logical3A_948 = arith.shrui %get3A_945, %shift_right_logical3A_947 : vector<16xi32>
      %swap3A_949 = arith.constant 128 : index
      %swap3A_950 = tpu.vector_load %arg7[%swap3A_949] {strides = array<i32>} : memref<256xi32, #tpu.memory_space<vmem>>, vector<16xi32>,
      tpu.vector_store %arg7[%swap3A_949], %shift_right_logical3A_948 {strides = array<i32>} : memref<256xi32, #tpu.memory_space<vmem>>, vector<16xi32>,
      %and3A_951 = arith.constant 3 : i32
      %and3A_952 = vector.broadcast %and3A_951 : i32 to vector<16xi32>
      %and3A_953 = arith.andi %get3A_945, %and3A_952 : vector<16xi32>
      %shift_left3A_954 = arith.constant 5 : i32
      %shift_left3A_955 = vector.broadcast %shift_left3A_954 : i32 to vector<16xi32>
      %shift_left3A_956 = arith.shli %and3A_953, %shift_left3A_955 : vector<16xi32>
      %swap3A_957 = arith.constant 128 : index
      %swap3A_958 = tpu.vector_load %arg9[%swap3A_957] {strides = array<i32>} : memref<256xi32, #tpu.memory_space<vmem>>, vector<16xi32>,
      tpu.vector_store %arg9[%swap3A_957], %shift_left3A_956 {strides = array<i32>} : memref<256xi32, #tpu.memory_space<vmem>>, vector<16xi32>,
      %add3A_959 = arith.constant 144 : i32
      %add3A_960 = arith.addi %mul3A_796, %add3A_959 : i32
      %get3A_961 = arith.index_cast %shift_right_arithmetic3A_792 : i32 to index
      %get3A_962 = arith.index_cast %add3A_960 : i32 to index
      %get3A_963 = tpu.vector_load %arg5[%get3A_961, %get3A_962] {strides = array<i32>} : memref<50x512xi32, #tpu.memory_space<vmem>>, vector<16xi32>,
      %shift_right_logical3A_964 = arith.constant 2 : i32
      %shift_right_logical3A_965 = vector.broadcast %shift_right_logical3A_964 : i32 to vector<16xi32>
      %shift_right_logical3A_966 = arith.shrui %get3A_963, %shift_right_logical3A_965 : vector<16xi32>
      %swap3A_967 = arith.constant 144 : index
      %swap3A_968 = tpu.vector_load %arg7[%swap3A_967] {strides = array<i32>} : memref<256xi32, #tpu.memory_space<vmem>>, vector<16xi32>,
      tpu.vector_store %arg7[%swap3A_967], %shift_right_logical3A_966 {strides = array<i32>} : memref<256xi32, #tpu.memory_space<vmem>>, vector<16xi32>,
      %and3A_969 = arith.constant 3 : i32
      %and3A_970 = vector.broadcast %and3A_969 : i32 to vector<16xi32>
      %and3A_971 = arith.andi %get3A_963, %and3A_970 : vector<16xi32>
      %shift_left3A_972 = arith.constant 5 : i32
      %shift_left3A_973 = vector.broadcast %shift_left3A_972 : i32 to vector<16xi32>
      %shift_left3A_974 = arith.shli %and3A_971, %shift_left3A_973 : vector<16xi32>
      %swap3A_975 = arith.constant 144 : index
      %swap3A_976 = tpu.vector_load %arg9[%swap3A_975] {strides = array<i32>} : memref<256xi32, #tpu.memory_space<vmem>>, vector<16xi32>,
      tpu.vector_store %arg9[%swap3A_975], %shift_left3A_974 {strides = array<i32>} : memref<256xi32, #tpu.memory_space<vmem>>, vector<16xi32>,
      %add3A_977 = arith.constant 160 : i32
      %add3A_978 = arith.addi %mul3A_796, %add3A_977 : i32
      %get3A_979 = arith.index_cast %shift_right_arithmetic3A_792 : i32 to index
      %get3A_980 = arith.index_cast %add3A_978 : i32 to index
      %get3A_981 = tpu.vector_load %arg5[%get3A_979, %get3A_980] {strides = array<i32>} : memref<50x512xi32, #tpu.memory_space<vmem>>, vector<16xi32>,
      %shift_right_logical3A_982 = arith.constant 2 : i32
      %shift_right_logical3A_983 = vector.broadcast %shift_right_logical3A_982 : i32 to vector<16xi32>
      %shift_right_logical3A_984 = arith.shrui %get3A_981, %shift_right_logical3A_983 : vector<16xi32>
      %swap3A_985 = arith.constant 160 : index
      %swap3A_986 = tpu.vector_load %arg7[%swap3A_985] {strides = array<i32>} : memref<256xi32, #tpu.memory_space<vmem>>, vector<16xi32>,
      tpu.vector_store %arg7[%swap3A_985], %shift_right_logical3A_984 {strides = array<i32>} : memref<256xi32, #tpu.memory_space<vmem>>, vector<16xi32>,
      %and3A_987 = arith.constant 3 : i32
      %and3A_988 = vector.broadcast %and3A_987 : i32 to vector<16xi32>
      %and3A_989 = arith.andi %get3A_981, %and3A_988 : vector<16xi32>
      %shift_left3A_990 = arith.constant 5 : i32
      %shift_left3A_991 = vector.broadcast %shift_left3A_990 : i32 to vector<16xi32>
      %shift_left3A_992 = arith.shli %and3A_989, %shift_left3A_991 : vector<16xi32>
      %swap3A_993 = arith.constant 160 : index
      %swap3A_994 = tpu.vector_load %arg9[%swap3A_993] {strides = array<i32>} : memref<256xi32, #tpu.memory_space<vmem>>, vector<16xi32>,
      tpu.vector_store %arg9[%swap3A_993], %shift_left3A_992 {strides = array<i32>} : memref<256xi32, #tpu.memory_space<vmem>>, vector<16xi32>,
      %add3A_995 = arith.constant 176 : i32
      %add3A_996 = arith.addi %mul3A_796, %add3A_995 : i32
      %get3A_997 = arith.index_cast %shift_right_arithmetic3A_792 : i32 to index
      %get3A_998 = arith.index_cast %add3A_996 : i32 to index
      %get3A_999 = tpu.vector_load %arg5[%get3A_997, %get3A_998] {strides = array<i32>} : memref<50x512xi32, #tpu.memory_space<vmem>>, vector<16xi32>,
      %shift_right_logical3A_1000 = arith.constant 2 : i32
      %shift_right_logical3A_1001 = vector.broadcast %shift_right_logical3A_1000 : i32 to vector<16xi32>
      %shift_right_logical3A_1002 = arith.shrui %get3A_999, %shift_right_logical3A_1001 : vector<16xi32>
      %swap3A_1003 = arith.constant 176 : index
      %swap3A_1004 = tpu.vector_load %arg7[%swap3A_1003] {strides = array<i32>} : memref<256xi32, #tpu.memory_space<vmem>>, vector<16xi32>,
      tpu.vector_store %arg7[%swap3A_1003], %shift_right_logical3A_1002 {strides = array<i32>} : memref<256xi32, #tpu.memory_space<vmem>>, vector<16xi32>,
      %and3A_1005 = arith.constant 3 : i32
      %and3A_1006 = vector.broadcast %and3A_1005 : i32 to vector<16xi32>
      %and3A_1007 = arith.andi %get3A_999, %and3A_1006 : vector<16xi32>
      %shift_left3A_1008 = arith.constant 5 : i32
      %shift_left3A_1009 = vector.broadcast %shift_left3A_1008 : i32 to vector<16xi32>
      %shift_left3A_1010 = arith.shli %and3A_1007, %shift_left3A_1009 : vector<16xi32>
      %swap3A_1011 = arith.constant 176 : index
      %swap3A_1012 = tpu.vector_load %arg9[%swap3A_1011] {strides = array<i32>} : memref<256xi32, #tpu.memory_space<vmem>>, vector<16xi32>,
      tpu.vector_store %arg9[%swap3A_1011], %shift_left3A_1010 {strides = array<i32>} : memref<256xi32, #tpu.memory_space<vmem>>, vector<16xi32>,
      %add3A_1013 = arith.constant 192 : i32
      %add3A_1014 = arith.addi %mul3A_796, %add3A_1013 : i32
      %get3A_1015 = arith.index_cast %shift_right_arithmetic3A_792 : i32 to index
      %get3A_1016 = arith.index_cast %add3A_1014 : i32 to index
      %get3A_1017 = tpu.vector_load %arg5[%get3A_1015, %get3A_1016] {strides = array<i32>} : memref<50x512xi32, #tpu.memory_space<vmem>>, vector<16xi32>,
      %shift_right_logical3A_1018 = arith.constant 2 : i32
      %shift_right_logical3A_1019 = vector.broadcast %shift_right_logical3A_1018 : i32 to vector<16xi32>
      %shift_right_logical3A_1020 = arith.shrui %get3A_1017, %shift_right_logical3A_1019 : vector<16xi32>
      %swap3A_1021 = arith.constant 192 : index
      %swap3A_1022 = tpu.vector_load %arg7[%swap3A_1021] {strides = array<i32>} : memref<256xi32, #tpu.memory_space<vmem>>, vector<16xi32>,
      tpu.vector_store %arg7[%swap3A_1021], %shift_right_logical3A_1020 {strides = array<i32>} : memref<256xi32, #tpu.memory_space<vmem>>, vector<16xi32>,
      %and3A_1023 = arith.constant 3 : i32
      %and3A_1024 = vector.broadcast %and3A_1023 : i32 to vector<16xi32>
      %and3A_1025 = arith.andi %get3A_1017, %and3A_1024 : vector<16xi32>
      %shift_left3A_1026 = arith.constant 5 : i32
      %shift_left3A_1027 = vector.broadcast %shift_left3A_1026 : i32 to vector<16xi32>
      %shift_left3A_1028 = arith.shli %and3A_1025, %shift_left3A_1027 : vector<16xi32>
      %swap3A_1029 = arith.constant 192 : index
      %swap3A_1030 = tpu.vector_load %arg9[%swap3A_1029] {strides = array<i32>} : memref<256xi32, #tpu.memory_space<vmem>>, vector<16xi32>,
      tpu.vector_store %arg9[%swap3A_1029], %shift_left3A_1028 {strides = array<i32>} : memref<256xi32, #tpu.memory_space<vmem>>, vector<16xi32>,
      %add3A_1031 = arith.constant 208 : i32
      %add3A_1032 = arith.addi %mul3A_796, %add3A_1031 : i32
      %get3A_1033 = arith.index_cast %shift_right_arithmetic3A_792 : i32 to index
      %get3A_1034 = arith.index_cast %add3A_1032 : i32 to index
      %get3A_1035 = tpu.vector_load %arg5[%get3A_1033, %get3A_1034] {strides = array<i32>} : memref<50x512xi32, #tpu.memory_space<vmem>>, vector<16xi32>,
      %shift_right_logical3A_1036 = arith.constant 2 : i32
      %shift_right_logical3A_1037 = vector.broadcast %shift_right_logical3A_1036 : i32 to vector<16xi32>
      %shift_right_logical3A_1038 = arith.shrui %get3A_1035, %shift_right_logical3A_1037 : vector<16xi32>
      %swap3A_1039 = arith.constant 208 : index
      %swap3A_1040 = tpu.vector_load %arg7[%swap3A_1039] {strides = array<i32>} : memref<256xi32, #tpu.memory_space<vmem>>, vector<16xi32>,
      tpu.vector_store %arg7[%swap3A_1039], %shift_right_logical3A_1038 {strides = array<i32>} : memref<256xi32, #tpu.memory_space<vmem>>, vector<16xi32>,
      %and3A_1041 = arith.constant 3 : i32
      %and3A_1042 = vector.broadcast %and3A_1041 : i32 to vector<16xi32>
      %and3A_1043 = arith.andi %get3A_1035, %and3A_1042 : vector<16xi32>
      %shift_left3A_1044 = arith.constant 5 : i32
      %shift_left3A_1045 = vector.broadcast %shift_left3A_1044 : i32 to vector<16xi32>
      %shift_left3A_1046 = arith.shli %and3A_1043, %shift_left3A_1045 : vector<16xi32>
      %swap3A_1047 = arith.constant 208 : index
      %swap3A_1048 = tpu.vector_load %arg9[%swap3A_1047] {strides = array<i32>} : memref<256xi32, #tpu.memory_space<vmem>>, vector<16xi32>,
      tpu.vector_store %arg9[%swap3A_1047], %shift_left3A_1046 {strides = array<i32>} : memref<256xi32, #tpu.memory_space<vmem>>, vector<16xi32>,
      %add3A_1049 = arith.constant 224 : i32
      %add3A_1050 = arith.addi %mul3A_796, %add3A_1049 : i32
      %get3A_1051 = arith.index_cast %shift_right_arithmetic3A_792 : i32 to index
      %get3A_1052 = arith.index_cast %add3A_1050 : i32 to index
      %get3A_1053 = tpu.vector_load %arg5[%get3A_1051, %get3A_1052] {strides = array<i32>} : memref<50x512xi32, #tpu.memory_space<vmem>>, vector<16xi32>,
      %shift_right_logical3A_1054 = arith.constant 2 : i32
      %shift_right_logical3A_1055 = vector.broadcast %shift_right_logical3A_1054 : i32 to vector<16xi32>
      %shift_right_logical3A_1056 = arith.shrui %get3A_1053, %shift_right_logical3A_1055 : vector<16xi32>
      %swap3A_1057 = arith.constant 224 : index
      %swap3A_1058 = tpu.vector_load %arg7[%swap3A_1057] {strides = array<i32>} : memref<256xi32, #tpu.memory_space<vmem>>, vector<16xi32>,
      tpu.vector_store %arg7[%swap3A_1057], %shift_right_logical3A_1056 {strides = array<i32>} : memref<256xi32, #tpu.memory_space<vmem>>, vector<16xi32>,
      %and3A_1059 = arith.constant 3 : i32
      %and3A_1060 = vector.broadcast %and3A_1059 : i32 to vector<16xi32>
      %and3A_1061 = arith.andi %get3A_1053, %and3A_1060 : vector<16xi32>
      %shift_left3A_1062 = arith.constant 5 : i32
      %shift_left3A_1063 = vector.broadcast %shift_left3A_1062 : i32 to vector<16xi32>
      %shift_left3A_1064 = arith.shli %and3A_1061, %shift_left3A_1063 : vector<16xi32>
      %swap3A_1065 = arith.constant 224 : index
      %swap3A_1066 = tpu.vector_load %arg9[%swap3A_1065] {strides = array<i32>} : memref<256xi32, #tpu.memory_space<vmem>>, vector<16xi32>,
      tpu.vector_store %arg9[%swap3A_1065], %shift_left3A_1064 {strides = array<i32>} : memref<256xi32, #tpu.memory_space<vmem>>, vector<16xi32>,
      %add3A_1067 = arith.constant 240 : i32
      %add3A_1068 = arith.addi %mul3A_796, %add3A_1067 : i32
      %get3A_1069 = arith.index_cast %shift_right_arithmetic3A_792 : i32 to index
      %get3A_1070 = arith.index_cast %add3A_1068 : i32 to index
      %get3A_1071 = tpu.vector_load %arg5[%get3A_1069, %get3A_1070] {strides = array<i32>} : memref<50x512xi32, #tpu.memory_space<vmem>>, vector<16xi32>,
      %shift_right_logical3A_1072 = arith.constant 2 : i32
      %shift_right_logical3A_1073 = vector.broadcast %shift_right_logical3A_1072 : i32 to vector<16xi32>
      %shift_right_logical3A_1074 = arith.shrui %get3A_1071, %shift_right_logical3A_1073 : vector<16xi32>
      %swap3A_1075 = arith.constant 240 : index
      %swap3A_1076 = tpu.vector_load %arg7[%swap3A_1075] {strides = array<i32>} : memref<256xi32, #tpu.memory_space<vmem>>, vector<16xi32>,
      tpu.vector_store %arg7[%swap3A_1075], %shift_right_logical3A_1074 {strides = array<i32>} : memref<256xi32, #tpu.memory_space<vmem>>, vector<16xi32>,
      %and3A_1077 = arith.constant 3 : i32
      %and3A_1078 = vector.broadcast %and3A_1077 : i32 to vector<16xi32>
      %and3A_1079 = arith.andi %get3A_1071, %and3A_1078 : vector<16xi32>
      %shift_left3A_1080 = arith.constant 5 : i32
      %shift_left3A_1081 = vector.broadcast %shift_left3A_1080 : i32 to vector<16xi32>
      %shift_left3A_1082 = arith.shli %and3A_1079, %shift_left3A_1081 : vector<16xi32>
      %swap3A_1083 = arith.constant 240 : index
      %swap3A_1084 = tpu.vector_load %arg9[%swap3A_1083] {strides = array<i32>} : memref<256xi32, #tpu.memory_space<vmem>>, vector<16xi32>,
      tpu.vector_store %arg9[%swap3A_1083], %shift_left3A_1082 {strides = array<i32>} : memref<256xi32, #tpu.memory_space<vmem>>, vector<16xi32>,
      %dma_start3A_1085 = arith.constant 0 : i32
      %dma_start3A_1086 = arith.constant 0 : i32
      %dma_start3A_1087 = tpu.memref_slice %arg3[%dma_start3A_1085, %dma_start3A_1086] : memref<250000x128xf32, #tpu.memory_space<hbm>> -> memref<250000x128xf32, #tpu.memory_space<hbm>>
      tpu.enqueue_indirect_dma source(%dma_start3A_1087 : memref<250000x128xf32, #tpu.memory_space<hbm>>) target(%arg11 : memref<256x128xf32, #tpu.memory_space<vmem>>) offsets(%arg7 : memref<256xi32, #tpu.memory_space<vmem>>) semaphore(%arg17 : memref<!tpu.dma_semaphore, #tpu.memory_space<semaphore_mem>>)
      %shift_right_arithmetic3A_1088 = arith.constant 1 : i32
      %shift_right_arithmetic3A_1089 = arith.shrsi %mul3A_789, %shift_right_arithmetic3A_1088 : i32
      %and3A_1090 = arith.constant 1 : i32
      %and3A_1091 = arith.andi %mul3A_789, %and3A_1090 : i32
      %mul3A_1092 = arith.constant 256 : i32
      %mul3A_1093 = arith.muli %and3A_1091, %mul3A_1092 : i32
      %add3A_1094 = arith.addi %mul3A_2, %mul3A_1093 : i32
      %dma_wait3A_1095 = arith.constant 0 : i32
      %dma_wait3A_1096 = arith.constant 0 : i32
      %dma_wait3A_1097 = tpu.memref_slice %arg3[%dma_wait3A_1095, %dma_wait3A_1096] : memref<250000x128xf32, #tpu.memory_space<hbm>> -> memref<256x128xf32, #tpu.memory_space<hbm>>
      %dma_wait3A_1098 = arith.constant 0 : i32
      %dma_wait3A_1099 = arith.constant 0 : i32
      %dma_wait3A_1100 = tpu.memref_slice %arg3[%dma_wait3A_1098, %dma_wait3A_1099] : memref<250000x128xf32, #tpu.memory_space<hbm>> -> memref<256x128xf32, #tpu.memory_space<hbm>>
      tpu.wait_dma2 semaphore(%arg16 : memref<!tpu.dma_semaphore, #tpu.memory_space<semaphore_mem>>) src(%dma_wait3A_1100 : memref<256x128xf32, #tpu.memory_space<hbm>>) dst(%arg10 : memref<256x128xf32, #tpu.memory_space<vmem>>)
      %dma_wait3A_1101 = arith.constant 0 : i32
      %dma_wait3A_1102 = arith.constant 0 : i32
      %dma_wait3A_1103 = tpu.memref_slice %arg12[%dma_wait3A_1101, %dma_wait3A_1102] : memref<32x257xf32, #tpu.memory_space<vmem>> -> memref<32x256xf32, #tpu.memory_space<vmem>>
      %dma_wait3A_1104 = arith.constant 0 : i32
      %dma_wait3A_1105 = arith.constant 0 : i32
      %dma_wait3A_1106 = tpu.memref_slice %arg12[%dma_wait3A_1104, %dma_wait3A_1105] : memref<32x257xf32, #tpu.memory_space<vmem>> -> memref<32x256xf32, #tpu.memory_space<vmem>>
      tpu.wait_dma2 semaphore(%arg18 : memref<!tpu.dma_semaphore, #tpu.memory_space<semaphore_mem>>) src(%dma_wait3A_1106 : memref<32x256xf32, #tpu.memory_space<vmem>>) dst(%arg14 : memref<32x256xf32, #tpu.memory_space<hbm>>)
      %scan3A_1107 = arith.constant 0 : i32
      %scan3A_1108 = arith.constant 0 : i32
      %scan3A_1109 = arith.constant 16 : i32
      %scan3A_1110 = arith.addi %scan3A_1108, %scan3A_1109 : i32
      %scan3A_1111 = arith.constant 1 : i32
      scf.for %scan3A_1463 = %scan3A_1108 to %scan3A_1110 step %scan3A_1111  : i32 {
        %mul3A_1464 = arith.constant 16 : i32
        %mul3A_1465 = arith.muli %scan3A_1463, %mul3A_1464 : i32
        %get3A_1466 = arith.index_cast %mul3A_1465 : i32 to index
        %get3A_1467 = tpu.vector_load %arg8[%get3A_1466] {strides = array<i32>} : memref<256xi32, #tpu.memory_space<vmem>>, vector<16xi32>,
        %mul3A_1468 = arith.constant 16 : i32
        %mul3A_1469 = arith.muli %scan3A_1463, %mul3A_1468 : i32
        %add3A_1470 = arith.constant 0 : i32
        %add3A_1471 = arith.addi %mul3A_1469, %add3A_1470 : i32
        %slice3A = vector.extract_strided_slice %get3A_1467 {offsets = [0], sizes = [1], strides = [1]} : vector<16xi32> to vector<1xi32>
        %squeeze3A = vector.extract %slice3A[0] : i32 from vector<1xi32>
        %add3A_1472 = vector.broadcast %add3A_1471 : i32 to vector<16xi32>
        %add3A_1473 = arith.addi %mul3A_8, %add3A_1472 : vector<16xi32>
        %get3A_1474 = arith.index_cast %add3A_1471 : i32 to index
        %get3A_1475 = arith.index_cast %squeeze3A : i32 to index
        %get3A_1476 = tpu.vector_load %arg10[%get3A_1474, %get3A_1475] {strides = array<i32>} : memref<256x128xf32, #tpu.memory_space<vmem>>, vector<16xf32>,
        %add3A_1477 = arith.constant 16 : i32
        %add3A_1478 = arith.addi %squeeze3A, %add3A_1477 : i32
        %get3A_1479 = arith.index_cast %add3A_1471 : i32 to index
        %get3A_1480 = arith.index_cast %add3A_1478 : i32 to index
        %get3A_1481 = tpu.vector_load %arg10[%get3A_1479, %get3A_1480] {strides = array<i32>} : memref<256x128xf32, #tpu.memory_space<vmem>>, vector<16xf32>,
        tpu.vector_store_idx %arg12[%iota3A, %add3A_1473], %get3A_1476 : memref<32x257xf32, #tpu.memory_space<vmem>>[vector<16xi32>, vector<16xi32>], vector<16xf32>,
        tpu.vector_store_idx %arg12[%add3A_5, %add3A_1473], %get3A_1481 : memref<32x257xf32, #tpu.memory_space<vmem>>[vector<16xi32>, vector<16xi32>], vector<16xf32>,
        %mul3A_1482 = arith.constant 16 : i32
        %mul3A_1483 = arith.muli %scan3A_1463, %mul3A_1482 : i32
        %add3A_1484 = arith.constant 1 : i32
        %add3A_1485 = arith.addi %mul3A_1483, %add3A_1484 : i32
        %slice3A_1486 = vector.extract_strided_slice %get3A_1467 {offsets = [1], sizes = [1], strides = [1]} : vector<16xi32> to vector<1xi32>
        %squeeze3A_1487 = vector.extract %slice3A_1486[0] : i32 from vector<1xi32>
        %add3A_1488 = vector.broadcast %add3A_1485 : i32 to vector<16xi32>
        %add3A_1489 = arith.addi %mul3A_8, %add3A_1488 : vector<16xi32>
        %get3A_1490 = arith.index_cast %add3A_1485 : i32 to index
        %get3A_1491 = arith.index_cast %squeeze3A_1487 : i32 to index
        %get3A_1492 = tpu.vector_load %arg10[%get3A_1490, %get3A_1491] {strides = array<i32>} : memref<256x128xf32, #tpu.memory_space<vmem>>, vector<16xf32>,
        %add3A_1493 = arith.constant 16 : i32
        %add3A_1494 = arith.addi %squeeze3A_1487, %add3A_1493 : i32
        %get3A_1495 = arith.index_cast %add3A_1485 : i32 to index
        %get3A_1496 = arith.index_cast %add3A_1494 : i32 to index
        %get3A_1497 = tpu.vector_load %arg10[%get3A_1495, %get3A_1496] {strides = array<i32>} : memref<256x128xf32, #tpu.memory_space<vmem>>, vector<16xf32>,
        tpu.vector_store_idx %arg12[%iota3A, %add3A_1489], %get3A_1492 : memref<32x257xf32, #tpu.memory_space<vmem>>[vector<16xi32>, vector<16xi32>], vector<16xf32>,
        tpu.vector_store_idx %arg12[%add3A_5, %add3A_1489], %get3A_1497 : memref<32x257xf32, #tpu.memory_space<vmem>>[vector<16xi32>, vector<16xi32>], vector<16xf32>,
        %mul3A_1498 = arith.constant 16 : i32
        %mul3A_1499 = arith.muli %scan3A_1463, %mul3A_1498 : i32
        %add3A_1500 = arith.constant 2 : i32
        %add3A_1501 = arith.addi %mul3A_1499, %add3A_1500 : i32
        %slice3A_1502 = vector.extract_strided_slice %get3A_1467 {offsets = [2], sizes = [1], strides = [1]} : vector<16xi32> to vector<1xi32>
        %squeeze3A_1503 = vector.extract %slice3A_1502[0] : i32 from vector<1xi32>
        %add3A_1504 = vector.broadcast %add3A_1501 : i32 to vector<16xi32>
        %add3A_1505 = arith.addi %mul3A_8, %add3A_1504 : vector<16xi32>
        %get3A_1506 = arith.index_cast %add3A_1501 : i32 to index
        %get3A_1507 = arith.index_cast %squeeze3A_1503 : i32 to index
        %get3A_1508 = tpu.vector_load %arg10[%get3A_1506, %get3A_1507] {strides = array<i32>} : memref<256x128xf32, #tpu.memory_space<vmem>>, vector<16xf32>,
        %add3A_1509 = arith.constant 16 : i32
        %add3A_1510 = arith.addi %squeeze3A_1503, %add3A_1509 : i32
        %get3A_1511 = arith.index_cast %add3A_1501 : i32 to index
        %get3A_1512 = arith.index_cast %add3A_1510 : i32 to index
        %get3A_1513 = tpu.vector_load %arg10[%get3A_1511, %get3A_1512] {strides = array<i32>} : memref<256x128xf32, #tpu.memory_space<vmem>>, vector<16xf32>,
        tpu.vector_store_idx %arg12[%iota3A, %add3A_1505], %get3A_1508 : memref<32x257xf32, #tpu.memory_space<vmem>>[vector<16xi32>, vector<16xi32>], vector<16xf32>,
        tpu.vector_store_idx %arg12[%add3A_5, %add3A_1505], %get3A_1513 : memref<32x257xf32, #tpu.memory_space<vmem>>[vector<16xi32>, vector<16xi32>], vector<16xf32>,
        %mul3A_1514 = arith.constant 16 : i32
        %mul3A_1515 = arith.muli %scan3A_1463, %mul3A_1514 : i32
        %add3A_1516 = arith.constant 3 : i32
        %add3A_1517 = arith.addi %mul3A_1515, %add3A_1516 : i32
        %slice3A_1518 = vector.extract_strided_slice %get3A_1467 {offsets = [3], sizes = [1], strides = [1]} : vector<16xi32> to vector<1xi32>
        %squeeze3A_1519 = vector.extract %slice3A_1518[0] : i32 from vector<1xi32>
        %add3A_1520 = vector.broadcast %add3A_1517 : i32 to vector<16xi32>
        %add3A_1521 = arith.addi %mul3A_8, %add3A_1520 : vector<16xi32>
        %get3A_1522 = arith.index_cast %add3A_1517 : i32 to index
        %get3A_1523 = arith.index_cast %squeeze3A_1519 : i32 to index
        %get3A_1524 = tpu.vector_load %arg10[%get3A_1522, %get3A_1523] {strides = array<i32>} : memref<256x128xf32, #tpu.memory_space<vmem>>, vector<16xf32>,
        %add3A_1525 = arith.constant 16 : i32
        %add3A_1526 = arith.addi %squeeze3A_1519, %add3A_1525 : i32
        %get3A_1527 = arith.index_cast %add3A_1517 : i32 to index
        %get3A_1528 = arith.index_cast %add3A_1526 : i32 to index
        %get3A_1529 = tpu.vector_load %arg10[%get3A_1527, %get3A_1528] {strides = array<i32>} : memref<256x128xf32, #tpu.memory_space<vmem>>, vector<16xf32>,
        tpu.vector_store_idx %arg12[%iota3A, %add3A_1521], %get3A_1524 : memref<32x257xf32, #tpu.memory_space<vmem>>[vector<16xi32>, vector<16xi32>], vector<16xf32>,
        tpu.vector_store_idx %arg12[%add3A_5, %add3A_1521], %get3A_1529 : memref<32x257xf32, #tpu.memory_space<vmem>>[vector<16xi32>, vector<16xi32>], vector<16xf32>,
        %mul3A_1530 = arith.constant 16 : i32
        %mul3A_1531 = arith.muli %scan3A_1463, %mul3A_1530 : i32
        %add3A_1532 = arith.constant 4 : i32
        %add3A_1533 = arith.addi %mul3A_1531, %add3A_1532 : i32
        %slice3A_1534 = vector.extract_strided_slice %get3A_1467 {offsets = [4], sizes = [1], strides = [1]} : vector<16xi32> to vector<1xi32>
        %squeeze3A_1535 = vector.extract %slice3A_1534[0] : i32 from vector<1xi32>
        %add3A_1536 = vector.broadcast %add3A_1533 : i32 to vector<16xi32>
        %add3A_1537 = arith.addi %mul3A_8, %add3A_1536 : vector<16xi32>
        %get3A_1538 = arith.index_cast %add3A_1533 : i32 to index
        %get3A_1539 = arith.index_cast %squeeze3A_1535 : i32 to index
        %get3A_1540 = tpu.vector_load %arg10[%get3A_1538, %get3A_1539] {strides = array<i32>} : memref<256x128xf32, #tpu.memory_space<vmem>>, vector<16xf32>,
        %add3A_1541 = arith.constant 16 : i32
        %add3A_1542 = arith.addi %squeeze3A_1535, %add3A_1541 : i32
        %get3A_1543 = arith.index_cast %add3A_1533 : i32 to index
        %get3A_1544 = arith.index_cast %add3A_1542 : i32 to index
        %get3A_1545 = tpu.vector_load %arg10[%get3A_1543, %get3A_1544] {strides = array<i32>} : memref<256x128xf32, #tpu.memory_space<vmem>>, vector<16xf32>,
        tpu.vector_store_idx %arg12[%iota3A, %add3A_1537], %get3A_1540 : memref<32x257xf32, #tpu.memory_space<vmem>>[vector<16xi32>, vector<16xi32>], vector<16xf32>,
        tpu.vector_store_idx %arg12[%add3A_5, %add3A_1537], %get3A_1545 : memref<32x257xf32, #tpu.memory_space<vmem>>[vector<16xi32>, vector<16xi32>], vector<16xf32>,
        %mul3A_1546 = arith.constant 16 : i32
        %mul3A_1547 = arith.muli %scan3A_1463, %mul3A_1546 : i32
        %add3A_1548 = arith.constant 5 : i32
        %add3A_1549 = arith.addi %mul3A_1547, %add3A_1548 : i32
        %slice3A_1550 = vector.extract_strided_slice %get3A_1467 {offsets = [5], sizes = [1], strides = [1]} : vector<16xi32> to vector<1xi32>
        %squeeze3A_1551 = vector.extract %slice3A_1550[0] : i32 from vector<1xi32>
        %add3A_1552 = vector.broadcast %add3A_1549 : i32 to vector<16xi32>
        %add3A_1553 = arith.addi %mul3A_8, %add3A_1552 : vector<16xi32>
        %get3A_1554 = arith.index_cast %add3A_1549 : i32 to index
        %get3A_1555 = arith.index_cast %squeeze3A_1551 : i32 to index
        %get3A_1556 = tpu.vector_load %arg10[%get3A_1554, %get3A_1555] {strides = array<i32>} : memref<256x128xf32, #tpu.memory_space<vmem>>, vector<16xf32>,
        %add3A_1557 = arith.constant 16 : i32
        %add3A_1558 = arith.addi %squeeze3A_1551, %add3A_1557 : i32
        %get3A_1559 = arith.index_cast %add3A_1549 : i32 to index
        %get3A_1560 = arith.index_cast %add3A_1558 : i32 to index
        %get3A_1561 = tpu.vector_load %arg10[%get3A_1559, %get3A_1560] {strides = array<i32>} : memref<256x128xf32, #tpu.memory_space<vmem>>, vector<16xf32>,
        tpu.vector_store_idx %arg12[%iota3A, %add3A_1553], %get3A_1556 : memref<32x257xf32, #tpu.memory_space<vmem>>[vector<16xi32>, vector<16xi32>], vector<16xf32>,
        tpu.vector_store_idx %arg12[%add3A_5, %add3A_1553], %get3A_1561 : memref<32x257xf32, #tpu.memory_space<vmem>>[vector<16xi32>, vector<16xi32>], vector<16xf32>,
        %mul3A_1562 = arith.constant 16 : i32
        %mul3A_1563 = arith.muli %scan3A_1463, %mul3A_1562 : i32
        %add3A_1564 = arith.constant 6 : i32
        %add3A_1565 = arith.addi %mul3A_1563, %add3A_1564 : i32
        %slice3A_1566 = vector.extract_strided_slice %get3A_1467 {offsets = [6], sizes = [1], strides = [1]} : vector<16xi32> to vector<1xi32>
        %squeeze3A_1567 = vector.extract %slice3A_1566[0] : i32 from vector<1xi32>
        %add3A_1568 = vector.broadcast %add3A_1565 : i32 to vector<16xi32>
        %add3A_1569 = arith.addi %mul3A_8, %add3A_1568 : vector<16xi32>
        %get3A_1570 = arith.index_cast %add3A_1565 : i32 to index
        %get3A_1571 = arith.index_cast %squeeze3A_1567 : i32 to index
        %get3A_1572 = tpu.vector_load %arg10[%get3A_1570, %get3A_1571] {strides = array<i32>} : memref<256x128xf32, #tpu.memory_space<vmem>>, vector<16xf32>,
        %add3A_1573 = arith.constant 16 : i32
        %add3A_1574 = arith.addi %squeeze3A_1567, %add3A_1573 : i32
        %get3A_1575 = arith.index_cast %add3A_1565 : i32 to index
        %get3A_1576 = arith.index_cast %add3A_1574 : i32 to index
        %get3A_1577 = tpu.vector_load %arg10[%get3A_1575, %get3A_1576] {strides = array<i32>} : memref<256x128xf32, #tpu.memory_space<vmem>>, vector<16xf32>,
        tpu.vector_store_idx %arg12[%iota3A, %add3A_1569], %get3A_1572 : memref<32x257xf32, #tpu.memory_space<vmem>>[vector<16xi32>, vector<16xi32>], vector<16xf32>,
        tpu.vector_store_idx %arg12[%add3A_5, %add3A_1569], %get3A_1577 : memref<32x257xf32, #tpu.memory_space<vmem>>[vector<16xi32>, vector<16xi32>], vector<16xf32>,
        %mul3A_1578 = arith.constant 16 : i32
        %mul3A_1579 = arith.muli %scan3A_1463, %mul3A_1578 : i32
        %add3A_1580 = arith.constant 7 : i32
        %add3A_1581 = arith.addi %mul3A_1579, %add3A_1580 : i32
        %slice3A_1582 = vector.extract_strided_slice %get3A_1467 {offsets = [7], sizes = [1], strides = [1]} : vector<16xi32> to vector<1xi32>
        %squeeze3A_1583 = vector.extract %slice3A_1582[0] : i32 from vector<1xi32>
        %add3A_1584 = vector.broadcast %add3A_1581 : i32 to vector<16xi32>
        %add3A_1585 = arith.addi %mul3A_8, %add3A_1584 : vector<16xi32>
        %get3A_1586 = arith.index_cast %add3A_1581 : i32 to index
        %get3A_1587 = arith.index_cast %squeeze3A_1583 : i32 to index
        %get3A_1588 = tpu.vector_load %arg10[%get3A_1586, %get3A_1587] {strides = array<i32>} : memref<256x128xf32, #tpu.memory_space<vmem>>, vector<16xf32>,
        %add3A_1589 = arith.constant 16 : i32
        %add3A_1590 = arith.addi %squeeze3A_1583, %add3A_1589 : i32
        %get3A_1591 = arith.index_cast %add3A_1581 : i32 to index
        %get3A_1592 = arith.index_cast %add3A_1590 : i32 to index
        %get3A_1593 = tpu.vector_load %arg10[%get3A_1591, %get3A_1592] {strides = array<i32>} : memref<256x128xf32, #tpu.memory_space<vmem>>, vector<16xf32>,
        tpu.vector_store_idx %arg12[%iota3A, %add3A_1585], %get3A_1588 : memref<32x257xf32, #tpu.memory_space<vmem>>[vector<16xi32>, vector<16xi32>], vector<16xf32>,
        tpu.vector_store_idx %arg12[%add3A_5, %add3A_1585], %get3A_1593 : memref<32x257xf32, #tpu.memory_space<vmem>>[vector<16xi32>, vector<16xi32>], vector<16xf32>,
        %mul3A_1594 = arith.constant 16 : i32
        %mul3A_1595 = arith.muli %scan3A_1463, %mul3A_1594 : i32
        %add3A_1596 = arith.constant 8 : i32
        %add3A_1597 = arith.addi %mul3A_1595, %add3A_1596 : i32
        %slice3A_1598 = vector.extract_strided_slice %get3A_1467 {offsets = [8], sizes = [1], strides = [1]} : vector<16xi32> to vector<1xi32>
        %squeeze3A_1599 = vector.extract %slice3A_1598[0] : i32 from vector<1xi32>
        %add3A_1600 = vector.broadcast %add3A_1597 : i32 to vector<16xi32>
        %add3A_1601 = arith.addi %mul3A_8, %add3A_1600 : vector<16xi32>
        %get3A_1602 = arith.index_cast %add3A_1597 : i32 to index
        %get3A_1603 = arith.index_cast %squeeze3A_1599 : i32 to index
        %get3A_1604 = tpu.vector_load %arg10[%get3A_1602, %get3A_1603] {strides = array<i32>} : memref<256x128xf32, #tpu.memory_space<vmem>>, vector<16xf32>,
        %add3A_1605 = arith.constant 16 : i32
        %add3A_1606 = arith.addi %squeeze3A_1599, %add3A_1605 : i32
        %get3A_1607 = arith.index_cast %add3A_1597 : i32 to index
        %get3A_1608 = arith.index_cast %add3A_1606 : i32 to index
        %get3A_1609 = tpu.vector_load %arg10[%get3A_1607, %get3A_1608] {strides = array<i32>} : memref<256x128xf32, #tpu.memory_space<vmem>>, vector<16xf32>,
        tpu.vector_store_idx %arg12[%iota3A, %add3A_1601], %get3A_1604 : memref<32x257xf32, #tpu.memory_space<vmem>>[vector<16xi32>, vector<16xi32>], vector<16xf32>,
        tpu.vector_store_idx %arg12[%add3A_5, %add3A_1601], %get3A_1609 : memref<32x257xf32, #tpu.memory_space<vmem>>[vector<16xi32>, vector<16xi32>], vector<16xf32>,
        %mul3A_1610 = arith.constant 16 : i32
        %mul3A_1611 = arith.muli %scan3A_1463, %mul3A_1610 : i32
        %add3A_1612 = arith.constant 9 : i32
        %add3A_1613 = arith.addi %mul3A_1611, %add3A_1612 : i32
        %slice3A_1614 = vector.extract_strided_slice %get3A_1467 {offsets = [9], sizes = [1], strides = [1]} : vector<16xi32> to vector<1xi32>
        %squeeze3A_1615 = vector.extract %slice3A_1614[0] : i32 from vector<1xi32>
        %add3A_1616 = vector.broadcast %add3A_1613 : i32 to vector<16xi32>
        %add3A_1617 = arith.addi %mul3A_8, %add3A_1616 : vector<16xi32>
        %get3A_1618 = arith.index_cast %add3A_1613 : i32 to index
        %get3A_1619 = arith.index_cast %squeeze3A_1615 : i32 to index
        %get3A_1620 = tpu.vector_load %arg10[%get3A_1618, %get3A_1619] {strides = array<i32>} : memref<256x128xf32, #tpu.memory_space<vmem>>, vector<16xf32>,
        %add3A_1621 = arith.constant 16 : i32
        %add3A_1622 = arith.addi %squeeze3A_1615, %add3A_1621 : i32
        %get3A_1623 = arith.index_cast %add3A_1613 : i32 to index
        %get3A_1624 = arith.index_cast %add3A_1622 : i32 to index
        %get3A_1625 = tpu.vector_load %arg10[%get3A_1623, %get3A_1624] {strides = array<i32>} : memref<256x128xf32, #tpu.memory_space<vmem>>, vector<16xf32>,
        tpu.vector_store_idx %arg12[%iota3A, %add3A_1617], %get3A_1620 : memref<32x257xf32, #tpu.memory_space<vmem>>[vector<16xi32>, vector<16xi32>], vector<16xf32>,
        tpu.vector_store_idx %arg12[%add3A_5, %add3A_1617], %get3A_1625 : memref<32x257xf32, #tpu.memory_space<vmem>>[vector<16xi32>, vector<16xi32>], vector<16xf32>,
        %mul3A_1626 = arith.constant 16 : i32
        %mul3A_1627 = arith.muli %scan3A_1463, %mul3A_1626 : i32
        %add3A_1628 = arith.constant 10 : i32
        %add3A_1629 = arith.addi %mul3A_1627, %add3A_1628 : i32
        %slice3A_1630 = vector.extract_strided_slice %get3A_1467 {offsets = [10], sizes = [1], strides = [1]} : vector<16xi32> to vector<1xi32>
        %squeeze3A_1631 = vector.extract %slice3A_1630[0] : i32 from vector<1xi32>
        %add3A_1632 = vector.broadcast %add3A_1629 : i32 to vector<16xi32>
        %add3A_1633 = arith.addi %mul3A_8, %add3A_1632 : vector<16xi32>
        %get3A_1634 = arith.index_cast %add3A_1629 : i32 to index
        %get3A_1635 = arith.index_cast %squeeze3A_1631 : i32 to index
        %get3A_1636 = tpu.vector_load %arg10[%get3A_1634, %get3A_1635] {strides = array<i32>} : memref<256x128xf32, #tpu.memory_space<vmem>>, vector<16xf32>,
        %add3A_1637 = arith.constant 16 : i32
        %add3A_1638 = arith.addi %squeeze3A_1631, %add3A_1637 : i32
        %get3A_1639 = arith.index_cast %add3A_1629 : i32 to index
        %get3A_1640 = arith.index_cast %add3A_1638 : i32 to index
        %get3A_1641 = tpu.vector_load %arg10[%get3A_1639, %get3A_1640] {strides = array<i32>} : memref<256x128xf32, #tpu.memory_space<vmem>>, vector<16xf32>,
        tpu.vector_store_idx %arg12[%iota3A, %add3A_1633], %get3A_1636 : memref<32x257xf32, #tpu.memory_space<vmem>>[vector<16xi32>, vector<16xi32>], vector<16xf32>,
        tpu.vector_store_idx %arg12[%add3A_5, %add3A_1633], %get3A_1641 : memref<32x257xf32, #tpu.memory_space<vmem>>[vector<16xi32>, vector<16xi32>], vector<16xf32>,
        %mul3A_1642 = arith.constant 16 : i32
        %mul3A_1643 = arith.muli %scan3A_1463, %mul3A_1642 : i32
        %add3A_1644 = arith.constant 11 : i32
        %add3A_1645 = arith.addi %mul3A_1643, %add3A_1644 : i32
        %slice3A_1646 = vector.extract_strided_slice %get3A_1467 {offsets = [11], sizes = [1], strides = [1]} : vector<16xi32> to vector<1xi32>
        %squeeze3A_1647 = vector.extract %slice3A_1646[0] : i32 from vector<1xi32>
        %add3A_1648 = vector.broadcast %add3A_1645 : i32 to vector<16xi32>
        %add3A_1649 = arith.addi %mul3A_8, %add3A_1648 : vector<16xi32>
        %get3A_1650 = arith.index_cast %add3A_1645 : i32 to index
        %get3A_1651 = arith.index_cast %squeeze3A_1647 : i32 to index
        %get3A_1652 = tpu.vector_load %arg10[%get3A_1650, %get3A_1651] {strides = array<i32>} : memref<256x128xf32, #tpu.memory_space<vmem>>, vector<16xf32>,
        %add3A_1653 = arith.constant 16 : i32
        %add3A_1654 = arith.addi %squeeze3A_1647, %add3A_1653 : i32
        %get3A_1655 = arith.index_cast %add3A_1645 : i32 to index
        %get3A_1656 = arith.index_cast %add3A_1654 : i32 to index
        %get3A_1657 = tpu.vector_load %arg10[%get3A_1655, %get3A_1656] {strides = array<i32>} : memref<256x128xf32, #tpu.memory_space<vmem>>, vector<16xf32>,
        tpu.vector_store_idx %arg12[%iota3A, %add3A_1649], %get3A_1652 : memref<32x257xf32, #tpu.memory_space<vmem>>[vector<16xi32>, vector<16xi32>], vector<16xf32>,
        tpu.vector_store_idx %arg12[%add3A_5, %add3A_1649], %get3A_1657 : memref<32x257xf32, #tpu.memory_space<vmem>>[vector<16xi32>, vector<16xi32>], vector<16xf32>,
        %mul3A_1658 = arith.constant 16 : i32
        %mul3A_1659 = arith.muli %scan3A_1463, %mul3A_1658 : i32
        %add3A_1660 = arith.constant 12 : i32
        %add3A_1661 = arith.addi %mul3A_1659, %add3A_1660 : i32
        %slice3A_1662 = vector.extract_strided_slice %get3A_1467 {offsets = [12], sizes = [1], strides = [1]} : vector<16xi32> to vector<1xi32>
        %squeeze3A_1663 = vector.extract %slice3A_1662[0] : i32 from vector<1xi32>
        %add3A_1664 = vector.broadcast %add3A_1661 : i32 to vector<16xi32>
        %add3A_1665 = arith.addi %mul3A_8, %add3A_1664 : vector<16xi32>
        %get3A_1666 = arith.index_cast %add3A_1661 : i32 to index
        %get3A_1667 = arith.index_cast %squeeze3A_1663 : i32 to index
        %get3A_1668 = tpu.vector_load %arg10[%get3A_1666, %get3A_1667] {strides = array<i32>} : memref<256x128xf32, #tpu.memory_space<vmem>>, vector<16xf32>,
        %add3A_1669 = arith.constant 16 : i32
        %add3A_1670 = arith.addi %squeeze3A_1663, %add3A_1669 : i32
        %get3A_1671 = arith.index_cast %add3A_1661 : i32 to index
        %get3A_1672 = arith.index_cast %add3A_1670 : i32 to index
        %get3A_1673 = tpu.vector_load %arg10[%get3A_1671, %get3A_1672] {strides = array<i32>} : memref<256x128xf32, #tpu.memory_space<vmem>>, vector<16xf32>,
        tpu.vector_store_idx %arg12[%iota3A, %add3A_1665], %get3A_1668 : memref<32x257xf32, #tpu.memory_space<vmem>>[vector<16xi32>, vector<16xi32>], vector<16xf32>,
        tpu.vector_store_idx %arg12[%add3A_5, %add3A_1665], %get3A_1673 : memref<32x257xf32, #tpu.memory_space<vmem>>[vector<16xi32>, vector<16xi32>], vector<16xf32>,
        %mul3A_1674 = arith.constant 16 : i32
        %mul3A_1675 = arith.muli %scan3A_1463, %mul3A_1674 : i32
        %add3A_1676 = arith.constant 13 : i32
        %add3A_1677 = arith.addi %mul3A_1675, %add3A_1676 : i32
        %slice3A_1678 = vector.extract_strided_slice %get3A_1467 {offsets = [13], sizes = [1], strides = [1]} : vector<16xi32> to vector<1xi32>
        %squeeze3A_1679 = vector.extract %slice3A_1678[0] : i32 from vector<1xi32>
        %add3A_1680 = vector.broadcast %add3A_1677 : i32 to vector<16xi32>
        %add3A_1681 = arith.addi %mul3A_8, %add3A_1680 : vector<16xi32>
        %get3A_1682 = arith.index_cast %add3A_1677 : i32 to index
        %get3A_1683 = arith.index_cast %squeeze3A_1679 : i32 to index
        %get3A_1684 = tpu.vector_load %arg10[%get3A_1682, %get3A_1683] {strides = array<i32>} : memref<256x128xf32, #tpu.memory_space<vmem>>, vector<16xf32>,
        %add3A_1685 = arith.constant 16 : i32
        %add3A_1686 = arith.addi %squeeze3A_1679, %add3A_1685 : i32
        %get3A_1687 = arith.index_cast %add3A_1677 : i32 to index
        %get3A_1688 = arith.index_cast %add3A_1686 : i32 to index
        %get3A_1689 = tpu.vector_load %arg10[%get3A_1687, %get3A_1688] {strides = array<i32>} : memref<256x128xf32, #tpu.memory_space<vmem>>, vector<16xf32>,
        tpu.vector_store_idx %arg12[%iota3A, %add3A_1681], %get3A_1684 : memref<32x257xf32, #tpu.memory_space<vmem>>[vector<16xi32>, vector<16xi32>], vector<16xf32>,
        tpu.vector_store_idx %arg12[%add3A_5, %add3A_1681], %get3A_1689 : memref<32x257xf32, #tpu.memory_space<vmem>>[vector<16xi32>, vector<16xi32>], vector<16xf32>,
        %mul3A_1690 = arith.constant 16 : i32
        %mul3A_1691 = arith.muli %scan3A_1463, %mul3A_1690 : i32
        %add3A_1692 = arith.constant 14 : i32
        %add3A_1693 = arith.addi %mul3A_1691, %add3A_1692 : i32
        %slice3A_1694 = vector.extract_strided_slice %get3A_1467 {offsets = [14], sizes = [1], strides = [1]} : vector<16xi32> to vector<1xi32>
        %squeeze3A_1695 = vector.extract %slice3A_1694[0] : i32 from vector<1xi32>
        %add3A_1696 = vector.broadcast %add3A_1693 : i32 to vector<16xi32>
        %add3A_1697 = arith.addi %mul3A_8, %add3A_1696 : vector<16xi32>
        %get3A_1698 = arith.index_cast %add3A_1693 : i32 to index
        %get3A_1699 = arith.index_cast %squeeze3A_1695 : i32 to index
        %get3A_1700 = tpu.vector_load %arg10[%get3A_1698, %get3A_1699] {strides = array<i32>} : memref<256x128xf32, #tpu.memory_space<vmem>>, vector<16xf32>,
        %add3A_1701 = arith.constant 16 : i32
        %add3A_1702 = arith.addi %squeeze3A_1695, %add3A_1701 : i32
        %get3A_1703 = arith.index_cast %add3A_1693 : i32 to index
        %get3A_1704 = arith.index_cast %add3A_1702 : i32 to index
        %get3A_1705 = tpu.vector_load %arg10[%get3A_1703, %get3A_1704] {strides = array<i32>} : memref<256x128xf32, #tpu.memory_space<vmem>>, vector<16xf32>,
        tpu.vector_store_idx %arg12[%iota3A, %add3A_1697], %get3A_1700 : memref<32x257xf32, #tpu.memory_space<vmem>>[vector<16xi32>, vector<16xi32>], vector<16xf32>,
        tpu.vector_store_idx %arg12[%add3A_5, %add3A_1697], %get3A_1705 : memref<32x257xf32, #tpu.memory_space<vmem>>[vector<16xi32>, vector<16xi32>], vector<16xf32>,
        %mul3A_1706 = arith.constant 16 : i32
        %mul3A_1707 = arith.muli %scan3A_1463, %mul3A_1706 : i32
        %add3A_1708 = arith.constant 15 : i32
        %add3A_1709 = arith.addi %mul3A_1707, %add3A_1708 : i32
        %slice3A_1710 = vector.extract_strided_slice %get3A_1467 {offsets = [15], sizes = [1], strides = [1]} : vector<16xi32> to vector<1xi32>
        %squeeze3A_1711 = vector.extract %slice3A_1710[0] : i32 from vector<1xi32>
        %add3A_1712 = vector.broadcast %add3A_1709 : i32 to vector<16xi32>
        %add3A_1713 = arith.addi %mul3A_8, %add3A_1712 : vector<16xi32>
        %get3A_1714 = arith.index_cast %add3A_1709 : i32 to index
        %get3A_1715 = arith.index_cast %squeeze3A_1711 : i32 to index
        %get3A_1716 = tpu.vector_load %arg10[%get3A_1714, %get3A_1715] {strides = array<i32>} : memref<256x128xf32, #tpu.memory_space<vmem>>, vector<16xf32>,
        %add3A_1717 = arith.constant 16 : i32
        %add3A_1718 = arith.addi %squeeze3A_1711, %add3A_1717 : i32
        %get3A_1719 = arith.index_cast %add3A_1709 : i32 to index
        %get3A_1720 = arith.index_cast %add3A_1718 : i32 to index
        %get3A_1721 = tpu.vector_load %arg10[%get3A_1719, %get3A_1720] {strides = array<i32>} : memref<256x128xf32, #tpu.memory_space<vmem>>, vector<16xf32>,
        tpu.vector_store_idx %arg12[%iota3A, %add3A_1713], %get3A_1716 : memref<32x257xf32, #tpu.memory_space<vmem>>[vector<16xi32>, vector<16xi32>], vector<16xf32>,
        tpu.vector_store_idx %arg12[%add3A_5, %add3A_1713], %get3A_1721 : memref<32x257xf32, #tpu.memory_space<vmem>>[vector<16xi32>, vector<16xi32>], vector<16xf32>,
      }
      %scan3A_1112 = arith.constant 16 : i32
      %dma_start3A_1113 = arith.constant 0 : i32
      %dma_start3A_1114 = arith.constant 0 : i32
      %dma_start3A_1115 = tpu.memref_slice %arg12[%dma_start3A_1113, %dma_start3A_1114] : memref<32x257xf32, #tpu.memory_space<vmem>> -> memref<32x256xf32, #tpu.memory_space<vmem>>
      %dma_start3A_1116 = arith.constant 0 : i32
      %dma_start3A_1117 = tpu.memref_slice %arg4[%shift_right_arithmetic3A_1089, %dma_start3A_1116, %add3A_1094] : memref<50x32x16384xf32, #tpu.memory_space<hbm>> -> memref<1x32x256xf32, #tpu.memory_space<hbm>>
      %dma_start3A_1118 = tpu.memref_squeeze %dma_start3A_1117 : memref<1x32x256xf32, #tpu.memory_space<hbm>> -> memref<32x256xf32, #tpu.memory_space<hbm>>
      %dma_start3A_1119 = arith.constant 0 : i32
      %dma_start3A_1120 = tpu.memref_slice %arg4[%shift_right_arithmetic3A_1089, %dma_start3A_1119, %add3A_1094] : memref<50x32x16384xf32, #tpu.memory_space<hbm>> -> memref<1x32x256xf32, #tpu.memory_space<hbm>>
      %dma_start3A_1121 = tpu.memref_squeeze %dma_start3A_1120 : memref<1x32x256xf32, #tpu.memory_space<hbm>> -> memref<32x256xf32, #tpu.memory_space<hbm>>
      %dma_start3A_1122 = arith.constant 0 : i32
      %dma_start3A_1123 = arith.constant 0 : i32
      %dma_start3A_1124 = tpu.memref_slice %arg12[%dma_start3A_1122, %dma_start3A_1123] : memref<32x257xf32, #tpu.memory_space<vmem>> -> memref<32x256xf32, #tpu.memory_space<vmem>>
      tpu.enqueue_dma source(%dma_start3A_1124 : memref<32x256xf32, #tpu.memory_space<vmem>>) target(%dma_start3A_1121 : memref<32x256xf32, #tpu.memory_space<hbm>>) target_semaphore(%arg18 : memref<!tpu.dma_semaphore, #tpu.memory_space<semaphore_mem>>)
      %add3A_1125 = arith.constant 2 : i32
      %add3A_1126 = arith.addi %mul3A_789, %add3A_1125 : i32
      %shift_right_arithmetic3A_1127 = arith.constant 1 : i32
      %shift_right_arithmetic3A_1128 = arith.shrsi %add3A_1126, %shift_right_arithmetic3A_1127 : i32
      %and3A_1129 = arith.constant 1 : i32
      %and3A_1130 = arith.andi %add3A_1126, %and3A_1129 : i32
      %mul3A_1131 = arith.constant 256 : i32
      %mul3A_1132 = arith.muli %and3A_1130, %mul3A_1131 : i32
      %add3A_1133 = arith.constant 0 : i32
      %add3A_1134 = arith.addi %mul3A_1132, %add3A_1133 : i32
      %get3A_1135 = arith.index_cast %shift_right_arithmetic3A_1128 : i32 to index
      %get3A_1136 = arith.index_cast %add3A_1134 : i32 to index
      %get3A_1137 = tpu.vector_load %arg5[%get3A_1135, %get3A_1136] {strides = array<i32>} : memref<50x512xi32, #tpu.memory_space<vmem>>, vector<16xi32>,
      %shift_right_logical3A_1138 = arith.constant 2 : i32
      %shift_right_logical3A_1139 = vector.broadcast %shift_right_logical3A_1138 : i32 to vector<16xi32>
      %shift_right_logical3A_1140 = arith.shrui %get3A_1137, %shift_right_logical3A_1139 : vector<16xi32>
      %swap3A_1141 = arith.constant 0 : index
      %swap3A_1142 = tpu.vector_load %arg6[%swap3A_1141] {strides = array<i32>} : memref<256xi32, #tpu.memory_space<vmem>>, vector<16xi32>,
      tpu.vector_store %arg6[%swap3A_1141], %shift_right_logical3A_1140 {strides = array<i32>} : memref<256xi32, #tpu.memory_space<vmem>>, vector<16xi32>,
      %and3A_1143 = arith.constant 3 : i32
      %and3A_1144 = vector.broadcast %and3A_1143 : i32 to vector<16xi32>
      %and3A_1145 = arith.andi %get3A_1137, %and3A_1144 : vector<16xi32>
      %shift_left3A_1146 = arith.constant 5 : i32
      %shift_left3A_1147 = vector.broadcast %shift_left3A_1146 : i32 to vector<16xi32>
      %shift_left3A_1148 = arith.shli %and3A_1145, %shift_left3A_1147 : vector<16xi32>
      %swap3A_1149 = arith.constant 0 : index
      %swap3A_1150 = tpu.vector_load %arg8[%swap3A_1149] {strides = array<i32>} : memref<256xi32, #tpu.memory_space<vmem>>, vector<16xi32>,
      tpu.vector_store %arg8[%swap3A_1149], %shift_left3A_1148 {strides = array<i32>} : memref<256xi32, #tpu.memory_space<vmem>>, vector<16xi32>,
      %add3A_1151 = arith.constant 16 : i32
      %add3A_1152 = arith.addi %mul3A_1132, %add3A_1151 : i32
      %get3A_1153 = arith.index_cast %shift_right_arithmetic3A_1128 : i32 to index
      %get3A_1154 = arith.index_cast %add3A_1152 : i32 to index
      %get3A_1155 = tpu.vector_load %arg5[%get3A_1153, %get3A_1154] {strides = array<i32>} : memref<50x512xi32, #tpu.memory_space<vmem>>, vector<16xi32>,
      %shift_right_logical3A_1156 = arith.constant 2 : i32
      %shift_right_logical3A_1157 = vector.broadcast %shift_right_logical3A_1156 : i32 to vector<16xi32>
      %shift_right_logical3A_1158 = arith.shrui %get3A_1155, %shift_right_logical3A_1157 : vector<16xi32>
      %swap3A_1159 = arith.constant 16 : index
      %swap3A_1160 = tpu.vector_load %arg6[%swap3A_1159] {strides = array<i32>} : memref<256xi32, #tpu.memory_space<vmem>>, vector<16xi32>,
      tpu.vector_store %arg6[%swap3A_1159], %shift_right_logical3A_1158 {strides = array<i32>} : memref<256xi32, #tpu.memory_space<vmem>>, vector<16xi32>,
      %and3A_1161 = arith.constant 3 : i32
      %and3A_1162 = vector.broadcast %and3A_1161 : i32 to vector<16xi32>
      %and3A_1163 = arith.andi %get3A_1155, %and3A_1162 : vector<16xi32>
      %shift_left3A_1164 = arith.constant 5 : i32
      %shift_left3A_1165 = vector.broadcast %shift_left3A_1164 : i32 to vector<16xi32>
      %shift_left3A_1166 = arith.shli %and3A_1163, %shift_left3A_1165 : vector<16xi32>
      %swap3A_1167 = arith.constant 16 : index
      %swap3A_1168 = tpu.vector_load %arg8[%swap3A_1167] {strides = array<i32>} : memref<256xi32, #tpu.memory_space<vmem>>, vector<16xi32>,
      tpu.vector_store %arg8[%swap3A_1167], %shift_left3A_1166 {strides = array<i32>} : memref<256xi32, #tpu.memory_space<vmem>>, vector<16xi32>,
      %add3A_1169 = arith.constant 32 : i32
      %add3A_1170 = arith.addi %mul3A_1132, %add3A_1169 : i32
      %get3A_1171 = arith.index_cast %shift_right_arithmetic3A_1128 : i32 to index
      %get3A_1172 = arith.index_cast %add3A_1170 : i32 to index
      %get3A_1173 = tpu.vector_load %arg5[%get3A_1171, %get3A_1172] {strides = array<i32>} : memref<50x512xi32, #tpu.memory_space<vmem>>, vector<16xi32>,
      %shift_right_logical3A_1174 = arith.constant 2 : i32
      %shift_right_logical3A_1175 = vector.broadcast %shift_right_logical3A_1174 : i32 to vector<16xi32>
      %shift_right_logical3A_1176 = arith.shrui %get3A_1173, %shift_right_logical3A_1175 : vector<16xi32>
      %swap3A_1177 = arith.constant 32 : index
      %swap3A_1178 = tpu.vector_load %arg6[%swap3A_1177] {strides = array<i32>} : memref<256xi32, #tpu.memory_space<vmem>>, vector<16xi32>,
      tpu.vector_store %arg6[%swap3A_1177], %shift_right_logical3A_1176 {strides = array<i32>} : memref<256xi32, #tpu.memory_space<vmem>>, vector<16xi32>,
      %and3A_1179 = arith.constant 3 : i32
      %and3A_1180 = vector.broadcast %and3A_1179 : i32 to vector<16xi32>
      %and3A_1181 = arith.andi %get3A_1173, %and3A_1180 : vector<16xi32>
      %shift_left3A_1182 = arith.constant 5 : i32
      %shift_left3A_1183 = vector.broadcast %shift_left3A_1182 : i32 to vector<16xi32>
      %shift_left3A_1184 = arith.shli %and3A_1181, %shift_left3A_1183 : vector<16xi32>
      %swap3A_1185 = arith.constant 32 : index
      %swap3A_1186 = tpu.vector_load %arg8[%swap3A_1185] {strides = array<i32>} : memref<256xi32, #tpu.memory_space<vmem>>, vector<16xi32>,
      tpu.vector_store %arg8[%swap3A_1185], %shift_left3A_1184 {strides = array<i32>} : memref<256xi32, #tpu.memory_space<vmem>>, vector<16xi32>,
      %add3A_1187 = arith.constant 48 : i32
      %add3A_1188 = arith.addi %mul3A_1132, %add3A_1187 : i32
      %get3A_1189 = arith.index_cast %shift_right_arithmetic3A_1128 : i32 to index
      %get3A_1190 = arith.index_cast %add3A_1188 : i32 to index
      %get3A_1191 = tpu.vector_load %arg5[%get3A_1189, %get3A_1190] {strides = array<i32>} : memref<50x512xi32, #tpu.memory_space<vmem>>, vector<16xi32>,
      %shift_right_logical3A_1192 = arith.constant 2 : i32
      %shift_right_logical3A_1193 = vector.broadcast %shift_right_logical3A_1192 : i32 to vector<16xi32>
      %shift_right_logical3A_1194 = arith.shrui %get3A_1191, %shift_right_logical3A_1193 : vector<16xi32>
      %swap3A_1195 = arith.constant 48 : index
      %swap3A_1196 = tpu.vector_load %arg6[%swap3A_1195] {strides = array<i32>} : memref<256xi32, #tpu.memory_space<vmem>>, vector<16xi32>,
      tpu.vector_store %arg6[%swap3A_1195], %shift_right_logical3A_1194 {strides = array<i32>} : memref<256xi32, #tpu.memory_space<vmem>>, vector<16xi32>,
      %and3A_1197 = arith.constant 3 : i32
      %and3A_1198 = vector.broadcast %and3A_1197 : i32 to vector<16xi32>
      %and3A_1199 = arith.andi %get3A_1191, %and3A_1198 : vector<16xi32>
      %shift_left3A_1200 = arith.constant 5 : i32
      %shift_left3A_1201 = vector.broadcast %shift_left3A_1200 : i32 to vector<16xi32>
      %shift_left3A_1202 = arith.shli %and3A_1199, %shift_left3A_1201 : vector<16xi32>
      %swap3A_1203 = arith.constant 48 : index
      %swap3A_1204 = tpu.vector_load %arg8[%swap3A_1203] {strides = array<i32>} : memref<256xi32, #tpu.memory_space<vmem>>, vector<16xi32>,
      tpu.vector_store %arg8[%swap3A_1203], %shift_left3A_1202 {strides = array<i32>} : memref<256xi32, #tpu.memory_space<vmem>>, vector<16xi32>,
      %add3A_1205 = arith.constant 64 : i32
      %add3A_1206 = arith.addi %mul3A_1132, %add3A_1205 : i32
      %get3A_1207 = arith.index_cast %shift_right_arithmetic3A_1128 : i32 to index
      %get3A_1208 = arith.index_cast %add3A_1206 : i32 to index
      %get3A_1209 = tpu.vector_load %arg5[%get3A_1207, %get3A_1208] {strides = array<i32>} : memref<50x512xi32, #tpu.memory_space<vmem>>, vector<16xi32>,
      %shift_right_logical3A_1210 = arith.constant 2 : i32
      %shift_right_logical3A_1211 = vector.broadcast %shift_right_logical3A_1210 : i32 to vector<16xi32>
      %shift_right_logical3A_1212 = arith.shrui %get3A_1209, %shift_right_logical3A_1211 : vector<16xi32>
      %swap3A_1213 = arith.constant 64 : index
      %swap3A_1214 = tpu.vector_load %arg6[%swap3A_1213] {strides = array<i32>} : memref<256xi32, #tpu.memory_space<vmem>>, vector<16xi32>,
      tpu.vector_store %arg6[%swap3A_1213], %shift_right_logical3A_1212 {strides = array<i32>} : memref<256xi32, #tpu.memory_space<vmem>>, vector<16xi32>,
      %and3A_1215 = arith.constant 3 : i32
      %and3A_1216 = vector.broadcast %and3A_1215 : i32 to vector<16xi32>
      %and3A_1217 = arith.andi %get3A_1209, %and3A_1216 : vector<16xi32>
      %shift_left3A_1218 = arith.constant 5 : i32
      %shift_left3A_1219 = vector.broadcast %shift_left3A_1218 : i32 to vector<16xi32>
      %shift_left3A_1220 = arith.shli %and3A_1217, %shift_left3A_1219 : vector<16xi32>
      %swap3A_1221 = arith.constant 64 : index
      %swap3A_1222 = tpu.vector_load %arg8[%swap3A_1221] {strides = array<i32>} : memref<256xi32, #tpu.memory_space<vmem>>, vector<16xi32>,
      tpu.vector_store %arg8[%swap3A_1221], %shift_left3A_1220 {strides = array<i32>} : memref<256xi32, #tpu.memory_space<vmem>>, vector<16xi32>,
      %add3A_1223 = arith.constant 80 : i32
      %add3A_1224 = arith.addi %mul3A_1132, %add3A_1223 : i32
      %get3A_1225 = arith.index_cast %shift_right_arithmetic3A_1128 : i32 to index
      %get3A_1226 = arith.index_cast %add3A_1224 : i32 to index
      %get3A_1227 = tpu.vector_load %arg5[%get3A_1225, %get3A_1226] {strides = array<i32>} : memref<50x512xi32, #tpu.memory_space<vmem>>, vector<16xi32>,
      %shift_right_logical3A_1228 = arith.constant 2 : i32
      %shift_right_logical3A_1229 = vector.broadcast %shift_right_logical3A_1228 : i32 to vector<16xi32>
      %shift_right_logical3A_1230 = arith.shrui %get3A_1227, %shift_right_logical3A_1229 : vector<16xi32>
      %swap3A_1231 = arith.constant 80 : index
      %swap3A_1232 = tpu.vector_load %arg6[%swap3A_1231] {strides = array<i32>} : memref<256xi32, #tpu.memory_space<vmem>>, vector<16xi32>,
      tpu.vector_store %arg6[%swap3A_1231], %shift_right_logical3A_1230 {strides = array<i32>} : memref<256xi32, #tpu.memory_space<vmem>>, vector<16xi32>,
      %and3A_1233 = arith.constant 3 : i32
      %and3A_1234 = vector.broadcast %and3A_1233 : i32 to vector<16xi32>
      %and3A_1235 = arith.andi %get3A_1227, %and3A_1234 : vector<16xi32>
      %shift_left3A_1236 = arith.constant 5 : i32
      %shift_left3A_1237 = vector.broadcast %shift_left3A_1236 : i32 to vector<16xi32>
      %shift_left3A_1238 = arith.shli %and3A_1235, %shift_left3A_1237 : vector<16xi32>
      %swap3A_1239 = arith.constant 80 : index
      %swap3A_1240 = tpu.vector_load %arg8[%swap3A_1239] {strides = array<i32>} : memref<256xi32, #tpu.memory_space<vmem>>, vector<16xi32>,
      tpu.vector_store %arg8[%swap3A_1239], %shift_left3A_1238 {strides = array<i32>} : memref<256xi32, #tpu.memory_space<vmem>>, vector<16xi32>,
      %add3A_1241 = arith.constant 96 : i32
      %add3A_1242 = arith.addi %mul3A_1132, %add3A_1241 : i32
      %get3A_1243 = arith.index_cast %shift_right_arithmetic3A_1128 : i32 to index
      %get3A_1244 = arith.index_cast %add3A_1242 : i32 to index
      %get3A_1245 = tpu.vector_load %arg5[%get3A_1243, %get3A_1244] {strides = array<i32>} : memref<50x512xi32, #tpu.memory_space<vmem>>, vector<16xi32>,
      %shift_right_logical3A_1246 = arith.constant 2 : i32
      %shift_right_logical3A_1247 = vector.broadcast %shift_right_logical3A_1246 : i32 to vector<16xi32>
      %shift_right_logical3A_1248 = arith.shrui %get3A_1245, %shift_right_logical3A_1247 : vector<16xi32>
      %swap3A_1249 = arith.constant 96 : index
      %swap3A_1250 = tpu.vector_load %arg6[%swap3A_1249] {strides = array<i32>} : memref<256xi32, #tpu.memory_space<vmem>>, vector<16xi32>,
      tpu.vector_store %arg6[%swap3A_1249], %shift_right_logical3A_1248 {strides = array<i32>} : memref<256xi32, #tpu.memory_space<vmem>>, vector<16xi32>,
      %and3A_1251 = arith.constant 3 : i32
      %and3A_1252 = vector.broadcast %and3A_1251 : i32 to vector<16xi32>
      %and3A_1253 = arith.andi %get3A_1245, %and3A_1252 : vector<16xi32>
      %shift_left3A_1254 = arith.constant 5 : i32
      %shift_left3A_1255 = vector.broadcast %shift_left3A_1254 : i32 to vector<16xi32>
      %shift_left3A_1256 = arith.shli %and3A_1253, %shift_left3A_1255 : vector<16xi32>
      %swap3A_1257 = arith.constant 96 : index
      %swap3A_1258 = tpu.vector_load %arg8[%swap3A_1257] {strides = array<i32>} : memref<256xi32, #tpu.memory_space<vmem>>, vector<16xi32>,
      tpu.vector_store %arg8[%swap3A_1257], %shift_left3A_1256 {strides = array<i32>} : memref<256xi32, #tpu.memory_space<vmem>>, vector<16xi32>,
      %add3A_1259 = arith.constant 112 : i32
      %add3A_1260 = arith.addi %mul3A_1132, %add3A_1259 : i32
      %get3A_1261 = arith.index_cast %shift_right_arithmetic3A_1128 : i32 to index
      %get3A_1262 = arith.index_cast %add3A_1260 : i32 to index
      %get3A_1263 = tpu.vector_load %arg5[%get3A_1261, %get3A_1262] {strides = array<i32>} : memref<50x512xi32, #tpu.memory_space<vmem>>, vector<16xi32>,
      %shift_right_logical3A_1264 = arith.constant 2 : i32
      %shift_right_logical3A_1265 = vector.broadcast %shift_right_logical3A_1264 : i32 to vector<16xi32>
      %shift_right_logical3A_1266 = arith.shrui %get3A_1263, %shift_right_logical3A_1265 : vector<16xi32>
      %swap3A_1267 = arith.constant 112 : index
      %swap3A_1268 = tpu.vector_load %arg6[%swap3A_1267] {strides = array<i32>} : memref<256xi32, #tpu.memory_space<vmem>>, vector<16xi32>,
      tpu.vector_store %arg6[%swap3A_1267], %shift_right_logical3A_1266 {strides = array<i32>} : memref<256xi32, #tpu.memory_space<vmem>>, vector<16xi32>,
      %and3A_1269 = arith.constant 3 : i32
      %and3A_1270 = vector.broadcast %and3A_1269 : i32 to vector<16xi32>
      %and3A_1271 = arith.andi %get3A_1263, %and3A_1270 : vector<16xi32>
      %shift_left3A_1272 = arith.constant 5 : i32
      %shift_left3A_1273 = vector.broadcast %shift_left3A_1272 : i32 to vector<16xi32>
      %shift_left3A_1274 = arith.shli %and3A_1271, %shift_left3A_1273 : vector<16xi32>
      %swap3A_1275 = arith.constant 112 : index
      %swap3A_1276 = tpu.vector_load %arg8[%swap3A_1275] {strides = array<i32>} : memref<256xi32, #tpu.memory_space<vmem>>, vector<16xi32>,
      tpu.vector_store %arg8[%swap3A_1275], %shift_left3A_1274 {strides = array<i32>} : memref<256xi32, #tpu.memory_space<vmem>>, vector<16xi32>,
      %add3A_1277 = arith.constant 128 : i32
      %add3A_1278 = arith.addi %mul3A_1132, %add3A_1277 : i32
      %get3A_1279 = arith.index_cast %shift_right_arithmetic3A_1128 : i32 to index
      %get3A_1280 = arith.index_cast %add3A_1278 : i32 to index
      %get3A_1281 = tpu.vector_load %arg5[%get3A_1279, %get3A_1280] {strides = array<i32>} : memref<50x512xi32, #tpu.memory_space<vmem>>, vector<16xi32>,
      %shift_right_logical3A_1282 = arith.constant 2 : i32
      %shift_right_logical3A_1283 = vector.broadcast %shift_right_logical3A_1282 : i32 to vector<16xi32>
      %shift_right_logical3A_1284 = arith.shrui %get3A_1281, %shift_right_logical3A_1283 : vector<16xi32>
      %swap3A_1285 = arith.constant 128 : index
      %swap3A_1286 = tpu.vector_load %arg6[%swap3A_1285] {strides = array<i32>} : memref<256xi32, #tpu.memory_space<vmem>>, vector<16xi32>,
      tpu.vector_store %arg6[%swap3A_1285], %shift_right_logical3A_1284 {strides = array<i32>} : memref<256xi32, #tpu.memory_space<vmem>>, vector<16xi32>,
      %and3A_1287 = arith.constant 3 : i32
      %and3A_1288 = vector.broadcast %and3A_1287 : i32 to vector<16xi32>
      %and3A_1289 = arith.andi %get3A_1281, %and3A_1288 : vector<16xi32>
      %shift_left3A_1290 = arith.constant 5 : i32
      %shift_left3A_1291 = vector.broadcast %shift_left3A_1290 : i32 to vector<16xi32>
      %shift_left3A_1292 = arith.shli %and3A_1289, %shift_left3A_1291 : vector<16xi32>
      %swap3A_1293 = arith.constant 128 : index
      %swap3A_1294 = tpu.vector_load %arg8[%swap3A_1293] {strides = array<i32>} : memref<256xi32, #tpu.memory_space<vmem>>, vector<16xi32>,
      tpu.vector_store %arg8[%swap3A_1293], %shift_left3A_1292 {strides = array<i32>} : memref<256xi32, #tpu.memory_space<vmem>>, vector<16xi32>,
      %add3A_1295 = arith.constant 144 : i32
      %add3A_1296 = arith.addi %mul3A_1132, %add3A_1295 : i32
      %get3A_1297 = arith.index_cast %shift_right_arithmetic3A_1128 : i32 to index
      %get3A_1298 = arith.index_cast %add3A_1296 : i32 to index
      %get3A_1299 = tpu.vector_load %arg5[%get3A_1297, %get3A_1298] {strides = array<i32>} : memref<50x512xi32, #tpu.memory_space<vmem>>, vector<16xi32>,
      %shift_right_logical3A_1300 = arith.constant 2 : i32
      %shift_right_logical3A_1301 = vector.broadcast %shift_right_logical3A_1300 : i32 to vector<16xi32>
      %shift_right_logical3A_1302 = arith.shrui %get3A_1299, %shift_right_logical3A_1301 : vector<16xi32>
      %swap3A_1303 = arith.constant 144 : index
      %swap3A_1304 = tpu.vector_load %arg6[%swap3A_1303] {strides = array<i32>} : memref<256xi32, #tpu.memory_space<vmem>>, vector<16xi32>,
      tpu.vector_store %arg6[%swap3A_1303], %shift_right_logical3A_1302 {strides = array<i32>} : memref<256xi32, #tpu.memory_space<vmem>>, vector<16xi32>,
      %and3A_1305 = arith.constant 3 : i32
      %and3A_1306 = vector.broadcast %and3A_1305 : i32 to vector<16xi32>
      %and3A_1307 = arith.andi %get3A_1299, %and3A_1306 : vector<16xi32>
      %shift_left3A_1308 = arith.constant 5 : i32
      %shift_left3A_1309 = vector.broadcast %shift_left3A_1308 : i32 to vector<16xi32>
      %shift_left3A_1310 = arith.shli %and3A_1307, %shift_left3A_1309 : vector<16xi32>
      %swap3A_1311 = arith.constant 144 : index
      %swap3A_1312 = tpu.vector_load %arg8[%swap3A_1311] {strides = array<i32>} : memref<256xi32, #tpu.memory_space<vmem>>, vector<16xi32>,
      tpu.vector_store %arg8[%swap3A_1311], %shift_left3A_1310 {strides = array<i32>} : memref<256xi32, #tpu.memory_space<vmem>>, vector<16xi32>,
      %add3A_1313 = arith.constant 160 : i32
      %add3A_1314 = arith.addi %mul3A_1132, %add3A_1313 : i32
      %get3A_1315 = arith.index_cast %shift_right_arithmetic3A_1128 : i32 to index
      %get3A_1316 = arith.index_cast %add3A_1314 : i32 to index
      %get3A_1317 = tpu.vector_load %arg5[%get3A_1315, %get3A_1316] {strides = array<i32>} : memref<50x512xi32, #tpu.memory_space<vmem>>, vector<16xi32>,
      %shift_right_logical3A_1318 = arith.constant 2 : i32
      %shift_right_logical3A_1319 = vector.broadcast %shift_right_logical3A_1318 : i32 to vector<16xi32>
      %shift_right_logical3A_1320 = arith.shrui %get3A_1317, %shift_right_logical3A_1319 : vector<16xi32>
      %swap3A_1321 = arith.constant 160 : index
      %swap3A_1322 = tpu.vector_load %arg6[%swap3A_1321] {strides = array<i32>} : memref<256xi32, #tpu.memory_space<vmem>>, vector<16xi32>,
      tpu.vector_store %arg6[%swap3A_1321], %shift_right_logical3A_1320 {strides = array<i32>} : memref<256xi32, #tpu.memory_space<vmem>>, vector<16xi32>,
      %and3A_1323 = arith.constant 3 : i32
      %and3A_1324 = vector.broadcast %and3A_1323 : i32 to vector<16xi32>
      %and3A_1325 = arith.andi %get3A_1317, %and3A_1324 : vector<16xi32>
      %shift_left3A_1326 = arith.constant 5 : i32
      %shift_left3A_1327 = vector.broadcast %shift_left3A_1326 : i32 to vector<16xi32>
      %shift_left3A_1328 = arith.shli %and3A_1325, %shift_left3A_1327 : vector<16xi32>
      %swap3A_1329 = arith.constant 160 : index
      %swap3A_1330 = tpu.vector_load %arg8[%swap3A_1329] {strides = array<i32>} : memref<256xi32, #tpu.memory_space<vmem>>, vector<16xi32>,
      tpu.vector_store %arg8[%swap3A_1329], %shift_left3A_1328 {strides = array<i32>} : memref<256xi32, #tpu.memory_space<vmem>>, vector<16xi32>,
      %add3A_1331 = arith.constant 176 : i32
      %add3A_1332 = arith.addi %mul3A_1132, %add3A_1331 : i32
      %get3A_1333 = arith.index_cast %shift_right_arithmetic3A_1128 : i32 to index
      %get3A_1334 = arith.index_cast %add3A_1332 : i32 to index
      %get3A_1335 = tpu.vector_load %arg5[%get3A_1333, %get3A_1334] {strides = array<i32>} : memref<50x512xi32, #tpu.memory_space<vmem>>, vector<16xi32>,
      %shift_right_logical3A_1336 = arith.constant 2 : i32
      %shift_right_logical3A_1337 = vector.broadcast %shift_right_logical3A_1336 : i32 to vector<16xi32>
      %shift_right_logical3A_1338 = arith.shrui %get3A_1335, %shift_right_logical3A_1337 : vector<16xi32>
      %swap3A_1339 = arith.constant 176 : index
      %swap3A_1340 = tpu.vector_load %arg6[%swap3A_1339] {strides = array<i32>} : memref<256xi32, #tpu.memory_space<vmem>>, vector<16xi32>,
      tpu.vector_store %arg6[%swap3A_1339], %shift_right_logical3A_1338 {strides = array<i32>} : memref<256xi32, #tpu.memory_space<vmem>>, vector<16xi32>,
      %and3A_1341 = arith.constant 3 : i32
      %and3A_1342 = vector.broadcast %and3A_1341 : i32 to vector<16xi32>
      %and3A_1343 = arith.andi %get3A_1335, %and3A_1342 : vector<16xi32>
      %shift_left3A_1344 = arith.constant 5 : i32
      %shift_left3A_1345 = vector.broadcast %shift_left3A_1344 : i32 to vector<16xi32>
      %shift_left3A_1346 = arith.shli %and3A_1343, %shift_left3A_1345 : vector<16xi32>
      %swap3A_1347 = arith.constant 176 : index
      %swap3A_1348 = tpu.vector_load %arg8[%swap3A_1347] {strides = array<i32>} : memref<256xi32, #tpu.memory_space<vmem>>, vector<16xi32>,
      tpu.vector_store %arg8[%swap3A_1347], %shift_left3A_1346 {strides = array<i32>} : memref<256xi32, #tpu.memory_space<vmem>>, vector<16xi32>,
      %add3A_1349 = arith.constant 192 : i32
      %add3A_1350 = arith.addi %mul3A_1132, %add3A_1349 : i32
      %get3A_1351 = arith.index_cast %shift_right_arithmetic3A_1128 : i32 to index
      %get3A_1352 = arith.index_cast %add3A_1350 : i32 to index
      %get3A_1353 = tpu.vector_load %arg5[%get3A_1351, %get3A_1352] {strides = array<i32>} : memref<50x512xi32, #tpu.memory_space<vmem>>, vector<16xi32>,
      %shift_right_logical3A_1354 = arith.constant 2 : i32
      %shift_right_logical3A_1355 = vector.broadcast %shift_right_logical3A_1354 : i32 to vector<16xi32>
      %shift_right_logical3A_1356 = arith.shrui %get3A_1353, %shift_right_logical3A_1355 : vector<16xi32>
      %swap3A_1357 = arith.constant 192 : index
      %swap3A_1358 = tpu.vector_load %arg6[%swap3A_1357] {strides = array<i32>} : memref<256xi32, #tpu.memory_space<vmem>>, vector<16xi32>,
      tpu.vector_store %arg6[%swap3A_1357], %shift_right_logical3A_1356 {strides = array<i32>} : memref<256xi32, #tpu.memory_space<vmem>>, vector<16xi32>,
      %and3A_1359 = arith.constant 3 : i32
      %and3A_1360 = vector.broadcast %and3A_1359 : i32 to vector<16xi32>
      %and3A_1361 = arith.andi %get3A_1353, %and3A_1360 : vector<16xi32>
      %shift_left3A_1362 = arith.constant 5 : i32
      %shift_left3A_1363 = vector.broadcast %shift_left3A_1362 : i32 to vector<16xi32>
      %shift_left3A_1364 = arith.shli %and3A_1361, %shift_left3A_1363 : vector<16xi32>
      %swap3A_1365 = arith.constant 192 : index
      %swap3A_1366 = tpu.vector_load %arg8[%swap3A_1365] {strides = array<i32>} : memref<256xi32, #tpu.memory_space<vmem>>, vector<16xi32>,
      tpu.vector_store %arg8[%swap3A_1365], %shift_left3A_1364 {strides = array<i32>} : memref<256xi32, #tpu.memory_space<vmem>>, vector<16xi32>,
      %add3A_1367 = arith.constant 208 : i32
      %add3A_1368 = arith.addi %mul3A_1132, %add3A_1367 : i32
      %get3A_1369 = arith.index_cast %shift_right_arithmetic3A_1128 : i32 to index
      %get3A_1370 = arith.index_cast %add3A_1368 : i32 to index
      %get3A_1371 = tpu.vector_load %arg5[%get3A_1369, %get3A_1370] {strides = array<i32>} : memref<50x512xi32, #tpu.memory_space<vmem>>, vector<16xi32>,
      %shift_right_logical3A_1372 = arith.constant 2 : i32
      %shift_right_logical3A_1373 = vector.broadcast %shift_right_logical3A_1372 : i32 to vector<16xi32>
      %shift_right_logical3A_1374 = arith.shrui %get3A_1371, %shift_right_logical3A_1373 : vector<16xi32>
      %swap3A_1375 = arith.constant 208 : index
      %swap3A_1376 = tpu.vector_load %arg6[%swap3A_1375] {strides = array<i32>} : memref<256xi32, #tpu.memory_space<vmem>>, vector<16xi32>,
      tpu.vector_store %arg6[%swap3A_1375], %shift_right_logical3A_1374 {strides = array<i32>} : memref<256xi32, #tpu.memory_space<vmem>>, vector<16xi32>,
      %and3A_1377 = arith.constant 3 : i32
      %and3A_1378 = vector.broadcast %and3A_1377 : i32 to vector<16xi32>
      %and3A_1379 = arith.andi %get3A_1371, %and3A_1378 : vector<16xi32>
      %shift_left3A_1380 = arith.constant 5 : i32
      %shift_left3A_1381 = vector.broadcast %shift_left3A_1380 : i32 to vector<16xi32>
      %shift_left3A_1382 = arith.shli %and3A_1379, %shift_left3A_1381 : vector<16xi32>
      %swap3A_1383 = arith.constant 208 : index
      %swap3A_1384 = tpu.vector_load %arg8[%swap3A_1383] {strides = array<i32>} : memref<256xi32, #tpu.memory_space<vmem>>, vector<16xi32>,
      tpu.vector_store %arg8[%swap3A_1383], %shift_left3A_1382 {strides = array<i32>} : memref<256xi32, #tpu.memory_space<vmem>>, vector<16xi32>,
      %add3A_1385 = arith.constant 224 : i32
      %add3A_1386 = arith.addi %mul3A_1132, %add3A_1385 : i32
      %get3A_1387 = arith.index_cast %shift_right_arithmetic3A_1128 : i32 to index
      %get3A_1388 = arith.index_cast %add3A_1386 : i32 to index
      %get3A_1389 = tpu.vector_load %arg5[%get3A_1387, %get3A_1388] {strides = array<i32>} : memref<50x512xi32, #tpu.memory_space<vmem>>, vector<16xi32>,
      %shift_right_logical3A_1390 = arith.constant 2 : i32
      %shift_right_logical3A_1391 = vector.broadcast %shift_right_logical3A_1390 : i32 to vector<16xi32>
      %shift_right_logical3A_1392 = arith.shrui %get3A_1389, %shift_right_logical3A_1391 : vector<16xi32>
      %swap3A_1393 = arith.constant 224 : index
      %swap3A_1394 = tpu.vector_load %arg6[%swap3A_1393] {strides = array<i32>} : memref<256xi32, #tpu.memory_space<vmem>>, vector<16xi32>,
      tpu.vector_store %arg6[%swap3A_1393], %shift_right_logical3A_1392 {strides = array<i32>} : memref<256xi32, #tpu.memory_space<vmem>>, vector<16xi32>,
      %and3A_1395 = arith.constant 3 : i32
      %and3A_1396 = vector.broadcast %and3A_1395 : i32 to vector<16xi32>
      %and3A_1397 = arith.andi %get3A_1389, %and3A_1396 : vector<16xi32>
      %shift_left3A_1398 = arith.constant 5 : i32
      %shift_left3A_1399 = vector.broadcast %shift_left3A_1398 : i32 to vector<16xi32>
      %shift_left3A_1400 = arith.shli %and3A_1397, %shift_left3A_1399 : vector<16xi32>
      %swap3A_1401 = arith.constant 224 : index
      %swap3A_1402 = tpu.vector_load %arg8[%swap3A_1401] {strides = array<i32>} : memref<256xi32, #tpu.memory_space<vmem>>, vector<16xi32>,
      tpu.vector_store %arg8[%swap3A_1401], %shift_left3A_1400 {strides = array<i32>} : memref<256xi32, #tpu.memory_space<vmem>>, vector<16xi32>,
      %add3A_1403 = arith.constant 240 : i32
      %add3A_1404 = arith.addi %mul3A_1132, %add3A_1403 : i32
      %get3A_1405 = arith.index_cast %shift_right_arithmetic3A_1128 : i32 to index
      %get3A_1406 = arith.index_cast %add3A_1404 : i32 to index
      %get3A_1407 = tpu.vector_load %arg5[%get3A_1405, %get3A_1406] {strides = array<i32>} : memref<50x512xi32, #tpu.memory_space<vmem>>, vector<16xi32>,
      %shift_right_logical3A_1408 = arith.constant 2 : i32
      %shift_right_logical3A_1409 = vector.broadcast %shift_right_logical3A_1408 : i32 to vector<16xi32>
      %shift_right_logical3A_1410 = arith.shrui %get3A_1407, %shift_right_logical3A_1409 : vector<16xi32>
      %swap3A_1411 = arith.constant 240 : index
      %swap3A_1412 = tpu.vector_load %arg6[%swap3A_1411] {strides = array<i32>} : memref<256xi32, #tpu.memory_space<vmem>>, vector<16xi32>,
      tpu.vector_store %arg6[%swap3A_1411], %shift_right_logical3A_1410 {strides = array<i32>} : memref<256xi32, #tpu.memory_space<vmem>>, vector<16xi32>,
      %and3A_1413 = arith.constant 3 : i32
      %and3A_1414 = vector.broadcast %and3A_1413 : i32 to vector<16xi32>
      %and3A_1415 = arith.andi %get3A_1407, %and3A_1414 : vector<16xi32>
      %shift_left3A_1416 = arith.constant 5 : i32
      %shift_left3A_1417 = vector.broadcast %shift_left3A_1416 : i32 to vector<16xi32>
      %shift_left3A_1418 = arith.shli %and3A_1415, %shift_left3A_1417 : vector<16xi32>
      %swap3A_1419 = arith.constant 240 : index
      %swap3A_1420 = tpu.vector_load %arg8[%swap3A_1419] {strides = array<i32>} : memref<256xi32, #tpu.memory_space<vmem>>, vector<16xi32>,
      tpu.vector_store %arg8[%swap3A_1419], %shift_left3A_1418 {strides = array<i32>} : memref<256xi32, #tpu.memory_space<vmem>>, vector<16xi32>,
      %dma_start3A_1421 = arith.constant 0 : i32
      %dma_start3A_1422 = arith.constant 0 : i32
      %dma_start3A_1423 = tpu.memref_slice %arg3[%dma_start3A_1421, %dma_start3A_1422] : memref<250000x128xf32, #tpu.memory_space<hbm>> -> memref<250000x128xf32, #tpu.memory_space<hbm>>
      tpu.enqueue_indirect_dma source(%dma_start3A_1423 : memref<250000x128xf32, #tpu.memory_space<hbm>>) target(%arg10 : memref<256x128xf32, #tpu.memory_space<vmem>>) offsets(%arg6 : memref<256xi32, #tpu.memory_space<vmem>>) semaphore(%arg16 : memref<!tpu.dma_semaphore, #tpu.memory_space<semaphore_mem>>)
      %add3A_1424 = arith.constant 1 : i32
      %add3A_1425 = arith.addi %mul3A_789, %add3A_1424 : i32
      %shift_right_arithmetic3A_1426 = arith.constant 1 : i32
      %shift_right_arithmetic3A_1427 = arith.shrsi %add3A_1425, %shift_right_arithmetic3A_1426 : i32
      %and3A_1428 = arith.constant 1 : i32
      %and3A_1429 = arith.andi %add3A_1425, %and3A_1428 : i32
      %mul3A_1430 = arith.constant 256 : i32
      %mul3A_1431 = arith.muli %and3A_1429, %mul3A_1430 : i32
      %add3A_1432 = arith.addi %mul3A_2, %mul3A_1431 : i32
      %dma_wait3A_1433 = arith.constant 0 : i32
      %dma_wait3A_1434 = arith.constant 0 : i32
      %dma_wait3A_1435 = tpu.memref_slice %arg3[%dma_wait3A_1433, %dma_wait3A_1434] : memref<250000x128xf32, #tpu.memory_space<hbm>> -> memref<256x128xf32, #tpu.memory_space<hbm>>
      %dma_wait3A_1436 = arith.constant 0 : i32
      %dma_wait3A_1437 = arith.constant 0 : i32
      %dma_wait3A_1438 = tpu.memref_slice %arg3[%dma_wait3A_1436, %dma_wait3A_1437] : memref<250000x128xf32, #tpu.memory_space<hbm>> -> memref<256x128xf32, #tpu.memory_space<hbm>>
      tpu.wait_dma2 semaphore(%arg17 : memref<!tpu.dma_semaphore, #tpu.memory_space<semaphore_mem>>) src(%dma_wait3A_1438 : memref<256x128xf32, #tpu.memory_space<hbm>>) dst(%arg11 : memref<256x128xf32, #tpu.memory_space<vmem>>)
      %dma_wait3A_1439 = arith.constant 0 : i32
      %dma_wait3A_1440 = arith.constant 0 : i32
      %dma_wait3A_1441 = tpu.memref_slice %arg13[%dma_wait3A_1439, %dma_wait3A_1440] : memref<32x257xf32, #tpu.memory_space<vmem>> -> memref<32x256xf32, #tpu.memory_space<vmem>>
      %dma_wait3A_1442 = arith.constant 0 : i32
      %dma_wait3A_1443 = arith.constant 0 : i32
      %dma_wait3A_1444 = tpu.memref_slice %arg13[%dma_wait3A_1442, %dma_wait3A_1443] : memref<32x257xf32, #tpu.memory_space<vmem>> -> memref<32x256xf32, #tpu.memory_space<vmem>>
      tpu.wait_dma2 semaphore(%arg19 : memref<!tpu.dma_semaphore, #tpu.memory_space<semaphore_mem>>) src(%dma_wait3A_1444 : memref<32x256xf32, #tpu.memory_space<vmem>>) dst(%arg14 : memref<32x256xf32, #tpu.memory_space<hbm>>)
      %scan3A_1445 = arith.constant 0 : i32
      %scan3A_1446 = arith.constant 0 : i32
      %scan3A_1447 = arith.constant 16 : i32
      %scan3A_1448 = arith.addi %scan3A_1446, %scan3A_1447 : i32
      %scan3A_1449 = arith.constant 1 : i32
      scf.for %scan3A_1463 = %scan3A_1446 to %scan3A_1448 step %scan3A_1449  : i32 {
        %mul3A_1464 = arith.constant 16 : i32
        %mul3A_1465 = arith.muli %scan3A_1463, %mul3A_1464 : i32
        %get3A_1466 = arith.index_cast %mul3A_1465 : i32 to index
        %get3A_1467 = tpu.vector_load %arg9[%get3A_1466] {strides = array<i32>} : memref<256xi32, #tpu.memory_space<vmem>>, vector<16xi32>,
        %mul3A_1468 = arith.constant 16 : i32
        %mul3A_1469 = arith.muli %scan3A_1463, %mul3A_1468 : i32
        %add3A_1470 = arith.constant 0 : i32
        %add3A_1471 = arith.addi %mul3A_1469, %add3A_1470 : i32
        %slice3A = vector.extract_strided_slice %get3A_1467 {offsets = [0], sizes = [1], strides = [1]} : vector<16xi32> to vector<1xi32>
        %squeeze3A = vector.extract %slice3A[0] : i32 from vector<1xi32>
        %add3A_1472 = vector.broadcast %add3A_1471 : i32 to vector<16xi32>
        %add3A_1473 = arith.addi %mul3A_8, %add3A_1472 : vector<16xi32>
        %get3A_1474 = arith.index_cast %add3A_1471 : i32 to index
        %get3A_1475 = arith.index_cast %squeeze3A : i32 to index
        %get3A_1476 = tpu.vector_load %arg11[%get3A_1474, %get3A_1475] {strides = array<i32>} : memref<256x128xf32, #tpu.memory_space<vmem>>, vector<16xf32>,
        %add3A_1477 = arith.constant 16 : i32
        %add3A_1478 = arith.addi %squeeze3A, %add3A_1477 : i32
        %get3A_1479 = arith.index_cast %add3A_1471 : i32 to index
        %get3A_1480 = arith.index_cast %add3A_1478 : i32 to index
        %get3A_1481 = tpu.vector_load %arg11[%get3A_1479, %get3A_1480] {strides = array<i32>} : memref<256x128xf32, #tpu.memory_space<vmem>>, vector<16xf32>,
        tpu.vector_store_idx %arg13[%iota3A, %add3A_1473], %get3A_1476 : memref<32x257xf32, #tpu.memory_space<vmem>>[vector<16xi32>, vector<16xi32>], vector<16xf32>,
        tpu.vector_store_idx %arg13[%add3A_5, %add3A_1473], %get3A_1481 : memref<32x257xf32, #tpu.memory_space<vmem>>[vector<16xi32>, vector<16xi32>], vector<16xf32>,
        %mul3A_1482 = arith.constant 16 : i32
        %mul3A_1483 = arith.muli %scan3A_1463, %mul3A_1482 : i32
        %add3A_1484 = arith.constant 1 : i32
        %add3A_1485 = arith.addi %mul3A_1483, %add3A_1484 : i32
        %slice3A_1486 = vector.extract_strided_slice %get3A_1467 {offsets = [1], sizes = [1], strides = [1]} : vector<16xi32> to vector<1xi32>
        %squeeze3A_1487 = vector.extract %slice3A_1486[0] : i32 from vector<1xi32>
        %add3A_1488 = vector.broadcast %add3A_1485 : i32 to vector<16xi32>
        %add3A_1489 = arith.addi %mul3A_8, %add3A_1488 : vector<16xi32>
        %get3A_1490 = arith.index_cast %add3A_1485 : i32 to index
        %get3A_1491 = arith.index_cast %squeeze3A_1487 : i32 to index
        %get3A_1492 = tpu.vector_load %arg11[%get3A_1490, %get3A_1491] {strides = array<i32>} : memref<256x128xf32, #tpu.memory_space<vmem>>, vector<16xf32>,
        %add3A_1493 = arith.constant 16 : i32
        %add3A_1494 = arith.addi %squeeze3A_1487, %add3A_1493 : i32
        %get3A_1495 = arith.index_cast %add3A_1485 : i32 to index
        %get3A_1496 = arith.index_cast %add3A_1494 : i32 to index
        %get3A_1497 = tpu.vector_load %arg11[%get3A_1495, %get3A_1496] {strides = array<i32>} : memref<256x128xf32, #tpu.memory_space<vmem>>, vector<16xf32>,
        tpu.vector_store_idx %arg13[%iota3A, %add3A_1489], %get3A_1492 : memref<32x257xf32, #tpu.memory_space<vmem>>[vector<16xi32>, vector<16xi32>], vector<16xf32>,
        tpu.vector_store_idx %arg13[%add3A_5, %add3A_1489], %get3A_1497 : memref<32x257xf32, #tpu.memory_space<vmem>>[vector<16xi32>, vector<16xi32>], vector<16xf32>,
        %mul3A_1498 = arith.constant 16 : i32
        %mul3A_1499 = arith.muli %scan3A_1463, %mul3A_1498 : i32
        %add3A_1500 = arith.constant 2 : i32
        %add3A_1501 = arith.addi %mul3A_1499, %add3A_1500 : i32
        %slice3A_1502 = vector.extract_strided_slice %get3A_1467 {offsets = [2], sizes = [1], strides = [1]} : vector<16xi32> to vector<1xi32>
        %squeeze3A_1503 = vector.extract %slice3A_1502[0] : i32 from vector<1xi32>
        %add3A_1504 = vector.broadcast %add3A_1501 : i32 to vector<16xi32>
        %add3A_1505 = arith.addi %mul3A_8, %add3A_1504 : vector<16xi32>
        %get3A_1506 = arith.index_cast %add3A_1501 : i32 to index
        %get3A_1507 = arith.index_cast %squeeze3A_1503 : i32 to index
        %get3A_1508 = tpu.vector_load %arg11[%get3A_1506, %get3A_1507] {strides = array<i32>} : memref<256x128xf32, #tpu.memory_space<vmem>>, vector<16xf32>,
        %add3A_1509 = arith.constant 16 : i32
        %add3A_1510 = arith.addi %squeeze3A_1503, %add3A_1509 : i32
        %get3A_1511 = arith.index_cast %add3A_1501 : i32 to index
        %get3A_1512 = arith.index_cast %add3A_1510 : i32 to index
        %get3A_1513 = tpu.vector_load %arg11[%get3A_1511, %get3A_1512] {strides = array<i32>} : memref<256x128xf32, #tpu.memory_space<vmem>>, vector<16xf32>,
        tpu.vector_store_idx %arg13[%iota3A, %add3A_1505], %get3A_1508 : memref<32x257xf32, #tpu.memory_space<vmem>>[vector<16xi32>, vector<16xi32>], vector<16xf32>,
        tpu.vector_store_idx %arg13[%add3A_5, %add3A_1505], %get3A_1513 : memref<32x257xf32, #tpu.memory_space<vmem>>[vector<16xi32>, vector<16xi32>], vector<16xf32>,
        %mul3A_1514 = arith.constant 16 : i32
        %mul3A_1515 = arith.muli %scan3A_1463, %mul3A_1514 : i32
        %add3A_1516 = arith.constant 3 : i32
        %add3A_1517 = arith.addi %mul3A_1515, %add3A_1516 : i32
        %slice3A_1518 = vector.extract_strided_slice %get3A_1467 {offsets = [3], sizes = [1], strides = [1]} : vector<16xi32> to vector<1xi32>
        %squeeze3A_1519 = vector.extract %slice3A_1518[0] : i32 from vector<1xi32>
        %add3A_1520 = vector.broadcast %add3A_1517 : i32 to vector<16xi32>
        %add3A_1521 = arith.addi %mul3A_8, %add3A_1520 : vector<16xi32>
        %get3A_1522 = arith.index_cast %add3A_1517 : i32 to index
        %get3A_1523 = arith.index_cast %squeeze3A_1519 : i32 to index
        %get3A_1524 = tpu.vector_load %arg11[%get3A_1522, %get3A_1523] {strides = array<i32>} : memref<256x128xf32, #tpu.memory_space<vmem>>, vector<16xf32>,
        %add3A_1525 = arith.constant 16 : i32
        %add3A_1526 = arith.addi %squeeze3A_1519, %add3A_1525 : i32
        %get3A_1527 = arith.index_cast %add3A_1517 : i32 to index
        %get3A_1528 = arith.index_cast %add3A_1526 : i32 to index
        %get3A_1529 = tpu.vector_load %arg11[%get3A_1527, %get3A_1528] {strides = array<i32>} : memref<256x128xf32, #tpu.memory_space<vmem>>, vector<16xf32>,
        tpu.vector_store_idx %arg13[%iota3A, %add3A_1521], %get3A_1524 : memref<32x257xf32, #tpu.memory_space<vmem>>[vector<16xi32>, vector<16xi32>], vector<16xf32>,
        tpu.vector_store_idx %arg13[%add3A_5, %add3A_1521], %get3A_1529 : memref<32x257xf32, #tpu.memory_space<vmem>>[vector<16xi32>, vector<16xi32>], vector<16xf32>,
        %mul3A_1530 = arith.constant 16 : i32
        %mul3A_1531 = arith.muli %scan3A_1463, %mul3A_1530 : i32
        %add3A_1532 = arith.constant 4 : i32
        %add3A_1533 = arith.addi %mul3A_1531, %add3A_1532 : i32
        %slice3A_1534 = vector.extract_strided_slice %get3A_1467 {offsets = [4], sizes = [1], strides = [1]} : vector<16xi32> to vector<1xi32>
        %squeeze3A_1535 = vector.extract %slice3A_1534[0] : i32 from vector<1xi32>
        %add3A_1536 = vector.broadcast %add3A_1533 : i32 to vector<16xi32>
        %add3A_1537 = arith.addi %mul3A_8, %add3A_1536 : vector<16xi32>
        %get3A_1538 = arith.index_cast %add3A_1533 : i32 to index
        %get3A_1539 = arith.index_cast %squeeze3A_1535 : i32 to index
        %get3A_1540 = tpu.vector_load %arg11[%get3A_1538, %get3A_1539] {strides = array<i32>} : memref<256x128xf32, #tpu.memory_space<vmem>>, vector<16xf32>,
        %add3A_1541 = arith.constant 16 : i32
        %add3A_1542 = arith.addi %squeeze3A_1535, %add3A_1541 : i32
        %get3A_1543 = arith.index_cast %add3A_1533 : i32 to index
        %get3A_1544 = arith.index_cast %add3A_1542 : i32 to index
        %get3A_1545 = tpu.vector_load %arg11[%get3A_1543, %get3A_1544] {strides = array<i32>} : memref<256x128xf32, #tpu.memory_space<vmem>>, vector<16xf32>,
        tpu.vector_store_idx %arg13[%iota3A, %add3A_1537], %get3A_1540 : memref<32x257xf32, #tpu.memory_space<vmem>>[vector<16xi32>, vector<16xi32>], vector<16xf32>,
        tpu.vector_store_idx %arg13[%add3A_5, %add3A_1537], %get3A_1545 : memref<32x257xf32, #tpu.memory_space<vmem>>[vector<16xi32>, vector<16xi32>], vector<16xf32>,
        %mul3A_1546 = arith.constant 16 : i32
        %mul3A_1547 = arith.muli %scan3A_1463, %mul3A_1546 : i32
        %add3A_1548 = arith.constant 5 : i32
        %add3A_1549 = arith.addi %mul3A_1547, %add3A_1548 : i32
        %slice3A_1550 = vector.extract_strided_slice %get3A_1467 {offsets = [5], sizes = [1], strides = [1]} : vector<16xi32> to vector<1xi32>
        %squeeze3A_1551 = vector.extract %slice3A_1550[0] : i32 from vector<1xi32>
        %add3A_1552 = vector.broadcast %add3A_1549 : i32 to vector<16xi32>
        %add3A_1553 = arith.addi %mul3A_8, %add3A_1552 : vector<16xi32>
        %get3A_1554 = arith.index_cast %add3A_1549 : i32 to index
        %get3A_1555 = arith.index_cast %squeeze3A_1551 : i32 to index
        %get3A_1556 = tpu.vector_load %arg11[%get3A_1554, %get3A_1555] {strides = array<i32>} : memref<256x128xf32, #tpu.memory_space<vmem>>, vector<16xf32>,
        %add3A_1557 = arith.constant 16 : i32
        %add3A_1558 = arith.addi %squeeze3A_1551, %add3A_1557 : i32
        %get3A_1559 = arith.index_cast %add3A_1549 : i32 to index
        %get3A_1560 = arith.index_cast %add3A_1558 : i32 to index
        %get3A_1561 = tpu.vector_load %arg11[%get3A_1559, %get3A_1560] {strides = array<i32>} : memref<256x128xf32, #tpu.memory_space<vmem>>, vector<16xf32>,
        tpu.vector_store_idx %arg13[%iota3A, %add3A_1553], %get3A_1556 : memref<32x257xf32, #tpu.memory_space<vmem>>[vector<16xi32>, vector<16xi32>], vector<16xf32>,
        tpu.vector_store_idx %arg13[%add3A_5, %add3A_1553], %get3A_1561 : memref<32x257xf32, #tpu.memory_space<vmem>>[vector<16xi32>, vector<16xi32>], vector<16xf32>,
        %mul3A_1562 = arith.constant 16 : i32
        %mul3A_1563 = arith.muli %scan3A_1463, %mul3A_1562 : i32
        %add3A_1564 = arith.constant 6 : i32
        %add3A_1565 = arith.addi %mul3A_1563, %add3A_1564 : i32
        %slice3A_1566 = vector.extract_strided_slice %get3A_1467 {offsets = [6], sizes = [1], strides = [1]} : vector<16xi32> to vector<1xi32>
        %squeeze3A_1567 = vector.extract %slice3A_1566[0] : i32 from vector<1xi32>
        %add3A_1568 = vector.broadcast %add3A_1565 : i32 to vector<16xi32>
        %add3A_1569 = arith.addi %mul3A_8, %add3A_1568 : vector<16xi32>
        %get3A_1570 = arith.index_cast %add3A_1565 : i32 to index
        %get3A_1571 = arith.index_cast %squeeze3A_1567 : i32 to index
        %get3A_1572 = tpu.vector_load %arg11[%get3A_1570, %get3A_1571] {strides = array<i32>} : memref<256x128xf32, #tpu.memory_space<vmem>>, vector<16xf32>,
        %add3A_1573 = arith.constant 16 : i32
        %add3A_1574 = arith.addi %squeeze3A_1567, %add3A_1573 : i32
        %get3A_1575 = arith.index_cast %add3A_1565 : i32 to index
        %get3A_1576 = arith.index_cast %add3A_1574 : i32 to index
        %get3A_1577 = tpu.vector_load %arg11[%get3A_1575, %get3A_1576] {strides = array<i32>} : memref<256x128xf32, #tpu.memory_space<vmem>>, vector<16xf32>,
        tpu.vector_store_idx %arg13[%iota3A, %add3A_1569], %get3A_1572 : memref<32x257xf32, #tpu.memory_space<vmem>>[vector<16xi32>, vector<16xi32>], vector<16xf32>,
        tpu.vector_store_idx %arg13[%add3A_5, %add3A_1569], %get3A_1577 : memref<32x257xf32, #tpu.memory_space<vmem>>[vector<16xi32>, vector<16xi32>], vector<16xf32>,
        %mul3A_1578 = arith.constant 16 : i32
        %mul3A_1579 = arith.muli %scan3A_1463, %mul3A_1578 : i32
        %add3A_1580 = arith.constant 7 : i32
        %add3A_1581 = arith.addi %mul3A_1579, %add3A_1580 : i32
        %slice3A_1582 = vector.extract_strided_slice %get3A_1467 {offsets = [7], sizes = [1], strides = [1]} : vector<16xi32> to vector<1xi32>
        %squeeze3A_1583 = vector.extract %slice3A_1582[0] : i32 from vector<1xi32>
        %add3A_1584 = vector.broadcast %add3A_1581 : i32 to vector<16xi32>
        %add3A_1585 = arith.addi %mul3A_8, %add3A_1584 : vector<16xi32>
        %get3A_1586 = arith.index_cast %add3A_1581 : i32 to index
        %get3A_1587 = arith.index_cast %squeeze3A_1583 : i32 to index
        %get3A_1588 = tpu.vector_load %arg11[%get3A_1586, %get3A_1587] {strides = array<i32>} : memref<256x128xf32, #tpu.memory_space<vmem>>, vector<16xf32>,
        %add3A_1589 = arith.constant 16 : i32
        %add3A_1590 = arith.addi %squeeze3A_1583, %add3A_1589 : i32
        %get3A_1591 = arith.index_cast %add3A_1581 : i32 to index
        %get3A_1592 = arith.index_cast %add3A_1590 : i32 to index
        %get3A_1593 = tpu.vector_load %arg11[%get3A_1591, %get3A_1592] {strides = array<i32>} : memref<256x128xf32, #tpu.memory_space<vmem>>, vector<16xf32>,
        tpu.vector_store_idx %arg13[%iota3A, %add3A_1585], %get3A_1588 : memref<32x257xf32, #tpu.memory_space<vmem>>[vector<16xi32>, vector<16xi32>], vector<16xf32>,
        tpu.vector_store_idx %arg13[%add3A_5, %add3A_1585], %get3A_1593 : memref<32x257xf32, #tpu.memory_space<vmem>>[vector<16xi32>, vector<16xi32>], vector<16xf32>,
        %mul3A_1594 = arith.constant 16 : i32
        %mul3A_1595 = arith.muli %scan3A_1463, %mul3A_1594 : i32
        %add3A_1596 = arith.constant 8 : i32
        %add3A_1597 = arith.addi %mul3A_1595, %add3A_1596 : i32
        %slice3A_1598 = vector.extract_strided_slice %get3A_1467 {offsets = [8], sizes = [1], strides = [1]} : vector<16xi32> to vector<1xi32>
        %squeeze3A_1599 = vector.extract %slice3A_1598[0] : i32 from vector<1xi32>
        %add3A_1600 = vector.broadcast %add3A_1597 : i32 to vector<16xi32>
        %add3A_1601 = arith.addi %mul3A_8, %add3A_1600 : vector<16xi32>
        %get3A_1602 = arith.index_cast %add3A_1597 : i32 to index
        %get3A_1603 = arith.index_cast %squeeze3A_1599 : i32 to index
        %get3A_1604 = tpu.vector_load %arg11[%get3A_1602, %get3A_1603] {strides = array<i32>} : memref<256x128xf32, #tpu.memory_space<vmem>>, vector<16xf32>,
        %add3A_1605 = arith.constant 16 : i32
        %add3A_1606 = arith.addi %squeeze3A_1599, %add3A_1605 : i32
        %get3A_1607 = arith.index_cast %add3A_1597 : i32 to index
        %get3A_1608 = arith.index_cast %add3A_1606 : i32 to index
        %get3A_1609 = tpu.vector_load %arg11[%get3A_1607, %get3A_1608] {strides = array<i32>} : memref<256x128xf32, #tpu.memory_space<vmem>>, vector<16xf32>,
        tpu.vector_store_idx %arg13[%iota3A, %add3A_1601], %get3A_1604 : memref<32x257xf32, #tpu.memory_space<vmem>>[vector<16xi32>, vector<16xi32>], vector<16xf32>,
        tpu.vector_store_idx %arg13[%add3A_5, %add3A_1601], %get3A_1609 : memref<32x257xf32, #tpu.memory_space<vmem>>[vector<16xi32>, vector<16xi32>], vector<16xf32>,
        %mul3A_1610 = arith.constant 16 : i32
        %mul3A_1611 = arith.muli %scan3A_1463, %mul3A_1610 : i32
        %add3A_1612 = arith.constant 9 : i32
        %add3A_1613 = arith.addi %mul3A_1611, %add3A_1612 : i32
        %slice3A_1614 = vector.extract_strided_slice %get3A_1467 {offsets = [9], sizes = [1], strides = [1]} : vector<16xi32> to vector<1xi32>
        %squeeze3A_1615 = vector.extract %slice3A_1614[0] : i32 from vector<1xi32>
        %add3A_1616 = vector.broadcast %add3A_1613 : i32 to vector<16xi32>
        %add3A_1617 = arith.addi %mul3A_8, %add3A_1616 : vector<16xi32>
        %get3A_1618 = arith.index_cast %add3A_1613 : i32 to index
        %get3A_1619 = arith.index_cast %squeeze3A_1615 : i32 to index
        %get3A_1620 = tpu.vector_load %arg11[%get3A_1618, %get3A_1619] {strides = array<i32>} : memref<256x128xf32, #tpu.memory_space<vmem>>, vector<16xf32>,
        %add3A_1621 = arith.constant 16 : i32
        %add3A_1622 = arith.addi %squeeze3A_1615, %add3A_1621 : i32
        %get3A_1623 = arith.index_cast %add3A_1613 : i32 to index
        %get3A_1624 = arith.index_cast %add3A_1622 : i32 to index
        %get3A_1625 = tpu.vector_load %arg11[%get3A_1623, %get3A_1624] {strides = array<i32>} : memref<256x128xf32, #tpu.memory_space<vmem>>, vector<16xf32>,
        tpu.vector_store_idx %arg13[%iota3A, %add3A_1617], %get3A_1620 : memref<32x257xf32, #tpu.memory_space<vmem>>[vector<16xi32>, vector<16xi32>], vector<16xf32>,
        tpu.vector_store_idx %arg13[%add3A_5, %add3A_1617], %get3A_1625 : memref<32x257xf32, #tpu.memory_space<vmem>>[vector<16xi32>, vector<16xi32>], vector<16xf32>,
        %mul3A_1626 = arith.constant 16 : i32
        %mul3A_1627 = arith.muli %scan3A_1463, %mul3A_1626 : i32
        %add3A_1628 = arith.constant 10 : i32
        %add3A_1629 = arith.addi %mul3A_1627, %add3A_1628 : i32
        %slice3A_1630 = vector.extract_strided_slice %get3A_1467 {offsets = [10], sizes = [1], strides = [1]} : vector<16xi32> to vector<1xi32>
        %squeeze3A_1631 = vector.extract %slice3A_1630[0] : i32 from vector<1xi32>
        %add3A_1632 = vector.broadcast %add3A_1629 : i32 to vector<16xi32>
        %add3A_1633 = arith.addi %mul3A_8, %add3A_1632 : vector<16xi32>
        %get3A_1634 = arith.index_cast %add3A_1629 : i32 to index
        %get3A_1635 = arith.index_cast %squeeze3A_1631 : i32 to index
        %get3A_1636 = tpu.vector_load %arg11[%get3A_1634, %get3A_1635] {strides = array<i32>} : memref<256x128xf32, #tpu.memory_space<vmem>>, vector<16xf32>,
        %add3A_1637 = arith.constant 16 : i32
        %add3A_1638 = arith.addi %squeeze3A_1631, %add3A_1637 : i32
        %get3A_1639 = arith.index_cast %add3A_1629 : i32 to index
        %get3A_1640 = arith.index_cast %add3A_1638 : i32 to index
        %get3A_1641 = tpu.vector_load %arg11[%get3A_1639, %get3A_1640] {strides = array<i32>} : memref<256x128xf32, #tpu.memory_space<vmem>>, vector<16xf32>,
        tpu.vector_store_idx %arg13[%iota3A, %add3A_1633], %get3A_1636 : memref<32x257xf32, #tpu.memory_space<vmem>>[vector<16xi32>, vector<16xi32>], vector<16xf32>,
        tpu.vector_store_idx %arg13[%add3A_5, %add3A_1633], %get3A_1641 : memref<32x257xf32, #tpu.memory_space<vmem>>[vector<16xi32>, vector<16xi32>], vector<16xf32>,
        %mul3A_1642 = arith.constant 16 : i32
        %mul3A_1643 = arith.muli %scan3A_1463, %mul3A_1642 : i32
        %add3A_1644 = arith.constant 11 : i32
        %add3A_1645 = arith.addi %mul3A_1643, %add3A_1644 : i32
        %slice3A_1646 = vector.extract_strided_slice %get3A_1467 {offsets = [11], sizes = [1], strides = [1]} : vector<16xi32> to vector<1xi32>
        %squeeze3A_1647 = vector.extract %slice3A_1646[0] : i32 from vector<1xi32>
        %add3A_1648 = vector.broadcast %add3A_1645 : i32 to vector<16xi32>
        %add3A_1649 = arith.addi %mul3A_8, %add3A_1648 : vector<16xi32>
        %get3A_1650 = arith.index_cast %add3A_1645 : i32 to index
        %get3A_1651 = arith.index_cast %squeeze3A_1647 : i32 to index
        %get3A_1652 = tpu.vector_load %arg11[%get3A_1650, %get3A_1651] {strides = array<i32>} : memref<256x128xf32, #tpu.memory_space<vmem>>, vector<16xf32>,
        %add3A_1653 = arith.constant 16 : i32
        %add3A_1654 = arith.addi %squeeze3A_1647, %add3A_1653 : i32
        %get3A_1655 = arith.index_cast %add3A_1645 : i32 to index
        %get3A_1656 = arith.index_cast %add3A_1654 : i32 to index
        %get3A_1657 = tpu.vector_load %arg11[%get3A_1655, %get3A_1656] {strides = array<i32>} : memref<256x128xf32, #tpu.memory_space<vmem>>, vector<16xf32>,
        tpu.vector_store_idx %arg13[%iota3A, %add3A_1649], %get3A_1652 : memref<32x257xf32, #tpu.memory_space<vmem>>[vector<16xi32>, vector<16xi32>], vector<16xf32>,
        tpu.vector_store_idx %arg13[%add3A_5, %add3A_1649], %get3A_1657 : memref<32x257xf32, #tpu.memory_space<vmem>>[vector<16xi32>, vector<16xi32>], vector<16xf32>,
        %mul3A_1658 = arith.constant 16 : i32
        %mul3A_1659 = arith.muli %scan3A_1463, %mul3A_1658 : i32
        %add3A_1660 = arith.constant 12 : i32
        %add3A_1661 = arith.addi %mul3A_1659, %add3A_1660 : i32
        %slice3A_1662 = vector.extract_strided_slice %get3A_1467 {offsets = [12], sizes = [1], strides = [1]} : vector<16xi32> to vector<1xi32>
        %squeeze3A_1663 = vector.extract %slice3A_1662[0] : i32 from vector<1xi32>
        %add3A_1664 = vector.broadcast %add3A_1661 : i32 to vector<16xi32>
        %add3A_1665 = arith.addi %mul3A_8, %add3A_1664 : vector<16xi32>
        %get3A_1666 = arith.index_cast %add3A_1661 : i32 to index
        %get3A_1667 = arith.index_cast %squeeze3A_1663 : i32 to index
        %get3A_1668 = tpu.vector_load %arg11[%get3A_1666, %get3A_1667] {strides = array<i32>} : memref<256x128xf32, #tpu.memory_space<vmem>>, vector<16xf32>,
        %add3A_1669 = arith.constant 16 : i32
        %add3A_1670 = arith.addi %squeeze3A_1663, %add3A_1669 : i32
        %get3A_1671 = arith.index_cast %add3A_1661 : i32 to index
        %get3A_1672 = arith.index_cast %add3A_1670 : i32 to index
        %get3A_1673 = tpu.vector_load %arg11[%get3A_1671, %get3A_1672] {strides = array<i32>} : memref<256x128xf32, #tpu.memory_space<vmem>>, vector<16xf32>,
        tpu.vector_store_idx %arg13[%iota3A, %add3A_1665], %get3A_1668 : memref<32x257xf32, #tpu.memory_space<vmem>>[vector<16xi32>, vector<16xi32>], vector<16xf32>,
        tpu.vector_store_idx %arg13[%add3A_5, %add3A_1665], %get3A_1673 : memref<32x257xf32, #tpu.memory_space<vmem>>[vector<16xi32>, vector<16xi32>], vector<16xf32>,
        %mul3A_1674 = arith.constant 16 : i32
        %mul3A_1675 = arith.muli %scan3A_1463, %mul3A_1674 : i32
        %add3A_1676 = arith.constant 13 : i32
        %add3A_1677 = arith.addi %mul3A_1675, %add3A_1676 : i32
        %slice3A_1678 = vector.extract_strided_slice %get3A_1467 {offsets = [13], sizes = [1], strides = [1]} : vector<16xi32> to vector<1xi32>
        %squeeze3A_1679 = vector.extract %slice3A_1678[0] : i32 from vector<1xi32>
        %add3A_1680 = vector.broadcast %add3A_1677 : i32 to vector<16xi32>
        %add3A_1681 = arith.addi %mul3A_8, %add3A_1680 : vector<16xi32>
        %get3A_1682 = arith.index_cast %add3A_1677 : i32 to index
        %get3A_1683 = arith.index_cast %squeeze3A_1679 : i32 to index
        %get3A_1684 = tpu.vector_load %arg11[%get3A_1682, %get3A_1683] {strides = array<i32>} : memref<256x128xf32, #tpu.memory_space<vmem>>, vector<16xf32>,
        %add3A_1685 = arith.constant 16 : i32
        %add3A_1686 = arith.addi %squeeze3A_1679, %add3A_1685 : i32
        %get3A_1687 = arith.index_cast %add3A_1677 : i32 to index
        %get3A_1688 = arith.index_cast %add3A_1686 : i32 to index
        %get3A_1689 = tpu.vector_load %arg11[%get3A_1687, %get3A_1688] {strides = array<i32>} : memref<256x128xf32, #tpu.memory_space<vmem>>, vector<16xf32>,
        tpu.vector_store_idx %arg13[%iota3A, %add3A_1681], %get3A_1684 : memref<32x257xf32, #tpu.memory_space<vmem>>[vector<16xi32>, vector<16xi32>], vector<16xf32>,
        tpu.vector_store_idx %arg13[%add3A_5, %add3A_1681], %get3A_1689 : memref<32x257xf32, #tpu.memory_space<vmem>>[vector<16xi32>, vector<16xi32>], vector<16xf32>,
        %mul3A_1690 = arith.constant 16 : i32
        %mul3A_1691 = arith.muli %scan3A_1463, %mul3A_1690 : i32
        %add3A_1692 = arith.constant 14 : i32
        %add3A_1693 = arith.addi %mul3A_1691, %add3A_1692 : i32
        %slice3A_1694 = vector.extract_strided_slice %get3A_1467 {offsets = [14], sizes = [1], strides = [1]} : vector<16xi32> to vector<1xi32>
        %squeeze3A_1695 = vector.extract %slice3A_1694[0] : i32 from vector<1xi32>
        %add3A_1696 = vector.broadcast %add3A_1693 : i32 to vector<16xi32>
        %add3A_1697 = arith.addi %mul3A_8, %add3A_1696 : vector<16xi32>
        %get3A_1698 = arith.index_cast %add3A_1693 : i32 to index
        %get3A_1699 = arith.index_cast %squeeze3A_1695 : i32 to index
        %get3A_1700 = tpu.vector_load %arg11[%get3A_1698, %get3A_1699] {strides = array<i32>} : memref<256x128xf32, #tpu.memory_space<vmem>>, vector<16xf32>,
        %add3A_1701 = arith.constant 16 : i32
        %add3A_1702 = arith.addi %squeeze3A_1695, %add3A_1701 : i32
        %get3A_1703 = arith.index_cast %add3A_1693 : i32 to index
        %get3A_1704 = arith.index_cast %add3A_1702 : i32 to index
        %get3A_1705 = tpu.vector_load %arg11[%get3A_1703, %get3A_1704] {strides = array<i32>} : memref<256x128xf32, #tpu.memory_space<vmem>>, vector<16xf32>,
        tpu.vector_store_idx %arg13[%iota3A, %add3A_1697], %get3A_1700 : memref<32x257xf32, #tpu.memory_space<vmem>>[vector<16xi32>, vector<16xi32>], vector<16xf32>,
        tpu.vector_store_idx %arg13[%add3A_5, %add3A_1697], %get3A_1705 : memref<32x257xf32, #tpu.memory_space<vmem>>[vector<16xi32>, vector<16xi32>], vector<16xf32>,
        %mul3A_1706 = arith.constant 16 : i32
        %mul3A_1707 = arith.muli %scan3A_1463, %mul3A_1706 : i32
        %add3A_1708 = arith.constant 15 : i32
        %add3A_1709 = arith.addi %mul3A_1707, %add3A_1708 : i32
        %slice3A_1710 = vector.extract_strided_slice %get3A_1467 {offsets = [15], sizes = [1], strides = [1]} : vector<16xi32> to vector<1xi32>
        %squeeze3A_1711 = vector.extract %slice3A_1710[0] : i32 from vector<1xi32>
        %add3A_1712 = vector.broadcast %add3A_1709 : i32 to vector<16xi32>
        %add3A_1713 = arith.addi %mul3A_8, %add3A_1712 : vector<16xi32>
        %get3A_1714 = arith.index_cast %add3A_1709 : i32 to index
        %get3A_1715 = arith.index_cast %squeeze3A_1711 : i32 to index
        %get3A_1716 = tpu.vector_load %arg11[%get3A_1714, %get3A_1715] {strides = array<i32>} : memref<256x128xf32, #tpu.memory_space<vmem>>, vector<16xf32>,
        %add3A_1717 = arith.constant 16 : i32
        %add3A_1718 = arith.addi %squeeze3A_1711, %add3A_1717 : i32
        %get3A_1719 = arith.index_cast %add3A_1709 : i32 to index
        %get3A_1720 = arith.index_cast %add3A_1718 : i32 to index
        %get3A_1721 = tpu.vector_load %arg11[%get3A_1719, %get3A_1720] {strides = array<i32>} : memref<256x128xf32, #tpu.memory_space<vmem>>, vector<16xf32>,
        tpu.vector_store_idx %arg13[%iota3A, %add3A_1713], %get3A_1716 : memref<32x257xf32, #tpu.memory_space<vmem>>[vector<16xi32>, vector<16xi32>], vector<16xf32>,
        tpu.vector_store_idx %arg13[%add3A_5, %add3A_1713], %get3A_1721 : memref<32x257xf32, #tpu.memory_space<vmem>>[vector<16xi32>, vector<16xi32>], vector<16xf32>,
      }
      %scan3A_1450 = arith.constant 16 : i32
      %dma_start3A_1451 = arith.constant 0 : i32
      %dma_start3A_1452 = arith.constant 0 : i32
      %dma_start3A_1453 = tpu.memref_slice %arg13[%dma_start3A_1451, %dma_start3A_1452] : memref<32x257xf32, #tpu.memory_space<vmem>> -> memref<32x256xf32, #tpu.memory_space<vmem>>
      %dma_start3A_1454 = arith.constant 0 : i32
      %dma_start3A_1455 = tpu.memref_slice %arg4[%shift_right_arithmetic3A_1427, %dma_start3A_1454, %add3A_1432] : memref<50x32x16384xf32, #tpu.memory_space<hbm>> -> memref<1x32x256xf32, #tpu.memory_space<hbm>>
      %dma_start3A_1456 = tpu.memref_squeeze %dma_start3A_1455 : memref<1x32x256xf32, #tpu.memory_space<hbm>> -> memref<32x256xf32, #tpu.memory_space<hbm>>
      %dma_start3A_1457 = arith.constant 0 : i32
      %dma_start3A_1458 = tpu.memref_slice %arg4[%shift_right_arithmetic3A_1427, %dma_start3A_1457, %add3A_1432] : memref<50x32x16384xf32, #tpu.memory_space<hbm>> -> memref<1x32x256xf32, #tpu.memory_space<hbm>>
      %dma_start3A_1459 = tpu.memref_squeeze %dma_start3A_1458 : memref<1x32x256xf32, #tpu.memory_space<hbm>> -> memref<32x256xf32, #tpu.memory_space<hbm>>
      %dma_start3A_1460 = arith.constant 0 : i32
      %dma_start3A_1461 = arith.constant 0 : i32
      %dma_start3A_1462 = tpu.memref_slice %arg13[%dma_start3A_1460, %dma_start3A_1461] : memref<32x257xf32, #tpu.memory_space<vmem>> -> memref<32x256xf32, #tpu.memory_space<vmem>>
      tpu.enqueue_dma source(%dma_start3A_1462 : memref<32x256xf32, #tpu.memory_space<vmem>>) target(%dma_start3A_1459 : memref<32x256xf32, #tpu.memory_space<hbm>>) target_semaphore(%arg19 : memref<!tpu.dma_semaphore, #tpu.memory_space<semaphore_mem>>)
    }
    %scan3A_433 = arith.constant 49 : i32
    %get3A_434 = arith.constant 49 : i32
    %get3A_435 = arith.index_cast %get3A_434 : i32 to index
    %get3A_436 = arith.constant 256 : index
    %get3A_437 = tpu.vector_load %arg5[%get3A_435, %get3A_436] {strides = array<i32>} : memref<50x512xi32, #tpu.memory_space<vmem>>, vector<16xi32>,
    %shift_right_logical3A_438 = arith.constant 2 : i32
    %shift_right_logical3A_439 = vector.broadcast %shift_right_logical3A_438 : i32 to vector<16xi32>
    %shift_right_logical3A_440 = arith.shrui %get3A_437, %shift_right_logical3A_439 : vector<16xi32>
    %swap3A_441 = arith.constant 0 : index
    %swap3A_442 = tpu.vector_load %arg7[%swap3A_441] {strides = array<i32>} : memref<256xi32, #tpu.memory_space<vmem>>, vector<16xi32>,
    tpu.vector_store %arg7[%swap3A_441], %shift_right_logical3A_440 {strides = array<i32>} : memref<256xi32, #tpu.memory_space<vmem>>, vector<16xi32>,
    %and3A_443 = arith.constant 3 : i32
    %and3A_444 = vector.broadcast %and3A_443 : i32 to vector<16xi32>
    %and3A_445 = arith.andi %get3A_437, %and3A_444 : vector<16xi32>
    %shift_left3A_446 = arith.constant 5 : i32
    %shift_left3A_447 = vector.broadcast %shift_left3A_446 : i32 to vector<16xi32>
    %shift_left3A_448 = arith.shli %and3A_445, %shift_left3A_447 : vector<16xi32>
    %swap3A_449 = arith.constant 0 : index
    %swap3A_450 = tpu.vector_load %arg9[%swap3A_449] {strides = array<i32>} : memref<256xi32, #tpu.memory_space<vmem>>, vector<16xi32>,
    tpu.vector_store %arg9[%swap3A_449], %shift_left3A_448 {strides = array<i32>} : memref<256xi32, #tpu.memory_space<vmem>>, vector<16xi32>,
    %get3A_451 = arith.constant 49 : i32
    %get3A_452 = arith.index_cast %get3A_451 : i32 to index
    %get3A_453 = arith.constant 272 : index
    %get3A_454 = tpu.vector_load %arg5[%get3A_452, %get3A_453] {strides = array<i32>} : memref<50x512xi32, #tpu.memory_space<vmem>>, vector<16xi32>,
    %shift_right_logical3A_455 = arith.constant 2 : i32
    %shift_right_logical3A_456 = vector.broadcast %shift_right_logical3A_455 : i32 to vector<16xi32>
    %shift_right_logical3A_457 = arith.shrui %get3A_454, %shift_right_logical3A_456 : vector<16xi32>
    %swap3A_458 = arith.constant 16 : index
    %swap3A_459 = tpu.vector_load %arg7[%swap3A_458] {strides = array<i32>} : memref<256xi32, #tpu.memory_space<vmem>>, vector<16xi32>,
    tpu.vector_store %arg7[%swap3A_458], %shift_right_logical3A_457 {strides = array<i32>} : memref<256xi32, #tpu.memory_space<vmem>>, vector<16xi32>,
    %and3A_460 = arith.constant 3 : i32
    %and3A_461 = vector.broadcast %and3A_460 : i32 to vector<16xi32>
    %and3A_462 = arith.andi %get3A_454, %and3A_461 : vector<16xi32>
    %shift_left3A_463 = arith.constant 5 : i32
    %shift_left3A_464 = vector.broadcast %shift_left3A_463 : i32 to vector<16xi32>
    %shift_left3A_465 = arith.shli %and3A_462, %shift_left3A_464 : vector<16xi32>
    %swap3A_466 = arith.constant 16 : index
    %swap3A_467 = tpu.vector_load %arg9[%swap3A_466] {strides = array<i32>} : memref<256xi32, #tpu.memory_space<vmem>>, vector<16xi32>,
    tpu.vector_store %arg9[%swap3A_466], %shift_left3A_465 {strides = array<i32>} : memref<256xi32, #tpu.memory_space<vmem>>, vector<16xi32>,
    %get3A_468 = arith.constant 49 : i32
    %get3A_469 = arith.index_cast %get3A_468 : i32 to index
    %get3A_470 = arith.constant 288 : index
    %get3A_471 = tpu.vector_load %arg5[%get3A_469, %get3A_470] {strides = array<i32>} : memref<50x512xi32, #tpu.memory_space<vmem>>, vector<16xi32>,
    %shift_right_logical3A_472 = arith.constant 2 : i32
    %shift_right_logical3A_473 = vector.broadcast %shift_right_logical3A_472 : i32 to vector<16xi32>
    %shift_right_logical3A_474 = arith.shrui %get3A_471, %shift_right_logical3A_473 : vector<16xi32>
    %swap3A_475 = arith.constant 32 : index
    %swap3A_476 = tpu.vector_load %arg7[%swap3A_475] {strides = array<i32>} : memref<256xi32, #tpu.memory_space<vmem>>, vector<16xi32>,
    tpu.vector_store %arg7[%swap3A_475], %shift_right_logical3A_474 {strides = array<i32>} : memref<256xi32, #tpu.memory_space<vmem>>, vector<16xi32>,
    %and3A_477 = arith.constant 3 : i32
    %and3A_478 = vector.broadcast %and3A_477 : i32 to vector<16xi32>
    %and3A_479 = arith.andi %get3A_471, %and3A_478 : vector<16xi32>
    %shift_left3A_480 = arith.constant 5 : i32
    %shift_left3A_481 = vector.broadcast %shift_left3A_480 : i32 to vector<16xi32>
    %shift_left3A_482 = arith.shli %and3A_479, %shift_left3A_481 : vector<16xi32>
    %swap3A_483 = arith.constant 32 : index
    %swap3A_484 = tpu.vector_load %arg9[%swap3A_483] {strides = array<i32>} : memref<256xi32, #tpu.memory_space<vmem>>, vector<16xi32>,
    tpu.vector_store %arg9[%swap3A_483], %shift_left3A_482 {strides = array<i32>} : memref<256xi32, #tpu.memory_space<vmem>>, vector<16xi32>,
    %get3A_485 = arith.constant 49 : i32
    %get3A_486 = arith.index_cast %get3A_485 : i32 to index
    %get3A_487 = arith.constant 304 : index
    %get3A_488 = tpu.vector_load %arg5[%get3A_486, %get3A_487] {strides = array<i32>} : memref<50x512xi32, #tpu.memory_space<vmem>>, vector<16xi32>,
    %shift_right_logical3A_489 = arith.constant 2 : i32
    %shift_right_logical3A_490 = vector.broadcast %shift_right_logical3A_489 : i32 to vector<16xi32>
    %shift_right_logical3A_491 = arith.shrui %get3A_488, %shift_right_logical3A_490 : vector<16xi32>
    %swap3A_492 = arith.constant 48 : index
    %swap3A_493 = tpu.vector_load %arg7[%swap3A_492] {strides = array<i32>} : memref<256xi32, #tpu.memory_space<vmem>>, vector<16xi32>,
    tpu.vector_store %arg7[%swap3A_492], %shift_right_logical3A_491 {strides = array<i32>} : memref<256xi32, #tpu.memory_space<vmem>>, vector<16xi32>,
    %and3A_494 = arith.constant 3 : i32
    %and3A_495 = vector.broadcast %and3A_494 : i32 to vector<16xi32>
    %and3A_496 = arith.andi %get3A_488, %and3A_495 : vector<16xi32>
    %shift_left3A_497 = arith.constant 5 : i32
    %shift_left3A_498 = vector.broadcast %shift_left3A_497 : i32 to vector<16xi32>
    %shift_left3A_499 = arith.shli %and3A_496, %shift_left3A_498 : vector<16xi32>
    %swap3A_500 = arith.constant 48 : index
    %swap3A_501 = tpu.vector_load %arg9[%swap3A_500] {strides = array<i32>} : memref<256xi32, #tpu.memory_space<vmem>>, vector<16xi32>,
    tpu.vector_store %arg9[%swap3A_500], %shift_left3A_499 {strides = array<i32>} : memref<256xi32, #tpu.memory_space<vmem>>, vector<16xi32>,
    %get3A_502 = arith.constant 49 : i32
    %get3A_503 = arith.index_cast %get3A_502 : i32 to index
    %get3A_504 = arith.constant 320 : index
    %get3A_505 = tpu.vector_load %arg5[%get3A_503, %get3A_504] {strides = array<i32>} : memref<50x512xi32, #tpu.memory_space<vmem>>, vector<16xi32>,
    %shift_right_logical3A_506 = arith.constant 2 : i32
    %shift_right_logical3A_507 = vector.broadcast %shift_right_logical3A_506 : i32 to vector<16xi32>
    %shift_right_logical3A_508 = arith.shrui %get3A_505, %shift_right_logical3A_507 : vector<16xi32>
    %swap3A_509 = arith.constant 64 : index
    %swap3A_510 = tpu.vector_load %arg7[%swap3A_509] {strides = array<i32>} : memref<256xi32, #tpu.memory_space<vmem>>, vector<16xi32>,
    tpu.vector_store %arg7[%swap3A_509], %shift_right_logical3A_508 {strides = array<i32>} : memref<256xi32, #tpu.memory_space<vmem>>, vector<16xi32>,
    %and3A_511 = arith.constant 3 : i32
    %and3A_512 = vector.broadcast %and3A_511 : i32 to vector<16xi32>
    %and3A_513 = arith.andi %get3A_505, %and3A_512 : vector<16xi32>
    %shift_left3A_514 = arith.constant 5 : i32
    %shift_left3A_515 = vector.broadcast %shift_left3A_514 : i32 to vector<16xi32>
    %shift_left3A_516 = arith.shli %and3A_513, %shift_left3A_515 : vector<16xi32>
    %swap3A_517 = arith.constant 64 : index
    %swap3A_518 = tpu.vector_load %arg9[%swap3A_517] {strides = array<i32>} : memref<256xi32, #tpu.memory_space<vmem>>, vector<16xi32>,
    tpu.vector_store %arg9[%swap3A_517], %shift_left3A_516 {strides = array<i32>} : memref<256xi32, #tpu.memory_space<vmem>>, vector<16xi32>,
    %get3A_519 = arith.constant 49 : i32
    %get3A_520 = arith.index_cast %get3A_519 : i32 to index
    %get3A_521 = arith.constant 336 : index
    %get3A_522 = tpu.vector_load %arg5[%get3A_520, %get3A_521] {strides = array<i32>} : memref<50x512xi32, #tpu.memory_space<vmem>>, vector<16xi32>,
    %shift_right_logical3A_523 = arith.constant 2 : i32
    %shift_right_logical3A_524 = vector.broadcast %shift_right_logical3A_523 : i32 to vector<16xi32>
    %shift_right_logical3A_525 = arith.shrui %get3A_522, %shift_right_logical3A_524 : vector<16xi32>
    %swap3A_526 = arith.constant 80 : index
    %swap3A_527 = tpu.vector_load %arg7[%swap3A_526] {strides = array<i32>} : memref<256xi32, #tpu.memory_space<vmem>>, vector<16xi32>,
    tpu.vector_store %arg7[%swap3A_526], %shift_right_logical3A_525 {strides = array<i32>} : memref<256xi32, #tpu.memory_space<vmem>>, vector<16xi32>,
    %and3A_528 = arith.constant 3 : i32
    %and3A_529 = vector.broadcast %and3A_528 : i32 to vector<16xi32>
    %and3A_530 = arith.andi %get3A_522, %and3A_529 : vector<16xi32>
    %shift_left3A_531 = arith.constant 5 : i32
    %shift_left3A_532 = vector.broadcast %shift_left3A_531 : i32 to vector<16xi32>
    %shift_left3A_533 = arith.shli %and3A_530, %shift_left3A_532 : vector<16xi32>
    %swap3A_534 = arith.constant 80 : index
    %swap3A_535 = tpu.vector_load %arg9[%swap3A_534] {strides = array<i32>} : memref<256xi32, #tpu.memory_space<vmem>>, vector<16xi32>,
    tpu.vector_store %arg9[%swap3A_534], %shift_left3A_533 {strides = array<i32>} : memref<256xi32, #tpu.memory_space<vmem>>, vector<16xi32>,
    %get3A_536 = arith.constant 49 : i32
    %get3A_537 = arith.index_cast %get3A_536 : i32 to index
    %get3A_538 = arith.constant 352 : index
    %get3A_539 = tpu.vector_load %arg5[%get3A_537, %get3A_538] {strides = array<i32>} : memref<50x512xi32, #tpu.memory_space<vmem>>, vector<16xi32>,
    %shift_right_logical3A_540 = arith.constant 2 : i32
    %shift_right_logical3A_541 = vector.broadcast %shift_right_logical3A_540 : i32 to vector<16xi32>
    %shift_right_logical3A_542 = arith.shrui %get3A_539, %shift_right_logical3A_541 : vector<16xi32>
    %swap3A_543 = arith.constant 96 : index
    %swap3A_544 = tpu.vector_load %arg7[%swap3A_543] {strides = array<i32>} : memref<256xi32, #tpu.memory_space<vmem>>, vector<16xi32>,
    tpu.vector_store %arg7[%swap3A_543], %shift_right_logical3A_542 {strides = array<i32>} : memref<256xi32, #tpu.memory_space<vmem>>, vector<16xi32>,
    %and3A_545 = arith.constant 3 : i32
    %and3A_546 = vector.broadcast %and3A_545 : i32 to vector<16xi32>
    %and3A_547 = arith.andi %get3A_539, %and3A_546 : vector<16xi32>
    %shift_left3A_548 = arith.constant 5 : i32
    %shift_left3A_549 = vector.broadcast %shift_left3A_548 : i32 to vector<16xi32>
    %shift_left3A_550 = arith.shli %and3A_547, %shift_left3A_549 : vector<16xi32>
    %swap3A_551 = arith.constant 96 : index
    %swap3A_552 = tpu.vector_load %arg9[%swap3A_551] {strides = array<i32>} : memref<256xi32, #tpu.memory_space<vmem>>, vector<16xi32>,
    tpu.vector_store %arg9[%swap3A_551], %shift_left3A_550 {strides = array<i32>} : memref<256xi32, #tpu.memory_space<vmem>>, vector<16xi32>,
    %get3A_553 = arith.constant 49 : i32
    %get3A_554 = arith.index_cast %get3A_553 : i32 to index
    %get3A_555 = arith.constant 368 : index
    %get3A_556 = tpu.vector_load %arg5[%get3A_554, %get3A_555] {strides = array<i32>} : memref<50x512xi32, #tpu.memory_space<vmem>>, vector<16xi32>,
    %shift_right_logical3A_557 = arith.constant 2 : i32
    %shift_right_logical3A_558 = vector.broadcast %shift_right_logical3A_557 : i32 to vector<16xi32>
    %shift_right_logical3A_559 = arith.shrui %get3A_556, %shift_right_logical3A_558 : vector<16xi32>
    %swap3A_560 = arith.constant 112 : index
    %swap3A_561 = tpu.vector_load %arg7[%swap3A_560] {strides = array<i32>} : memref<256xi32, #tpu.memory_space<vmem>>, vector<16xi32>,
    tpu.vector_store %arg7[%swap3A_560], %shift_right_logical3A_559 {strides = array<i32>} : memref<256xi32, #tpu.memory_space<vmem>>, vector<16xi32>,
    %and3A_562 = arith.constant 3 : i32
    %and3A_563 = vector.broadcast %and3A_562 : i32 to vector<16xi32>
    %and3A_564 = arith.andi %get3A_556, %and3A_563 : vector<16xi32>
    %shift_left3A_565 = arith.constant 5 : i32
    %shift_left3A_566 = vector.broadcast %shift_left3A_565 : i32 to vector<16xi32>
    %shift_left3A_567 = arith.shli %and3A_564, %shift_left3A_566 : vector<16xi32>
    %swap3A_568 = arith.constant 112 : index
    %swap3A_569 = tpu.vector_load %arg9[%swap3A_568] {strides = array<i32>} : memref<256xi32, #tpu.memory_space<vmem>>, vector<16xi32>,
    tpu.vector_store %arg9[%swap3A_568], %shift_left3A_567 {strides = array<i32>} : memref<256xi32, #tpu.memory_space<vmem>>, vector<16xi32>,
    %get3A_570 = arith.constant 49 : i32
    %get3A_571 = arith.index_cast %get3A_570 : i32 to index
    %get3A_572 = arith.constant 384 : index
    %get3A_573 = tpu.vector_load %arg5[%get3A_571, %get3A_572] {strides = array<i32>} : memref<50x512xi32, #tpu.memory_space<vmem>>, vector<16xi32>,
    %shift_right_logical3A_574 = arith.constant 2 : i32
    %shift_right_logical3A_575 = vector.broadcast %shift_right_logical3A_574 : i32 to vector<16xi32>
    %shift_right_logical3A_576 = arith.shrui %get3A_573, %shift_right_logical3A_575 : vector<16xi32>
    %swap3A_577 = arith.constant 128 : index
    %swap3A_578 = tpu.vector_load %arg7[%swap3A_577] {strides = array<i32>} : memref<256xi32, #tpu.memory_space<vmem>>, vector<16xi32>,
    tpu.vector_store %arg7[%swap3A_577], %shift_right_logical3A_576 {strides = array<i32>} : memref<256xi32, #tpu.memory_space<vmem>>, vector<16xi32>,
    %and3A_579 = arith.constant 3 : i32
    %and3A_580 = vector.broadcast %and3A_579 : i32 to vector<16xi32>
    %and3A_581 = arith.andi %get3A_573, %and3A_580 : vector<16xi32>
    %shift_left3A_582 = arith.constant 5 : i32
    %shift_left3A_583 = vector.broadcast %shift_left3A_582 : i32 to vector<16xi32>
    %shift_left3A_584 = arith.shli %and3A_581, %shift_left3A_583 : vector<16xi32>
    %swap3A_585 = arith.constant 128 : index
    %swap3A_586 = tpu.vector_load %arg9[%swap3A_585] {strides = array<i32>} : memref<256xi32, #tpu.memory_space<vmem>>, vector<16xi32>,
    tpu.vector_store %arg9[%swap3A_585], %shift_left3A_584 {strides = array<i32>} : memref<256xi32, #tpu.memory_space<vmem>>, vector<16xi32>,
    %get3A_587 = arith.constant 49 : i32
    %get3A_588 = arith.index_cast %get3A_587 : i32 to index
    %get3A_589 = arith.constant 400 : index
    %get3A_590 = tpu.vector_load %arg5[%get3A_588, %get3A_589] {strides = array<i32>} : memref<50x512xi32, #tpu.memory_space<vmem>>, vector<16xi32>,
    %shift_right_logical3A_591 = arith.constant 2 : i32
    %shift_right_logical3A_592 = vector.broadcast %shift_right_logical3A_591 : i32 to vector<16xi32>
    %shift_right_logical3A_593 = arith.shrui %get3A_590, %shift_right_logical3A_592 : vector<16xi32>
    %swap3A_594 = arith.constant 144 : index
    %swap3A_595 = tpu.vector_load %arg7[%swap3A_594] {strides = array<i32>} : memref<256xi32, #tpu.memory_space<vmem>>, vector<16xi32>,
    tpu.vector_store %arg7[%swap3A_594], %shift_right_logical3A_593 {strides = array<i32>} : memref<256xi32, #tpu.memory_space<vmem>>, vector<16xi32>,
    %and3A_596 = arith.constant 3 : i32
    %and3A_597 = vector.broadcast %and3A_596 : i32 to vector<16xi32>
    %and3A_598 = arith.andi %get3A_590, %and3A_597 : vector<16xi32>
    %shift_left3A_599 = arith.constant 5 : i32
    %shift_left3A_600 = vector.broadcast %shift_left3A_599 : i32 to vector<16xi32>
    %shift_left3A_601 = arith.shli %and3A_598, %shift_left3A_600 : vector<16xi32>
    %swap3A_602 = arith.constant 144 : index
    %swap3A_603 = tpu.vector_load %arg9[%swap3A_602] {strides = array<i32>} : memref<256xi32, #tpu.memory_space<vmem>>, vector<16xi32>,
    tpu.vector_store %arg9[%swap3A_602], %shift_left3A_601 {strides = array<i32>} : memref<256xi32, #tpu.memory_space<vmem>>, vector<16xi32>,
    %get3A_604 = arith.constant 49 : i32
    %get3A_605 = arith.index_cast %get3A_604 : i32 to index
    %get3A_606 = arith.constant 416 : index
    %get3A_607 = tpu.vector_load %arg5[%get3A_605, %get3A_606] {strides = array<i32>} : memref<50x512xi32, #tpu.memory_space<vmem>>, vector<16xi32>,
    %shift_right_logical3A_608 = arith.constant 2 : i32
    %shift_right_logical3A_609 = vector.broadcast %shift_right_logical3A_608 : i32 to vector<16xi32>
    %shift_right_logical3A_610 = arith.shrui %get3A_607, %shift_right_logical3A_609 : vector<16xi32>
    %swap3A_611 = arith.constant 160 : index
    %swap3A_612 = tpu.vector_load %arg7[%swap3A_611] {strides = array<i32>} : memref<256xi32, #tpu.memory_space<vmem>>, vector<16xi32>,
    tpu.vector_store %arg7[%swap3A_611], %shift_right_logical3A_610 {strides = array<i32>} : memref<256xi32, #tpu.memory_space<vmem>>, vector<16xi32>,
    %and3A_613 = arith.constant 3 : i32
    %and3A_614 = vector.broadcast %and3A_613 : i32 to vector<16xi32>
    %and3A_615 = arith.andi %get3A_607, %and3A_614 : vector<16xi32>
    %shift_left3A_616 = arith.constant 5 : i32
    %shift_left3A_617 = vector.broadcast %shift_left3A_616 : i32 to vector<16xi32>
    %shift_left3A_618 = arith.shli %and3A_615, %shift_left3A_617 : vector<16xi32>
    %swap3A_619 = arith.constant 160 : index
    %swap3A_620 = tpu.vector_load %arg9[%swap3A_619] {strides = array<i32>} : memref<256xi32, #tpu.memory_space<vmem>>, vector<16xi32>,
    tpu.vector_store %arg9[%swap3A_619], %shift_left3A_618 {strides = array<i32>} : memref<256xi32, #tpu.memory_space<vmem>>, vector<16xi32>,
    %get3A_621 = arith.constant 49 : i32
    %get3A_622 = arith.index_cast %get3A_621 : i32 to index
    %get3A_623 = arith.constant 432 : index
    %get3A_624 = tpu.vector_load %arg5[%get3A_622, %get3A_623] {strides = array<i32>} : memref<50x512xi32, #tpu.memory_space<vmem>>, vector<16xi32>,
    %shift_right_logical3A_625 = arith.constant 2 : i32
    %shift_right_logical3A_626 = vector.broadcast %shift_right_logical3A_625 : i32 to vector<16xi32>
    %shift_right_logical3A_627 = arith.shrui %get3A_624, %shift_right_logical3A_626 : vector<16xi32>
    %swap3A_628 = arith.constant 176 : index
    %swap3A_629 = tpu.vector_load %arg7[%swap3A_628] {strides = array<i32>} : memref<256xi32, #tpu.memory_space<vmem>>, vector<16xi32>,
    tpu.vector_store %arg7[%swap3A_628], %shift_right_logical3A_627 {strides = array<i32>} : memref<256xi32, #tpu.memory_space<vmem>>, vector<16xi32>,
    %and3A_630 = arith.constant 3 : i32
    %and3A_631 = vector.broadcast %and3A_630 : i32 to vector<16xi32>
    %and3A_632 = arith.andi %get3A_624, %and3A_631 : vector<16xi32>
    %shift_left3A_633 = arith.constant 5 : i32
    %shift_left3A_634 = vector.broadcast %shift_left3A_633 : i32 to vector<16xi32>
    %shift_left3A_635 = arith.shli %and3A_632, %shift_left3A_634 : vector<16xi32>
    %swap3A_636 = arith.constant 176 : index
    %swap3A_637 = tpu.vector_load %arg9[%swap3A_636] {strides = array<i32>} : memref<256xi32, #tpu.memory_space<vmem>>, vector<16xi32>,
    tpu.vector_store %arg9[%swap3A_636], %shift_left3A_635 {strides = array<i32>} : memref<256xi32, #tpu.memory_space<vmem>>, vector<16xi32>,
    %get3A_638 = arith.constant 49 : i32
    %get3A_639 = arith.index_cast %get3A_638 : i32 to index
    %get3A_640 = arith.constant 448 : index
    %get3A_641 = tpu.vector_load %arg5[%get3A_639, %get3A_640] {strides = array<i32>} : memref<50x512xi32, #tpu.memory_space<vmem>>, vector<16xi32>,
    %shift_right_logical3A_642 = arith.constant 2 : i32
    %shift_right_logical3A_643 = vector.broadcast %shift_right_logical3A_642 : i32 to vector<16xi32>
    %shift_right_logical3A_644 = arith.shrui %get3A_641, %shift_right_logical3A_643 : vector<16xi32>
    %swap3A_645 = arith.constant 192 : index
    %swap3A_646 = tpu.vector_load %arg7[%swap3A_645] {strides = array<i32>} : memref<256xi32, #tpu.memory_space<vmem>>, vector<16xi32>,
    tpu.vector_store %arg7[%swap3A_645], %shift_right_logical3A_644 {strides = array<i32>} : memref<256xi32, #tpu.memory_space<vmem>>, vector<16xi32>,
    %and3A_647 = arith.constant 3 : i32
    %and3A_648 = vector.broadcast %and3A_647 : i32 to vector<16xi32>
    %and3A_649 = arith.andi %get3A_641, %and3A_648 : vector<16xi32>
    %shift_left3A_650 = arith.constant 5 : i32
    %shift_left3A_651 = vector.broadcast %shift_left3A_650 : i32 to vector<16xi32>
    %shift_left3A_652 = arith.shli %and3A_649, %shift_left3A_651 : vector<16xi32>
    %swap3A_653 = arith.constant 192 : index
    %swap3A_654 = tpu.vector_load %arg9[%swap3A_653] {strides = array<i32>} : memref<256xi32, #tpu.memory_space<vmem>>, vector<16xi32>,
    tpu.vector_store %arg9[%swap3A_653], %shift_left3A_652 {strides = array<i32>} : memref<256xi32, #tpu.memory_space<vmem>>, vector<16xi32>,
    %get3A_655 = arith.constant 49 : i32
    %get3A_656 = arith.index_cast %get3A_655 : i32 to index
    %get3A_657 = arith.constant 464 : index
    %get3A_658 = tpu.vector_load %arg5[%get3A_656, %get3A_657] {strides = array<i32>} : memref<50x512xi32, #tpu.memory_space<vmem>>, vector<16xi32>,
    %shift_right_logical3A_659 = arith.constant 2 : i32
    %shift_right_logical3A_660 = vector.broadcast %shift_right_logical3A_659 : i32 to vector<16xi32>
    %shift_right_logical3A_661 = arith.shrui %get3A_658, %shift_right_logical3A_660 : vector<16xi32>
    %swap3A_662 = arith.constant 208 : index
    %swap3A_663 = tpu.vector_load %arg7[%swap3A_662] {strides = array<i32>} : memref<256xi32, #tpu.memory_space<vmem>>, vector<16xi32>,
    tpu.vector_store %arg7[%swap3A_662], %shift_right_logical3A_661 {strides = array<i32>} : memref<256xi32, #tpu.memory_space<vmem>>, vector<16xi32>,
    %and3A_664 = arith.constant 3 : i32
    %and3A_665 = vector.broadcast %and3A_664 : i32 to vector<16xi32>
    %and3A_666 = arith.andi %get3A_658, %and3A_665 : vector<16xi32>
    %shift_left3A_667 = arith.constant 5 : i32
    %shift_left3A_668 = vector.broadcast %shift_left3A_667 : i32 to vector<16xi32>
    %shift_left3A_669 = arith.shli %and3A_666, %shift_left3A_668 : vector<16xi32>
    %swap3A_670 = arith.constant 208 : index
    %swap3A_671 = tpu.vector_load %arg9[%swap3A_670] {strides = array<i32>} : memref<256xi32, #tpu.memory_space<vmem>>, vector<16xi32>,
    tpu.vector_store %arg9[%swap3A_670], %shift_left3A_669 {strides = array<i32>} : memref<256xi32, #tpu.memory_space<vmem>>, vector<16xi32>,
    %get3A_672 = arith.constant 49 : i32
    %get3A_673 = arith.index_cast %get3A_672 : i32 to index
    %get3A_674 = arith.constant 480 : index
    %get3A_675 = tpu.vector_load %arg5[%get3A_673, %get3A_674] {strides = array<i32>} : memref<50x512xi32, #tpu.memory_space<vmem>>, vector<16xi32>,
    %shift_right_logical3A_676 = arith.constant 2 : i32
    %shift_right_logical3A_677 = vector.broadcast %shift_right_logical3A_676 : i32 to vector<16xi32>
    %shift_right_logical3A_678 = arith.shrui %get3A_675, %shift_right_logical3A_677 : vector<16xi32>
    %swap3A_679 = arith.constant 224 : index
    %swap3A_680 = tpu.vector_load %arg7[%swap3A_679] {strides = array<i32>} : memref<256xi32, #tpu.memory_space<vmem>>, vector<16xi32>,
    tpu.vector_store %arg7[%swap3A_679], %shift_right_logical3A_678 {strides = array<i32>} : memref<256xi32, #tpu.memory_space<vmem>>, vector<16xi32>,
    %and3A_681 = arith.constant 3 : i32
    %and3A_682 = vector.broadcast %and3A_681 : i32 to vector<16xi32>
    %and3A_683 = arith.andi %get3A_675, %and3A_682 : vector<16xi32>
    %shift_left3A_684 = arith.constant 5 : i32
    %shift_left3A_685 = vector.broadcast %shift_left3A_684 : i32 to vector<16xi32>
    %shift_left3A_686 = arith.shli %and3A_683, %shift_left3A_685 : vector<16xi32>
    %swap3A_687 = arith.constant 224 : index
    %swap3A_688 = tpu.vector_load %arg9[%swap3A_687] {strides = array<i32>} : memref<256xi32, #tpu.memory_space<vmem>>, vector<16xi32>,
    tpu.vector_store %arg9[%swap3A_687], %shift_left3A_686 {strides = array<i32>} : memref<256xi32, #tpu.memory_space<vmem>>, vector<16xi32>,
    %get3A_689 = arith.constant 49 : i32
    %get3A_690 = arith.index_cast %get3A_689 : i32 to index
    %get3A_691 = arith.constant 496 : index
    %get3A_692 = tpu.vector_load %arg5[%get3A_690, %get3A_691] {strides = array<i32>} : memref<50x512xi32, #tpu.memory_space<vmem>>, vector<16xi32>,
    %shift_right_logical3A_693 = arith.constant 2 : i32
    %shift_right_logical3A_694 = vector.broadcast %shift_right_logical3A_693 : i32 to vector<16xi32>
    %shift_right_logical3A_695 = arith.shrui %get3A_692, %shift_right_logical3A_694 : vector<16xi32>
    %swap3A_696 = arith.constant 240 : index
    %swap3A_697 = tpu.vector_load %arg7[%swap3A_696] {strides = array<i32>} : memref<256xi32, #tpu.memory_space<vmem>>, vector<16xi32>,
    tpu.vector_store %arg7[%swap3A_696], %shift_right_logical3A_695 {strides = array<i32>} : memref<256xi32, #tpu.memory_space<vmem>>, vector<16xi32>,
    %and3A_698 = arith.constant 3 : i32
    %and3A_699 = vector.broadcast %and3A_698 : i32 to vector<16xi32>
    %and3A_700 = arith.andi %get3A_692, %and3A_699 : vector<16xi32>
    %shift_left3A_701 = arith.constant 5 : i32
    %shift_left3A_702 = vector.broadcast %shift_left3A_701 : i32 to vector<16xi32>
    %shift_left3A_703 = arith.shli %and3A_700, %shift_left3A_702 : vector<16xi32>
    %swap3A_704 = arith.constant 240 : index
    %swap3A_705 = tpu.vector_load %arg9[%swap3A_704] {strides = array<i32>} : memref<256xi32, #tpu.memory_space<vmem>>, vector<16xi32>,
    tpu.vector_store %arg9[%swap3A_704], %shift_left3A_703 {strides = array<i32>} : memref<256xi32, #tpu.memory_space<vmem>>, vector<16xi32>,
    %dma_start3A_706 = arith.constant 0 : i32
    %dma_start3A_707 = arith.constant 0 : i32
    %dma_start3A_708 = tpu.memref_slice %arg3[%dma_start3A_706, %dma_start3A_707] : memref<250000x128xf32, #tpu.memory_space<hbm>> -> memref<250000x128xf32, #tpu.memory_space<hbm>>
    tpu.enqueue_indirect_dma source(%dma_start3A_708 : memref<250000x128xf32, #tpu.memory_space<hbm>>) target(%arg11 : memref<256x128xf32, #tpu.memory_space<vmem>>) offsets(%arg7 : memref<256xi32, #tpu.memory_space<vmem>>) semaphore(%arg17 : memref<!tpu.dma_semaphore, #tpu.memory_space<semaphore_mem>>)
    %add3A_709 = arith.constant 0 : i32
    %add3A_710 = arith.addi %mul3A_2, %add3A_709 : i32
    %dma_wait3A_711 = arith.constant 0 : i32
    %dma_wait3A_712 = arith.constant 0 : i32
    %dma_wait3A_713 = tpu.memref_slice %arg3[%dma_wait3A_711, %dma_wait3A_712] : memref<250000x128xf32, #tpu.memory_space<hbm>> -> memref<256x128xf32, #tpu.memory_space<hbm>>
    %dma_wait3A_714 = arith.constant 0 : i32
    %dma_wait3A_715 = arith.constant 0 : i32
    %dma_wait3A_716 = tpu.memref_slice %arg3[%dma_wait3A_714, %dma_wait3A_715] : memref<250000x128xf32, #tpu.memory_space<hbm>> -> memref<256x128xf32, #tpu.memory_space<hbm>>
    tpu.wait_dma2 semaphore(%arg16 : memref<!tpu.dma_semaphore, #tpu.memory_space<semaphore_mem>>) src(%dma_wait3A_716 : memref<256x128xf32, #tpu.memory_space<hbm>>) dst(%arg10 : memref<256x128xf32, #tpu.memory_space<vmem>>)
    %dma_wait3A_717 = arith.constant 0 : i32
    %dma_wait3A_718 = arith.constant 0 : i32
    %dma_wait3A_719 = tpu.memref_slice %arg12[%dma_wait3A_717, %dma_wait3A_718] : memref<32x257xf32, #tpu.memory_space<vmem>> -> memref<32x256xf32, #tpu.memory_space<vmem>>
    %dma_wait3A_720 = arith.constant 0 : i32
    %dma_wait3A_721 = arith.constant 0 : i32
    %dma_wait3A_722 = tpu.memref_slice %arg12[%dma_wait3A_720, %dma_wait3A_721] : memref<32x257xf32, #tpu.memory_space<vmem>> -> memref<32x256xf32, #tpu.memory_space<vmem>>
    tpu.wait_dma2 semaphore(%arg18 : memref<!tpu.dma_semaphore, #tpu.memory_space<semaphore_mem>>) src(%dma_wait3A_722 : memref<32x256xf32, #tpu.memory_space<vmem>>) dst(%arg14 : memref<32x256xf32, #tpu.memory_space<hbm>>)
    %scan3A_723 = arith.constant 0 : i32
    %scan3A_724 = arith.constant 0 : i32
    %scan3A_725 = arith.constant 16 : i32
    %scan3A_726 = arith.addi %scan3A_724, %scan3A_725 : i32
    %scan3A_727 = arith.constant 1 : i32
    scf.for %scan3A_787 = %scan3A_724 to %scan3A_726 step %scan3A_727  : i32 {
      %mul3A_788 = arith.constant 16 : i32
      %mul3A_789 = arith.muli %scan3A_787, %mul3A_788 : i32
      %get3A_790 = arith.index_cast %mul3A_789 : i32 to index
      %get3A_791 = tpu.vector_load %arg8[%get3A_790] {strides = array<i32>} : memref<256xi32, #tpu.memory_space<vmem>>, vector<16xi32>,
      %mul3A_792 = arith.constant 16 : i32
      %mul3A_793 = arith.muli %scan3A_787, %mul3A_792 : i32
      %add3A_794 = arith.constant 0 : i32
      %add3A_795 = arith.addi %mul3A_793, %add3A_794 : i32
      %slice3A = vector.extract_strided_slice %get3A_791 {offsets = [0], sizes = [1], strides = [1]} : vector<16xi32> to vector<1xi32>
      %squeeze3A = vector.extract %slice3A[0] : i32 from vector<1xi32>
      %add3A_796 = vector.broadcast %add3A_795 : i32 to vector<16xi32>
      %add3A_797 = arith.addi %mul3A_8, %add3A_796 : vector<16xi32>
      %get3A_798 = arith.index_cast %add3A_795 : i32 to index
      %get3A_799 = arith.index_cast %squeeze3A : i32 to index
      %get3A_800 = tpu.vector_load %arg10[%get3A_798, %get3A_799] {strides = array<i32>} : memref<256x128xf32, #tpu.memory_space<vmem>>, vector<16xf32>,
      %add3A_801 = arith.constant 16 : i32
      %add3A_802 = arith.addi %squeeze3A, %add3A_801 : i32
      %get3A_803 = arith.index_cast %add3A_795 : i32 to index
      %get3A_804 = arith.index_cast %add3A_802 : i32 to index
      %get3A_805 = tpu.vector_load %arg10[%get3A_803, %get3A_804] {strides = array<i32>} : memref<256x128xf32, #tpu.memory_space<vmem>>, vector<16xf32>,
      tpu.vector_store_idx %arg12[%iota3A, %add3A_797], %get3A_800 : memref<32x257xf32, #tpu.memory_space<vmem>>[vector<16xi32>, vector<16xi32>], vector<16xf32>,
      tpu.vector_store_idx %arg12[%add3A_5, %add3A_797], %get3A_805 : memref<32x257xf32, #tpu.memory_space<vmem>>[vector<16xi32>, vector<16xi32>], vector<16xf32>,
      %mul3A_806 = arith.constant 16 : i32
      %mul3A_807 = arith.muli %scan3A_787, %mul3A_806 : i32
      %add3A_808 = arith.constant 1 : i32
      %add3A_809 = arith.addi %mul3A_807, %add3A_808 : i32
      %slice3A_810 = vector.extract_strided_slice %get3A_791 {offsets = [1], sizes = [1], strides = [1]} : vector<16xi32> to vector<1xi32>
      %squeeze3A_811 = vector.extract %slice3A_810[0] : i32 from vector<1xi32>
      %add3A_812 = vector.broadcast %add3A_809 : i32 to vector<16xi32>
      %add3A_813 = arith.addi %mul3A_8, %add3A_812 : vector<16xi32>
      %get3A_814 = arith.index_cast %add3A_809 : i32 to index
      %get3A_815 = arith.index_cast %squeeze3A_811 : i32 to index
      %get3A_816 = tpu.vector_load %arg10[%get3A_814, %get3A_815] {strides = array<i32>} : memref<256x128xf32, #tpu.memory_space<vmem>>, vector<16xf32>,
      %add3A_817 = arith.constant 16 : i32
      %add3A_818 = arith.addi %squeeze3A_811, %add3A_817 : i32
      %get3A_819 = arith.index_cast %add3A_809 : i32 to index
      %get3A_820 = arith.index_cast %add3A_818 : i32 to index
      %get3A_821 = tpu.vector_load %arg10[%get3A_819, %get3A_820] {strides = array<i32>} : memref<256x128xf32, #tpu.memory_space<vmem>>, vector<16xf32>,
      tpu.vector_store_idx %arg12[%iota3A, %add3A_813], %get3A_816 : memref<32x257xf32, #tpu.memory_space<vmem>>[vector<16xi32>, vector<16xi32>], vector<16xf32>,
      tpu.vector_store_idx %arg12[%add3A_5, %add3A_813], %get3A_821 : memref<32x257xf32, #tpu.memory_space<vmem>>[vector<16xi32>, vector<16xi32>], vector<16xf32>,
      %mul3A_822 = arith.constant 16 : i32
      %mul3A_823 = arith.muli %scan3A_787, %mul3A_822 : i32
      %add3A_824 = arith.constant 2 : i32
      %add3A_825 = arith.addi %mul3A_823, %add3A_824 : i32
      %slice3A_826 = vector.extract_strided_slice %get3A_791 {offsets = [2], sizes = [1], strides = [1]} : vector<16xi32> to vector<1xi32>
      %squeeze3A_827 = vector.extract %slice3A_826[0] : i32 from vector<1xi32>
      %add3A_828 = vector.broadcast %add3A_825 : i32 to vector<16xi32>
      %add3A_829 = arith.addi %mul3A_8, %add3A_828 : vector<16xi32>
      %get3A_830 = arith.index_cast %add3A_825 : i32 to index
      %get3A_831 = arith.index_cast %squeeze3A_827 : i32 to index
      %get3A_832 = tpu.vector_load %arg10[%get3A_830, %get3A_831] {strides = array<i32>} : memref<256x128xf32, #tpu.memory_space<vmem>>, vector<16xf32>,
      %add3A_833 = arith.constant 16 : i32
      %add3A_834 = arith.addi %squeeze3A_827, %add3A_833 : i32
      %get3A_835 = arith.index_cast %add3A_825 : i32 to index
      %get3A_836 = arith.index_cast %add3A_834 : i32 to index
      %get3A_837 = tpu.vector_load %arg10[%get3A_835, %get3A_836] {strides = array<i32>} : memref<256x128xf32, #tpu.memory_space<vmem>>, vector<16xf32>,
      tpu.vector_store_idx %arg12[%iota3A, %add3A_829], %get3A_832 : memref<32x257xf32, #tpu.memory_space<vmem>>[vector<16xi32>, vector<16xi32>], vector<16xf32>,
      tpu.vector_store_idx %arg12[%add3A_5, %add3A_829], %get3A_837 : memref<32x257xf32, #tpu.memory_space<vmem>>[vector<16xi32>, vector<16xi32>], vector<16xf32>,
      %mul3A_838 = arith.constant 16 : i32
      %mul3A_839 = arith.muli %scan3A_787, %mul3A_838 : i32
      %add3A_840 = arith.constant 3 : i32
      %add3A_841 = arith.addi %mul3A_839, %add3A_840 : i32
      %slice3A_842 = vector.extract_strided_slice %get3A_791 {offsets = [3], sizes = [1], strides = [1]} : vector<16xi32> to vector<1xi32>
      %squeeze3A_843 = vector.extract %slice3A_842[0] : i32 from vector<1xi32>
      %add3A_844 = vector.broadcast %add3A_841 : i32 to vector<16xi32>
      %add3A_845 = arith.addi %mul3A_8, %add3A_844 : vector<16xi32>
      %get3A_846 = arith.index_cast %add3A_841 : i32 to index
      %get3A_847 = arith.index_cast %squeeze3A_843 : i32 to index
      %get3A_848 = tpu.vector_load %arg10[%get3A_846, %get3A_847] {strides = array<i32>} : memref<256x128xf32, #tpu.memory_space<vmem>>, vector<16xf32>,
      %add3A_849 = arith.constant 16 : i32
      %add3A_850 = arith.addi %squeeze3A_843, %add3A_849 : i32
      %get3A_851 = arith.index_cast %add3A_841 : i32 to index
      %get3A_852 = arith.index_cast %add3A_850 : i32 to index
      %get3A_853 = tpu.vector_load %arg10[%get3A_851, %get3A_852] {strides = array<i32>} : memref<256x128xf32, #tpu.memory_space<vmem>>, vector<16xf32>,
      tpu.vector_store_idx %arg12[%iota3A, %add3A_845], %get3A_848 : memref<32x257xf32, #tpu.memory_space<vmem>>[vector<16xi32>, vector<16xi32>], vector<16xf32>,
      tpu.vector_store_idx %arg12[%add3A_5, %add3A_845], %get3A_853 : memref<32x257xf32, #tpu.memory_space<vmem>>[vector<16xi32>, vector<16xi32>], vector<16xf32>,
      %mul3A_854 = arith.constant 16 : i32
      %mul3A_855 = arith.muli %scan3A_787, %mul3A_854 : i32
      %add3A_856 = arith.constant 4 : i32
      %add3A_857 = arith.addi %mul3A_855, %add3A_856 : i32
      %slice3A_858 = vector.extract_strided_slice %get3A_791 {offsets = [4], sizes = [1], strides = [1]} : vector<16xi32> to vector<1xi32>
      %squeeze3A_859 = vector.extract %slice3A_858[0] : i32 from vector<1xi32>
      %add3A_860 = vector.broadcast %add3A_857 : i32 to vector<16xi32>
      %add3A_861 = arith.addi %mul3A_8, %add3A_860 : vector<16xi32>
      %get3A_862 = arith.index_cast %add3A_857 : i32 to index
      %get3A_863 = arith.index_cast %squeeze3A_859 : i32 to index
      %get3A_864 = tpu.vector_load %arg10[%get3A_862, %get3A_863] {strides = array<i32>} : memref<256x128xf32, #tpu.memory_space<vmem>>, vector<16xf32>,
      %add3A_865 = arith.constant 16 : i32
      %add3A_866 = arith.addi %squeeze3A_859, %add3A_865 : i32
      %get3A_867 = arith.index_cast %add3A_857 : i32 to index
      %get3A_868 = arith.index_cast %add3A_866 : i32 to index
      %get3A_869 = tpu.vector_load %arg10[%get3A_867, %get3A_868] {strides = array<i32>} : memref<256x128xf32, #tpu.memory_space<vmem>>, vector<16xf32>,
      tpu.vector_store_idx %arg12[%iota3A, %add3A_861], %get3A_864 : memref<32x257xf32, #tpu.memory_space<vmem>>[vector<16xi32>, vector<16xi32>], vector<16xf32>,
      tpu.vector_store_idx %arg12[%add3A_5, %add3A_861], %get3A_869 : memref<32x257xf32, #tpu.memory_space<vmem>>[vector<16xi32>, vector<16xi32>], vector<16xf32>,
      %mul3A_870 = arith.constant 16 : i32
      %mul3A_871 = arith.muli %scan3A_787, %mul3A_870 : i32
      %add3A_872 = arith.constant 5 : i32
      %add3A_873 = arith.addi %mul3A_871, %add3A_872 : i32
      %slice3A_874 = vector.extract_strided_slice %get3A_791 {offsets = [5], sizes = [1], strides = [1]} : vector<16xi32> to vector<1xi32>
      %squeeze3A_875 = vector.extract %slice3A_874[0] : i32 from vector<1xi32>
      %add3A_876 = vector.broadcast %add3A_873 : i32 to vector<16xi32>
      %add3A_877 = arith.addi %mul3A_8, %add3A_876 : vector<16xi32>
      %get3A_878 = arith.index_cast %add3A_873 : i32 to index
      %get3A_879 = arith.index_cast %squeeze3A_875 : i32 to index
      %get3A_880 = tpu.vector_load %arg10[%get3A_878, %get3A_879] {strides = array<i32>} : memref<256x128xf32, #tpu.memory_space<vmem>>, vector<16xf32>,
      %add3A_881 = arith.constant 16 : i32
      %add3A_882 = arith.addi %squeeze3A_875, %add3A_881 : i32
      %get3A_883 = arith.index_cast %add3A_873 : i32 to index
      %get3A_884 = arith.index_cast %add3A_882 : i32 to index
      %get3A_885 = tpu.vector_load %arg10[%get3A_883, %get3A_884] {strides = array<i32>} : memref<256x128xf32, #tpu.memory_space<vmem>>, vector<16xf32>,
      tpu.vector_store_idx %arg12[%iota3A, %add3A_877], %get3A_880 : memref<32x257xf32, #tpu.memory_space<vmem>>[vector<16xi32>, vector<16xi32>], vector<16xf32>,
      tpu.vector_store_idx %arg12[%add3A_5, %add3A_877], %get3A_885 : memref<32x257xf32, #tpu.memory_space<vmem>>[vector<16xi32>, vector<16xi32>], vector<16xf32>,
      %mul3A_886 = arith.constant 16 : i32
      %mul3A_887 = arith.muli %scan3A_787, %mul3A_886 : i32
      %add3A_888 = arith.constant 6 : i32
      %add3A_889 = arith.addi %mul3A_887, %add3A_888 : i32
      %slice3A_890 = vector.extract_strided_slice %get3A_791 {offsets = [6], sizes = [1], strides = [1]} : vector<16xi32> to vector<1xi32>
      %squeeze3A_891 = vector.extract %slice3A_890[0] : i32 from vector<1xi32>
      %add3A_892 = vector.broadcast %add3A_889 : i32 to vector<16xi32>
      %add3A_893 = arith.addi %mul3A_8, %add3A_892 : vector<16xi32>
      %get3A_894 = arith.index_cast %add3A_889 : i32 to index
      %get3A_895 = arith.index_cast %squeeze3A_891 : i32 to index
      %get3A_896 = tpu.vector_load %arg10[%get3A_894, %get3A_895] {strides = array<i32>} : memref<256x128xf32, #tpu.memory_space<vmem>>, vector<16xf32>,
      %add3A_897 = arith.constant 16 : i32
      %add3A_898 = arith.addi %squeeze3A_891, %add3A_897 : i32
      %get3A_899 = arith.index_cast %add3A_889 : i32 to index
      %get3A_900 = arith.index_cast %add3A_898 : i32 to index
      %get3A_901 = tpu.vector_load %arg10[%get3A_899, %get3A_900] {strides = array<i32>} : memref<256x128xf32, #tpu.memory_space<vmem>>, vector<16xf32>,
      tpu.vector_store_idx %arg12[%iota3A, %add3A_893], %get3A_896 : memref<32x257xf32, #tpu.memory_space<vmem>>[vector<16xi32>, vector<16xi32>], vector<16xf32>,
      tpu.vector_store_idx %arg12[%add3A_5, %add3A_893], %get3A_901 : memref<32x257xf32, #tpu.memory_space<vmem>>[vector<16xi32>, vector<16xi32>], vector<16xf32>,
      %mul3A_902 = arith.constant 16 : i32
      %mul3A_903 = arith.muli %scan3A_787, %mul3A_902 : i32
      %add3A_904 = arith.constant 7 : i32
      %add3A_905 = arith.addi %mul3A_903, %add3A_904 : i32
      %slice3A_906 = vector.extract_strided_slice %get3A_791 {offsets = [7], sizes = [1], strides = [1]} : vector<16xi32> to vector<1xi32>
      %squeeze3A_907 = vector.extract %slice3A_906[0] : i32 from vector<1xi32>
      %add3A_908 = vector.broadcast %add3A_905 : i32 to vector<16xi32>
      %add3A_909 = arith.addi %mul3A_8, %add3A_908 : vector<16xi32>
      %get3A_910 = arith.index_cast %add3A_905 : i32 to index
      %get3A_911 = arith.index_cast %squeeze3A_907 : i32 to index
      %get3A_912 = tpu.vector_load %arg10[%get3A_910, %get3A_911] {strides = array<i32>} : memref<256x128xf32, #tpu.memory_space<vmem>>, vector<16xf32>,
      %add3A_913 = arith.constant 16 : i32
      %add3A_914 = arith.addi %squeeze3A_907, %add3A_913 : i32
      %get3A_915 = arith.index_cast %add3A_905 : i32 to index
      %get3A_916 = arith.index_cast %add3A_914 : i32 to index
      %get3A_917 = tpu.vector_load %arg10[%get3A_915, %get3A_916] {strides = array<i32>} : memref<256x128xf32, #tpu.memory_space<vmem>>, vector<16xf32>,
      tpu.vector_store_idx %arg12[%iota3A, %add3A_909], %get3A_912 : memref<32x257xf32, #tpu.memory_space<vmem>>[vector<16xi32>, vector<16xi32>], vector<16xf32>,
      tpu.vector_store_idx %arg12[%add3A_5, %add3A_909], %get3A_917 : memref<32x257xf32, #tpu.memory_space<vmem>>[vector<16xi32>, vector<16xi32>], vector<16xf32>,
      %mul3A_918 = arith.constant 16 : i32
      %mul3A_919 = arith.muli %scan3A_787, %mul3A_918 : i32
      %add3A_920 = arith.constant 8 : i32
      %add3A_921 = arith.addi %mul3A_919, %add3A_920 : i32
      %slice3A_922 = vector.extract_strided_slice %get3A_791 {offsets = [8], sizes = [1], strides = [1]} : vector<16xi32> to vector<1xi32>
      %squeeze3A_923 = vector.extract %slice3A_922[0] : i32 from vector<1xi32>
      %add3A_924 = vector.broadcast %add3A_921 : i32 to vector<16xi32>
      %add3A_925 = arith.addi %mul3A_8, %add3A_924 : vector<16xi32>
      %get3A_926 = arith.index_cast %add3A_921 : i32 to index
      %get3A_927 = arith.index_cast %squeeze3A_923 : i32 to index
      %get3A_928 = tpu.vector_load %arg10[%get3A_926, %get3A_927] {strides = array<i32>} : memref<256x128xf32, #tpu.memory_space<vmem>>, vector<16xf32>,
      %add3A_929 = arith.constant 16 : i32
      %add3A_930 = arith.addi %squeeze3A_923, %add3A_929 : i32
      %get3A_931 = arith.index_cast %add3A_921 : i32 to index
      %get3A_932 = arith.index_cast %add3A_930 : i32 to index
      %get3A_933 = tpu.vector_load %arg10[%get3A_931, %get3A_932] {strides = array<i32>} : memref<256x128xf32, #tpu.memory_space<vmem>>, vector<16xf32>,
      tpu.vector_store_idx %arg12[%iota3A, %add3A_925], %get3A_928 : memref<32x257xf32, #tpu.memory_space<vmem>>[vector<16xi32>, vector<16xi32>], vector<16xf32>,
      tpu.vector_store_idx %arg12[%add3A_5, %add3A_925], %get3A_933 : memref<32x257xf32, #tpu.memory_space<vmem>>[vector<16xi32>, vector<16xi32>], vector<16xf32>,
      %mul3A_934 = arith.constant 16 : i32
      %mul3A_935 = arith.muli %scan3A_787, %mul3A_934 : i32
      %add3A_936 = arith.constant 9 : i32
      %add3A_937 = arith.addi %mul3A_935, %add3A_936 : i32
      %slice3A_938 = vector.extract_strided_slice %get3A_791 {offsets = [9], sizes = [1], strides = [1]} : vector<16xi32> to vector<1xi32>
      %squeeze3A_939 = vector.extract %slice3A_938[0] : i32 from vector<1xi32>
      %add3A_940 = vector.broadcast %add3A_937 : i32 to vector<16xi32>
      %add3A_941 = arith.addi %mul3A_8, %add3A_940 : vector<16xi32>
      %get3A_942 = arith.index_cast %add3A_937 : i32 to index
      %get3A_943 = arith.index_cast %squeeze3A_939 : i32 to index
      %get3A_944 = tpu.vector_load %arg10[%get3A_942, %get3A_943] {strides = array<i32>} : memref<256x128xf32, #tpu.memory_space<vmem>>, vector<16xf32>,
      %add3A_945 = arith.constant 16 : i32
      %add3A_946 = arith.addi %squeeze3A_939, %add3A_945 : i32
      %get3A_947 = arith.index_cast %add3A_937 : i32 to index
      %get3A_948 = arith.index_cast %add3A_946 : i32 to index
      %get3A_949 = tpu.vector_load %arg10[%get3A_947, %get3A_948] {strides = array<i32>} : memref<256x128xf32, #tpu.memory_space<vmem>>, vector<16xf32>,
      tpu.vector_store_idx %arg12[%iota3A, %add3A_941], %get3A_944 : memref<32x257xf32, #tpu.memory_space<vmem>>[vector<16xi32>, vector<16xi32>], vector<16xf32>,
      tpu.vector_store_idx %arg12[%add3A_5, %add3A_941], %get3A_949 : memref<32x257xf32, #tpu.memory_space<vmem>>[vector<16xi32>, vector<16xi32>], vector<16xf32>,
      %mul3A_950 = arith.constant 16 : i32
      %mul3A_951 = arith.muli %scan3A_787, %mul3A_950 : i32
      %add3A_952 = arith.constant 10 : i32
      %add3A_953 = arith.addi %mul3A_951, %add3A_952 : i32
      %slice3A_954 = vector.extract_strided_slice %get3A_791 {offsets = [10], sizes = [1], strides = [1]} : vector<16xi32> to vector<1xi32>
      %squeeze3A_955 = vector.extract %slice3A_954[0] : i32 from vector<1xi32>
      %add3A_956 = vector.broadcast %add3A_953 : i32 to vector<16xi32>
      %add3A_957 = arith.addi %mul3A_8, %add3A_956 : vector<16xi32>
      %get3A_958 = arith.index_cast %add3A_953 : i32 to index
      %get3A_959 = arith.index_cast %squeeze3A_955 : i32 to index
      %get3A_960 = tpu.vector_load %arg10[%get3A_958, %get3A_959] {strides = array<i32>} : memref<256x128xf32, #tpu.memory_space<vmem>>, vector<16xf32>,
      %add3A_961 = arith.constant 16 : i32
      %add3A_962 = arith.addi %squeeze3A_955, %add3A_961 : i32
      %get3A_963 = arith.index_cast %add3A_953 : i32 to index
      %get3A_964 = arith.index_cast %add3A_962 : i32 to index
      %get3A_965 = tpu.vector_load %arg10[%get3A_963, %get3A_964] {strides = array<i32>} : memref<256x128xf32, #tpu.memory_space<vmem>>, vector<16xf32>,
      tpu.vector_store_idx %arg12[%iota3A, %add3A_957], %get3A_960 : memref<32x257xf32, #tpu.memory_space<vmem>>[vector<16xi32>, vector<16xi32>], vector<16xf32>,
      tpu.vector_store_idx %arg12[%add3A_5, %add3A_957], %get3A_965 : memref<32x257xf32, #tpu.memory_space<vmem>>[vector<16xi32>, vector<16xi32>], vector<16xf32>,
      %mul3A_966 = arith.constant 16 : i32
      %mul3A_967 = arith.muli %scan3A_787, %mul3A_966 : i32
      %add3A_968 = arith.constant 11 : i32
      %add3A_969 = arith.addi %mul3A_967, %add3A_968 : i32
      %slice3A_970 = vector.extract_strided_slice %get3A_791 {offsets = [11], sizes = [1], strides = [1]} : vector<16xi32> to vector<1xi32>
      %squeeze3A_971 = vector.extract %slice3A_970[0] : i32 from vector<1xi32>
      %add3A_972 = vector.broadcast %add3A_969 : i32 to vector<16xi32>
      %add3A_973 = arith.addi %mul3A_8, %add3A_972 : vector<16xi32>
      %get3A_974 = arith.index_cast %add3A_969 : i32 to index
      %get3A_975 = arith.index_cast %squeeze3A_971 : i32 to index
      %get3A_976 = tpu.vector_load %arg10[%get3A_974, %get3A_975] {strides = array<i32>} : memref<256x128xf32, #tpu.memory_space<vmem>>, vector<16xf32>,
      %add3A_977 = arith.constant 16 : i32
      %add3A_978 = arith.addi %squeeze3A_971, %add3A_977 : i32
      %get3A_979 = arith.index_cast %add3A_969 : i32 to index
      %get3A_980 = arith.index_cast %add3A_978 : i32 to index
      %get3A_981 = tpu.vector_load %arg10[%get3A_979, %get3A_980] {strides = array<i32>} : memref<256x128xf32, #tpu.memory_space<vmem>>, vector<16xf32>,
      tpu.vector_store_idx %arg12[%iota3A, %add3A_973], %get3A_976 : memref<32x257xf32, #tpu.memory_space<vmem>>[vector<16xi32>, vector<16xi32>], vector<16xf32>,
      tpu.vector_store_idx %arg12[%add3A_5, %add3A_973], %get3A_981 : memref<32x257xf32, #tpu.memory_space<vmem>>[vector<16xi32>, vector<16xi32>], vector<16xf32>,
      %mul3A_982 = arith.constant 16 : i32
      %mul3A_983 = arith.muli %scan3A_787, %mul3A_982 : i32
      %add3A_984 = arith.constant 12 : i32
      %add3A_985 = arith.addi %mul3A_983, %add3A_984 : i32
      %slice3A_986 = vector.extract_strided_slice %get3A_791 {offsets = [12], sizes = [1], strides = [1]} : vector<16xi32> to vector<1xi32>
      %squeeze3A_987 = vector.extract %slice3A_986[0] : i32 from vector<1xi32>
      %add3A_988 = vector.broadcast %add3A_985 : i32 to vector<16xi32>
      %add3A_989 = arith.addi %mul3A_8, %add3A_988 : vector<16xi32>
      %get3A_990 = arith.index_cast %add3A_985 : i32 to index
      %get3A_991 = arith.index_cast %squeeze3A_987 : i32 to index
      %get3A_992 = tpu.vector_load %arg10[%get3A_990, %get3A_991] {strides = array<i32>} : memref<256x128xf32, #tpu.memory_space<vmem>>, vector<16xf32>,
      %add3A_993 = arith.constant 16 : i32
      %add3A_994 = arith.addi %squeeze3A_987, %add3A_993 : i32
      %get3A_995 = arith.index_cast %add3A_985 : i32 to index
      %get3A_996 = arith.index_cast %add3A_994 : i32 to index
      %get3A_997 = tpu.vector_load %arg10[%get3A_995, %get3A_996] {strides = array<i32>} : memref<256x128xf32, #tpu.memory_space<vmem>>, vector<16xf32>,
      tpu.vector_store_idx %arg12[%iota3A, %add3A_989], %get3A_992 : memref<32x257xf32, #tpu.memory_space<vmem>>[vector<16xi32>, vector<16xi32>], vector<16xf32>,
      tpu.vector_store_idx %arg12[%add3A_5, %add3A_989], %get3A_997 : memref<32x257xf32, #tpu.memory_space<vmem>>[vector<16xi32>, vector<16xi32>], vector<16xf32>,
      %mul3A_998 = arith.constant 16 : i32
      %mul3A_999 = arith.muli %scan3A_787, %mul3A_998 : i32
      %add3A_1000 = arith.constant 13 : i32
      %add3A_1001 = arith.addi %mul3A_999, %add3A_1000 : i32
      %slice3A_1002 = vector.extract_strided_slice %get3A_791 {offsets = [13], sizes = [1], strides = [1]} : vector<16xi32> to vector<1xi32>
      %squeeze3A_1003 = vector.extract %slice3A_1002[0] : i32 from vector<1xi32>
      %add3A_1004 = vector.broadcast %add3A_1001 : i32 to vector<16xi32>
      %add3A_1005 = arith.addi %mul3A_8, %add3A_1004 : vector<16xi32>
      %get3A_1006 = arith.index_cast %add3A_1001 : i32 to index
      %get3A_1007 = arith.index_cast %squeeze3A_1003 : i32 to index
      %get3A_1008 = tpu.vector_load %arg10[%get3A_1006, %get3A_1007] {strides = array<i32>} : memref<256x128xf32, #tpu.memory_space<vmem>>, vector<16xf32>,
      %add3A_1009 = arith.constant 16 : i32
      %add3A_1010 = arith.addi %squeeze3A_1003, %add3A_1009 : i32
      %get3A_1011 = arith.index_cast %add3A_1001 : i32 to index
      %get3A_1012 = arith.index_cast %add3A_1010 : i32 to index
      %get3A_1013 = tpu.vector_load %arg10[%get3A_1011, %get3A_1012] {strides = array<i32>} : memref<256x128xf32, #tpu.memory_space<vmem>>, vector<16xf32>,
      tpu.vector_store_idx %arg12[%iota3A, %add3A_1005], %get3A_1008 : memref<32x257xf32, #tpu.memory_space<vmem>>[vector<16xi32>, vector<16xi32>], vector<16xf32>,
      tpu.vector_store_idx %arg12[%add3A_5, %add3A_1005], %get3A_1013 : memref<32x257xf32, #tpu.memory_space<vmem>>[vector<16xi32>, vector<16xi32>], vector<16xf32>,
      %mul3A_1014 = arith.constant 16 : i32
      %mul3A_1015 = arith.muli %scan3A_787, %mul3A_1014 : i32
      %add3A_1016 = arith.constant 14 : i32
      %add3A_1017 = arith.addi %mul3A_1015, %add3A_1016 : i32
      %slice3A_1018 = vector.extract_strided_slice %get3A_791 {offsets = [14], sizes = [1], strides = [1]} : vector<16xi32> to vector<1xi32>
      %squeeze3A_1019 = vector.extract %slice3A_1018[0] : i32 from vector<1xi32>
      %add3A_1020 = vector.broadcast %add3A_1017 : i32 to vector<16xi32>
      %add3A_1021 = arith.addi %mul3A_8, %add3A_1020 : vector<16xi32>
      %get3A_1022 = arith.index_cast %add3A_1017 : i32 to index
      %get3A_1023 = arith.index_cast %squeeze3A_1019 : i32 to index
      %get3A_1024 = tpu.vector_load %arg10[%get3A_1022, %get3A_1023] {strides = array<i32>} : memref<256x128xf32, #tpu.memory_space<vmem>>, vector<16xf32>,
      %add3A_1025 = arith.constant 16 : i32
      %add3A_1026 = arith.addi %squeeze3A_1019, %add3A_1025 : i32
      %get3A_1027 = arith.index_cast %add3A_1017 : i32 to index
      %get3A_1028 = arith.index_cast %add3A_1026 : i32 to index
      %get3A_1029 = tpu.vector_load %arg10[%get3A_1027, %get3A_1028] {strides = array<i32>} : memref<256x128xf32, #tpu.memory_space<vmem>>, vector<16xf32>,
      tpu.vector_store_idx %arg12[%iota3A, %add3A_1021], %get3A_1024 : memref<32x257xf32, #tpu.memory_space<vmem>>[vector<16xi32>, vector<16xi32>], vector<16xf32>,
      tpu.vector_store_idx %arg12[%add3A_5, %add3A_1021], %get3A_1029 : memref<32x257xf32, #tpu.memory_space<vmem>>[vector<16xi32>, vector<16xi32>], vector<16xf32>,
      %mul3A_1030 = arith.constant 16 : i32
      %mul3A_1031 = arith.muli %scan3A_787, %mul3A_1030 : i32
      %add3A_1032 = arith.constant 15 : i32
      %add3A_1033 = arith.addi %mul3A_1031, %add3A_1032 : i32
      %slice3A_1034 = vector.extract_strided_slice %get3A_791 {offsets = [15], sizes = [1], strides = [1]} : vector<16xi32> to vector<1xi32>
      %squeeze3A_1035 = vector.extract %slice3A_1034[0] : i32 from vector<1xi32>
      %add3A_1036 = vector.broadcast %add3A_1033 : i32 to vector<16xi32>
      %add3A_1037 = arith.addi %mul3A_8, %add3A_1036 : vector<16xi32>
      %get3A_1038 = arith.index_cast %add3A_1033 : i32 to index
      %get3A_1039 = arith.index_cast %squeeze3A_1035 : i32 to index
      %get3A_1040 = tpu.vector_load %arg10[%get3A_1038, %get3A_1039] {strides = array<i32>} : memref<256x128xf32, #tpu.memory_space<vmem>>, vector<16xf32>,
      %add3A_1041 = arith.constant 16 : i32
      %add3A_1042 = arith.addi %squeeze3A_1035, %add3A_1041 : i32
      %get3A_1043 = arith.index_cast %add3A_1033 : i32 to index
      %get3A_1044 = arith.index_cast %add3A_1042 : i32 to index
      %get3A_1045 = tpu.vector_load %arg10[%get3A_1043, %get3A_1044] {strides = array<i32>} : memref<256x128xf32, #tpu.memory_space<vmem>>, vector<16xf32>,
      tpu.vector_store_idx %arg12[%iota3A, %add3A_1037], %get3A_1040 : memref<32x257xf32, #tpu.memory_space<vmem>>[vector<16xi32>, vector<16xi32>], vector<16xf32>,
      tpu.vector_store_idx %arg12[%add3A_5, %add3A_1037], %get3A_1045 : memref<32x257xf32, #tpu.memory_space<vmem>>[vector<16xi32>, vector<16xi32>], vector<16xf32>,
    }
    %scan3A_728 = arith.constant 16 : i32
    %dma_start3A_729 = arith.constant 49 : i32
    %dma_start3A_730 = arith.constant 0 : i32
    %dma_start3A_731 = arith.constant 0 : i32
    %dma_start3A_732 = tpu.memref_slice %arg12[%dma_start3A_730, %dma_start3A_731] : memref<32x257xf32, #tpu.memory_space<vmem>> -> memref<32x256xf32, #tpu.memory_space<vmem>>
    %dma_start3A_733 = arith.constant 0 : i32
    %dma_start3A_734 = tpu.memref_slice %arg4[%dma_start3A_729, %dma_start3A_733, %add3A_710] : memref<50x32x16384xf32, #tpu.memory_space<hbm>> -> memref<1x32x256xf32, #tpu.memory_space<hbm>>
    %dma_start3A_735 = tpu.memref_squeeze %dma_start3A_734 : memref<1x32x256xf32, #tpu.memory_space<hbm>> -> memref<32x256xf32, #tpu.memory_space<hbm>>
    %dma_start3A_736 = arith.constant 0 : i32
    %dma_start3A_737 = tpu.memref_slice %arg4[%dma_start3A_729, %dma_start3A_736, %add3A_710] : memref<50x32x16384xf32, #tpu.memory_space<hbm>> -> memref<1x32x256xf32, #tpu.memory_space<hbm>>
    %dma_start3A_738 = tpu.memref_squeeze %dma_start3A_737 : memref<1x32x256xf32, #tpu.memory_space<hbm>> -> memref<32x256xf32, #tpu.memory_space<hbm>>
    %dma_start3A_739 = arith.constant 0 : i32
    %dma_start3A_740 = arith.constant 0 : i32
    %dma_start3A_741 = tpu.memref_slice %arg12[%dma_start3A_739, %dma_start3A_740] : memref<32x257xf32, #tpu.memory_space<vmem>> -> memref<32x256xf32, #tpu.memory_space<vmem>>
    tpu.enqueue_dma source(%dma_start3A_741 : memref<32x256xf32, #tpu.memory_space<vmem>>) target(%dma_start3A_738 : memref<32x256xf32, #tpu.memory_space<hbm>>) target_semaphore(%arg18 : memref<!tpu.dma_semaphore, #tpu.memory_space<semaphore_mem>>)
    %add3A_742 = arith.constant 256 : i32
    %add3A_743 = arith.addi %mul3A_2, %add3A_742 : i32
    %dma_wait3A_744 = arith.constant 0 : i32
    %dma_wait3A_745 = arith.constant 0 : i32
    %dma_wait3A_746 = tpu.memref_slice %arg3[%dma_wait3A_744, %dma_wait3A_745] : memref<250000x128xf32, #tpu.memory_space<hbm>> -> memref<256x128xf32, #tpu.memory_space<hbm>>
    %dma_wait3A_747 = arith.constant 0 : i32
    %dma_wait3A_748 = arith.constant 0 : i32
    %dma_wait3A_749 = tpu.memref_slice %arg3[%dma_wait3A_747, %dma_wait3A_748] : memref<250000x128xf32, #tpu.memory_space<hbm>> -> memref<256x128xf32, #tpu.memory_space<hbm>>
    tpu.wait_dma2 semaphore(%arg17 : memref<!tpu.dma_semaphore, #tpu.memory_space<semaphore_mem>>) src(%dma_wait3A_749 : memref<256x128xf32, #tpu.memory_space<hbm>>) dst(%arg11 : memref<256x128xf32, #tpu.memory_space<vmem>>)
    %dma_wait3A_750 = arith.constant 0 : i32
    %dma_wait3A_751 = arith.constant 0 : i32
    %dma_wait3A_752 = tpu.memref_slice %arg13[%dma_wait3A_750, %dma_wait3A_751] : memref<32x257xf32, #tpu.memory_space<vmem>> -> memref<32x256xf32, #tpu.memory_space<vmem>>
    %dma_wait3A_753 = arith.constant 0 : i32
    %dma_wait3A_754 = arith.constant 0 : i32
    %dma_wait3A_755 = tpu.memref_slice %arg13[%dma_wait3A_753, %dma_wait3A_754] : memref<32x257xf32, #tpu.memory_space<vmem>> -> memref<32x256xf32, #tpu.memory_space<vmem>>
    tpu.wait_dma2 semaphore(%arg19 : memref<!tpu.dma_semaphore, #tpu.memory_space<semaphore_mem>>) src(%dma_wait3A_755 : memref<32x256xf32, #tpu.memory_space<vmem>>) dst(%arg14 : memref<32x256xf32, #tpu.memory_space<hbm>>)
    %scan3A_756 = arith.constant 0 : i32
    %scan3A_757 = arith.constant 0 : i32
    %scan3A_758 = arith.constant 16 : i32
    %scan3A_759 = arith.addi %scan3A_757, %scan3A_758 : i32
    %scan3A_760 = arith.constant 1 : i32
    scf.for %scan3A_787 = %scan3A_757 to %scan3A_759 step %scan3A_760  : i32 {
      %mul3A_788 = arith.constant 16 : i32
      %mul3A_789 = arith.muli %scan3A_787, %mul3A_788 : i32
      %get3A_790 = arith.index_cast %mul3A_789 : i32 to index
      %get3A_791 = tpu.vector_load %arg9[%get3A_790] {strides = array<i32>} : memref<256xi32, #tpu.memory_space<vmem>>, vector<16xi32>,
      %mul3A_792 = arith.constant 16 : i32
      %mul3A_793 = arith.muli %scan3A_787, %mul3A_792 : i32
      %add3A_794 = arith.constant 0 : i32
      %add3A_795 = arith.addi %mul3A_793, %add3A_794 : i32
      %slice3A = vector.extract_strided_slice %get3A_791 {offsets = [0], sizes = [1], strides = [1]} : vector<16xi32> to vector<1xi32>
      %squeeze3A = vector.extract %slice3A[0] : i32 from vector<1xi32>
      %add3A_796 = vector.broadcast %add3A_795 : i32 to vector<16xi32>
      %add3A_797 = arith.addi %mul3A_8, %add3A_796 : vector<16xi32>
      %get3A_798 = arith.index_cast %add3A_795 : i32 to index
      %get3A_799 = arith.index_cast %squeeze3A : i32 to index
      %get3A_800 = tpu.vector_load %arg11[%get3A_798, %get3A_799] {strides = array<i32>} : memref<256x128xf32, #tpu.memory_space<vmem>>, vector<16xf32>,
      %add3A_801 = arith.constant 16 : i32
      %add3A_802 = arith.addi %squeeze3A, %add3A_801 : i32
      %get3A_803 = arith.index_cast %add3A_795 : i32 to index
      %get3A_804 = arith.index_cast %add3A_802 : i32 to index
      %get3A_805 = tpu.vector_load %arg11[%get3A_803, %get3A_804] {strides = array<i32>} : memref<256x128xf32, #tpu.memory_space<vmem>>, vector<16xf32>,
      tpu.vector_store_idx %arg13[%iota3A, %add3A_797], %get3A_800 : memref<32x257xf32, #tpu.memory_space<vmem>>[vector<16xi32>, vector<16xi32>], vector<16xf32>,
      tpu.vector_store_idx %arg13[%add3A_5, %add3A_797], %get3A_805 : memref<32x257xf32, #tpu.memory_space<vmem>>[vector<16xi32>, vector<16xi32>], vector<16xf32>,
      %mul3A_806 = arith.constant 16 : i32
      %mul3A_807 = arith.muli %scan3A_787, %mul3A_806 : i32
      %add3A_808 = arith.constant 1 : i32
      %add3A_809 = arith.addi %mul3A_807, %add3A_808 : i32
      %slice3A_810 = vector.extract_strided_slice %get3A_791 {offsets = [1], sizes = [1], strides = [1]} : vector<16xi32> to vector<1xi32>
      %squeeze3A_811 = vector.extract %slice3A_810[0] : i32 from vector<1xi32>
      %add3A_812 = vector.broadcast %add3A_809 : i32 to vector<16xi32>
      %add3A_813 = arith.addi %mul3A_8, %add3A_812 : vector<16xi32>
      %get3A_814 = arith.index_cast %add3A_809 : i32 to index
      %get3A_815 = arith.index_cast %squeeze3A_811 : i32 to index
      %get3A_816 = tpu.vector_load %arg11[%get3A_814, %get3A_815] {strides = array<i32>} : memref<256x128xf32, #tpu.memory_space<vmem>>, vector<16xf32>,
      %add3A_817 = arith.constant 16 : i32
      %add3A_818 = arith.addi %squeeze3A_811, %add3A_817 : i32
      %get3A_819 = arith.index_cast %add3A_809 : i32 to index
      %get3A_820 = arith.index_cast %add3A_818 : i32 to index
      %get3A_821 = tpu.vector_load %arg11[%get3A_819, %get3A_820] {strides = array<i32>} : memref<256x128xf32, #tpu.memory_space<vmem>>, vector<16xf32>,
      tpu.vector_store_idx %arg13[%iota3A, %add3A_813], %get3A_816 : memref<32x257xf32, #tpu.memory_space<vmem>>[vector<16xi32>, vector<16xi32>], vector<16xf32>,
      tpu.vector_store_idx %arg13[%add3A_5, %add3A_813], %get3A_821 : memref<32x257xf32, #tpu.memory_space<vmem>>[vector<16xi32>, vector<16xi32>], vector<16xf32>,
      %mul3A_822 = arith.constant 16 : i32
      %mul3A_823 = arith.muli %scan3A_787, %mul3A_822 : i32
      %add3A_824 = arith.constant 2 : i32
      %add3A_825 = arith.addi %mul3A_823, %add3A_824 : i32
      %slice3A_826 = vector.extract_strided_slice %get3A_791 {offsets = [2], sizes = [1], strides = [1]} : vector<16xi32> to vector<1xi32>
      %squeeze3A_827 = vector.extract %slice3A_826[0] : i32 from vector<1xi32>
      %add3A_828 = vector.broadcast %add3A_825 : i32 to vector<16xi32>
      %add3A_829 = arith.addi %mul3A_8, %add3A_828 : vector<16xi32>
      %get3A_830 = arith.index_cast %add3A_825 : i32 to index
      %get3A_831 = arith.index_cast %squeeze3A_827 : i32 to index
      %get3A_832 = tpu.vector_load %arg11[%get3A_830, %get3A_831] {strides = array<i32>} : memref<256x128xf32, #tpu.memory_space<vmem>>, vector<16xf32>,
      %add3A_833 = arith.constant 16 : i32
      %add3A_834 = arith.addi %squeeze3A_827, %add3A_833 : i32
      %get3A_835 = arith.index_cast %add3A_825 : i32 to index
      %get3A_836 = arith.index_cast %add3A_834 : i32 to index
      %get3A_837 = tpu.vector_load %arg11[%get3A_835, %get3A_836] {strides = array<i32>} : memref<256x128xf32, #tpu.memory_space<vmem>>, vector<16xf32>,
      tpu.vector_store_idx %arg13[%iota3A, %add3A_829], %get3A_832 : memref<32x257xf32, #tpu.memory_space<vmem>>[vector<16xi32>, vector<16xi32>], vector<16xf32>,
      tpu.vector_store_idx %arg13[%add3A_5, %add3A_829], %get3A_837 : memref<32x257xf32, #tpu.memory_space<vmem>>[vector<16xi32>, vector<16xi32>], vector<16xf32>,
      %mul3A_838 = arith.constant 16 : i32
      %mul3A_839 = arith.muli %scan3A_787, %mul3A_838 : i32
      %add3A_840 = arith.constant 3 : i32
      %add3A_841 = arith.addi %mul3A_839, %add3A_840 : i32
      %slice3A_842 = vector.extract_strided_slice %get3A_791 {offsets = [3], sizes = [1], strides = [1]} : vector<16xi32> to vector<1xi32>
      %squeeze3A_843 = vector.extract %slice3A_842[0] : i32 from vector<1xi32>
      %add3A_844 = vector.broadcast %add3A_841 : i32 to vector<16xi32>
      %add3A_845 = arith.addi %mul3A_8, %add3A_844 : vector<16xi32>
      %get3A_846 = arith.index_cast %add3A_841 : i32 to index
      %get3A_847 = arith.index_cast %squeeze3A_843 : i32 to index
      %get3A_848 = tpu.vector_load %arg11[%get3A_846, %get3A_847] {strides = array<i32>} : memref<256x128xf32, #tpu.memory_space<vmem>>, vector<16xf32>,
      %add3A_849 = arith.constant 16 : i32
      %add3A_850 = arith.addi %squeeze3A_843, %add3A_849 : i32
      %get3A_851 = arith.index_cast %add3A_841 : i32 to index
      %get3A_852 = arith.index_cast %add3A_850 : i32 to index
      %get3A_853 = tpu.vector_load %arg11[%get3A_851, %get3A_852] {strides = array<i32>} : memref<256x128xf32, #tpu.memory_space<vmem>>, vector<16xf32>,
      tpu.vector_store_idx %arg13[%iota3A, %add3A_845], %get3A_848 : memref<32x257xf32, #tpu.memory_space<vmem>>[vector<16xi32>, vector<16xi32>], vector<16xf32>,
      tpu.vector_store_idx %arg13[%add3A_5, %add3A_845], %get3A_853 : memref<32x257xf32, #tpu.memory_space<vmem>>[vector<16xi32>, vector<16xi32>], vector<16xf32>,
      %mul3A_854 = arith.constant 16 : i32
      %mul3A_855 = arith.muli %scan3A_787, %mul3A_854 : i32
      %add3A_856 = arith.constant 4 : i32
      %add3A_857 = arith.addi %mul3A_855, %add3A_856 : i32
      %slice3A_858 = vector.extract_strided_slice %get3A_791 {offsets = [4], sizes = [1], strides = [1]} : vector<16xi32> to vector<1xi32>
      %squeeze3A_859 = vector.extract %slice3A_858[0] : i32 from vector<1xi32>
      %add3A_860 = vector.broadcast %add3A_857 : i32 to vector<16xi32>
      %add3A_861 = arith.addi %mul3A_8, %add3A_860 : vector<16xi32>
      %get3A_862 = arith.index_cast %add3A_857 : i32 to index
      %get3A_863 = arith.index_cast %squeeze3A_859 : i32 to index
      %get3A_864 = tpu.vector_load %arg11[%get3A_862, %get3A_863] {strides = array<i32>} : memref<256x128xf32, #tpu.memory_space<vmem>>, vector<16xf32>,
      %add3A_865 = arith.constant 16 : i32
      %add3A_866 = arith.addi %squeeze3A_859, %add3A_865 : i32
      %get3A_867 = arith.index_cast %add3A_857 : i32 to index
      %get3A_868 = arith.index_cast %add3A_866 : i32 to index
      %get3A_869 = tpu.vector_load %arg11[%get3A_867, %get3A_868] {strides = array<i32>} : memref<256x128xf32, #tpu.memory_space<vmem>>, vector<16xf32>,
      tpu.vector_store_idx %arg13[%iota3A, %add3A_861], %get3A_864 : memref<32x257xf32, #tpu.memory_space<vmem>>[vector<16xi32>, vector<16xi32>], vector<16xf32>,
      tpu.vector_store_idx %arg13[%add3A_5, %add3A_861], %get3A_869 : memref<32x257xf32, #tpu.memory_space<vmem>>[vector<16xi32>, vector<16xi32>], vector<16xf32>,
      %mul3A_870 = arith.constant 16 : i32
      %mul3A_871 = arith.muli %scan3A_787, %mul3A_870 : i32
      %add3A_872 = arith.constant 5 : i32
      %add3A_873 = arith.addi %mul3A_871, %add3A_872 : i32
      %slice3A_874 = vector.extract_strided_slice %get3A_791 {offsets = [5], sizes = [1], strides = [1]} : vector<16xi32> to vector<1xi32>
      %squeeze3A_875 = vector.extract %slice3A_874[0] : i32 from vector<1xi32>
      %add3A_876 = vector.broadcast %add3A_873 : i32 to vector<16xi32>
      %add3A_877 = arith.addi %mul3A_8, %add3A_876 : vector<16xi32>
      %get3A_878 = arith.index_cast %add3A_873 : i32 to index
      %get3A_879 = arith.index_cast %squeeze3A_875 : i32 to index
      %get3A_880 = tpu.vector_load %arg11[%get3A_878, %get3A_879] {strides = array<i32>} : memref<256x128xf32, #tpu.memory_space<vmem>>, vector<16xf32>,
      %add3A_881 = arith.constant 16 : i32
      %add3A_882 = arith.addi %squeeze3A_875, %add3A_881 : i32
      %get3A_883 = arith.index_cast %add3A_873 : i32 to index
      %get3A_884 = arith.index_cast %add3A_882 : i32 to index
      %get3A_885 = tpu.vector_load %arg11[%get3A_883, %get3A_884] {strides = array<i32>} : memref<256x128xf32, #tpu.memory_space<vmem>>, vector<16xf32>,
      tpu.vector_store_idx %arg13[%iota3A, %add3A_877], %get3A_880 : memref<32x257xf32, #tpu.memory_space<vmem>>[vector<16xi32>, vector<16xi32>], vector<16xf32>,
      tpu.vector_store_idx %arg13[%add3A_5, %add3A_877], %get3A_885 : memref<32x257xf32, #tpu.memory_space<vmem>>[vector<16xi32>, vector<16xi32>], vector<16xf32>,
      %mul3A_886 = arith.constant 16 : i32
      %mul3A_887 = arith.muli %scan3A_787, %mul3A_886 : i32
      %add3A_888 = arith.constant 6 : i32
      %add3A_889 = arith.addi %mul3A_887, %add3A_888 : i32
      %slice3A_890 = vector.extract_strided_slice %get3A_791 {offsets = [6], sizes = [1], strides = [1]} : vector<16xi32> to vector<1xi32>
      %squeeze3A_891 = vector.extract %slice3A_890[0] : i32 from vector<1xi32>
      %add3A_892 = vector.broadcast %add3A_889 : i32 to vector<16xi32>
      %add3A_893 = arith.addi %mul3A_8, %add3A_892 : vector<16xi32>
      %get3A_894 = arith.index_cast %add3A_889 : i32 to index
      %get3A_895 = arith.index_cast %squeeze3A_891 : i32 to index
      %get3A_896 = tpu.vector_load %arg11[%get3A_894, %get3A_895] {strides = array<i32>} : memref<256x128xf32, #tpu.memory_space<vmem>>, vector<16xf32>,
      %add3A_897 = arith.constant 16 : i32
      %add3A_898 = arith.addi %squeeze3A_891, %add3A_897 : i32
      %get3A_899 = arith.index_cast %add3A_889 : i32 to index
      %get3A_900 = arith.index_cast %add3A_898 : i32 to index
      %get3A_901 = tpu.vector_load %arg11[%get3A_899, %get3A_900] {strides = array<i32>} : memref<256x128xf32, #tpu.memory_space<vmem>>, vector<16xf32>,
      tpu.vector_store_idx %arg13[%iota3A, %add3A_893], %get3A_896 : memref<32x257xf32, #tpu.memory_space<vmem>>[vector<16xi32>, vector<16xi32>], vector<16xf32>,
      tpu.vector_store_idx %arg13[%add3A_5, %add3A_893], %get3A_901 : memref<32x257xf32, #tpu.memory_space<vmem>>[vector<16xi32>, vector<16xi32>], vector<16xf32>,
      %mul3A_902 = arith.constant 16 : i32
      %mul3A_903 = arith.muli %scan3A_787, %mul3A_902 : i32
      %add3A_904 = arith.constant 7 : i32
      %add3A_905 = arith.addi %mul3A_903, %add3A_904 : i32
      %slice3A_906 = vector.extract_strided_slice %get3A_791 {offsets = [7], sizes = [1], strides = [1]} : vector<16xi32> to vector<1xi32>
      %squeeze3A_907 = vector.extract %slice3A_906[0] : i32 from vector<1xi32>
      %add3A_908 = vector.broadcast %add3A_905 : i32 to vector<16xi32>
      %add3A_909 = arith.addi %mul3A_8, %add3A_908 : vector<16xi32>
      %get3A_910 = arith.index_cast %add3A_905 : i32 to index
      %get3A_911 = arith.index_cast %squeeze3A_907 : i32 to index
      %get3A_912 = tpu.vector_load %arg11[%get3A_910, %get3A_911] {strides = array<i32>} : memref<256x128xf32, #tpu.memory_space<vmem>>, vector<16xf32>,
      %add3A_913 = arith.constant 16 : i32
      %add3A_914 = arith.addi %squeeze3A_907, %add3A_913 : i32
      %get3A_915 = arith.index_cast %add3A_905 : i32 to index
      %get3A_916 = arith.index_cast %add3A_914 : i32 to index
      %get3A_917 = tpu.vector_load %arg11[%get3A_915, %get3A_916] {strides = array<i32>} : memref<256x128xf32, #tpu.memory_space<vmem>>, vector<16xf32>,
      tpu.vector_store_idx %arg13[%iota3A, %add3A_909], %get3A_912 : memref<32x257xf32, #tpu.memory_space<vmem>>[vector<16xi32>, vector<16xi32>], vector<16xf32>,
      tpu.vector_store_idx %arg13[%add3A_5, %add3A_909], %get3A_917 : memref<32x257xf32, #tpu.memory_space<vmem>>[vector<16xi32>, vector<16xi32>], vector<16xf32>,
      %mul3A_918 = arith.constant 16 : i32
      %mul3A_919 = arith.muli %scan3A_787, %mul3A_918 : i32
      %add3A_920 = arith.constant 8 : i32
      %add3A_921 = arith.addi %mul3A_919, %add3A_920 : i32
      %slice3A_922 = vector.extract_strided_slice %get3A_791 {offsets = [8], sizes = [1], strides = [1]} : vector<16xi32> to vector<1xi32>
      %squeeze3A_923 = vector.extract %slice3A_922[0] : i32 from vector<1xi32>
      %add3A_924 = vector.broadcast %add3A_921 : i32 to vector<16xi32>
      %add3A_925 = arith.addi %mul3A_8, %add3A_924 : vector<16xi32>
      %get3A_926 = arith.index_cast %add3A_921 : i32 to index
      %get3A_927 = arith.index_cast %squeeze3A_923 : i32 to index
      %get3A_928 = tpu.vector_load %arg11[%get3A_926, %get3A_927] {strides = array<i32>} : memref<256x128xf32, #tpu.memory_space<vmem>>, vector<16xf32>,
      %add3A_929 = arith.constant 16 : i32
      %add3A_930 = arith.addi %squeeze3A_923, %add3A_929 : i32
      %get3A_931 = arith.index_cast %add3A_921 : i32 to index
      %get3A_932 = arith.index_cast %add3A_930 : i32 to index
      %get3A_933 = tpu.vector_load %arg11[%get3A_931, %get3A_932] {strides = array<i32>} : memref<256x128xf32, #tpu.memory_space<vmem>>, vector<16xf32>,
      tpu.vector_store_idx %arg13[%iota3A, %add3A_925], %get3A_928 : memref<32x257xf32, #tpu.memory_space<vmem>>[vector<16xi32>, vector<16xi32>], vector<16xf32>,
      tpu.vector_store_idx %arg13[%add3A_5, %add3A_925], %get3A_933 : memref<32x257xf32, #tpu.memory_space<vmem>>[vector<16xi32>, vector<16xi32>], vector<16xf32>,
      %mul3A_934 = arith.constant 16 : i32
      %mul3A_935 = arith.muli %scan3A_787, %mul3A_934 : i32
      %add3A_936 = arith.constant 9 : i32
      %add3A_937 = arith.addi %mul3A_935, %add3A_936 : i32
      %slice3A_938 = vector.extract_strided_slice %get3A_791 {offsets = [9], sizes = [1], strides = [1]} : vector<16xi32> to vector<1xi32>
      %squeeze3A_939 = vector.extract %slice3A_938[0] : i32 from vector<1xi32>
      %add3A_940 = vector.broadcast %add3A_937 : i32 to vector<16xi32>
      %add3A_941 = arith.addi %mul3A_8, %add3A_940 : vector<16xi32>
      %get3A_942 = arith.index_cast %add3A_937 : i32 to index
      %get3A_943 = arith.index_cast %squeeze3A_939 : i32 to index
      %get3A_944 = tpu.vector_load %arg11[%get3A_942, %get3A_943] {strides = array<i32>} : memref<256x128xf32, #tpu.memory_space<vmem>>, vector<16xf32>,
      %add3A_945 = arith.constant 16 : i32
      %add3A_946 = arith.addi %squeeze3A_939, %add3A_945 : i32
      %get3A_947 = arith.index_cast %add3A_937 : i32 to index
      %get3A_948 = arith.index_cast %add3A_946 : i32 to index
      %get3A_949 = tpu.vector_load %arg11[%get3A_947, %get3A_948] {strides = array<i32>} : memref<256x128xf32, #tpu.memory_space<vmem>>, vector<16xf32>,
      tpu.vector_store_idx %arg13[%iota3A, %add3A_941], %get3A_944 : memref<32x257xf32, #tpu.memory_space<vmem>>[vector<16xi32>, vector<16xi32>], vector<16xf32>,
      tpu.vector_store_idx %arg13[%add3A_5, %add3A_941], %get3A_949 : memref<32x257xf32, #tpu.memory_space<vmem>>[vector<16xi32>, vector<16xi32>], vector<16xf32>,
      %mul3A_950 = arith.constant 16 : i32
      %mul3A_951 = arith.muli %scan3A_787, %mul3A_950 : i32
      %add3A_952 = arith.constant 10 : i32
      %add3A_953 = arith.addi %mul3A_951, %add3A_952 : i32
      %slice3A_954 = vector.extract_strided_slice %get3A_791 {offsets = [10], sizes = [1], strides = [1]} : vector<16xi32> to vector<1xi32>
      %squeeze3A_955 = vector.extract %slice3A_954[0] : i32 from vector<1xi32>
      %add3A_956 = vector.broadcast %add3A_953 : i32 to vector<16xi32>
      %add3A_957 = arith.addi %mul3A_8, %add3A_956 : vector<16xi32>
      %get3A_958 = arith.index_cast %add3A_953 : i32 to index
      %get3A_959 = arith.index_cast %squeeze3A_955 : i32 to index
      %get3A_960 = tpu.vector_load %arg11[%get3A_958, %get3A_959] {strides = array<i32>} : memref<256x128xf32, #tpu.memory_space<vmem>>, vector<16xf32>,
      %add3A_961 = arith.constant 16 : i32
      %add3A_962 = arith.addi %squeeze3A_955, %add3A_961 : i32
      %get3A_963 = arith.index_cast %add3A_953 : i32 to index
      %get3A_964 = arith.index_cast %add3A_962 : i32 to index
      %get3A_965 = tpu.vector_load %arg11[%get3A_963, %get3A_964] {strides = array<i32>} : memref<256x128xf32, #tpu.memory_space<vmem>>, vector<16xf32>,
      tpu.vector_store_idx %arg13[%iota3A, %add3A_957], %get3A_960 : memref<32x257xf32, #tpu.memory_space<vmem>>[vector<16xi32>, vector<16xi32>], vector<16xf32>,
      tpu.vector_store_idx %arg13[%add3A_5, %add3A_957], %get3A_965 : memref<32x257xf32, #tpu.memory_space<vmem>>[vector<16xi32>, vector<16xi32>], vector<16xf32>,
      %mul3A_966 = arith.constant 16 : i32
      %mul3A_967 = arith.muli %scan3A_787, %mul3A_966 : i32
      %add3A_968 = arith.constant 11 : i32
      %add3A_969 = arith.addi %mul3A_967, %add3A_968 : i32
      %slice3A_970 = vector.extract_strided_slice %get3A_791 {offsets = [11], sizes = [1], strides = [1]} : vector<16xi32> to vector<1xi32>
      %squeeze3A_971 = vector.extract %slice3A_970[0] : i32 from vector<1xi32>
      %add3A_972 = vector.broadcast %add3A_969 : i32 to vector<16xi32>
      %add3A_973 = arith.addi %mul3A_8, %add3A_972 : vector<16xi32>
      %get3A_974 = arith.index_cast %add3A_969 : i32 to index
      %get3A_975 = arith.index_cast %squeeze3A_971 : i32 to index
      %get3A_976 = tpu.vector_load %arg11[%get3A_974, %get3A_975] {strides = array<i32>} : memref<256x128xf32, #tpu.memory_space<vmem>>, vector<16xf32>,
      %add3A_977 = arith.constant 16 : i32
      %add3A_978 = arith.addi %squeeze3A_971, %add3A_977 : i32
      %get3A_979 = arith.index_cast %add3A_969 : i32 to index
      %get3A_980 = arith.index_cast %add3A_978 : i32 to index
      %get3A_981 = tpu.vector_load %arg11[%get3A_979, %get3A_980] {strides = array<i32>} : memref<256x128xf32, #tpu.memory_space<vmem>>, vector<16xf32>,
      tpu.vector_store_idx %arg13[%iota3A, %add3A_973], %get3A_976 : memref<32x257xf32, #tpu.memory_space<vmem>>[vector<16xi32>, vector<16xi32>], vector<16xf32>,
      tpu.vector_store_idx %arg13[%add3A_5, %add3A_973], %get3A_981 : memref<32x257xf32, #tpu.memory_space<vmem>>[vector<16xi32>, vector<16xi32>], vector<16xf32>,
      %mul3A_982 = arith.constant 16 : i32
      %mul3A_983 = arith.muli %scan3A_787, %mul3A_982 : i32
      %add3A_984 = arith.constant 12 : i32
      %add3A_985 = arith.addi %mul3A_983, %add3A_984 : i32
      %slice3A_986 = vector.extract_strided_slice %get3A_791 {offsets = [12], sizes = [1], strides = [1]} : vector<16xi32> to vector<1xi32>
      %squeeze3A_987 = vector.extract %slice3A_986[0] : i32 from vector<1xi32>
      %add3A_988 = vector.broadcast %add3A_985 : i32 to vector<16xi32>
      %add3A_989 = arith.addi %mul3A_8, %add3A_988 : vector<16xi32>
      %get3A_990 = arith.index_cast %add3A_985 : i32 to index
      %get3A_991 = arith.index_cast %squeeze3A_987 : i32 to index
      %get3A_992 = tpu.vector_load %arg11[%get3A_990, %get3A_991] {strides = array<i32>} : memref<256x128xf32, #tpu.memory_space<vmem>>, vector<16xf32>,
      %add3A_993 = arith.constant 16 : i32
      %add3A_994 = arith.addi %squeeze3A_987, %add3A_993 : i32
      %get3A_995 = arith.index_cast %add3A_985 : i32 to index
      %get3A_996 = arith.index_cast %add3A_994 : i32 to index
      %get3A_997 = tpu.vector_load %arg11[%get3A_995, %get3A_996] {strides = array<i32>} : memref<256x128xf32, #tpu.memory_space<vmem>>, vector<16xf32>,
      tpu.vector_store_idx %arg13[%iota3A, %add3A_989], %get3A_992 : memref<32x257xf32, #tpu.memory_space<vmem>>[vector<16xi32>, vector<16xi32>], vector<16xf32>,
      tpu.vector_store_idx %arg13[%add3A_5, %add3A_989], %get3A_997 : memref<32x257xf32, #tpu.memory_space<vmem>>[vector<16xi32>, vector<16xi32>], vector<16xf32>,
      %mul3A_998 = arith.constant 16 : i32
      %mul3A_999 = arith.muli %scan3A_787, %mul3A_998 : i32
      %add3A_1000 = arith.constant 13 : i32
      %add3A_1001 = arith.addi %mul3A_999, %add3A_1000 : i32
      %slice3A_1002 = vector.extract_strided_slice %get3A_791 {offsets = [13], sizes = [1], strides = [1]} : vector<16xi32> to vector<1xi32>
      %squeeze3A_1003 = vector.extract %slice3A_1002[0] : i32 from vector<1xi32>
      %add3A_1004 = vector.broadcast %add3A_1001 : i32 to vector<16xi32>
      %add3A_1005 = arith.addi %mul3A_8, %add3A_1004 : vector<16xi32>
      %get3A_1006 = arith.index_cast %add3A_1001 : i32 to index
      %get3A_1007 = arith.index_cast %squeeze3A_1003 : i32 to index
      %get3A_1008 = tpu.vector_load %arg11[%get3A_1006, %get3A_1007] {strides = array<i32>} : memref<256x128xf32, #tpu.memory_space<vmem>>, vector<16xf32>,
      %add3A_1009 = arith.constant 16 : i32
      %add3A_1010 = arith.addi %squeeze3A_1003, %add3A_1009 : i32
      %get3A_1011 = arith.index_cast %add3A_1001 : i32 to index
      %get3A_1012 = arith.index_cast %add3A_1010 : i32 to index
      %get3A_1013 = tpu.vector_load %arg11[%get3A_1011, %get3A_1012] {strides = array<i32>} : memref<256x128xf32, #tpu.memory_space<vmem>>, vector<16xf32>,
      tpu.vector_store_idx %arg13[%iota3A, %add3A_1005], %get3A_1008 : memref<32x257xf32, #tpu.memory_space<vmem>>[vector<16xi32>, vector<16xi32>], vector<16xf32>,
      tpu.vector_store_idx %arg13[%add3A_5, %add3A_1005], %get3A_1013 : memref<32x257xf32, #tpu.memory_space<vmem>>[vector<16xi32>, vector<16xi32>], vector<16xf32>,
      %mul3A_1014 = arith.constant 16 : i32
      %mul3A_1015 = arith.muli %scan3A_787, %mul3A_1014 : i32
      %add3A_1016 = arith.constant 14 : i32
      %add3A_1017 = arith.addi %mul3A_1015, %add3A_1016 : i32
      %slice3A_1018 = vector.extract_strided_slice %get3A_791 {offsets = [14], sizes = [1], strides = [1]} : vector<16xi32> to vector<1xi32>
      %squeeze3A_1019 = vector.extract %slice3A_1018[0] : i32 from vector<1xi32>
      %add3A_1020 = vector.broadcast %add3A_1017 : i32 to vector<16xi32>
      %add3A_1021 = arith.addi %mul3A_8, %add3A_1020 : vector<16xi32>
      %get3A_1022 = arith.index_cast %add3A_1017 : i32 to index
      %get3A_1023 = arith.index_cast %squeeze3A_1019 : i32 to index
      %get3A_1024 = tpu.vector_load %arg11[%get3A_1022, %get3A_1023] {strides = array<i32>} : memref<256x128xf32, #tpu.memory_space<vmem>>, vector<16xf32>,
      %add3A_1025 = arith.constant 16 : i32
      %add3A_1026 = arith.addi %squeeze3A_1019, %add3A_1025 : i32
      %get3A_1027 = arith.index_cast %add3A_1017 : i32 to index
      %get3A_1028 = arith.index_cast %add3A_1026 : i32 to index
      %get3A_1029 = tpu.vector_load %arg11[%get3A_1027, %get3A_1028] {strides = array<i32>} : memref<256x128xf32, #tpu.memory_space<vmem>>, vector<16xf32>,
      tpu.vector_store_idx %arg13[%iota3A, %add3A_1021], %get3A_1024 : memref<32x257xf32, #tpu.memory_space<vmem>>[vector<16xi32>, vector<16xi32>], vector<16xf32>,
      tpu.vector_store_idx %arg13[%add3A_5, %add3A_1021], %get3A_1029 : memref<32x257xf32, #tpu.memory_space<vmem>>[vector<16xi32>, vector<16xi32>], vector<16xf32>,
      %mul3A_1030 = arith.constant 16 : i32
      %mul3A_1031 = arith.muli %scan3A_787, %mul3A_1030 : i32
      %add3A_1032 = arith.constant 15 : i32
      %add3A_1033 = arith.addi %mul3A_1031, %add3A_1032 : i32
      %slice3A_1034 = vector.extract_strided_slice %get3A_791 {offsets = [15], sizes = [1], strides = [1]} : vector<16xi32> to vector<1xi32>
      %squeeze3A_1035 = vector.extract %slice3A_1034[0] : i32 from vector<1xi32>
      %add3A_1036 = vector.broadcast %add3A_1033 : i32 to vector<16xi32>
      %add3A_1037 = arith.addi %mul3A_8, %add3A_1036 : vector<16xi32>
      %get3A_1038 = arith.index_cast %add3A_1033 : i32 to index
      %get3A_1039 = arith.index_cast %squeeze3A_1035 : i32 to index
      %get3A_1040 = tpu.vector_load %arg11[%get3A_1038, %get3A_1039] {strides = array<i32>} : memref<256x128xf32, #tpu.memory_space<vmem>>, vector<16xf32>,
      %add3A_1041 = arith.constant 16 : i32
      %add3A_1042 = arith.addi %squeeze3A_1035, %add3A_1041 : i32
      %get3A_1043 = arith.index_cast %add3A_1033 : i32 to index
      %get3A_1044 = arith.index_cast %add3A_1042 : i32 to index
      %get3A_1045 = tpu.vector_load %arg11[%get3A_1043, %get3A_1044] {strides = array<i32>} : memref<256x128xf32, #tpu.memory_space<vmem>>, vector<16xf32>,
      tpu.vector_store_idx %arg13[%iota3A, %add3A_1037], %get3A_1040 : memref<32x257xf32, #tpu.memory_space<vmem>>[vector<16xi32>, vector<16xi32>], vector<16xf32>,
      tpu.vector_store_idx %arg13[%add3A_5, %add3A_1037], %get3A_1045 : memref<32x257xf32, #tpu.memory_space<vmem>>[vector<16xi32>, vector<16xi32>], vector<16xf32>,
    }
    %scan3A_761 = arith.constant 16 : i32
    %dma_start3A_762 = arith.constant 49 : i32
    %dma_start3A_763 = arith.constant 0 : i32
    %dma_start3A_764 = arith.constant 0 : i32
    %dma_start3A_765 = tpu.memref_slice %arg13[%dma_start3A_763, %dma_start3A_764] : memref<32x257xf32, #tpu.memory_space<vmem>> -> memref<32x256xf32, #tpu.memory_space<vmem>>
    %dma_start3A_766 = arith.constant 0 : i32
    %dma_start3A_767 = tpu.memref_slice %arg4[%dma_start3A_762, %dma_start3A_766, %add3A_743] : memref<50x32x16384xf32, #tpu.memory_space<hbm>> -> memref<1x32x256xf32, #tpu.memory_space<hbm>>
    %dma_start3A_768 = tpu.memref_squeeze %dma_start3A_767 : memref<1x32x256xf32, #tpu.memory_space<hbm>> -> memref<32x256xf32, #tpu.memory_space<hbm>>
    %dma_start3A_769 = arith.constant 0 : i32
    %dma_start3A_770 = tpu.memref_slice %arg4[%dma_start3A_762, %dma_start3A_769, %add3A_743] : memref<50x32x16384xf32, #tpu.memory_space<hbm>> -> memref<1x32x256xf32, #tpu.memory_space<hbm>>
    %dma_start3A_771 = tpu.memref_squeeze %dma_start3A_770 : memref<1x32x256xf32, #tpu.memory_space<hbm>> -> memref<32x256xf32, #tpu.memory_space<hbm>>
    %dma_start3A_772 = arith.constant 0 : i32
    %dma_start3A_773 = arith.constant 0 : i32
    %dma_start3A_774 = tpu.memref_slice %arg13[%dma_start3A_772, %dma_start3A_773] : memref<32x257xf32, #tpu.memory_space<vmem>> -> memref<32x256xf32, #tpu.memory_space<vmem>>
    tpu.enqueue_dma source(%dma_start3A_774 : memref<32x256xf32, #tpu.memory_space<vmem>>) target(%dma_start3A_771 : memref<32x256xf32, #tpu.memory_space<hbm>>) target_semaphore(%arg19 : memref<!tpu.dma_semaphore, #tpu.memory_space<semaphore_mem>>)
    %dma_wait3A_775 = arith.constant 0 : i32
    %dma_wait3A_776 = arith.constant 0 : i32
    %dma_wait3A_777 = tpu.memref_slice %arg12[%dma_wait3A_775, %dma_wait3A_776] : memref<32x257xf32, #tpu.memory_space<vmem>> -> memref<32x256xf32, #tpu.memory_space<vmem>>
    %dma_wait3A_778 = arith.constant 0 : i32
    %dma_wait3A_779 = arith.constant 0 : i32
    %dma_wait3A_780 = tpu.memref_slice %arg12[%dma_wait3A_778, %dma_wait3A_779] : memref<32x257xf32, #tpu.memory_space<vmem>> -> memref<32x256xf32, #tpu.memory_space<vmem>>
    tpu.wait_dma2 semaphore(%arg18 : memref<!tpu.dma_semaphore, #tpu.memory_space<semaphore_mem>>) src(%dma_wait3A_780 : memref<32x256xf32, #tpu.memory_space<vmem>>) dst(%arg14 : memref<32x256xf32, #tpu.memory_space<hbm>>)
    %dma_wait3A_781 = arith.constant 0 : i32
    %dma_wait3A_782 = arith.constant 0 : i32
    %dma_wait3A_783 = tpu.memref_slice %arg13[%dma_wait3A_781, %dma_wait3A_782] : memref<32x257xf32, #tpu.memory_space<vmem>> -> memref<32x256xf32, #tpu.memory_space<vmem>>
    %dma_wait3A_784 = arith.constant 0 : i32
    %dma_wait3A_785 = arith.constant 0 : i32
    %dma_wait3A_786 = tpu.memref_slice %arg13[%dma_wait3A_784, %dma_wait3A_785] : memref<32x257xf32, #tpu.memory_space<vmem>> -> memref<32x256xf32, #tpu.memory_space<vmem>>
    tpu.wait_dma2 semaphore(%arg19 : memref<!tpu.dma_semaphore, #tpu.memory_space<semaphore_mem>>) src(%dma_wait3A_786 : memref<32x256xf32, #tpu.memory_space<vmem>>) dst(%arg14 : memref<32x256xf32, #tpu.memory_space<hbm>>)
    return
  }
}

</mosaic_0001>

<sc_bundles>
// kernel: kernel.3.cloned.1.call-start
scs
__scs_entry_jumppad:
0x0: {  	(pc) =	sbr.rel $0x88, $3  }
0x1: {  	(tag) =	ssettag $0x0;
	lr =	simm.s32 $0x1  }
0x2: {  	[smem:$0x3F9F] =	sst lr;
	_ =	strace $0xD0000000  }
0x3: {  	_ = 	snop  }
0x4: {  	_ = 	snop  }
0x5: {  	_ = 	snop  }
0x6: {  	_ = 	snop  }
0x7: {  	_ = 	snop  }
__scs_overlays_trampoline_lowered:
0x8: {  	[smem:$0x3FAE] =	sst s0  }
0x9: {  	[smem:$0x3FAF] =	sst s1  }
0xa: {  	[smem:$0x3FB0] =	sst s2  }
0xb: {  	[smem:$0x3FB1] =	sst s3  }
0xc: {  	[smem:$0x3FB2] =	sst s4  }
0xd: {  	[smem:$0x3FB3] =	sst s5  }
0xe: {  	[smem:$0x3FB4] =	sst s6  }
0xf: {  	[smem:$0x3FB5] =	sst s7  }
0x10: {  	[smem:$0x3FB6] =	sst s8  }
0x11: {  	[smem:$0x3FB7] =	sst s9;
	s0 =	simm.s32 @!p0 $0x0  }
0x12: {  	s1 =	sld [smem:$0x3F9D];
	s0 =	simm.s32 @p0 $0x1  }
0x13: {  	[smem:$0x3FB8] =	sst s0;
	s0 =	simm.s32 @!p1 $0x0  }
0x14: {  	s2 =	sld [smem:$0x3F9C];
	s0 =	simm.s32 @p1 $0x1  }
0x15: {  	[smem:$0x3FB9] =	sst s0;
	s0 =	simm.s32 @!p2 $0x0  }
0x16: {  	s3 =	sld [smem:$0x3FDB];
	s0 =	simm.s32 @p2 $0x1  }
0x17: {  	s4 =	simm.s32 $0x1BF5;
	[smem:$0x3FBB] =	sst s0  }
0x18: {  	s0 =	sld [smem:$0x3F9E];
	_ =	swait.ge [sflag:s4], $0x0  }
0x19: {  	s7 =	sld [smem:$0x3F9F]  }
0x1a: {  	s8 =	sadd.s32 $0xFFFFE003, lr  }
0x1b: {  	s9 =	sadd.s32 $0xFFFFFEF7, lr;
	s5 =	simm.s32 $0xFFFFFFFF;
	p2 =	slt.u32 s8, $0xFFFFF086  }
0x1c: {  	p1 =	slt.u32 s9, $0xF7A;
	s5 =	simm.s32 @!p2 $0x0  }
0x1d: {  	s5 =	simm.s32 @p1 $0x1;
	p0 =	seq.s32 s7, s2  }
0x1e: {  	s7 =	smul.u32 @!p0 $0xF7A, s2;
	p2 =	seq.s32 @!p0 s5, $0x0  }
0x1f: {  	s9 =	smul.u32 $0xF7A, s1;
	s8 =	simm.s32 @!p0 $0x1BF5;
	p2 =	por !p2, p0  }
0x20: {  	[sflag:s8] =	ssyncset.s32 @!p0 $0xFFFFF086;
	s6 =	sadd.s32 @!p0 s3, s7;
	s7 =	simm.s32 @!p0 $0x108  }
0x21: {  	s3 =	sadd.s32 s3, s9;
	s6 =	sadd.s32 @!p0 $0x88, s6;
	s7 =	simm.s32 @p2 $0x1082  }
0x22: {  	[simem:s7], [sflag:s8] =	dma.local @!p0 [hbm:s6], $0xF7A  }
0x23: {  	s9 =	sor.u32 $0xD0000000, s2;
	s6 =	simm.s32 $0x108;
	_ =	swait.ge @!p0 [sflag:s8], $0x0  }
0x24: {  	s3 =	sadd.s32 $0x88, s3;
	s6 =	simm.s32 @!p1 $0x1082;
	[sflag:s4] =	ssyncset.s32 $0xFFFFF086  }
0x25: {  	[simem:s6], [sflag:s4] =	dma.local [hbm:s3], $0xF7A  }
0x26: {  	[smem:$0x3F9F] =	sst s1;
	(tag) =	ssettag s2;
	_ =	strace s9  }
0x27: {  	s1 =	sld [smem:$0x3FAF]  }
0x28: {  	s2 =	sld [smem:$0x3FB0]  }
0x29: {  	s4 =	sld [smem:$0x3FB2]  }
0x2a: {  	p0 =	seq.s32 s5, $0x0;
	s5 =	sld [smem:$0x3FB3]  }
0x2b: {  	s6 =	sld [smem:$0x3FB4]  }
0x2c: {  	s7 =	sld [smem:$0x3FB5]  }
0x2d: {  	s3 =	simm.s32 $0x108;
	s8 =	sld [smem:$0x3FB6]  }
0x2e: {  	s3 =	simm.s32 @!p0 $0x1082;
	s9 =	sld [smem:$0x3FB7]  }
0x2f: {  	lr =	sadd.s32 s0, s3;
	s0 =	sld [smem:$0x3FAE]  }
0x30: {  	s3 =	sld [smem:$0x3FB1]  }
0x31: {  	[smem:$0x3FBA] =	sst s10  }
0x32: {  	s10 =	sld [smem:$0x3FB8];
	_ =	sdelay $0x3  }
0x33: {  	p0 =	seq.s32 s10, $0x1;
	s10 =	sld [smem:$0x3FBA];
	_ =	sdelay $0x3  }
0x34: {  	[smem:$0x3FBA] =	sst s10  }
0x35: {  	s10 =	sld [smem:$0x3FB9];
	_ =	sdelay $0x3  }
0x36: {  	p1 =	seq.s32 s10, $0x1;
	s10 =	sld [smem:$0x3FBA];
	_ =	sdelay $0x3  }
0x37: {  	[smem:$0x3FBA] =	sst s10  }
0x38: {  	s10 =	sld [smem:$0x3FBB]  }
0x39: {  	_ = 	snop;
	(pc) =	sbr.ind lr, $3  }
0x3a: {  	_ = 	snop  }
0x3b: {  	_ = 	snop  }
0x3c: {  	p2 =	seq.s32 s10, $0x1;
	s10 =	sld [smem:$0x3FBA]  }
0x3d: {  	_ =	shalt  }
0x3e: {  	_ =	shalt  }
0x3f: {  	_ =	shalt  }
0x40: {  	_ =	shalt  }
0x41: {  	_ =	shalt  }
0x42: {  	_ =	shalt  }
0x43: {  	_ =	shalt  }
0x44: {  	_ =	shalt  }
0x45: {  	_ =	shalt  }
0x46: {  	_ =	shalt  }
0x47: {  	_ =	shalt  }
0x48: {  	_ =	shalt  }
0x49: {  	_ =	shalt  }
0x4a: {  	_ =	shalt  }
0x4b: {  	_ =	shalt  }
0x4c: {  	_ =	shalt  }
0x4d: {  	_ =	shalt  }
0x4e: {  	_ =	shalt  }
0x4f: {  	_ =	shalt  }
0x50: {  	_ =	shalt  }
0x51: {  	_ =	shalt  }
0x52: {  	_ =	shalt  }
0x53: {  	_ =	shalt  }
0x54: {  	_ =	shalt  }
0x55: {  	_ =	shalt  }
0x56: {  	_ =	shalt  }
0x57: {  	_ =	shalt  }
0x58: {  	_ =	shalt  }
0x59: {  	_ =	shalt  }
0x5a: {  	_ =	shalt  }
0x5b: {  	_ =	shalt  }
0x5c: {  	_ =	shalt  }
0x5d: {  	_ =	shalt  }
0x5e: {  	_ =	shalt  }
0x5f: {  	_ =	shalt  }
0x60: {  	_ =	shalt  }
0x61: {  	_ =	shalt  }
0x62: {  	_ =	shalt  }
0x63: {  	_ =	shalt  }
0x64: {  	_ =	shalt  }
0x65: {  	_ =	shalt  }
0x66: {  	_ =	shalt  }
0x67: {  	_ =	shalt  }
0x68: {  	_ =	shalt  }
0x69: {  	_ =	shalt  }
0x6a: {  	_ =	shalt  }
0x6b: {  	_ =	shalt  }
0x6c: {  	_ =	shalt  }
0x6d: {  	_ =	shalt  }
0x6e: {  	_ =	shalt  }
0x6f: {  	_ =	shalt  }
0x70: {  	_ =	shalt  }
0x71: {  	_ =	shalt  }
0x72: {  	_ =	shalt  }
0x73: {  	_ =	shalt  }
0x74: {  	_ =	shalt  }
0x75: {  	_ =	shalt  }
0x76: {  	_ =	shalt  }
0x77: {  	_ =	shalt  }
0x78: {  	_ =	shalt  }
0x79: {  	_ =	shalt  }
0x7a: {  	_ =	shalt  }
0x7b: {  	_ =	shalt  }
0x7c: {  	_ =	shalt  }
0x7d: {  	_ =	shalt  }
0x7e: {  	_ =	shalt  }
0x7f: {  	_ =	shalt  }
0x80: {  	_ =	shalt  }
0x81: {  	_ =	shalt  }
0x82: {  	_ =	shalt  }
0x83: {  	_ =	shalt  }
0x84: {  	_ =	shalt  }
0x85: {  	_ =	shalt  }
0x86: {  	_ =	shalt  }
0x87: {  	_ =	shalt  }
.Lfunc_end0:
.L_simem_size_0:
called_computation_lowered:
.L_overlay_start_0:
0x88: {  	s2 =	sld [smem:$0x3FD9]  }
0x89: {  	s3 =	sld [smem:$0x3FFE];
	_ =	sdelay $0x1  }
0x8a: {  	s1 =	srdreg.scid  }
0x8b: {  	s0 =	sand.u32 $0x1, s1  }
0x8c: {  	s18 =	sshll.u32 s0, $0xA;
	s2 =	sadd.s32 s3, s2  }
0x8d: {  	s3 =	sadd.s32 s2, s18  }
0x8e: {  	[smem:$0x3FC6] =	sst s3  }
0x8f: {  	_ = 	snop  }
0x90: {  	s3 =	sld [smem:$0x3FC9]  }
0x91: {  	s4 =	sld [smem:$0x3FD0];
	(tm) =	ssettm $0x1  }
0x92: {  	s5 =	sld [smem:$0x3FFB];
	_ =	sdelay $0x3  }
0x93: {  	_ =	strace s5  }
0x94: {  	s5 =	sld [smem:$0x3FFC];
	_ =	sdelay $0x3  }
0x95: {  	_ =	strace s5  }
0x96: {  	s5 =	sld [smem:$0x3FFD];
	_ =	sdelay $0x3  }
0x97: {  	_ =	strace s5  }
0x98: {  	_ =	strace $0x8FFFFFFF  }
0x99: {  	s19 =	sld [smem:$0x3FDB];
	_ =	sdelay $0x1  }
0x9a: {  	s6 =	simm.s32 $_scs_section_size  }
0x9b: {  	s7 =	simm.s32 $_size__tile_overlayer_lowered;
	s8 =	simm.s32 $_tile_overlayer_lowered  }
0x9c: {  	s22 =	simm.s32 $0x1BFF;
	s21 =	sshll.u32 s8, $0x1;
	s5 =	sadd.s32 s6, s19  }
0x9d: {  	s9 =	simm.s32 $0x0;
	s20 =	sshll.u32 s7, $0x1;
	s7 =	sadd.s32 s21, s5  }
0x9e: {  	[timem:s9], [sflag:s22] =	dma.local [hbm:s7], s20  }
0x9f: {  	_ =	swait.ge [sflag:s22], s20  }
0xa0: {  	s6 =	ssub.s32 $0x0, s20;
	[sflag:s22] =	ssyncset.done $0x0  }
0xa1: {  	[sflag:s22] =	ssyncadd.s32 s6;
	_ =	sdelay $0x1  }
0xa2: {  	s23 =	simm.s32 $0x1B8B  }
0xa3: {  	_ =	swait.ge [sflag:s23], $0x1  }
0xa4: {  	[sflag:s23] =	ssyncset.done $0x0  }
0xa5: {  	s25 =	simm.s32 $0x1B8E;
	s24 =	sld [smem:$0x3FFE];
	[sflag:s23] =	ssyncadd.s32 $0xFFFFFFFF  }
0xa6: {  	s26 =	simm.s32 $execute0_lowered;
	[smem:$0x3FD2] =	sst s25  }
0xa7: {  	s7 =	sshll.u32 s26, $0x1;
	_ =	strace $0x80000046;
	[dreg:$0x1] =	wrdreg $0xFFFFFFFF  }
0xa8: {  	s28 =	simm.s32 $_size_execute0_lowered;
	s5 =	sadd.s32 s5, s7;
	[dreg:$0x0] =	wrdreg $0x0  }
0xa9: {  	s7 =	sshll.u32 s28, $0x1;
	[dreg:$0x2] =	wrdreg s5  }
0xaa: {  	[dreg:$0x3] =	wrdreg s7  }
0xab: {  	[dreg:$0x4] =	wrdreg $0xC0  }
0xac: {  	_ =	task [dreg:s9], $0x5FFFF  }
0xad: {  	[dreg:$0x1] =	wrdreg $0xFFFFFFFF  }
0xae: {  	[dreg:$0x0] =	wrdreg $0x60  }
0xaf: {  	[dreg:$0x2] =	wrdreg s3  }
0xb0: {  	[dreg:$0x3] =	wrdreg s24  }
0xb1: {  	s2 =	sadd.s32 $0x800, s2;
	[dreg:$0x4] =	wrdreg s4  }
0xb2: {  	[dreg:$0x5] =	wrdreg s2  }
0xb3: {  	[dreg:$0x6] =	wrdreg $0x9  }
0xb4: {  	_ =	task.clear_ibuf [dreg:s9], $0x7FFFF;
	_ =	strace $0x90000046  }
0xb5: {  	s29 =	simm.s32 $0x9;
	_ =	strace $0x80000048  }
0xb6: {  	_ =	swait.ge [sflag:s29], $0x1  }
0xb7: {  	[sflag:s29] =	ssyncadd.s32 $0xFFFFFFFF  }
0xb8: {  	_ =	strace $0x90000048  }
0xb9: {  	_ =	sfence  }
0xba: {  	s30 =	sld [smem:$0x0];
	_ =	sdelay $0x2  }
0xbb: {  	s31 =	sshll.u32 s1, $0xD;
	s1 =	sshrl.u32 s1, $0x2  }
0xbc: {  	s3 =	sand.u32 $0x4000, s31;
	s1 =	sadd.s32 s1, s30  }
0xbd: {  	s0 =	sor.u32 s3, s0;
	s1 =	sshll.u32 s1, $0x11  }
0xbe: {  	s0 =	sor.u32 s1, s0  }
0xbf: {  	s0 =	sadd.s32 $0x8F2B, s0  }
0xc0: {  	[sflag:s0] =	ssyncadd.remote.s32 $0x1  }
0xc1: {  	_ =	sfence.sel $0xFFFF  }
0xc2: {  	[dreg:$0x0] =	wrdreg $0xFFFFFFFF;
	(pc) =	sbr.abs _section_cstart, $3  }
0xc3: {  	[dreg:$0x1] =	wrdreg $0xFFFFFFFF  }
0xc4: {  	_ =	task.clear_ibuf [dreg:s9], $0x2FFFF;
	_ =	strace $0x9FFFFFFF  }
0xc5: {  	(tm) =	ssettm $0x7FFFFFFF  }
tec
execute0_lowered:
.L_overlay_start_1:
0x0: {  	(tag) =	ssettag $0x1  }
0x1: {  	s0 =	rddreg [dreg:$0x0]  }
0x2: {  	s1 =	rddreg [dreg:$0x1]  }
0x3: {  	s2 =	rddreg [dreg:$0x2]  }
0x4: {  	s8 =	rddreg [dreg:$0x3];
	s4 =	srdreg.scid;
	s3 =	simm.s32 $0x0  }
0x5: {  	s5 =	stileid.u32;
	v0 =	vimm.s32 $0xF80;
	vm0 =	vcmask $0x300;
	v1 =	vimm.s32 $0x2780;
	s31 =	simm.s32 $0x1A400;
	s29 =	simm.s32 $0x1B000  }
0x6: {  	vm1 =	vcmask $0x704;
	s9 =	simm.s32 $0x5;
	s4 =	sand.u32 $0x1, s4;
	[smem:$0x7FF] =	sst s3;
	v0 =	vsel vm0, $0x0, v0;
	v1 =	vsel vm0, $0x1800, v1  }
0x7: {  	vm15 =	vcmask $0xB08;
	s5 =	sshll.u32 s5, $0xA;
	s28 =	sadd.s32 $0x100, s8;
	s30 =	sadd.s32 $0x200, s8;
	v0 =	vsel vm1, $0x80, v0;
	v1 =	vsel vm1, $0x1880, v1  }
0x8: {  	vm4 =	vcmask $0xF0C;
	s8 =	simm.s32 $0x3;
	s6 =	sshll.u32 s4, $0x9;
	_ =	strace $0x80000047;
	v0 =	vsel vm15, $0x100, v0;
	v1 =	vsel vm15, $0x1900, v1  }
0x9: {  	vm5 =	vcmask $0x1310;
	s7 =	ssub.s32 $0x2, s4;
	[dreg:$0xf] =	wrdreg s28;
	s5 =	sor.u32 s6, s5;
	v0 =	vsel vm4, $0x180, v0;
	v1 =	vsel vm4, $0x1980, v1  }
0xa: {  	vm6 =	vcmask $0x1714;
	s4 =	sadd.s32 $0xF42800, s1;
	[dreg:$0x10] =	wrdreg s30;
	s6 =	sadd.s32 s0, s5;
	v0 =	vsel vm5, $0x200, v0;
	v1 =	vsel vm5, $0x1A00, v1  }
0xb: {  	vm7 =	vcmask $0x1B18;
	s1 =	simm.s32 $0x1BC00;
	s19 =	sadd.s32 $0x4000, s6;
	[dreg:$0x5] =	wrdreg s6;
	v0 =	vsel vm6, $0x280, v0;
	v1 =	vsel vm6, $0x1A80, v1  }
0xc: {  	vm8 =	vcmask $0x1F1C;
	s17 =	sshrl.u32 s7, $0x1;
	s20 =	sadd.s32 $0x8000, s6;
	[dreg:$0x6] =	wrdreg s19;
	v0 =	vsel vm7, $0x300, v0;
	v1 =	vsel vm7, $0x1B00, v1  }
0xd: {  	vm9 =	vcmask $0x2320;
	s18 =	ssub.s32 s7, s17;
	s21 =	sadd.s32 $0xC000, s6;
	[dreg:$0x7] =	wrdreg s20;
	v0 =	vsel vm8, $0x380, v0;
	v1 =	vsel vm8, $0x1B80, v1  }
0xe: {  	vm10 =	vcmask $0x2724;
	s10 =	sadd.s32 s2, s5;
	s22 =	sadd.s32 $0x10000, s6;
	[dreg:$0x8] =	wrdreg s21;
	v0 =	vsel vm9, $0xC00, v0;
	v1 =	vsel vm9, $0x2400, v1  }
0xf: {  	vm11 =	vcmask $0x2B28;
	s17 =	simm.s32 $0x1C800;
	s23 =	sadd.s32 $0x14000, s6;
	[dreg:$0x9] =	wrdreg s22;
	v0 =	vsel vm10, $0xC80, v0;
	v1 =	vsel vm10, $0x2480, v1  }
0x10: {  	vm12 =	vcmask $0x2F2C;
	s7 =	simm.s32 $0x4;
	s24 =	sadd.s32 $0x18000, s6;
	[dreg:$0xa] =	wrdreg s23;
	v0 =	vsel vm11, $0xD00, v0;
	v1 =	vsel vm11, $0x2500, v1  }
0x11: {  	vm13 =	vcmask $0x3330;
	s2 =	simm.s32 $0x0;
	s25 =	sadd.s32 $0x310000, s10;
	[dreg:$0xb] =	wrdreg s24;
	v0 =	vsel vm12, $0xD80, v0;
	v1 =	vsel vm12, $0x2580, v1  }
0x12: {  	vm14 =	vcmask $0x3734;
	s13 =	sadd.s32 $0x100, s10;
	s26 =	sadd.s32 $0x310100, s10;
	[dreg:$0xc] =	wrdreg s25;
	v0 =	vsel vm13, $0xE00, v0;
	v1 =	vsel vm13, $0x2600, v1  }
0x13: {  	vm15 =	vcmask $0x3B38;
	s0 =	smax.u32 s18, $0x1;
	s18 =	simm.s32 $0x100;
	[dreg:$0xd] =	wrdreg s26;
	v0 =	vsel vm14, $0xE80, v0;
	v1 =	vsel vm14, $0x2680, v1  }
0x14: {  	s6 =	simm.s32 $0x2;
	[dreg:$0xe] =	wrdreg s0;
	s24 =	simm.s32 $0x17400;
	v0 =	vsel vm15, $0xF00, v0;
	v1 =	vsel vm15, $0x2700, v1  }
.LBB2_1:
0x15: {  	[dreg:$0x11] =	wrdreg s2  }
0x16: {  	s0 =	rddreg [dreg:$0x5]  }
0x17: {  	[tilespmem:s3], [sflag:$0x1] =	stream.linear.gather [hbm4b:s0+s3], $0x1000, $0x38;
	[tilespmem:$0x1D400] =	vst v63  }
0x18: {  	s28 =	rddreg [dreg:$0x6];
	s30 =	simm.s32 $0x1000  }
0x19: {  	[tilespmem:s30], [sflag:$0x1] =	stream.linear.gather [hbm4b:s28+s3], $0x1000, $0x38;
	[tilespmem:$0x1D400] =	vst v63  }
0x1a: {  	s5 =	rddreg [dreg:$0x7];
	s11 =	simm.s32 $0x2000  }
0x1b: {  	[tilespmem:s11], [sflag:$0x1] =	stream.linear.gather [hbm4b:s5+s3], $0x1000, $0x38;
	[tilespmem:$0x1D400] =	vst v63  }
0x1c: {  	s12 =	rddreg [dreg:$0x8];
	s14 =	simm.s32 $0x3000  }
0x1d: {  	[tilespmem:s14], [sflag:$0x1] =	stream.linear.gather [hbm4b:s12+s3], $0x1000, $0x38;
	[tilespmem:$0x1D400] =	vst v63  }
0x1e: {  	s15 =	rddreg [dreg:$0x9];
	s16 =	simm.s32 $0x4000  }
0x1f: {  	[tilespmem:s16], [sflag:$0x1] =	stream.linear.gather [hbm4b:s15+s3], $0x1000, $0x38;
	[tilespmem:$0x1D400] =	vst v63  }
0x20: {  	s19 =	rddreg [dreg:$0xa];
	s20 =	simm.s32 $0x5000  }
0x21: {  	[tilespmem:s20], [sflag:$0x1] =	stream.linear.gather [hbm4b:s19+s3], $0x1000, $0x38;
	[tilespmem:$0x1D400] =	vst v63  }
0x22: {  	s21 =	rddreg [dreg:$0xb];
	s22 =	simm.s32 $0x6000;
	s23 =	simm.s32 $0x1  }
0x23: {  	[tilespmem:s22], [sflag:$0x1] =	stream.linear.gather [hbm4b:s21+s3], $0x1000, $0x38;
	[tilespmem:$0x1D400] =	vst v63  }
0x24: {  	_ =	swait.ge [sflag:s23], $0x1000  }
0x25: {  	[sflag:s23] =	ssyncset.done $0x0  }
0x26: {  	[sflag:s23] =	ssyncadd.s32 $0xFFFFF000  }
0x27: {  	_ =	swait.ge [sflag:s23], $0x1000  }
0x28: {  	[sflag:s23] =	ssyncset.done $0x0  }
0x29: {  	[sflag:s23] =	ssyncadd.s32 $0xFFFFF000  }
0x2a: {  	_ =	swait.ge [sflag:s23], $0x1000  }
0x2b: {  	[sflag:s23] =	ssyncset.done $0x0  }
0x2c: {  	[sflag:s23] =	ssyncadd.s32 $0xFFFFF000  }
0x2d: {  	_ =	swait.ge [sflag:s23], $0x1000  }
0x2e: {  	[sflag:s23] =	ssyncset.done $0x0  }
0x2f: {  	[sflag:s23] =	ssyncadd.s32 $0xFFFFF000  }
0x30: {  	_ =	swait.ge [sflag:s23], $0x1000  }
0x31: {  	[sflag:s23] =	ssyncset.done $0x0  }
0x32: {  	[sflag:s23] =	ssyncadd.s32 $0xFFFFF000  }
0x33: {  	_ =	swait.ge [sflag:s23], $0x1000  }
0x34: {  	[sflag:s23] =	ssyncset.done $0x0  }
0x35: {  	[sflag:s23] =	ssyncadd.s32 $0xFFFFF000  }
0x36: {  	_ =	swait.ge [sflag:s23], $0x1000  }
0x37: {  	[sflag:s23] =	ssyncset.done $0x0  }
0x38: {  	[sflag:s23] =	ssyncadd.s32 $0xFFFFF000  }
0x39: {  	s0 =	rddreg [dreg:$0x3]  }
0x3a: {  	[hbm4b:s0+s3] =	stream.linear.scatter [tilespmem:s24], [sflag:$0x4], $0x800, $0x38;
	[tilespmem:$0x1D400] =	vst v63  }
0x3b: {  	s25 =	simm.s32 $0x18000;
	s5 =	rddreg [dreg:$0xf]  }
0x3c: {  	[hbm4b:s5+s3] =	stream.linear.scatter [tilespmem:s25], [sflag:$0x4], $0x800, $0x38;
	[tilespmem:$0x1D400] =	vst v63  }
0x3d: {  	s26 =	simm.s32 $0x18C00;
	s11 =	rddreg [dreg:$0x10]  }
0x3e: {  	[hbm4b:s11+s3] =	stream.linear.scatter [tilespmem:s26], [sflag:$0x4], $0x800, $0x38;
	[tilespmem:$0x1D400] =	vst v63  }
0x3f: {  	s12 =	simm.s32 $0x19800;
	s28 =	sadd.s32 $0x300, s0  }
0x40: {  	[hbm4b:s28+s3] =	stream.linear.scatter [tilespmem:s12], [sflag:$0x4], $0x800, $0x38;
	[tilespmem:$0x1D400] =	vst v63  }
0x41: {  	_ = 	snop  }
0x42: {  	[hbm4b:s0+s3] =	stream.linear.scatter [tilespmem:s31], [sflag:$0x5], $0x800, $0x38;
	[tilespmem:$0x1D400] =	vst v63  }
0x43: {  	_ = 	snop  }
0x44: {  	[hbm4b:s5+s3] =	stream.linear.scatter [tilespmem:s29], [sflag:$0x5], $0x800, $0x38;
	[tilespmem:$0x1D400] =	vst v63  }
0x45: {  	_ = 	snop  }
0x46: {  	[hbm4b:s11+s3] =	stream.linear.scatter [tilespmem:s1], [sflag:$0x5], $0x800, $0x38;
	[tilespmem:$0x1D400] =	vst v63  }
0x47: {  	_ = 	snop  }
0x48: {  	[hbm4b:s28+s3] =	stream.linear.scatter [tilespmem:s17], [sflag:$0x5], $0x800, $0x38;
	[tilespmem:$0x1D400] =	vst v63  }
0x49: {  	v2 =	vld [tilespmem:$0x0];
	_ =	sdelay $0x1  }
0x4a: {  	v3 =	vld [tilespmem:$0x10];
	_ =	sdelay $0x1  }
0x4b: {  	v4 =	vld [tilespmem:$0x20]  }
0x4c: {  	v5 =	vshrl.u32 v2, $0x2;
	v2 =	vshll.u32 v2, $0x5  }
0x4d: {  	v55 =	vld [tilespmem:$0x30];
	[tilespmem:$0x7000] =	vst v5;
	v2 =	vand.u32 $0x60, v2  }
0x4e: {  	[tilespmem:$0x7200] =	vst v2;
	v2 =	vshrl.u32 v3, $0x2;
	v3 =	vshll.u32 v3, $0x5  }
0x4f: {  	[tilespmem:$0x7010] =	vst v2;
	v2 =	vand.u32 $0x60, v3;
	v3 =	vld [tilespmem:$0x40]  }
0x50: {  	[tilespmem:$0x7210] =	vst v2;
	v2 =	vshrl.u32 v4, $0x2;
	v4 =	vshll.u32 v4, $0x5  }
0x51: {  	v56 =	vld [tilespmem:$0x50];
	[tilespmem:$0x7020] =	vst v2;
	v2 =	vand.u32 $0x60, v4  }
0x52: {  	v5 =	vshll.u32 v55, $0x5;
	[tilespmem:$0x7220] =	vst v2;
	v2 =	vshrl.u32 v55, $0x2  }
0x53: {  	v57 =	vld [tilespmem:$0x60];
	[tilespmem:$0x7030] =	vst v2;
	v2 =	vand.u32 $0x60, v5  }
0x54: {  	[tilespmem:$0x7230] =	vst v2;
	v2 =	vshrl.u32 v3, $0x2;
	v3 =	vshll.u32 v3, $0x5  }
0x55: {  	[tilespmem:$0x7040] =	vst v2;
	v2 =	vand.u32 $0x60, v3;
	v3 =	vld [tilespmem:$0x70]  }
0x56: {  	v4 =	vshll.u32 v56, $0x5;
	[tilespmem:$0x7240] =	vst v2;
	v2 =	vshrl.u32 v56, $0x2  }
0x57: {  	v58 =	vld [tilespmem:$0x400];
	[tilespmem:$0x7050] =	vst v2;
	v2 =	vand.u32 $0x60, v4  }
0x58: {  	v5 =	vshll.u32 v57, $0x5;
	[tilespmem:$0x7250] =	vst v2;
	v2 =	vshrl.u32 v57, $0x2  }
0x59: {  	v59 =	vld [tilespmem:$0x410];
	[tilespmem:$0x7060] =	vst v2;
	v2 =	vand.u32 $0x60, v5  }
0x5a: {  	[tilespmem:$0x7260] =	vst v2;
	v2 =	vshrl.u32 v3, $0x2;
	v3 =	vshll.u32 v3, $0x5  }
0x5b: {  	[tilespmem:$0x7070] =	vst v2;
	v2 =	vand.u32 $0x60, v3;
	v3 =	vld [tilespmem:$0x420]  }
0x5c: {  	v4 =	vshll.u32 v58, $0x5;
	[tilespmem:$0x7270] =	vst v2;
	v2 =	vshrl.u32 v58, $0x2  }
0x5d: {  	v60 =	vld [tilespmem:$0x430];
	[tilespmem:$0x7080] =	vst v2;
	v2 =	vand.u32 $0x60, v4  }
0x5e: {  	v5 =	vshll.u32 v59, $0x5;
	[tilespmem:$0x7280] =	vst v2;
	v2 =	vshrl.u32 v59, $0x2  }
0x5f: {  	v61 =	vld [tilespmem:$0x440];
	[tilespmem:$0x7090] =	vst v2;
	v2 =	vand.u32 $0x60, v5  }
0x60: {  	[tilespmem:$0x7290] =	vst v2;
	v2 =	vshrl.u32 v3, $0x2;
	v3 =	vshll.u32 v3, $0x5  }
0x61: {  	[tilespmem:$0x70A0] =	vst v2;
	v2 =	vand.u32 $0x60, v3;
	v3 =	vld [tilespmem:$0x450]  }
0x62: {  	v4 =	vshll.u32 v60, $0x5;
	[tilespmem:$0x72A0] =	vst v2;
	v2 =	vshrl.u32 v60, $0x2  }
0x63: {  	v62 =	vld [tilespmem:$0x460];
	[tilespmem:$0x70B0] =	vst v2;
	v2 =	vand.u32 $0x60, v4  }
0x64: {  	v5 =	vshll.u32 v61, $0x5;
	[tilespmem:$0x72B0] =	vst v2;
	v2 =	vshrl.u32 v61, $0x2  }
0x65: {  	v63 =	vld [tilespmem:$0x470];
	[tilespmem:$0x70C0] =	vst v2;
	v2 =	vand.u32 $0x60, v5  }
0x66: {  	[tilespmem:$0x72C0] =	vst v2;
	v2 =	vshrl.u32 v3, $0x2;
	v3 =	vshll.u32 v3, $0x5  }
0x67: {  	[tilespmem:$0x70D0] =	vst v2;
	v2 =	vand.u32 $0x60, v3  }
0x68: {  	v3 =	vshll.u32 v62, $0x5;
	[tilespmem:$0x72D0] =	vst v2;
	v2 =	vshrl.u32 v62, $0x2  }
0x69: {  	[tilespmem:$0x70E0] =	vst v2;
	v2 =	vand.u32 $0x60, v3  }
0x6a: {  	v3 =	vshll.u32 v63, $0x5;
	[tilespmem:$0x72E0] =	vst v2;
	v2 =	vshrl.u32 v63, $0x2  }
0x6b: {  	[tilespmem:$0x70F0] =	vst v2;
	v2 =	vand.u32 $0x60, v3  }
0x6c: {  	s30 =	simm.s32 $0x7400;
	s12 =	simm.s32 $0x0;
	s29 =	simm.s32 $0x7000;
	[tilespmem:$0x72F0] =	vst v2  }
0x6d: {  	[tilespmem:s30], [sflag:$0x2] =	stream.indirect.gather [hbm4b:s4+s18], $0x80, s29, s18, $0xb8;
	[tilespmem:$0x1D400] =	vst v63  }
.LBB2_2:
0x6e: {  	s2 =	sshll.u32 s12, $0x9;
	s5 =	sshll.u32 s12, $0x7  }
0x6f: {  	s2 =	sand.u32 $0x7000, s2;
	s5 =	sand.u32 $0x380, s5  }
0x70: {  	s2 =	sor.u32 s5, s2  }
0x71: {  	v2 =	vld [tilespmem:s2+$0x800];
	_ =	sdelay $0x4  }
0x72: {  	v3 =	vshrl.u32 v2, $0x2;
	v2 =	vshll.u32 v2, $0x5  }
0x73: {  	[tilespmem:$0x7100] =	vst v3;
	v2 =	vand.u32 $0x60, v2  }
0x74: {  	[tilespmem:$0x7300] =	vst v2  }
0x75: {  	v2 =	vld [tilespmem:s2+$0x810];
	_ =	sdelay $0x4  }
0x76: {  	v3 =	vshrl.u32 v2, $0x2;
	v2 =	vshll.u32 v2, $0x5  }
0x77: {  	[tilespmem:$0x7110] =	vst v3;
	v2 =	vand.u32 $0x60, v2  }
0x78: {  	[tilespmem:$0x7310] =	vst v2  }
0x79: {  	v2 =	vld [tilespmem:s2+$0x820];
	_ =	sdelay $0x4  }
0x7a: {  	v3 =	vshrl.u32 v2, $0x2;
	v2 =	vshll.u32 v2, $0x5  }
0x7b: {  	[tilespmem:$0x7120] =	vst v3;
	v2 =	vand.u32 $0x60, v2  }
0x7c: {  	[tilespmem:$0x7320] =	vst v2  }
0x7d: {  	v2 =	vld [tilespmem:s2+$0x830];
	_ =	sdelay $0x4  }
0x7e: {  	v3 =	vshrl.u32 v2, $0x2;
	v2 =	vshll.u32 v2, $0x5  }
0x7f: {  	[tilespmem:$0x7130] =	vst v3;
	v2 =	vand.u32 $0x60, v2  }
0x80: {  	[tilespmem:$0x7330] =	vst v2  }
0x81: {  	v2 =	vld [tilespmem:s2+$0x840];
	_ =	sdelay $0x4  }
0x82: {  	v3 =	vshrl.u32 v2, $0x2;
	v2 =	vshll.u32 v2, $0x5  }
0x83: {  	[tilespmem:$0x7140] =	vst v3;
	v2 =	vand.u32 $0x60, v2  }
0x84: {  	[tilespmem:$0x7340] =	vst v2  }
0x85: {  	v2 =	vld [tilespmem:s2+$0x850];
	_ =	sdelay $0x4  }
0x86: {  	v3 =	vshrl.u32 v2, $0x2;
	v2 =	vshll.u32 v2, $0x5  }
0x87: {  	[tilespmem:$0x7150] =	vst v3;
	v2 =	vand.u32 $0x60, v2  }
0x88: {  	[tilespmem:$0x7350] =	vst v2  }
0x89: {  	v2 =	vld [tilespmem:s2+$0x860];
	_ =	sdelay $0x4  }
0x8a: {  	v3 =	vshrl.u32 v2, $0x2;
	v2 =	vshll.u32 v2, $0x5  }
0x8b: {  	[tilespmem:$0x7160] =	vst v3;
	v2 =	vand.u32 $0x60, v2  }
0x8c: {  	[tilespmem:$0x7360] =	vst v2  }
0x8d: {  	v2 =	vld [tilespmem:s2+$0x870];
	_ =	sdelay $0x4  }
0x8e: {  	v3 =	vshrl.u32 v2, $0x2;
	v2 =	vshll.u32 v2, $0x5  }
0x8f: {  	[tilespmem:$0x7170] =	vst v3;
	v2 =	vand.u32 $0x60, v2  }
0x90: {  	[tilespmem:$0x7370] =	vst v2  }
0x91: {  	v2 =	vld [tilespmem:s2+$0xC00];
	_ =	sdelay $0x4  }
0x92: {  	v3 =	vshrl.u32 v2, $0x2;
	v2 =	vshll.u32 v2, $0x5  }
0x93: {  	[tilespmem:$0x7180] =	vst v3;
	v2 =	vand.u32 $0x60, v2  }
0x94: {  	[tilespmem:$0x7380] =	vst v2  }
0x95: {  	v2 =	vld [tilespmem:s2+$0xC10];
	_ =	sdelay $0x4  }
0x96: {  	v3 =	vshrl.u32 v2, $0x2;
	v2 =	vshll.u32 v2, $0x5  }
0x97: {  	[tilespmem:$0x7190] =	vst v3;
	v2 =	vand.u32 $0x60, v2  }
0x98: {  	[tilespmem:$0x7390] =	vst v2  }
0x99: {  	v2 =	vld [tilespmem:s2+$0xC20];
	_ =	sdelay $0x4  }
0x9a: {  	v3 =	vshrl.u32 v2, $0x2;
	v2 =	vshll.u32 v2, $0x5  }
0x9b: {  	[tilespmem:$0x71A0] =	vst v3;
	v2 =	vand.u32 $0x60, v2  }
0x9c: {  	[tilespmem:$0x73A0] =	vst v2  }
0x9d: {  	v2 =	vld [tilespmem:s2+$0xC30];
	_ =	sdelay $0x4  }
0x9e: {  	v3 =	vshrl.u32 v2, $0x2;
	v2 =	vshll.u32 v2, $0x5  }
0x9f: {  	[tilespmem:$0x71B0] =	vst v3;
	v2 =	vand.u32 $0x60, v2  }
0xa0: {  	[tilespmem:$0x73B0] =	vst v2  }
0xa1: {  	v2 =	vld [tilespmem:s2+$0xC40];
	_ =	sdelay $0x4  }
0xa2: {  	v3 =	vshrl.u32 v2, $0x2;
	v2 =	vshll.u32 v2, $0x5  }
0xa3: {  	[tilespmem:$0x71C0] =	vst v3;
	v2 =	vand.u32 $0x60, v2  }
0xa4: {  	[tilespmem:$0x73C0] =	vst v2  }
0xa5: {  	v2 =	vld [tilespmem:s2+$0xC50];
	_ =	sdelay $0x4  }
0xa6: {  	v3 =	vshrl.u32 v2, $0x2;
	v2 =	vshll.u32 v2, $0x5  }
0xa7: {  	[tilespmem:$0x71D0] =	vst v3;
	v2 =	vand.u32 $0x60, v2  }
0xa8: {  	[tilespmem:$0x73D0] =	vst v2  }
0xa9: {  	v2 =	vld [tilespmem:s2+$0xC60];
	_ =	sdelay $0x4  }
0xaa: {  	v3 =	vshrl.u32 v2, $0x2;
	v2 =	vshll.u32 v2, $0x5  }
0xab: {  	[tilespmem:$0x71E0] =	vst v3;
	v2 =	vand.u32 $0x60, v2  }
0xac: {  	[tilespmem:$0x73E0] =	vst v2  }
0xad: {  	v2 =	vld [tilespmem:s2+$0xC70];
	_ =	sdelay $0x4  }
0xae: {  	v3 =	vshrl.u32 v2, $0x2;
	v2 =	vshll.u32 v2, $0x5  }
0xaf: {  	[tilespmem:$0x71F0] =	vst v3;
	v2 =	vand.u32 $0x60, v2  }
0xb0: {  	s0 =	simm.s32 $0x7100;
	s29 =	simm.s32 $0xF400;
	[tilespmem:$0x73F0] =	vst v2  }
0xb1: {  	[tilespmem:s29], [sflag:$0x3] =	stream.indirect.gather [hbm4b:s4+s18], $0x80, s0, s18, $0xb8;
	[tilespmem:$0x1D400] =	vst v63  }
0xb2: {  	_ =	swait.ge [sflag:s6], $0x8000  }
0xb3: {  	[sflag:s6] =	ssyncset.done $0x0  }
0xb4: {  	[sflag:s6] =	ssyncadd.s32 $0xFFFF8000  }
0xb5: {  	_ =	swait.ge [sflag:s7], $0x2000  }
0xb6: {  	[sflag:s7] =	ssyncset.done $0x0  }
0xb7: {  	s16 =	simm.s32 $0x7200;
	[sflag:s7] =	ssyncadd.s32 $0xFFFFE000  }
0xb8: {  	v2 =	vld [tilespmem:s16+$0x0];
	_ =	sdelay $0x4  }
0xb9: {  	(v2sf) =	vpush v2, $0x0;
	_ =	sdelay $0x6  }
0xba: {  	(v2sf) =	vpush v2, $0x1;
	_ =	sdelay $0x6  }
0xbb: {  	(v2sf) =	vpush v2, $0x2  }
0xbc: {  	s30 =	spop (v2sf)  }
0xbd: {  	s0 =	simm.s32 $0x0;
	s11 =	sshll.u32 s30, $0x2  }
0xbe: {  	s14 =	sand.u32 $0x7F, s30;
	s2 =	sadd.s32 $0x10, s30;
	s11 =	sand.u32 $0xFFFFFE00, s11  }
0xbf: {  	v3 =	vmov s0;
	s15 =	sshll.u32 s14, $0x2;
	s19 =	sand.u32 $0x7F, s2;
	s2 =	sshll.u32 s2, $0x2  }
0xc0: {  	v4 =	vshll.u32 v3, $0x3;
	s5 =	sor.u32 s15, s11;
	s20 =	sshll.u32 s19, $0x2;
	s2 =	sand.u32 $0xFFFFFE00, s2  }
0xc1: {  	v3 =	vand.u32 $0x70, v3;
	v4 =	vand.u32 $0x400, v4;
	s5 =	sshra.s32 s5, $0x2;
	s2 =	sor.u32 s20, s2  }
0xc2: {  	v3 =	vor.u32 v3, v4;
	(v2sf) =	vpush v2, $0x3;
	s5 =	sadd.s32 $0x0, s5;
	s2 =	sshra.s32 s2, $0x2  }
0xc3: {  	v5 =	vadd.s32 v0, v3;
	s21 =	spop (v2sf);
	v4 =	vld [tilespmem:s5+$0x7400];
	s2 =	sadd.s32 $0x0, s2  }
0xc4: {  	s22 =	simm.s32 $0x1;
	v3 =	vadd.s32 v1, v3;
	s23 =	sshll.u32 s21, $0x2;
	v6 =	vld [tilespmem:s2+$0x7400]  }
0xc5: {  	s25 =	sand.u32 $0x7F, s21;
	s11 =	sadd.s32 $0x10, s21;
	s14 =	sand.u32 $0xFFFFFE00, s23  }
0xc6: {  	v7 =	vmov s22;
	s26 =	sand.u32 $0x7F, s11;
	s11 =	sshll.u32 s11, $0x2;
	s2 =	sshll.u32 s25, $0x2  }
0xc7: {  	v8 =	vshll.u32 v7, $0x3;
	s11 =	sand.u32 $0xFFFFFE00, s11;
	s5 =	sshll.u32 s26, $0x2;
	s2 =	sor.u32 s2, s14  }
0xc8: {  	v7 =	vand.u32 $0x71, v7;
	v8 =	vand.u32 $0x400, v8;
	s5 =	sor.u32 s5, s11;
	s2 =	sshra.s32 s2, $0x2;
	[tilespmem:v5+s24+$0x0] =	vst.idx.msk $0xffff, v4  }
0xc9: {  	(v2sf) =	vpush v2, $0x4;
	s5 =	sshra.s32 s5, $0x2;
	s2 =	sadd.s32 $0x0, s2;
	[tilespmem:v3+s24+$0x0] =	vst.idx.msk $0xffff, v6;
	v3 =	vor.u32 v7, v8  }
0xca: {  	s28 =	spop (v2sf);
	s29 =	sadd.s32 $0x0, s5;
	v4 =	vld [tilespmem:s2+$0x7480];
	v5 =	vadd.s32 v0, v3  }
0xcb: {  	s30 =	simm.s32 $0x2;
	s0 =	sshll.u32 s28, $0x2;
	v6 =	vld [tilespmem:s29+$0x7480];
	v3 =	vadd.s32 v1, v3  }
0xcc: {  	s15 =	sand.u32 $0x7F, s28;
	s11 =	sadd.s32 $0x10, s28;
	s14 =	sand.u32 $0xFFFFFE00, s0  }
0xcd: {  	s19 =	sand.u32 $0x7F, s11;
	s11 =	sshll.u32 s11, $0x2;
	v7 =	vmov s30;
	s2 =	sshll.u32 s15, $0x2  }
0xce: {  	s11 =	sand.u32 $0xFFFFFE00, s11;
	s5 =	sshll.u32 s19, $0x2;
	v53 =	vshll.u32 v7, $0x3;
	s2 =	sor.u32 s2, s14  }
0xcf: {  	s5 =	sor.u32 s5, s11;
	v7 =	vand.u32 $0x72, v7;
	v8 =	vand.u32 $0x400, v53;
	s2 =	sshra.s32 s2, $0x2;
	[tilespmem:v5+s24+$0x0] =	vst.idx.msk $0xffff, v4  }
0xd0: {  	(v2sf) =	vpush v2, $0x5;
	s5 =	sshra.s32 s5, $0x2;
	s2 =	sadd.s32 $0x0, s2;
	v4 =	vor.u32 v7, v8;
	[tilespmem:v3+s24+$0x0] =	vst.idx.msk $0xffff, v6  }
0xd1: {  	s21 =	sadd.s32 $0x0, s5;
	s20 =	spop (v2sf);
	v5 =	vadd.s32 v0, v4;
	v3 =	vld [tilespmem:s2+$0x7500]  }
0xd2: {  	s22 =	simm.s32 $0x3;
	s23 =	sand.u32 $0x7F, s20;
	v4 =	vadd.s32 v1, v4;
	v6 =	vld [tilespmem:s21+$0x7500]  }
0xd3: {  	s25 =	sshll.u32 s20, $0x2;
	s11 =	sadd.s32 $0x10, s20;
	s14 =	sshll.u32 s23, $0x2  }
0xd4: {  	s26 =	sand.u32 $0x7F, s11;
	s11 =	sshll.u32 s11, $0x2;
	v7 =	vmov s22;
	s2 =	sand.u32 $0xFFFFFE00, s25  }
0xd5: {  	s11 =	sand.u32 $0xFFFFFE00, s11;
	s5 =	sshll.u32 s26, $0x2;
	v54 =	vshll.u32 v7, $0x3;
	s2 =	sor.u32 s14, s2  }
0xd6: {  	v7 =	vand.u32 $0x73, v7;
	s5 =	sor.u32 s5, s11;
	v8 =	vand.u32 $0x400, v54;
	s2 =	sshra.s32 s2, $0x2;
	[tilespmem:v5+s24+$0x0] =	vst.idx.msk $0xffff, v3  }
0xd7: {  	(v2sf) =	vpush v2, $0x6;
	s5 =	sshra.s32 s5, $0x2;
	s2 =	sadd.s32 $0x0, s2;
	v3 =	vor.u32 v7, v8;
	[tilespmem:v4+s24+$0x0] =	vst.idx.msk $0xffff, v6  }
0xd8: {  	s28 =	spop (v2sf);
	s29 =	sadd.s32 $0x0, s5;
	v5 =	vadd.s32 v0, v3;
	v4 =	vld [tilespmem:s2+$0x7580]  }
0xd9: {  	s30 =	simm.s32 $0x4;
	s11 =	sadd.s32 $0x10, s28;
	v3 =	vadd.s32 v1, v3;
	v6 =	vld [tilespmem:s29+$0x7580]  }
0xda: {  	s0 =	sshll.u32 s28, $0x2;
	s15 =	sand.u32 $0x7F, s28;
	s19 =	sand.u32 $0x7F, s11  }
0xdb: {  	s11 =	sshll.u32 s11, $0x2;
	s14 =	sand.u32 $0xFFFFFE00, s0;
	v7 =	vmov s30;
	s2 =	sshll.u32 s15, $0x2  }
0xdc: {  	s5 =	sshll.u32 s19, $0x2;
	s11 =	sand.u32 $0xFFFFFE00, s11;
	v55 =	vshll.u32 v7, $0x3;
	s2 =	sor.u32 s2, s14  }
0xdd: {  	s5 =	sor.u32 s5, s11;
	v7 =	vand.u32 $0x74, v7;
	v8 =	vand.u32 $0x400, v55;
	s2 =	sshra.s32 s2, $0x2;
	[tilespmem:v5+s24+$0x0] =	vst.idx.msk $0xffff, v4  }
0xde: {  	(v2sf) =	vpush v2, $0x7;
	s5 =	sshra.s32 s5, $0x2;
	s2 =	sadd.s32 $0x0, s2;
	v4 =	vor.u32 v7, v8;
	[tilespmem:v3+s24+$0x0] =	vst.idx.msk $0xffff, v6  }
0xdf: {  	s20 =	spop (v2sf);
	s5 =	sadd.s32 $0x0, s5;
	v5 =	vadd.s32 v0, v4;
	v3 =	vld [tilespmem:s2+$0x7600]  }
0xe0: {  	s22 =	sshll.u32 s20, $0x2;
	s23 =	sadd.s32 $0x10, s20;
	v4 =	vadd.s32 v1, v4;
	v6 =	vld [tilespmem:s5+$0x7600]  }
0xe1: {  	s26 =	sshll.u32 s23, $0x2;
	s21 =	simm.s32 $0x5;
	s11 =	sand.u32 $0x7F, s20  }
0xe2: {  	s25 =	sshll.u32 s11, $0x2;
	s14 =	sand.u32 $0xFFFFFE00, s22;
	v7 =	vmov s21;
	s5 =	sand.u32 $0x7F, s23  }
0xe3: {  	s11 =	sand.u32 $0xFFFFFE00, s26;
	v56 =	vshll.u32 v7, $0x3;
	s2 =	sor.u32 s25, s14;
	s5 =	sshll.u32 s5, $0x2  }
0xe4: {  	v7 =	vand.u32 $0x75, v7;
	v8 =	vand.u32 $0x400, v56;
	s2 =	sshra.s32 s2, $0x2;
	s5 =	sor.u32 s5, s11;
	[tilespmem:v5+s24+$0x0] =	vst.idx.msk $0xffff, v3  }
0xe5: {  	(v2sf) =	vpush v2, $0x8;
	s2 =	sadd.s32 $0x0, s2;
	s5 =	sshra.s32 s5, $0x2;
	v3 =	vor.u32 v7, v8;
	[tilespmem:v4+s24+$0x0] =	vst.idx.msk $0xffff, v6  }
0xe6: {  	s28 =	spop (v2sf);
	s5 =	sadd.s32 $0x0, s5;
	v5 =	vadd.s32 v0, v3;
	v4 =	vld [tilespmem:s2+$0x7680]  }
0xe7: {  	s29 =	simm.s32 $0x6;
	s30 =	sshll.u32 s28, $0x2;
	v3 =	vadd.s32 v1, v3;
	v6 =	vld [tilespmem:s5+$0x7680]  }
0xe8: {  	s0 =	sand.u32 $0x7F, s28;
	s14 =	sand.u32 $0xFFFFFE00, s30;
	s11 =	sadd.s32 $0x10, s28  }
0xe9: {  	s15 =	sand.u32 $0x7F, s11;
	s11 =	sshll.u32 s11, $0x2;
	v7 =	vmov s29;
	s5 =	sshll.u32 s0, $0x2  }
0xea: {  	s11 =	sand.u32 $0xFFFFFE00, s11;
	v57 =	vshll.u32 v7, $0x3;
	s2 =	sshll.u32 s15, $0x2;
	s5 =	sor.u32 s5, s14  }
0xeb: {  	v7 =	vand.u32 $0x76, v7;
	v8 =	vand.u32 $0x400, v57;
	s2 =	sor.u32 s2, s11;
	s5 =	sshra.s32 s5, $0x2;
	[tilespmem:v5+s24+$0x0] =	vst.idx.msk $0xffff, v4  }
0xec: {  	(v2sf) =	vpush v2, $0x9;
	s2 =	sshra.s32 s2, $0x2;
	s5 =	sadd.s32 $0x0, s5;
	v4 =	vor.u32 v7, v8;
	[tilespmem:v3+s24+$0x0] =	vst.idx.msk $0xffff, v6  }
0xed: {  	s19 =	spop (v2sf);
	s2 =	sadd.s32 $0x0, s2;
	v5 =	vadd.s32 v0, v4;
	v3 =	vld [tilespmem:s5+$0x7700]  }
0xee: {  	s20 =	simm.s32 $0x7;
	s21 =	sshll.u32 s19, $0x2;
	v4 =	vadd.s32 v1, v4;
	v6 =	vld [tilespmem:s2+$0x7700]  }
0xef: {  	s22 =	sand.u32 $0x7F, s19;
	s11 =	sadd.s32 $0x10, s19;
	s14 =	sand.u32 $0xFFFFFE00, s21  }
0xf0: {  	s23 =	sand.u32 $0x7F, s11;
	s11 =	sshll.u32 s11, $0x2;
	v7 =	vmov s20;
	s2 =	sshll.u32 s22, $0x2  }
0xf1: {  	s11 =	sand.u32 $0xFFFFFE00, s11;
	v58 =	vshll.u32 v7, $0x3;
	s5 =	sshll.u32 s23, $0x2;
	s2 =	sor.u32 s2, s14  }
0xf2: {  	v7 =	vand.u32 $0x77, v7;
	v8 =	vand.u32 $0x400, v58;
	s5 =	sor.u32 s5, s11;
	s2 =	sshra.s32 s2, $0x2;
	[tilespmem:v5+s24+$0x0] =	vst.idx.msk $0xffff, v3  }
0xf3: {  	(v2sf) =	vpush v2, $0xA;
	s5 =	sshra.s32 s5, $0x2;
	s2 =	sadd.s32 $0x0, s2;
	v3 =	vor.u32 v7, v8;
	[tilespmem:v4+s24+$0x0] =	vst.idx.msk $0xffff, v6  }
0xf4: {  	s25 =	spop (v2sf);
	s5 =	sadd.s32 $0x0, s5;
	v5 =	vadd.s32 v0, v3;
	v4 =	vld [tilespmem:s2+$0x7780]  }
0xf5: {  	s26 =	simm.s32 $0x8;
	s28 =	sshll.u32 s25, $0x2;
	v3 =	vadd.s32 v1, v3;
	v6 =	vld [tilespmem:s5+$0x7780]  }
0xf6: {  	s29 =	sand.u32 $0x7F, s25;
	s11 =	sadd.s32 $0x10, s25;
	s14 =	sand.u32 $0xFFFFFE00, s28  }
0xf7: {  	s30 =	sand.u32 $0x7F, s11;
	s11 =	sshll.u32 s11, $0x2;
	v7 =	vmov s26;
	s5 =	sshll.u32 s29, $0x2  }
0xf8: {  	s11 =	sand.u32 $0xFFFFFE00, s11;
	v59 =	vshll.u32 v7, $0x3;
	s2 =	sshll.u32 s30, $0x2;
	s5 =	sor.u32 s5, s14  }
0xf9: {  	v7 =	vand.u32 $0x78, v7;
	v8 =	vand.u32 $0x400, v59;
	s2 =	sor.u32 s2, s11;
	s5 =	sshra.s32 s5, $0x2;
	[tilespmem:v5+s24+$0x0] =	vst.idx.msk $0xffff, v4  }
0xfa: {  	(v2sf) =	vpush v2, $0xB;
	s2 =	sshra.s32 s2, $0x2;
	s5 =	sadd.s32 $0x0, s5;
	v4 =	vor.u32 v7, v8;
	[tilespmem:v3+s24+$0x0] =	vst.idx.msk $0xffff, v6  }
0xfb: {  	s0 =	spop (v2sf);
	s2 =	sadd.s32 $0x0, s2;
	v5 =	vadd.s32 v0, v4;
	v3 =	vld [tilespmem:s5+$0x7800]  }
0xfc: {  	s15 =	simm.s32 $0x9;
	s19 =	sshll.u32 s0, $0x2;
	v4 =	vadd.s32 v1, v4;
	v6 =	vld [tilespmem:s2+$0x7800]  }
0xfd: {  	s20 =	sand.u32 $0x7F, s0;
	s14 =	sand.u32 $0xFFFFFE00, s19;
	s11 =	sadd.s32 $0x10, s0  }
0xfe: {  	s21 =	sand.u32 $0x7F, s11;
	s11 =	sshll.u32 s11, $0x2;
	v7 =	vmov s15;
	s2 =	sshll.u32 s20, $0x2  }
0xff: {  	s11 =	sand.u32 $0xFFFFFE00, s11;
	v60 =	vshll.u32 v7, $0x3;
	s5 =	sshll.u32 s21, $0x2;
	s2 =	sor.u32 s2, s14  }
0x100: {  	v7 =	vand.u32 $0x79, v7;
	v8 =	vand.u32 $0x400, v60;
	s5 =	sor.u32 s5, s11;
	s2 =	sshra.s32 s2, $0x2;
	[tilespmem:v5+s24+$0x0] =	vst.idx.msk $0xffff, v3  }
0x101: {  	(v2sf) =	vpush v2, $0xC;
	s5 =	sshra.s32 s5, $0x2;
	s2 =	sadd.s32 $0x0, s2;
	v3 =	vor.u32 v7, v8;
	[tilespmem:v4+s24+$0x0] =	vst.idx.msk $0xffff, v6  }
0x102: {  	s22 =	spop (v2sf);
	s5 =	sadd.s32 $0x0, s5;
	v5 =	vadd.s32 v0, v3;
	v4 =	vld [tilespmem:s2+$0x7880]  }
0x103: {  	s23 =	simm.s32 $0xA;
	s26 =	sand.u32 $0x7F, s22;
	v3 =	vadd.s32 v1, v3;
	v6 =	vld [tilespmem:s5+$0x7880]  }
0x104: {  	s25 =	sshll.u32 s22, $0x2;
	s28 =	sshll.u32 s26, $0x2;
	s11 =	sadd.s32 $0x10, s22  }
0x105: {  	s14 =	sand.u32 $0xFFFFFE00, s25;
	s29 =	sand.u32 $0x7F, s11;
	s11 =	sshll.u32 s11, $0x2;
	v7 =	vmov s23  }
0x106: {  	s11 =	sand.u32 $0xFFFFFE00, s11;
	v61 =	vshll.u32 v7, $0x3;
	s2 =	sor.u32 s28, s14;
	s5 =	sshll.u32 s29, $0x2  }
0x107: {  	v7 =	vand.u32 $0x7A, v7;
	v8 =	vand.u32 $0x400, v61;
	s2 =	sshra.s32 s2, $0x2;
	s5 =	sor.u32 s5, s11;
	[tilespmem:v5+s24+$0x0] =	vst.idx.msk $0xffff, v4  }
0x108: {  	(v2sf) =	vpush v2, $0xD;
	s2 =	sadd.s32 $0x0, s2;
	s5 =	sshra.s32 s5, $0x2;
	v4 =	vor.u32 v7, v8;
	[tilespmem:v3+s24+$0x0] =	vst.idx.msk $0xffff, v6  }
0x109: {  	s30 =	spop (v2sf);
	s5 =	sadd.s32 $0x0, s5;
	v5 =	vadd.s32 v0, v4;
	v3 =	vld [tilespmem:s2+$0x7900]  }
0x10a: {  	s0 =	sand.u32 $0x7F, s30;
	s15 =	sshll.u32 s30, $0x2;
	v4 =	vadd.s32 v1, v4;
	v6 =	vld [tilespmem:s5+$0x7900]  }
0x10b: {  	s19 =	sadd.s32 $0x10, s30;
	s20 =	sand.u32 $0xFFFFFE00, s15;
	s21 =	simm.s32 $0xB  }
0x10c: {  	s15 =	sand.u32 $0x7F, s19;
	v7 =	vmov s21;
	s2 =	sshll.u32 s0, $0x2;
	s5 =	sshll.u32 s19, $0x2  }
0x10d: {  	s22 =	sshll.u32 s15, $0x2;
	v62 =	vshll.u32 v7, $0x3;
	s2 =	sor.u32 s2, s20;
	s5 =	sand.u32 $0xFFFFFE00, s5  }
0x10e: {  	s2 =	sshra.s32 s2, $0x2;
	s5 =	sor.u32 s22, s5;
	[tilespmem:v5+s24+$0x0] =	vst.idx.msk $0xffff, v3;
	v3 =	vand.u32 $0x7B, v7;
	v5 =	vand.u32 $0x400, v62  }
0x10f: {  	(v2sf) =	vpush v2, $0xE;
	s2 =	sadd.s32 $0x0, s2;
	s5 =	sshra.s32 s5, $0x2;
	[tilespmem:v4+s24+$0x0] =	vst.idx.msk $0xffff, v6;
	v3 =	vor.u32 v3, v5  }
0x110: {  	s23 =	spop (v2sf);
	s5 =	sadd.s32 $0x0, s5;
	v4 =	vld [tilespmem:s2+$0x7980];
	v5 =	vadd.s32 v0, v3  }
0x111: {  	s30 =	simm.s32 $0xC;
	s26 =	sshll.u32 s23, $0x2;
	v6 =	vld [tilespmem:s5+$0x7980];
	v3 =	vadd.s32 v1, v3  }
0x112: {  	s25 =	sand.u32 $0x7F, s23;
	s28 =	sadd.s32 $0x10, s23;
	s29 =	sand.u32 $0xFFFFFE00, s26  }
0x113: {  	s0 =	sand.u32 $0x7F, s28;
	v7 =	vmov s30;
	s2 =	sshll.u32 s25, $0x2;
	s5 =	sshll.u32 s28, $0x2  }
0x114: {  	s15 =	sshll.u32 s0, $0x2;
	v63 =	vshll.u32 v7, $0x3;
	s2 =	sor.u32 s2, s29;
	s5 =	sand.u32 $0xFFFFFE00, s5  }
0x115: {  	s2 =	sshra.s32 s2, $0x2;
	s5 =	sor.u32 s15, s5;
	[tilespmem:v5+s24+$0x0] =	vst.idx.msk $0xffff, v4;
	v4 =	vand.u32 $0x7C, v7;
	v5 =	vand.u32 $0x400, v63  }
0x116: {  	(v2sf) =	vpush v2, $0xF;
	s2 =	sadd.s32 $0x0, s2;
	s5 =	sshra.s32 s5, $0x2;
	[tilespmem:v3+s24+$0x0] =	vst.idx.msk $0xffff, v6;
	v2 =	vor.u32 v4, v5  }
0x117: {  	s19 =	spop (v2sf);
	s20 =	sadd.s32 $0x0, s5;
	v3 =	vld [tilespmem:s2+$0x7A00];
	v4 =	vadd.s32 v0, v2  }
0x118: {  	s26 =	simm.s32 $0xD;
	s22 =	sshll.u32 s19, $0x2;
	v5 =	vld [tilespmem:s20+$0x7A00];
	v2 =	vadd.s32 v1, v2  }
0x119: {  	s21 =	sand.u32 $0x7F, s19;
	s23 =	sadd.s32 $0x10, s19;
	s25 =	sand.u32 $0xFFFFFE00, s22  }
0x11a: {  	s28 =	sshll.u32 s23, $0x2;
	s5 =	sshll.u32 s21, $0x2;
	v6 =	vmov s26;
	s2 =	sand.u32 $0x7F, s23  }
0x11b: {  	s29 =	sand.u32 $0xFFFFFE00, s28;
	s5 =	sor.u32 s5, s25;
	v7 =	vshll.u32 v6, $0x3;
	s2 =	sshll.u32 s2, $0x2  }
0x11c: {  	s5 =	sshra.s32 s5, $0x2;
	s2 =	sor.u32 s2, s29;
	[tilespmem:v4+s24+$0x0] =	vst.idx.msk $0xffff, v3;
	v3 =	vand.u32 $0x7D, v6;
	v4 =	vand.u32 $0x400, v7  }
0x11d: {  	s5 =	sadd.s32 $0x0, s5;
	s2 =	sshra.s32 s2, $0x2;
	[tilespmem:v2+s24+$0x0] =	vst.idx.msk $0xffff, v5;
	v2 =	vor.u32 v3, v4  }
0x11e: {  	s30 =	spop (v2sf);
	s2 =	sadd.s32 $0x0, s2;
	v3 =	vld [tilespmem:s5+$0x7A80];
	v4 =	vadd.s32 v0, v2  }
0x11f: {  	s0 =	sand.u32 $0x7F, s30;
	s19 =	sadd.s32 $0x10, s30;
	v5 =	vld [tilespmem:s2+$0x7A80];
	v2 =	vadd.s32 v1, v2  }
0x120: {  	s22 =	sand.u32 $0x7F, s19;
	s15 =	sshll.u32 s30, $0x2;
	s21 =	simm.s32 $0xE  }
0x121: {  	s20 =	sand.u32 $0xFFFFFE00, s15;
	v6 =	vmov s21;
	s5 =	sshll.u32 s0, $0x2;
	s2 =	sshll.u32 s19, $0x2  }
0x122: {  	s23 =	sshll.u32 s22, $0x2;
	v7 =	vshll.u32 v6, $0x3;
	s5 =	sor.u32 s5, s20;
	s2 =	sand.u32 $0xFFFFFE00, s2  }
0x123: {  	s5 =	sshra.s32 s5, $0x2;
	s2 =	sor.u32 s23, s2;
	[tilespmem:v4+s24+$0x0] =	vst.idx.msk $0xffff, v3;
	v3 =	vand.u32 $0x7E, v6;
	v4 =	vand.u32 $0x400, v7  }
0x124: {  	s5 =	sadd.s32 $0x0, s5;
	s2 =	sshra.s32 s2, $0x2;
	[tilespmem:v2+s24+$0x0] =	vst.idx.msk $0xffff, v5;
	v2 =	vor.u32 v3, v4  }
0x125: {  	s25 =	spop (v2sf);
	s2 =	sadd.s32 $0x0, s2;
	v3 =	vld [tilespmem:s5+$0x7B00];
	v4 =	vadd.s32 v0, v2  }
0x126: {  	s26 =	sand.u32 $0x7F, s25;
	s28 =	sshll.u32 s25, $0x2;
	v5 =	vld [tilespmem:s2+$0x7B00];
	v2 =	vadd.s32 v1, v2  }
0x127: {  	s11 =	sadd.s32 $0x10, s25;
	s14 =	sshll.u32 s26, $0x2;
	s5 =	simm.s32 $0xF  }
0x128: {  	s29 =	sand.u32 $0x7F, s11;
	s11 =	sshll.u32 s11, $0x2;
	s2 =	sand.u32 $0xFFFFFE00, s28;
	v6 =	vmov s5  }
0x129: {  	s11 =	sand.u32 $0xFFFFFE00, s11;
	s30 =	sshll.u32 s29, $0x2;
	s2 =	sor.u32 s14, s2;
	v7 =	vshll.u32 v6, $0x3  }
0x12a: {  	s11 =	sor.u32 s30, s11;
	s2 =	sshra.s32 s2, $0x2;
	[tilespmem:v4+s24+$0x0] =	vst.idx.msk $0xffff, v3;
	v3 =	vand.u32 $0x7F, v6;
	v4 =	vand.u32 $0x400, v7  }
0x12b: {  	s11 =	sshra.s32 s11, $0x2;
	s2 =	sadd.s32 $0x0, s2;
	[tilespmem:v2+s24+$0x0] =	vst.idx.msk $0xffff, v5;
	v4 =	vor.u32 v3, v4  }
0x12c: {  	s11 =	sadd.s32 $0x0, s11;
	v2 =	vld [tilespmem:s2+$0x7B80];
	v5 =	vadd.s32 v0, v4  }
0x12d: {  	s2 =	simm.s32 $0x2000;
	v3 =	vld [tilespmem:s11+$0x7B80];
	v4 =	vadd.s32 v1, v4  }
.LBB2_3:
0x12e: {  	_ =	sdelay $0x2  }
0x12f: {  	p0 =	sne.s32 s2, $0x1E000;
	s5 =	sadd.s32 $0x10, s5;
	s16 =	sadd.s32 $0x10, s16;
	[tilespmem:v5+s24+$0x0] =	vst.idx.msk $0xffff, v2  }
0x130: {  	s11 =	smov.u32 s2;
	s2 =	sadd.s32 $0x2000, s2;
	[tilespmem:v4+s24+$0x0] =	vst.idx.msk $0xffff, v3  }
0x131: {  	v2 =	vld [tilespmem:s16+$0x0];
	_ =	sdelay $0x4  }
0x132: {  	(v2sf) =	vpush v2, $0x0;
	_ =	sdelay $0x3  }
0x133: {  	(v2sf) =	vpush v2, $0x1;
	_ =	sdelay $0x5  }
0x134: {  	(v2sf) =	vpush v2, $0x2;
	_ =	sdelay $0x1  }
0x135: {  	s14 =	sadd.s32 $0xFFFFFFF9, s5;
	s15 =	sadd.s32 $0xFFFFFFFA, s5;
	s19 =	sadd.s32 $0xFFFFFFFB, s5  }
0x136: {  	s20 =	sadd.s32 $0xFFFFFFF6, s5;
	s21 =	sadd.s32 $0xFFFFFFF7, s5;
	s22 =	sadd.s32 $0xFFFFFFF8, s5;
	v6 =	vmov s15;
	v5 =	vmov s14;
	v3 =	vmov s19  }
0x137: {  	s15 =	sadd.s32 $0xFFFFFFF4, s5;
	v7 =	vmov s20;
	v11 =	vmov s21;
	s14 =	sadd.s32 $0xFFFFFFF2, s5;
	s19 =	sadd.s32 $0xFFFFFFF5, s5;
	v4 =	vand.u32 $0x79, v6  }
0x138: {  	s25 =	sshra.s32 s11, $0x2;
	s20 =	sadd.s32 $0xFFFFFFF1, s5;
	v12 =	vmov s22;
	v8 =	vmov s14;
	s11 =	spop (v2sf);
	(v2sf) =	vpush v2, $0x3  }
0x139: {  	v9 =	vmov s20;
	v13 =	vand.u32 $0x78, v5;
	v10 =	vshll.u32 v8, $0x3;
	s14 =	sand.u32 $0x7F, s11;
	s20 =	sshll.u32 s11, $0x2;
	s11 =	sadd.s32 $0x10, s11  }
0x13a: {  	v14 =	vshll.u32 v9, $0x3;
	v15 =	vand.u32 $0x400, v10;
	v10 =	vmov s15;
	s20 =	sand.u32 $0xFFFFFE00, s20;
	s14 =	sshll.u32 s14, $0x2;
	s21 =	sand.u32 $0x7F, s11  }
0x13b: {  	v9 =	vand.u32 $0x70, v9;
	v14 =	vand.u32 $0x400, v14;
	v16 =	vand.u32 $0x73, v10;
	s11 =	sshll.u32 s11, $0x2;
	s14 =	sor.u32 s14, s20;
	s15 =	sshll.u32 s21, $0x2  }
0x13c: {  	v18 =	vshll.u32 v6, $0x3;
	v17 =	vand.u32 $0x71, v8;
	v14 =	vor.u32 v9, v14;
	s11 =	sand.u32 $0xFFFFFE00, s11;
	s14 =	sshra.s32 s14, $0x2;
	s20 =	spop (v2sf)  }
0x13d: {  	v6 =	vmov s19;
	v8 =	vand.u32 $0x75, v7;
	v7 =	vshll.u32 v7, $0x3;
	s11 =	sor.u32 s15, s11;
	s14 =	sadd.s32 s25, s14;
	s15 =	sand.u32 $0x7F, s20  }
0x13e: {  	v20 =	vand.u32 $0x74, v6;
	v6 =	vshll.u32 v6, $0x3;
	s11 =	sshra.s32 s11, $0x2;
	s19 =	sadd.s32 $0x10, s20;
	v19 =	vld [tilespmem:s14+$0x7400];
	s14 =	sshll.u32 s20, $0x2;
	(v2sf) =	vpush v2, $0x4  }
0x13f: {  	v9 =	vand.u32 $0x400, v7;
	v21 =	vadd.s32 v0, v14;
	v6 =	vand.u32 $0x400, v6;
	s11 =	sadd.s32 s25, s11;
	s15 =	sshll.u32 s15, $0x2;
	s14 =	sand.u32 $0xFFFFFE00, s14  }
0x140: {  	v14 =	vadd.s32 v1, v14;
	v23 =	vshll.u32 v10, $0x3;
	v10 =	vor.u32 v20, v6;
	v22 =	vld [tilespmem:s11+$0x7400];
	s11 =	sor.u32 s15, s14;
	s14 =	sand.u32 $0x7F, s19;
	s15 =	sshll.u32 s19, $0x2  }
0x141: {  	v6 =	vshll.u32 v11, $0x3;
	v20 =	vand.u32 $0x77, v12;
	v12 =	vshll.u32 v12, $0x3;
	s11 =	sshra.s32 s11, $0x2;
	s15 =	sand.u32 $0xFFFFFE00, s15;
	s14 =	sshll.u32 s14, $0x2  }
0x142: {  	v7 =	vand.u32 $0x76, v11;
	v6 =	vand.u32 $0x400, v6;
	s14 =	sor.u32 s14, s15;
	s15 =	sadd.s32 $0xFFFFFFF3, s5;
	s19 =	spop (v2sf);
	(v2sf) =	vpush v2, $0x5  }
0x143: {  	v7 =	vor.u32 v7, v6;
	v6 =	vand.u32 $0x400, v12;
	s14 =	sshra.s32 s14, $0x2;
	v11 =	vmov s15;
	s15 =	sand.u32 $0x7F, s19;
	s20 =	sshll.u32 s19, $0x2  }
0x144: {  	v5 =	vshll.u32 v5, $0x3;
	v6 =	vor.u32 v20, v6;
	s19 =	sadd.s32 $0x10, s19;
	[tilespmem:v21+s24+$0x0] =	vst.idx.msk $0xffff, v19;
	s20 =	sand.u32 $0xFFFFFE00, s20;
	s15 =	sshll.u32 s15, $0x2;
	v12 =	vshll.u32 v11, $0x3  }
0x145: {  	s11 =	sadd.s32 s25, s11;
	s21 =	sand.u32 $0x7F, s19;
	s19 =	sshll.u32 s19, $0x2;
	v11 =	vand.u32 $0x72, v11;
	[tilespmem:v14+s24+$0x0] =	vst.idx.msk $0xffff, v22;
	v14 =	vor.u32 v17, v15;
	v12 =	vand.u32 $0x400, v12  }
0x146: {  	v5 =	vand.u32 $0x400, v5;
	v15 =	vld [tilespmem:s11+$0x7480];
	s11 =	sadd.s32 s25, s14;
	v17 =	vadd.s32 v0, v14;
	s14 =	sand.u32 $0xFFFFFE00, s19;
	s19 =	sshll.u32 s21, $0x2;
	v11 =	vor.u32 v11, v12  }
0x147: {  	v5 =	vor.u32 v13, v5;
	v19 =	vand.u32 $0x400, v23;
	v14 =	vadd.s32 v1, v14;
	v12 =	vld [tilespmem:s11+$0x7480];
	s11 =	sor.u32 s15, s20;
	s14 =	sor.u32 s19, s14;
	s15 =	spop (v2sf)  }
0x148: {  	v13 =	vor.u32 v16, v19;
	v16 =	vand.u32 $0x400, v18;
	s11 =	sshra.s32 s11, $0x2;
	s14 =	sshra.s32 s14, $0x2;
	s19 =	sand.u32 $0x7F, s15;
	(v2sf) =	vpush v2, $0x6  }
0x149: {  	v4 =	vor.u32 v4, v16;
	v16 =	vshll.u32 v3, $0x3;
	s20 =	sshll.u32 s15, $0x2;
	s15 =	sadd.s32 $0x10, s15;
	s19 =	sshll.u32 s19, $0x2  }
0x14a: {  	v3 =	vand.u32 $0x7A, v3;
	v16 =	vand.u32 $0x400, v16;
	s20 =	sand.u32 $0xFFFFFE00, s20;
	s21 =	sand.u32 $0x7F, s15;
	s15 =	sshll.u32 s15, $0x2  }
0x14b: {  	v3 =	vor.u32 v3, v16;
	s19 =	sor.u32 s19, s20;
	s15 =	sand.u32 $0xFFFFFE00, s15;
	s20 =	sshll.u32 s21, $0x2;
	[tilespmem:v17+s24+$0x0] =	vst.idx.msk $0xffff, v15  }
0x14c: {  	s11 =	sadd.s32 s25, s11;
	s19 =	sshra.s32 s19, $0x2;
	s15 =	sor.u32 s20, s15;
	[tilespmem:v14+s24+$0x0] =	vst.idx.msk $0xffff, v12  }
0x14d: {  	v14 =	vadd.s32 v0, v11;
	v12 =	vld [tilespmem:s11+$0x7500];
	s11 =	sadd.s32 s25, s14;
	s14 =	sshra.s32 s15, $0x2;
	s15 =	spop (v2sf);
	(v2sf) =	vpush v2, $0x7  }
0x14e: {  	v11 =	vadd.s32 v1, v11;
	v15 =	vld [tilespmem:s11+$0x7500];
	s11 =	sand.u32 $0x7F, s15;
	s20 =	sshll.u32 s15, $0x2;
	s15 =	sadd.s32 $0x10, s15  }
0x14f: {  	s20 =	sand.u32 $0xFFFFFE00, s20;
	s11 =	sshll.u32 s11, $0x2;
	s21 =	sand.u32 $0x7F, s15  }
0x150: {  	s15 =	sshll.u32 s15, $0x2;
	s11 =	sor.u32 s11, s20;
	s20 =	sshll.u32 s21, $0x2  }
0x151: {  	s15 =	sand.u32 $0xFFFFFE00, s15;
	s11 =	sshra.s32 s11, $0x2;
	s21 =	spop (v2sf)  }
0x152: {  	s15 =	sor.u32 s20, s15;
	[tilespmem:v14+s24+$0x0] =	vst.idx.msk $0xffff, v12;
	s11 =	sadd.s32 s25, s11;
	s20 =	sadd.s32 $0x10, s21;
	(v2sf) =	vpush v2, $0x8  }
0x153: {  	s19 =	sadd.s32 s25, s19;
	s15 =	sshra.s32 s15, $0x2;
	s22 =	sand.u32 $0x7F, s21;
	[tilespmem:v11+s24+$0x0] =	vst.idx.msk $0xffff, v15  }
0x154: {  	s14 =	sadd.s32 s25, s14;
	v12 =	vadd.s32 v0, v13;
	s15 =	sadd.s32 s25, s15;
	v11 =	vld [tilespmem:s19+$0x7580];
	s19 =	sshll.u32 s21, $0x2  }
0x155: {  	v13 =	vadd.s32 v1, v13;
	s21 =	sshll.u32 s20, $0x2;
	v14 =	vld [tilespmem:s14+$0x7580];
	s14 =	sand.u32 $0xFFFFFE00, s19;
	s19 =	sshll.u32 s22, $0x2  }
0x156: {  	s14 =	sor.u32 s19, s14;
	s19 =	sand.u32 $0x7F, s20;
	s20 =	sand.u32 $0xFFFFFE00, s21  }
0x157: {  	s14 =	sshra.s32 s14, $0x2;
	s19 =	sshll.u32 s19, $0x2;
	s21 =	spop (v2sf);
	(v2sf) =	vpush v2, $0x9  }
0x158: {  	s14 =	sadd.s32 s25, s14;
	s19 =	sor.u32 s19, s20;
	s20 =	sand.u32 $0x7F, s21  }
0x159: {  	s22 =	sshll.u32 s21, $0x2;
	s21 =	sadd.s32 $0x10, s21;
	[tilespmem:v12+s24+$0x0] =	vst.idx.msk $0xffff, v11;
	s19 =	sshra.s32 s19, $0x2  }
0x15a: {  	s22 =	sand.u32 $0xFFFFFE00, s22;
	s23 =	sand.u32 $0x7F, s21;
	[tilespmem:v13+s24+$0x0] =	vst.idx.msk $0xffff, v14;
	s19 =	sadd.s32 s25, s19  }
0x15b: {  	v12 =	vadd.s32 v0, v10;
	v11 =	vld [tilespmem:s11+$0x7600];
	s11 =	sshll.u32 s20, $0x2;
	s20 =	sshll.u32 s21, $0x2;
	s21 =	sshll.u32 s23, $0x2  }
0x15c: {  	v10 =	vadd.s32 v1, v10;
	v13 =	vld [tilespmem:s15+$0x7600];
	s11 =	sor.u32 s11, s22;
	s15 =	sand.u32 $0xFFFFFE00, s20;
	s20 =	spop (v2sf)  }
0x15d: {  	s11 =	sshra.s32 s11, $0x2;
	s15 =	sor.u32 s21, s15;
	s21 =	sand.u32 $0x7F, s20  }
0x15e: {  	s22 =	sshll.u32 s20, $0x2;
	s20 =	sadd.s32 $0x10, s20;
	s11 =	sadd.s32 s25, s11;
	(v2sf) =	vpush v2, $0xA  }
0x15f: {  	s22 =	sand.u32 $0xFFFFFE00, s22;
	s21 =	sshll.u32 s21, $0x2;
	s23 =	sand.u32 $0x7F, s20  }
0x160: {  	s20 =	sshll.u32 s20, $0x2;
	s21 =	sor.u32 s21, s22;
	s22 =	sshll.u32 s23, $0x2;
	[tilespmem:v12+s24+$0x0] =	vst.idx.msk $0xffff, v11  }
0x161: {  	v8 =	vor.u32 v8, v9;
	s23 =	sand.u32 $0xFFFFFE00, s20;
	s21 =	sshra.s32 s21, $0x2;
	[tilespmem:v10+s24+$0x0] =	vst.idx.msk $0xffff, v13;
	s28 =	spop (v2sf)  }
0x162: {  	v10 =	vadd.s32 v0, v8;
	s20 =	sadd.s32 s25, s21;
	v9 =	vld [tilespmem:s14+$0x7680];
	s14 =	sor.u32 s22, s23;
	s22 =	sand.u32 $0x7F, s28  }
0x163: {  	v8 =	vadd.s32 v1, v8;
	s23 =	sadd.s32 $0x10, s28;
	v11 =	vld [tilespmem:s19+$0x7680];
	s14 =	sshra.s32 s14, $0x2;
	s19 =	sshll.u32 s28, $0x2;
	(v2sf) =	vpush v2, $0xB  }
0x164: {  	s21 =	sadd.s32 s25, s14;
	s14 =	sand.u32 $0xFFFFFE00, s19;
	s19 =	sand.u32 $0x7F, s23  }
0x165: {  	s22 =	sshll.u32 s22, $0x2;
	s23 =	sshll.u32 s23, $0x2;
	s19 =	sshll.u32 s19, $0x2  }
0x166: {  	s14 =	sor.u32 s22, s14;
	s22 =	sand.u32 $0xFFFFFE00, s23;
	s23 =	spop (v2sf)  }
0x167: {  	s14 =	sshra.s32 s14, $0x2;
	s19 =	sor.u32 s19, s22;
	[tilespmem:v10+s24+$0x0] =	vst.idx.msk $0xffff, v9;
	s22 =	sand.u32 $0x7F, s23  }
0x168: {  	s28 =	sshra.s32 s15, $0x2;
	s15 =	sadd.s32 s25, s14;
	s14 =	sshra.s32 s19, $0x2;
	[tilespmem:v8+s24+$0x0] =	vst.idx.msk $0xffff, v11;
	(v2sf) =	vpush v2, $0xC  }
0x169: {  	v9 =	vadd.s32 v0, v7;
	s19 =	sadd.s32 s25, s14;
	s14 =	sshll.u32 s23, $0x2;
	v8 =	vld [tilespmem:s11+$0x7700];
	s11 =	sadd.s32 s25, s28  }
0x16a: {  	v7 =	vadd.s32 v1, v7;
	v10 =	vld [tilespmem:s11+$0x7700];
	s11 =	sand.u32 $0xFFFFFE00, s14;
	s14 =	sshll.u32 s22, $0x2;
	s22 =	sadd.s32 $0x10, s23  }
0x16b: {  	s11 =	sor.u32 s14, s11;
	s14 =	sand.u32 $0x7F, s22;
	s22 =	sshll.u32 s22, $0x2  }
0x16c: {  	s11 =	sshra.s32 s11, $0x2;
	s22 =	sand.u32 $0xFFFFFE00, s22;
	s14 =	sshll.u32 s14, $0x2  }
0x16d: {  	s11 =	sadd.s32 s25, s11;
	s14 =	sor.u32 s14, s22;
	s22 =	spop (v2sf);
	(v2sf) =	vpush v2, $0xD  }
0x16e: {  	[tilespmem:v9+s24+$0x0] =	vst.idx.msk $0xffff, v8;
	s14 =	sshra.s32 s14, $0x2;
	s23 =	sand.u32 $0x7F, s22;
	s28 =	sshll.u32 s22, $0x2  }
0x16f: {  	s22 =	sadd.s32 $0x10, s22;
	[tilespmem:v7+s24+$0x0] =	vst.idx.msk $0xffff, v10;
	s14 =	sadd.s32 s25, s14;
	s28 =	sand.u32 $0xFFFFFE00, s28  }
0x170: {  	v8 =	vadd.s32 v0, v6;
	v7 =	vld [tilespmem:s20+$0x7780];
	s20 =	sshll.u32 s23, $0x2;
	s23 =	sand.u32 $0x7F, s22;
	s22 =	sshll.u32 s22, $0x2  }
0x171: {  	v6 =	vadd.s32 v1, v6;
	v9 =	vld [tilespmem:s21+$0x7780];
	s20 =	sor.u32 s20, s28;
	s21 =	sand.u32 $0xFFFFFE00, s22;
	s22 =	sshll.u32 s23, $0x2  }
0x172: {  	s20 =	sshra.s32 s20, $0x2;
	s22 =	sor.u32 s22, s21;
	s23 =	spop (v2sf);
	(v2sf) =	vpush v2, $0xE  }
0x173: {  	s21 =	sadd.s32 s25, s20;
	s20 =	sshra.s32 s22, $0x2;
	s22 =	sand.u32 $0x7F, s23  }
0x174: {  	s28 =	sshll.u32 s23, $0x2;
	s23 =	sadd.s32 $0x10, s23;
	s20 =	sadd.s32 s25, s20  }
0x175: {  	s28 =	sand.u32 $0xFFFFFE00, s28;
	s22 =	sshll.u32 s22, $0x2;
	s26 =	sand.u32 $0x7F, s23;
	[tilespmem:v8+s24+$0x0] =	vst.idx.msk $0xffff, v7  }
0x176: {  	s23 =	sshll.u32 s23, $0x2;
	s22 =	sor.u32 s22, s28;
	s26 =	sshll.u32 s26, $0x2;
	[tilespmem:v6+s24+$0x0] =	vst.idx.msk $0xffff, v9  }
0x177: {  	v7 =	vadd.s32 v0, v5;
	v6 =	vld [tilespmem:s15+$0x7800];
	s15 =	sshra.s32 s22, $0x2;
	s22 =	sand.u32 $0xFFFFFE00, s23;
	s23 =	spop (v2sf);
	(v2sf) =	vpush v2, $0xF  }
0x178: {  	v5 =	vadd.s32 v1, v5;
	v2 =	vld [tilespmem:s19+$0x7800];
	s15 =	sadd.s32 s25, s15;
	s19 =	sor.u32 s26, s22;
	s22 =	sand.u32 $0x7F, s23  }
0x179: {  	s26 =	sshll.u32 s23, $0x2;
	s28 =	sadd.s32 $0x10, s23;
	s19 =	sshra.s32 s19, $0x2  }
0x17a: {  	s23 =	sadd.s32 s25, s19;
	s19 =	sand.u32 $0xFFFFFE00, s26;
	s26 =	sand.u32 $0x7F, s28  }
0x17b: {  	s22 =	sshll.u32 s22, $0x2;
	s28 =	sshll.u32 s28, $0x2;
	s26 =	sshll.u32 s26, $0x2  }
0x17c: {  	s19 =	sor.u32 s22, s19;
	s22 =	sand.u32 $0xFFFFFE00, s28;
	[tilespmem:v7+s24+$0x0] =	vst.idx.msk $0xffff, v6;
	s29 =	spop (v2sf)  }
0x17d: {  	s19 =	sshra.s32 s19, $0x2;
	s28 =	sor.u32 s26, s22;
	[tilespmem:v5+s24+$0x0] =	vst.idx.msk $0xffff, v2;
	s22 =	sand.u32 $0x7F, s29  }
0x17e: {  	v5 =	vadd.s32 v0, v4;
	s26 =	sadd.s32 $0x10, s29;
	v2 =	vld [tilespmem:s11+$0x7880];
	s11 =	sadd.s32 s25, s19;
	s19 =	sshll.u32 s29, $0x2  }
0x17f: {  	v4 =	vadd.s32 v1, v4;
	v6 =	vld [tilespmem:s14+$0x7880];
	s14 =	sand.u32 $0xFFFFFE00, s19;
	s19 =	sshll.u32 s22, $0x2;
	s22 =	sshll.u32 s26, $0x2  }
0x180: {  	s14 =	sor.u32 s19, s14;
	s19 =	sand.u32 $0x7F, s26;
	s22 =	sand.u32 $0xFFFFFE00, s22  }
0x181: {  	s14 =	sshra.s32 s14, $0x2;
	s19 =	sshll.u32 s19, $0x2;
	s26 =	spop (v2sf)  }
0x182: {  	s14 =	sadd.s32 s25, s14;
	s19 =	sor.u32 s19, s22;
	s22 =	sand.u32 $0x7F, s26  }
0x183: {  	s29 =	sshll.u32 s26, $0x2;
	s26 =	sadd.s32 $0x10, s26;
	[tilespmem:v5+s24+$0x0] =	vst.idx.msk $0xffff, v2;
	s19 =	sshra.s32 s19, $0x2  }
0x184: {  	s29 =	sand.u32 $0xFFFFFE00, s29;
	s30 =	sand.u32 $0x7F, s26;
	[tilespmem:v4+s24+$0x0] =	vst.idx.msk $0xffff, v6;
	s19 =	sadd.s32 s25, s19  }
0x185: {  	v4 =	vadd.s32 v0, v3;
	v2 =	vld [tilespmem:s21+$0x7900];
	s21 =	sshll.u32 s22, $0x2;
	s22 =	sshll.u32 s26, $0x2;
	s26 =	sshll.u32 s30, $0x2  }
0x186: {  	v3 =	vadd.s32 v1, v3;
	v5 =	vld [tilespmem:s20+$0x7900];
	s20 =	sor.u32 s21, s29;
	s21 =	sand.u32 $0xFFFFFE00, s22;
	s22 =	spop (v2sf)  }
0x187: {  	s29 =	sadd.s32 $0xFFFFFFFC, s5;
	s20 =	sshra.s32 s20, $0x2;
	s21 =	sor.u32 s26, s21  }
0x188: {  	v6 =	vmov s29;
	s26 =	sand.u32 $0x7F, s22;
	s20 =	sadd.s32 s25, s20;
	s21 =	sshra.s32 s21, $0x2  }
0x189: {  	s29 =	sshll.u32 s22, $0x2;
	v7 =	vshll.u32 v6, $0x3;
	s26 =	sshll.u32 s26, $0x2;
	s21 =	sadd.s32 s25, s21  }
0x18a: {  	s22 =	sadd.s32 $0x10, s22;
	s29 =	sand.u32 $0xFFFFFE00, s29;
	[tilespmem:v4+s24+$0x0] =	vst.idx.msk $0xffff, v2;
	v2 =	vand.u32 $0x7B, v6;
	v4 =	vand.u32 $0x400, v7  }
0x18b: {  	s26 =	sor.u32 s26, s29;
	s29 =	sand.u32 $0x7F, s22;
	s22 =	sshll.u32 s22, $0x2;
	[tilespmem:v3+s24+$0x0] =	vst.idx.msk $0xffff, v5;
	v2 =	vor.u32 v2, v4  }
0x18c: {  	s22 =	sand.u32 $0xFFFFFE00, s22;
	v3 =	vld [tilespmem:s15+$0x7980];
	v4 =	vadd.s32 v0, v2;
	s15 =	sshra.s32 s26, $0x2;
	s26 =	sshll.u32 s29, $0x2  }
0x18d: {  	v2 =	vadd.s32 v1, v2;
	v5 =	vld [tilespmem:s23+$0x7980];
	s15 =	sadd.s32 s25, s15;
	s22 =	sor.u32 s26, s22  }
0x18e: {  	s23 =	sadd.s32 $0xFFFFFFFD, s5;
	s22 =	sshra.s32 s22, $0x2  }
0x18f: {  	v6 =	vmov s23;
	s22 =	sadd.s32 s25, s22  }
0x190: {  	v7 =	vshll.u32 v6, $0x3  }
0x191: {  	[tilespmem:v4+s24+$0x0] =	vst.idx.msk $0xffff, v3;
	v3 =	vand.u32 $0x7C, v6;
	v4 =	vand.u32 $0x400, v7  }
0x192: {  	s23 =	sshra.s32 s28, $0x2;
	[tilespmem:v2+s24+$0x0] =	vst.idx.msk $0xffff, v5;
	v2 =	vor.u32 v3, v4  }
0x193: {  	v3 =	vld [tilespmem:s11+$0x7A00];
	s11 =	sadd.s32 s25, s23;
	v4 =	vadd.s32 v0, v2  }
0x194: {  	v2 =	vadd.s32 v1, v2;
	v5 =	vld [tilespmem:s11+$0x7A00]  }
0x195: {  	s11 =	sadd.s32 $0xFFFFFFFE, s5  }
0x196: {  	v6 =	vmov s11  }
0x197: {  	v7 =	vshll.u32 v6, $0x3  }
0x198: {  	[tilespmem:v4+s24+$0x0] =	vst.idx.msk $0xffff, v3;
	v3 =	vand.u32 $0x7D, v6;
	v4 =	vand.u32 $0x400, v7  }
0x199: {  	[tilespmem:v2+s24+$0x0] =	vst.idx.msk $0xffff, v5;
	v2 =	vor.u32 v3, v4  }
0x19a: {  	v3 =	vld [tilespmem:s14+$0x7A80];
	v4 =	vadd.s32 v0, v2  }
0x19b: {  	v2 =	vadd.s32 v1, v2;
	v5 =	vld [tilespmem:s19+$0x7A80]  }
0x19c: {  	s11 =	sadd.s32 $0xFFFFFFFF, s5  }
0x19d: {  	v6 =	vmov s11  }
0x19e: {  	v7 =	vshll.u32 v6, $0x3  }
0x19f: {  	[tilespmem:v4+s24+$0x0] =	vst.idx.msk $0xffff, v3;
	v3 =	vand.u32 $0x7E, v6;
	v4 =	vand.u32 $0x400, v7  }
0x1a0: {  	[tilespmem:v2+s24+$0x0] =	vst.idx.msk $0xffff, v5;
	v2 =	vor.u32 v3, v4  }
0x1a1: {  	v3 =	vld [tilespmem:s20+$0x7B00];
	v4 =	vadd.s32 v0, v2  }
0x1a2: {  	v2 =	vadd.s32 v1, v2;
	v5 =	vld [tilespmem:s21+$0x7B00];
	_ =	sdelay $0x1  }
0x1a3: {  	v6 =	vmov s5  }
.Ltmp0:
0x1a4: {  	v7 =	vshll.u32 v6, $0x3;
	(pc) =	sbr.rel @p0 .LBB2_3-.Ltmp0, $4  }
0x1a5: {  	[tilespmem:v4+s24+$0x0] =	vst.idx.msk $0xffff, v3;
	v3 =	vand.u32 $0x7F, v6;
	v4 =	vand.u32 $0x400, v7  }
0x1a6: {  	[tilespmem:v2+s24+$0x0] =	vst.idx.msk $0xffff, v5;
	v4 =	vor.u32 v3, v4  }
0x1a7: {  	v2 =	vld [tilespmem:s15+$0x7B80];
	v5 =	vadd.s32 v0, v4  }
0x1a8: {  	v4 =	vadd.s32 v1, v4;
	v3 =	vld [tilespmem:s22+$0x7B80]  }
0x1a9: {  	_ =	sdelay $0x3  }
0x1aa: {  	s16 =	sshll.u32 s12, $0x10;
	[tilespmem:v5+s24+$0x0] =	vst.idx.msk $0xffff, v2  }
0x1ab: {  	s5 =	simm.s32 $0x0;
	s2 =	sadd.s32 s16, s10;
	[tilespmem:v4+s24+$0x0] =	vst.idx.msk $0xffff, v3  }
0x1ac: {  	[hbm4b:s2+s5] =	stream.linear.scatter [tilespmem:s24], [sflag:$0x4], $0x800, $0x38;
	[tilespmem:$0x1D400] =	vst v63  }
0x1ad: {  	s0 =	simm.s32 $0x18000;
	s11 =	sadd.s32 $0x4000, s2  }
0x1ae: {  	[hbm4b:s11+s5] =	stream.linear.scatter [tilespmem:s0], [sflag:$0x4], $0x800, $0x38;
	[tilespmem:$0x1D400] =	vst v63  }
0x1af: {  	s29 =	simm.s32 $0x18C00;
	s28 =	sadd.s32 $0x8000, s2  }
0x1b0: {  	[hbm4b:s28+s5] =	stream.linear.scatter [tilespmem:s29], [sflag:$0x4], $0x800, $0x38;
	[tilespmem:$0x1D400] =	vst v63  }
0x1b1: {  	s30 =	simm.s32 $0x19800;
	s2 =	sadd.s32 $0xC000, s2;
	s11 =	sshll.u32 s12, $0x1  }
0x1b2: {  	[hbm4b:s2+s5] =	stream.linear.scatter [tilespmem:s30], [sflag:$0x4], $0x800, $0x38;
	[tilespmem:$0x1D400] =	vst v63  }
0x1b3: {  	s2 =	sadd.s32 $0x2, s11  }
0x1b4: {  	s14 =	sshll.u32 s2, $0x8;
	s2 =	sshll.u32 s2, $0x6  }
0x1b5: {  	s5 =	sand.u32 $0xF000, s14;
	s2 =	sand.u32 $0x380, s2  }
0x1b6: {  	s2 =	sor.u32 s2, s5  }
0x1b7: {  	v2 =	vld [tilespmem:s2+$0x0];
	_ =	sdelay $0x4  }
0x1b8: {  	v3 =	vshrl.u32 v2, $0x2;
	v2 =	vshll.u32 v2, $0x5  }
0x1b9: {  	[tilespmem:$0x7000] =	vst v3;
	v2 =	vand.u32 $0x60, v2  }
0x1ba: {  	[tilespmem:$0x7200] =	vst v2  }
0x1bb: {  	v2 =	vld [tilespmem:s2+$0x10];
	_ =	sdelay $0x4  }
0x1bc: {  	v3 =	vshrl.u32 v2, $0x2;
	v2 =	vshll.u32 v2, $0x5  }
0x1bd: {  	[tilespmem:$0x7010] =	vst v3;
	v2 =	vand.u32 $0x60, v2  }
0x1be: {  	[tilespmem:$0x7210] =	vst v2  }
0x1bf: {  	v2 =	vld [tilespmem:s2+$0x20];
	_ =	sdelay $0x4  }
0x1c0: {  	v3 =	vshrl.u32 v2, $0x2;
	v2 =	vshll.u32 v2, $0x5  }
0x1c1: {  	[tilespmem:$0x7020] =	vst v3;
	v2 =	vand.u32 $0x60, v2  }
0x1c2: {  	[tilespmem:$0x7220] =	vst v2  }
0x1c3: {  	v2 =	vld [tilespmem:s2+$0x30];
	_ =	sdelay $0x4  }
0x1c4: {  	v3 =	vshrl.u32 v2, $0x2;
	v2 =	vshll.u32 v2, $0x5  }
0x1c5: {  	[tilespmem:$0x7030] =	vst v3;
	v2 =	vand.u32 $0x60, v2  }
0x1c6: {  	[tilespmem:$0x7230] =	vst v2  }
0x1c7: {  	v2 =	vld [tilespmem:s2+$0x40];
	_ =	sdelay $0x4  }
0x1c8: {  	v3 =	vshrl.u32 v2, $0x2;
	v2 =	vshll.u32 v2, $0x5  }
0x1c9: {  	[tilespmem:$0x7040] =	vst v3;
	v2 =	vand.u32 $0x60, v2  }
0x1ca: {  	[tilespmem:$0x7240] =	vst v2  }
0x1cb: {  	v2 =	vld [tilespmem:s2+$0x50];
	_ =	sdelay $0x4  }
0x1cc: {  	v3 =	vshrl.u32 v2, $0x2;
	v2 =	vshll.u32 v2, $0x5  }
0x1cd: {  	[tilespmem:$0x7050] =	vst v3;
	v2 =	vand.u32 $0x60, v2  }
0x1ce: {  	[tilespmem:$0x7250] =	vst v2  }
0x1cf: {  	v2 =	vld [tilespmem:s2+$0x60];
	_ =	sdelay $0x4  }
0x1d0: {  	v3 =	vshrl.u32 v2, $0x2;
	v2 =	vshll.u32 v2, $0x5  }
0x1d1: {  	[tilespmem:$0x7060] =	vst v3;
	v2 =	vand.u32 $0x60, v2  }
0x1d2: {  	[tilespmem:$0x7260] =	vst v2  }
0x1d3: {  	v2 =	vld [tilespmem:s2+$0x70];
	_ =	sdelay $0x4  }
0x1d4: {  	v3 =	vshrl.u32 v2, $0x2;
	v2 =	vshll.u32 v2, $0x5  }
0x1d5: {  	[tilespmem:$0x7070] =	vst v3;
	v2 =	vand.u32 $0x60, v2  }
0x1d6: {  	[tilespmem:$0x7270] =	vst v2  }
0x1d7: {  	v2 =	vld [tilespmem:s2+$0x400];
	_ =	sdelay $0x4  }
0x1d8: {  	v3 =	vshrl.u32 v2, $0x2;
	v2 =	vshll.u32 v2, $0x5  }
0x1d9: {  	[tilespmem:$0x7080] =	vst v3;
	v2 =	vand.u32 $0x60, v2  }
0x1da: {  	[tilespmem:$0x7280] =	vst v2  }
0x1db: {  	v2 =	vld [tilespmem:s2+$0x410];
	_ =	sdelay $0x4  }
0x1dc: {  	v3 =	vshrl.u32 v2, $0x2;
	v2 =	vshll.u32 v2, $0x5  }
0x1dd: {  	[tilespmem:$0x7090] =	vst v3;
	v2 =	vand.u32 $0x60, v2  }
0x1de: {  	[tilespmem:$0x7290] =	vst v2  }
0x1df: {  	v2 =	vld [tilespmem:s2+$0x420];
	_ =	sdelay $0x4  }
0x1e0: {  	v3 =	vshrl.u32 v2, $0x2;
	v2 =	vshll.u32 v2, $0x5  }
0x1e1: {  	[tilespmem:$0x70A0] =	vst v3;
	v2 =	vand.u32 $0x60, v2  }
0x1e2: {  	[tilespmem:$0x72A0] =	vst v2  }
0x1e3: {  	v2 =	vld [tilespmem:s2+$0x430];
	_ =	sdelay $0x4  }
0x1e4: {  	v3 =	vshrl.u32 v2, $0x2;
	v2 =	vshll.u32 v2, $0x5  }
0x1e5: {  	[tilespmem:$0x70B0] =	vst v3;
	v2 =	vand.u32 $0x60, v2  }
0x1e6: {  	[tilespmem:$0x72B0] =	vst v2  }
0x1e7: {  	v2 =	vld [tilespmem:s2+$0x440];
	_ =	sdelay $0x4  }
0x1e8: {  	v3 =	vshrl.u32 v2, $0x2;
	v2 =	vshll.u32 v2, $0x5  }
0x1e9: {  	[tilespmem:$0x70C0] =	vst v3;
	v2 =	vand.u32 $0x60, v2  }
0x1ea: {  	[tilespmem:$0x72C0] =	vst v2  }
0x1eb: {  	v2 =	vld [tilespmem:s2+$0x450];
	_ =	sdelay $0x4  }
0x1ec: {  	v3 =	vshrl.u32 v2, $0x2;
	v2 =	vshll.u32 v2, $0x5  }
0x1ed: {  	[tilespmem:$0x70D0] =	vst v3;
	v2 =	vand.u32 $0x60, v2  }
0x1ee: {  	[tilespmem:$0x72D0] =	vst v2  }
0x1ef: {  	v2 =	vld [tilespmem:s2+$0x460];
	_ =	sdelay $0x4  }
0x1f0: {  	v3 =	vshrl.u32 v2, $0x2;
	v2 =	vshll.u32 v2, $0x5  }
0x1f1: {  	[tilespmem:$0x70E0] =	vst v3;
	v2 =	vand.u32 $0x60, v2  }
0x1f2: {  	[tilespmem:$0x72E0] =	vst v2  }
0x1f3: {  	v2 =	vld [tilespmem:s2+$0x470];
	_ =	sdelay $0x4  }
0x1f4: {  	v3 =	vshrl.u32 v2, $0x2;
	v2 =	vshll.u32 v2, $0x5  }
0x1f5: {  	[tilespmem:$0x70F0] =	vst v3;
	v2 =	vand.u32 $0x60, v2  }
0x1f6: {  	s15 =	simm.s32 $0x7000;
	s19 =	simm.s32 $0x7400;
	[tilespmem:$0x72F0] =	vst v2  }
0x1f7: {  	[tilespmem:s19], [sflag:$0x2] =	stream.indirect.gather [hbm4b:s4+s18], $0x80, s15, s18, $0xb8;
	[tilespmem:$0x1D400] =	vst v63  }
0x1f8: {  	_ =	swait.ge [sflag:s8], $0x8000  }
0x1f9: {  	[sflag:s8] =	ssyncset.done $0x0  }
0x1fa: {  	[sflag:s8] =	ssyncadd.s32 $0xFFFF8000  }
0x1fb: {  	_ =	swait.ge [sflag:s9], $0x2000  }
0x1fc: {  	[sflag:s9] =	ssyncset.done $0x0  }
0x1fd: {  	s5 =	simm.s32 $0x7300;
	[sflag:s9] =	ssyncadd.s32 $0xFFFFE000  }
0x1fe: {  	v2 =	vld [tilespmem:s5+$0x0];
	_ =	sdelay $0x4  }
0x1ff: {  	(v2sf) =	vpush v2, $0x0;
	_ =	sdelay $0x6  }
0x200: {  	(v2sf) =	vpush v2, $0x1;
	_ =	sdelay $0x6  }
0x201: {  	(v2sf) =	vpush v2, $0x2  }
0x202: {  	s20 =	spop (v2sf)  }
0x203: {  	s21 =	simm.s32 $0x0;
	s14 =	sshll.u32 s20, $0x2  }
0x204: {  	s15 =	sand.u32 $0x7F, s20;
	s2 =	sadd.s32 $0x10, s20;
	s14 =	sand.u32 $0xFFFFFE00, s14  }
0x205: {  	v3 =	vmov s21;
	s22 =	sshll.u32 s15, $0x2;
	s23 =	sand.u32 $0x7F, s2;
	s2 =	sshll.u32 s2, $0x2  }
0x206: {  	v4 =	vshll.u32 v3, $0x3;
	s11 =	sor.u32 s22, s14;
	s25 =	sshll.u32 s23, $0x2;
	s2 =	sand.u32 $0xFFFFFE00, s2  }
0x207: {  	v3 =	vand.u32 $0x70, v3;
	v4 =	vand.u32 $0x400, v4;
	s11 =	sshra.s32 s11, $0x2;
	s2 =	sor.u32 s25, s2  }
0x208: {  	v3 =	vor.u32 v3, v4;
	(v2sf) =	vpush v2, $0x3;
	s11 =	sadd.s32 $0x0, s11;
	s2 =	sshra.s32 s2, $0x2  }
0x209: {  	v5 =	vadd.s32 v0, v3;
	s26 =	spop (v2sf);
	v4 =	vld [tilespmem:s11+$0xF400];
	s2 =	sadd.s32 $0x0, s2  }
0x20a: {  	s28 =	simm.s32 $0x1;
	v3 =	vadd.s32 v1, v3;
	s29 =	sshll.u32 s26, $0x2;
	v6 =	vld [tilespmem:s2+$0xF400]  }
0x20b: {  	s30 =	sand.u32 $0x7F, s26;
	s14 =	sadd.s32 $0x10, s26;
	s15 =	sand.u32 $0xFFFFFE00, s29  }
0x20c: {  	v7 =	vmov s28;
	s0 =	sand.u32 $0x7F, s14;
	s14 =	sshll.u32 s14, $0x2;
	s2 =	sshll.u32 s30, $0x2  }
0x20d: {  	v8 =	vshll.u32 v7, $0x3;
	s14 =	sand.u32 $0xFFFFFE00, s14;
	s11 =	sshll.u32 s0, $0x2;
	s2 =	sor.u32 s2, s15  }
0x20e: {  	v7 =	vand.u32 $0x71, v7;
	v8 =	vand.u32 $0x400, v8;
	s11 =	sor.u32 s11, s14;
	s2 =	sshra.s32 s2, $0x2;
	[tilespmem:v5+s31+$0x0] =	vst.idx.msk $0xffff, v4  }
0x20f: {  	(v2sf) =	vpush v2, $0x4;
	s11 =	sshra.s32 s11, $0x2;
	s2 =	sadd.s32 $0x0, s2;
	[tilespmem:v3+s31+$0x0] =	vst.idx.msk $0xffff, v6;
	v3 =	vor.u32 v7, v8  }
0x210: {  	s19 =	spop (v2sf);
	s20 =	sadd.s32 $0x0, s11;
	v4 =	vld [tilespmem:s2+$0xF480];
	v5 =	vadd.s32 v0, v3  }
0x211: {  	s21 =	simm.s32 $0x2;
	s22 =	sshll.u32 s19, $0x2;
	v6 =	vld [tilespmem:s20+$0xF480];
	v3 =	vadd.s32 v1, v3  }
0x212: {  	s23 =	sand.u32 $0x7F, s19;
	s14 =	sadd.s32 $0x10, s19;
	s15 =	sand.u32 $0xFFFFFE00, s22  }
0x213: {  	s25 =	sand.u32 $0x7F, s14;
	s14 =	sshll.u32 s14, $0x2;
	v7 =	vmov s21;
	s2 =	sshll.u32 s23, $0x2  }
0x214: {  	s14 =	sand.u32 $0xFFFFFE00, s14;
	s11 =	sshll.u32 s25, $0x2;
	v53 =	vshll.u32 v7, $0x3;
	s2 =	sor.u32 s2, s15  }
0x215: {  	s11 =	sor.u32 s11, s14;
	v7 =	vand.u32 $0x72, v7;
	v8 =	vand.u32 $0x400, v53;
	s2 =	sshra.s32 s2, $0x2;
	[tilespmem:v5+s31+$0x0] =	vst.idx.msk $0xffff, v4  }
0x216: {  	(v2sf) =	vpush v2, $0x5;
	s11 =	sshra.s32 s11, $0x2;
	s2 =	sadd.s32 $0x0, s2;
	v4 =	vor.u32 v7, v8;
	[tilespmem:v3+s31+$0x0] =	vst.idx.msk $0xffff, v6  }
0x217: {  	s28 =	sadd.s32 $0x0, s11;
	s26 =	spop (v2sf);
	v5 =	vadd.s32 v0, v4;
	v3 =	vld [tilespmem:s2+$0xF500]  }
0x218: {  	s29 =	simm.s32 $0x3;
	s30 =	sand.u32 $0x7F, s26;
	v4 =	vadd.s32 v1, v4;
	v6 =	vld [tilespmem:s28+$0xF500]  }
0x219: {  	s0 =	sshll.u32 s26, $0x2;
	s14 =	sadd.s32 $0x10, s26;
	s15 =	sshll.u32 s30, $0x2  }
0x21a: {  	s19 =	sand.u32 $0x7F, s14;
	s14 =	sshll.u32 s14, $0x2;
	v7 =	vmov s29;
	s2 =	sand.u32 $0xFFFFFE00, s0  }
0x21b: {  	s14 =	sand.u32 $0xFFFFFE00, s14;
	s11 =	sshll.u32 s19, $0x2;
	v54 =	vshll.u32 v7, $0x3;
	s2 =	sor.u32 s15, s2  }
0x21c: {  	v7 =	vand.u32 $0x73, v7;
	s11 =	sor.u32 s11, s14;
	v8 =	vand.u32 $0x400, v54;
	s2 =	sshra.s32 s2, $0x2;
	[tilespmem:v5+s31+$0x0] =	vst.idx.msk $0xffff, v3  }
0x21d: {  	(v2sf) =	vpush v2, $0x6;
	s11 =	sshra.s32 s11, $0x2;
	s2 =	sadd.s32 $0x0, s2;
	v3 =	vor.u32 v7, v8;
	[tilespmem:v4+s31+$0x0] =	vst.idx.msk $0xffff, v6  }
0x21e: {  	s20 =	spop (v2sf);
	s21 =	sadd.s32 $0x0, s11;
	v5 =	vadd.s32 v0, v3;
	v4 =	vld [tilespmem:s2+$0xF580]  }
0x21f: {  	s22 =	simm.s32 $0x4;
	s14 =	sadd.s32 $0x10, s20;
	v3 =	vadd.s32 v1, v3;
	v6 =	vld [tilespmem:s21+$0xF580]  }
0x220: {  	s23 =	sshll.u32 s20, $0x2;
	s25 =	sand.u32 $0x7F, s20;
	s26 =	sand.u32 $0x7F, s14  }
0x221: {  	s14 =	sshll.u32 s14, $0x2;
	s15 =	sand.u32 $0xFFFFFE00, s23;
	v7 =	vmov s22;
	s2 =	sshll.u32 s25, $0x2  }
0x222: {  	s11 =	sshll.u32 s26, $0x2;
	s14 =	sand.u32 $0xFFFFFE00, s14;
	v55 =	vshll.u32 v7, $0x3;
	s2 =	sor.u32 s2, s15  }
0x223: {  	s11 =	sor.u32 s11, s14;
	v7 =	vand.u32 $0x74, v7;
	v8 =	vand.u32 $0x400, v55;
	s2 =	sshra.s32 s2, $0x2;
	[tilespmem:v5+s31+$0x0] =	vst.idx.msk $0xffff, v4  }
0x224: {  	(v2sf) =	vpush v2, $0x7;
	s11 =	sshra.s32 s11, $0x2;
	s2 =	sadd.s32 $0x0, s2;
	v4 =	vor.u32 v7, v8;
	[tilespmem:v3+s31+$0x0] =	vst.idx.msk $0xffff, v6  }
0x225: {  	s28 =	spop (v2sf);
	s11 =	sadd.s32 $0x0, s11;
	v5 =	vadd.s32 v0, v4;
	v3 =	vld [tilespmem:s2+$0xF600]  }
0x226: {  	s29 =	simm.s32 $0x5;
	s0 =	sadd.s32 $0x10, s28;
	v4 =	vadd.s32 v1, v4;
	v6 =	vld [tilespmem:s11+$0xF600]  }
0x227: {  	s30 =	sshll.u32 s28, $0x2;
	s14 =	sand.u32 $0x7F, s28;
	s19 =	sshll.u32 s0, $0x2  }
0x228: {  	s14 =	sshll.u32 s14, $0x2;
	s15 =	sand.u32 $0xFFFFFE00, s30;
	v7 =	vmov s29;
	s11 =	sand.u32 $0x7F, s0  }
0x229: {  	v56 =	vshll.u32 v7, $0x3;
	s2 =	sor.u32 s14, s15;
	s14 =	sand.u32 $0xFFFFFE00, s19;
	s11 =	sshll.u32 s11, $0x2  }
0x22a: {  	v7 =	vand.u32 $0x75, v7;
	v8 =	vand.u32 $0x400, v56;
	s2 =	sshra.s32 s2, $0x2;
	s11 =	sor.u32 s11, s14;
	[tilespmem:v5+s31+$0x0] =	vst.idx.msk $0xffff, v3  }
0x22b: {  	(v2sf) =	vpush v2, $0x8;
	s2 =	sadd.s32 $0x0, s2;
	s11 =	sshra.s32 s11, $0x2;
	v3 =	vor.u32 v7, v8;
	[tilespmem:v4+s31+$0x0] =	vst.idx.msk $0xffff, v6  }
0x22c: {  	s20 =	spop (v2sf);
	s11 =	sadd.s32 $0x0, s11;
	v5 =	vadd.s32 v0, v3;
	v4 =	vld [tilespmem:s2+$0xF680]  }
0x22d: {  	s21 =	simm.s32 $0x6;
	s22 =	sshll.u32 s20, $0x2;
	v3 =	vadd.s32 v1, v3;
	v6 =	vld [tilespmem:s11+$0xF680]  }
0x22e: {  	s23 =	sand.u32 $0x7F, s20;
	s15 =	sand.u32 $0xFFFFFE00, s22;
	s14 =	sadd.s32 $0x10, s20  }
0x22f: {  	s25 =	sand.u32 $0x7F, s14;
	s14 =	sshll.u32 s14, $0x2;
	v7 =	vmov s21;
	s11 =	sshll.u32 s23, $0x2  }
0x230: {  	s14 =	sand.u32 $0xFFFFFE00, s14;
	v57 =	vshll.u32 v7, $0x3;
	s2 =	sshll.u32 s25, $0x2;
	s11 =	sor.u32 s11, s15  }
0x231: {  	v7 =	vand.u32 $0x76, v7;
	v8 =	vand.u32 $0x400, v57;
	s2 =	sor.u32 s2, s14;
	s11 =	sshra.s32 s11, $0x2;
	[tilespmem:v5+s31+$0x0] =	vst.idx.msk $0xffff, v4  }
0x232: {  	(v2sf) =	vpush v2, $0x9;
	s2 =	sshra.s32 s2, $0x2;
	s11 =	sadd.s32 $0x0, s11;
	v4 =	vor.u32 v7, v8;
	[tilespmem:v3+s31+$0x0] =	vst.idx.msk $0xffff, v6  }
0x233: {  	s26 =	spop (v2sf);
	s2 =	sadd.s32 $0x0, s2;
	v5 =	vadd.s32 v0, v4;
	v3 =	vld [tilespmem:s11+$0xF700]  }
0x234: {  	s28 =	simm.s32 $0x7;
	s29 =	sshll.u32 s26, $0x2;
	v4 =	vadd.s32 v1, v4;
	v6 =	vld [tilespmem:s2+$0xF700]  }
0x235: {  	s30 =	sand.u32 $0x7F, s26;
	s14 =	sadd.s32 $0x10, s26;
	s15 =	sand.u32 $0xFFFFFE00, s29  }
0x236: {  	s0 =	sand.u32 $0x7F, s14;
	s14 =	sshll.u32 s14, $0x2;
	v7 =	vmov s28;
	s2 =	sshll.u32 s30, $0x2  }
0x237: {  	s14 =	sand.u32 $0xFFFFFE00, s14;
	v58 =	vshll.u32 v7, $0x3;
	s11 =	sshll.u32 s0, $0x2;
	s2 =	sor.u32 s2, s15  }
0x238: {  	v7 =	vand.u32 $0x77, v7;
	v8 =	vand.u32 $0x400, v58;
	s11 =	sor.u32 s11, s14;
	s2 =	sshra.s32 s2, $0x2;
	[tilespmem:v5+s31+$0x0] =	vst.idx.msk $0xffff, v3  }
0x239: {  	(v2sf) =	vpush v2, $0xA;
	s11 =	sshra.s32 s11, $0x2;
	s2 =	sadd.s32 $0x0, s2;
	v3 =	vor.u32 v7, v8;
	[tilespmem:v4+s31+$0x0] =	vst.idx.msk $0xffff, v6  }
0x23a: {  	s19 =	spop (v2sf);
	s11 =	sadd.s32 $0x0, s11;
	v5 =	vadd.s32 v0, v3;
	v4 =	vld [tilespmem:s2+$0xF780]  }
0x23b: {  	s20 =	simm.s32 $0x8;
	s21 =	sshll.u32 s19, $0x2;
	v3 =	vadd.s32 v1, v3;
	v6 =	vld [tilespmem:s11+$0xF780]  }
0x23c: {  	s22 =	sand.u32 $0x7F, s19;
	s14 =	sadd.s32 $0x10, s19;
	s15 =	sand.u32 $0xFFFFFE00, s21  }
0x23d: {  	s23 =	sand.u32 $0x7F, s14;
	s14 =	sshll.u32 s14, $0x2;
	v7 =	vmov s20;
	s11 =	sshll.u32 s22, $0x2  }
0x23e: {  	s14 =	sand.u32 $0xFFFFFE00, s14;
	v59 =	vshll.u32 v7, $0x3;
	s2 =	sshll.u32 s23, $0x2;
	s11 =	sor.u32 s11, s15  }
0x23f: {  	v7 =	vand.u32 $0x78, v7;
	v8 =	vand.u32 $0x400, v59;
	s2 =	sor.u32 s2, s14;
	s11 =	sshra.s32 s11, $0x2;
	[tilespmem:v5+s31+$0x0] =	vst.idx.msk $0xffff, v4  }
0x240: {  	(v2sf) =	vpush v2, $0xB;
	s2 =	sshra.s32 s2, $0x2;
	s11 =	sadd.s32 $0x0, s11;
	v4 =	vor.u32 v7, v8;
	[tilespmem:v3+s31+$0x0] =	vst.idx.msk $0xffff, v6  }
0x241: {  	s25 =	spop (v2sf);
	s2 =	sadd.s32 $0x0, s2;
	v5 =	vadd.s32 v0, v4;
	v3 =	vld [tilespmem:s11+$0xF800]  }
0x242: {  	s26 =	simm.s32 $0x9;
	s28 =	sshll.u32 s25, $0x2;
	v4 =	vadd.s32 v1, v4;
	v6 =	vld [tilespmem:s2+$0xF800]  }
0x243: {  	s29 =	sand.u32 $0x7F, s25;
	s15 =	sand.u32 $0xFFFFFE00, s28;
	s14 =	sadd.s32 $0x10, s25  }
0x244: {  	s30 =	sand.u32 $0x7F, s14;
	s14 =	sshll.u32 s14, $0x2;
	v7 =	vmov s26;
	s2 =	sshll.u32 s29, $0x2  }
0x245: {  	s14 =	sand.u32 $0xFFFFFE00, s14;
	v60 =	vshll.u32 v7, $0x3;
	s11 =	sshll.u32 s30, $0x2;
	s2 =	sor.u32 s2, s15  }
0x246: {  	v7 =	vand.u32 $0x79, v7;
	v8 =	vand.u32 $0x400, v60;
	s11 =	sor.u32 s11, s14;
	s2 =	sshra.s32 s2, $0x2;
	[tilespmem:v5+s31+$0x0] =	vst.idx.msk $0xffff, v3  }
0x247: {  	(v2sf) =	vpush v2, $0xC;
	s11 =	sshra.s32 s11, $0x2;
	s2 =	sadd.s32 $0x0, s2;
	v3 =	vor.u32 v7, v8;
	[tilespmem:v4+s31+$0x0] =	vst.idx.msk $0xffff, v6  }
0x248: {  	s0 =	spop (v2sf);
	s11 =	sadd.s32 $0x0, s11;
	v5 =	vadd.s32 v0, v3;
	v4 =	vld [tilespmem:s2+$0xF880]  }
0x249: {  	s19 =	simm.s32 $0xA;
	s21 =	sand.u32 $0x7F, s0;
	v3 =	vadd.s32 v1, v3;
	v6 =	vld [tilespmem:s11+$0xF880]  }
0x24a: {  	s20 =	sshll.u32 s0, $0x2;
	s22 =	sshll.u32 s21, $0x2;
	s14 =	sadd.s32 $0x10, s0  }
0x24b: {  	s15 =	sand.u32 $0xFFFFFE00, s20;
	s23 =	sand.u32 $0x7F, s14;
	s14 =	sshll.u32 s14, $0x2;
	v7 =	vmov s19  }
0x24c: {  	s14 =	sand.u32 $0xFFFFFE00, s14;
	v61 =	vshll.u32 v7, $0x3;
	s2 =	sor.u32 s22, s15;
	s11 =	sshll.u32 s23, $0x2  }
0x24d: {  	v7 =	vand.u32 $0x7A, v7;
	v8 =	vand.u32 $0x400, v61;
	s2 =	sshra.s32 s2, $0x2;
	s11 =	sor.u32 s11, s14;
	[tilespmem:v5+s31+$0x0] =	vst.idx.msk $0xffff, v4  }
0x24e: {  	(v2sf) =	vpush v2, $0xD;
	s2 =	sadd.s32 $0x0, s2;
	s11 =	sshra.s32 s11, $0x2;
	v4 =	vor.u32 v7, v8;
	[tilespmem:v3+s31+$0x0] =	vst.idx.msk $0xffff, v6  }
0x24f: {  	s25 =	spop (v2sf);
	s11 =	sadd.s32 $0x0, s11;
	v5 =	vadd.s32 v0, v4;
	v3 =	vld [tilespmem:s2+$0xF900]  }
0x250: {  	s28 =	sshll.u32 s25, $0x2;
	s26 =	sand.u32 $0x7F, s25;
	v4 =	vadd.s32 v1, v4;
	v6 =	vld [tilespmem:s11+$0xF900]  }
0x251: {  	s29 =	sadd.s32 $0x10, s25;
	s30 =	sand.u32 $0xFFFFFE00, s28;
	s0 =	simm.s32 $0xB  }
0x252: {  	s19 =	sand.u32 $0x7F, s29;
	v7 =	vmov s0;
	s2 =	sshll.u32 s26, $0x2;
	s11 =	sshll.u32 s29, $0x2  }
0x253: {  	s15 =	sshll.u32 s19, $0x2;
	v62 =	vshll.u32 v7, $0x3;
	s2 =	sor.u32 s2, s30;
	s11 =	sand.u32 $0xFFFFFE00, s11  }
0x254: {  	s2 =	sshra.s32 s2, $0x2;
	s11 =	sor.u32 s15, s11;
	[tilespmem:v5+s31+$0x0] =	vst.idx.msk $0xffff, v3;
	v3 =	vand.u32 $0x7B, v7;
	v5 =	vand.u32 $0x400, v62  }
0x255: {  	(v2sf) =	vpush v2, $0xE;
	s2 =	sadd.s32 $0x0, s2;
	s11 =	sshra.s32 s11, $0x2;
	[tilespmem:v4+s31+$0x0] =	vst.idx.msk $0xffff, v6;
	v3 =	vor.u32 v3, v5  }
0x256: {  	s19 =	spop (v2sf);
	s11 =	sadd.s32 $0x0, s11;
	v4 =	vld [tilespmem:s2+$0xF980];
	v5 =	vadd.s32 v0, v3  }
0x257: {  	s25 =	simm.s32 $0xC;
	s21 =	sshll.u32 s19, $0x2;
	v6 =	vld [tilespmem:s11+$0xF980];
	v3 =	vadd.s32 v1, v3  }
0x258: {  	s20 =	sand.u32 $0x7F, s19;
	s22 =	sadd.s32 $0x10, s19;
	s23 =	sand.u32 $0xFFFFFE00, s21  }
0x259: {  	s26 =	sand.u32 $0x7F, s22;
	v7 =	vmov s25;
	s2 =	sshll.u32 s20, $0x2;
	s11 =	sshll.u32 s22, $0x2  }
0x25a: {  	s28 =	sshll.u32 s26, $0x2;
	v63 =	vshll.u32 v7, $0x3;
	s2 =	sor.u32 s2, s23;
	s11 =	sand.u32 $0xFFFFFE00, s11  }
0x25b: {  	s2 =	sshra.s32 s2, $0x2;
	s11 =	sor.u32 s28, s11;
	[tilespmem:v5+s31+$0x0] =	vst.idx.msk $0xffff, v4;
	v4 =	vand.u32 $0x7C, v7;
	v5 =	vand.u32 $0x400, v63  }
0x25c: {  	(v2sf) =	vpush v2, $0xF;
	s2 =	sadd.s32 $0x0, s2;
	s11 =	sshra.s32 s11, $0x2;
	[tilespmem:v3+s31+$0x0] =	vst.idx.msk $0xffff, v6;
	v2 =	vor.u32 v4, v5  }
0x25d: {  	s29 =	spop (v2sf);
	s30 =	sadd.s32 $0x0, s11;
	v3 =	vld [tilespmem:s2+$0xFA00];
	v4 =	vadd.s32 v0, v2  }
0x25e: {  	s0 =	sand.u32 $0x7F, s29;
	s19 =	sshll.u32 s29, $0x2;
	v5 =	vld [tilespmem:s30+$0xFA00];
	v2 =	vadd.s32 v1, v2  }
0x25f: {  	s21 =	sand.u32 $0xFFFFFE00, s19;
	s20 =	sadd.s32 $0x10, s29;
	s22 =	simm.s32 $0xD  }
0x260: {  	s23 =	sshll.u32 s20, $0x2;
	s11 =	sshll.u32 s0, $0x2;
	v6 =	vmov s22;
	s2 =	sand.u32 $0x7F, s20  }
0x261: {  	s25 =	sand.u32 $0xFFFFFE00, s23;
	s11 =	sor.u32 s11, s21;
	v7 =	vshll.u32 v6, $0x3;
	s2 =	sshll.u32 s2, $0x2  }
0x262: {  	s11 =	sshra.s32 s11, $0x2;
	s2 =	sor.u32 s2, s25;
	[tilespmem:v4+s31+$0x0] =	vst.idx.msk $0xffff, v3;
	v3 =	vand.u32 $0x7D, v6;
	v4 =	vand.u32 $0x400, v7  }
0x263: {  	s11 =	sadd.s32 $0x0, s11;
	s2 =	sshra.s32 s2, $0x2;
	[tilespmem:v2+s31+$0x0] =	vst.idx.msk $0xffff, v5;
	v2 =	vor.u32 v3, v4  }
0x264: {  	s26 =	spop (v2sf);
	s2 =	sadd.s32 $0x0, s2;
	v3 =	vld [tilespmem:s11+$0xFA80];
	v4 =	vadd.s32 v0, v2  }
0x265: {  	s19 =	simm.s32 $0xE;
	s29 =	sshll.u32 s26, $0x2;
	v5 =	vld [tilespmem:s2+$0xFA80];
	v2 =	vadd.s32 v1, v2  }
0x266: {  	s28 =	sand.u32 $0x7F, s26;
	s0 =	sand.u32 $0xFFFFFE00, s29;
	s30 =	sadd.s32 $0x10, s26  }
0x267: {  	s20 =	sand.u32 $0x7F, s30;
	v6 =	vmov s19;
	s11 =	sshll.u32 s28, $0x2;
	s2 =	sshll.u32 s30, $0x2  }
0x268: {  	s21 =	sshll.u32 s20, $0x2;
	v7 =	vshll.u32 v6, $0x3;
	s11 =	sor.u32 s11, s0;
	s2 =	sand.u32 $0xFFFFFE00, s2  }
0x269: {  	s11 =	sshra.s32 s11, $0x2;
	s2 =	sor.u32 s21, s2;
	[tilespmem:v4+s31+$0x0] =	vst.idx.msk $0xffff, v3;
	v3 =	vand.u32 $0x7E, v6;
	v4 =	vand.u32 $0x400, v7  }
0x26a: {  	s11 =	sadd.s32 $0x0, s11;
	s2 =	sshra.s32 s2, $0x2;
	[tilespmem:v2+s31+$0x0] =	vst.idx.msk $0xffff, v5;
	v2 =	vor.u32 v3, v4  }
0x26b: {  	s22 =	spop (v2sf);
	s23 =	sadd.s32 $0x0, s2;
	v3 =	vld [tilespmem:s11+$0xFB00];
	v4 =	vadd.s32 v0, v2  }
0x26c: {  	s26 =	sshll.u32 s22, $0x2;
	s14 =	sadd.s32 $0x10, s22;
	v5 =	vld [tilespmem:s23+$0xFB00];
	v2 =	vadd.s32 v1, v2  }
0x26d: {  	s15 =	sand.u32 $0xFFFFFE00, s26;
	s25 =	sand.u32 $0x7F, s22;
	s2 =	simm.s32 $0xF  }
0x26e: {  	s28 =	sand.u32 $0x7F, s14;
	s14 =	sshll.u32 s14, $0x2;
	v6 =	vmov s2;
	s11 =	sshll.u32 s25, $0x2  }
0x26f: {  	s14 =	sand.u32 $0xFFFFFE00, s14;
	s29 =	sshll.u32 s28, $0x2;
	v7 =	vshll.u32 v6, $0x3;
	s11 =	sor.u32 s11, s15  }
0x270: {  	s14 =	sor.u32 s29, s14;
	s11 =	sshra.s32 s11, $0x2;
	[tilespmem:v4+s31+$0x0] =	vst.idx.msk $0xffff, v3;
	v3 =	vand.u32 $0x7F, v6;
	v4 =	vand.u32 $0x400, v7  }
0x271: {  	s14 =	sshra.s32 s14, $0x2;
	s11 =	sadd.s32 $0x0, s11;
	[tilespmem:v2+s31+$0x0] =	vst.idx.msk $0xffff, v5;
	v4 =	vor.u32 v3, v4  }
0x272: {  	s30 =	sadd.s32 $0x0, s14;
	v2 =	vld [tilespmem:s11+$0xFB80];
	v5 =	vadd.s32 v0, v4  }
0x273: {  	s25 =	simm.s32 $0x2000;
	v3 =	vld [tilespmem:s30+$0xFB80];
	v4 =	vadd.s32 v1, v4  }
.LBB2_5:
0x274: {  	_ =	sdelay $0x2  }
0x275: {  	p0 =	sne.s32 s25, $0x1E000;
	s2 =	sadd.s32 $0x10, s2;
	s5 =	sadd.s32 $0x10, s5;
	[tilespmem:v5+s31+$0x0] =	vst.idx.msk $0xffff, v2  }
0x276: {  	s11 =	smov.u32 s25;
	s25 =	sadd.s32 $0x2000, s25;
	[tilespmem:v4+s31+$0x0] =	vst.idx.msk $0xffff, v3  }
0x277: {  	v2 =	vld [tilespmem:s5+$0x0];
	_ =	sdelay $0x4  }
0x278: {  	(v2sf) =	vpush v2, $0x0;
	_ =	sdelay $0x3  }
0x279: {  	(v2sf) =	vpush v2, $0x1;
	_ =	sdelay $0x5  }
0x27a: {  	(v2sf) =	vpush v2, $0x2;
	_ =	sdelay $0x1  }
0x27b: {  	s14 =	sadd.s32 $0xFFFFFFF9, s2;
	s15 =	sadd.s32 $0xFFFFFFFA, s2;
	s19 =	sadd.s32 $0xFFFFFFFB, s2  }
0x27c: {  	s20 =	sadd.s32 $0xFFFFFFF6, s2;
	s21 =	sadd.s32 $0xFFFFFFF7, s2;
	s22 =	sadd.s32 $0xFFFFFFF8, s2;
	v6 =	vmov s15;
	v5 =	vmov s14;
	v3 =	vmov s19  }
0x27d: {  	s15 =	sadd.s32 $0xFFFFFFF4, s2;
	v7 =	vmov s20;
	v11 =	vmov s21;
	s14 =	sadd.s32 $0xFFFFFFF2, s2;
	s19 =	sadd.s32 $0xFFFFFFF5, s2;
	v4 =	vand.u32 $0x79, v6  }
0x27e: {  	s28 =	sshra.s32 s11, $0x2;
	s20 =	sadd.s32 $0xFFFFFFF1, s2;
	v12 =	vmov s22;
	v8 =	vmov s14;
	s11 =	spop (v2sf);
	(v2sf) =	vpush v2, $0x3  }
0x27f: {  	v9 =	vmov s20;
	v13 =	vand.u32 $0x78, v5;
	v10 =	vshll.u32 v8, $0x3;
	s14 =	sand.u32 $0x7F, s11;
	s20 =	sshll.u32 s11, $0x2;
	s11 =	sadd.s32 $0x10, s11  }
0x280: {  	v14 =	vshll.u32 v9, $0x3;
	v15 =	vand.u32 $0x400, v10;
	v10 =	vmov s15;
	s20 =	sand.u32 $0xFFFFFE00, s20;
	s14 =	sshll.u32 s14, $0x2;
	s21 =	sand.u32 $0x7F, s11  }
0x281: {  	v9 =	vand.u32 $0x70, v9;
	v14 =	vand.u32 $0x400, v14;
	v16 =	vand.u32 $0x73, v10;
	s11 =	sshll.u32 s11, $0x2;
	s14 =	sor.u32 s14, s20;
	s15 =	sshll.u32 s21, $0x2  }
0x282: {  	v18 =	vshll.u32 v6, $0x3;
	v17 =	vand.u32 $0x71, v8;
	v14 =	vor.u32 v9, v14;
	s11 =	sand.u32 $0xFFFFFE00, s11;
	s14 =	sshra.s32 s14, $0x2;
	s20 =	spop (v2sf)  }
0x283: {  	v6 =	vmov s19;
	v8 =	vand.u32 $0x75, v7;
	v7 =	vshll.u32 v7, $0x3;
	s11 =	sor.u32 s15, s11;
	s14 =	sadd.s32 s28, s14;
	s15 =	sand.u32 $0x7F, s20  }
0x284: {  	v20 =	vand.u32 $0x74, v6;
	v6 =	vshll.u32 v6, $0x3;
	s11 =	sshra.s32 s11, $0x2;
	s19 =	sadd.s32 $0x10, s20;
	v19 =	vld [tilespmem:s14+$0xF400];
	s14 =	sshll.u32 s20, $0x2;
	(v2sf) =	vpush v2, $0x4  }
0x285: {  	v9 =	vand.u32 $0x400, v7;
	v21 =	vadd.s32 v0, v14;
	v6 =	vand.u32 $0x400, v6;
	s11 =	sadd.s32 s28, s11;
	s15 =	sshll.u32 s15, $0x2;
	s14 =	sand.u32 $0xFFFFFE00, s14  }
0x286: {  	v14 =	vadd.s32 v1, v14;
	v23 =	vshll.u32 v10, $0x3;
	v10 =	vor.u32 v20, v6;
	v22 =	vld [tilespmem:s11+$0xF400];
	s11 =	sor.u32 s15, s14;
	s14 =	sand.u32 $0x7F, s19;
	s15 =	sshll.u32 s19, $0x2  }
0x287: {  	v6 =	vshll.u32 v11, $0x3;
	v20 =	vand.u32 $0x77, v12;
	v12 =	vshll.u32 v12, $0x3;
	s11 =	sshra.s32 s11, $0x2;
	s15 =	sand.u32 $0xFFFFFE00, s15;
	s14 =	sshll.u32 s14, $0x2  }
0x288: {  	v7 =	vand.u32 $0x76, v11;
	v6 =	vand.u32 $0x400, v6;
	s14 =	sor.u32 s14, s15;
	s15 =	sadd.s32 $0xFFFFFFF3, s2;
	s19 =	spop (v2sf);
	(v2sf) =	vpush v2, $0x5  }
0x289: {  	v7 =	vor.u32 v7, v6;
	v6 =	vand.u32 $0x400, v12;
	s14 =	sshra.s32 s14, $0x2;
	v11 =	vmov s15;
	s15 =	sand.u32 $0x7F, s19;
	s20 =	sshll.u32 s19, $0x2  }
0x28a: {  	v5 =	vshll.u32 v5, $0x3;
	v6 =	vor.u32 v20, v6;
	s19 =	sadd.s32 $0x10, s19;
	[tilespmem:v21+s31+$0x0] =	vst.idx.msk $0xffff, v19;
	s20 =	sand.u32 $0xFFFFFE00, s20;
	s15 =	sshll.u32 s15, $0x2;
	v12 =	vshll.u32 v11, $0x3  }
0x28b: {  	s11 =	sadd.s32 s28, s11;
	s21 =	sand.u32 $0x7F, s19;
	s19 =	sshll.u32 s19, $0x2;
	v11 =	vand.u32 $0x72, v11;
	[tilespmem:v14+s31+$0x0] =	vst.idx.msk $0xffff, v22;
	v14 =	vor.u32 v17, v15;
	v12 =	vand.u32 $0x400, v12  }
0x28c: {  	v5 =	vand.u32 $0x400, v5;
	v15 =	vld [tilespmem:s11+$0xF480];
	s11 =	sadd.s32 s28, s14;
	v17 =	vadd.s32 v0, v14;
	s14 =	sand.u32 $0xFFFFFE00, s19;
	s19 =	sshll.u32 s21, $0x2;
	v11 =	vor.u32 v11, v12  }
0x28d: {  	v5 =	vor.u32 v13, v5;
	v19 =	vand.u32 $0x400, v23;
	v14 =	vadd.s32 v1, v14;
	v12 =	vld [tilespmem:s11+$0xF480];
	s11 =	sor.u32 s15, s20;
	s14 =	sor.u32 s19, s14;
	s15 =	spop (v2sf)  }
0x28e: {  	v13 =	vor.u32 v16, v19;
	v16 =	vand.u32 $0x400, v18;
	s11 =	sshra.s32 s11, $0x2;
	s14 =	sshra.s32 s14, $0x2;
	s19 =	sand.u32 $0x7F, s15;
	(v2sf) =	vpush v2, $0x6  }
0x28f: {  	v4 =	vor.u32 v4, v16;
	v16 =	vshll.u32 v3, $0x3;
	s20 =	sshll.u32 s15, $0x2;
	s15 =	sadd.s32 $0x10, s15;
	s19 =	sshll.u32 s19, $0x2  }
0x290: {  	v3 =	vand.u32 $0x7A, v3;
	v16 =	vand.u32 $0x400, v16;
	s20 =	sand.u32 $0xFFFFFE00, s20;
	s21 =	sand.u32 $0x7F, s15;
	s15 =	sshll.u32 s15, $0x2  }
0x291: {  	v3 =	vor.u32 v3, v16;
	s19 =	sor.u32 s19, s20;
	s15 =	sand.u32 $0xFFFFFE00, s15;
	s20 =	sshll.u32 s21, $0x2;
	[tilespmem:v17+s31+$0x0] =	vst.idx.msk $0xffff, v15  }
0x292: {  	s11 =	sadd.s32 s28, s11;
	s19 =	sshra.s32 s19, $0x2;
	s15 =	sor.u32 s20, s15;
	[tilespmem:v14+s31+$0x0] =	vst.idx.msk $0xffff, v12  }
0x293: {  	v14 =	vadd.s32 v0, v11;
	v12 =	vld [tilespmem:s11+$0xF500];
	s11 =	sadd.s32 s28, s14;
	s14 =	sshra.s32 s15, $0x2;
	s15 =	spop (v2sf);
	(v2sf) =	vpush v2, $0x7  }
0x294: {  	v11 =	vadd.s32 v1, v11;
	v15 =	vld [tilespmem:s11+$0xF500];
	s11 =	sand.u32 $0x7F, s15;
	s20 =	sshll.u32 s15, $0x2;
	s15 =	sadd.s32 $0x10, s15  }
0x295: {  	s20 =	sand.u32 $0xFFFFFE00, s20;
	s11 =	sshll.u32 s11, $0x2;
	s21 =	sand.u32 $0x7F, s15  }
0x296: {  	s15 =	sshll.u32 s15, $0x2;
	s11 =	sor.u32 s11, s20;
	s20 =	sshll.u32 s21, $0x2  }
0x297: {  	s15 =	sand.u32 $0xFFFFFE00, s15;
	s11 =	sshra.s32 s11, $0x2;
	s21 =	spop (v2sf)  }
0x298: {  	s15 =	sor.u32 s20, s15;
	[tilespmem:v14+s31+$0x0] =	vst.idx.msk $0xffff, v12;
	s11 =	sadd.s32 s28, s11;
	s20 =	sadd.s32 $0x10, s21;
	(v2sf) =	vpush v2, $0x8  }
0x299: {  	s19 =	sadd.s32 s28, s19;
	s15 =	sshra.s32 s15, $0x2;
	s22 =	sand.u32 $0x7F, s21;
	[tilespmem:v11+s31+$0x0] =	vst.idx.msk $0xffff, v15  }
0x29a: {  	s14 =	sadd.s32 s28, s14;
	v12 =	vadd.s32 v0, v13;
	s15 =	sadd.s32 s28, s15;
	v11 =	vld [tilespmem:s19+$0xF580];
	s19 =	sshll.u32 s21, $0x2  }
0x29b: {  	v13 =	vadd.s32 v1, v13;
	s21 =	sshll.u32 s20, $0x2;
	v14 =	vld [tilespmem:s14+$0xF580];
	s14 =	sand.u32 $0xFFFFFE00, s19;
	s19 =	sshll.u32 s22, $0x2  }
0x29c: {  	s14 =	sor.u32 s19, s14;
	s19 =	sand.u32 $0x7F, s20;
	s20 =	sand.u32 $0xFFFFFE00, s21  }
0x29d: {  	s14 =	sshra.s32 s14, $0x2;
	s19 =	sshll.u32 s19, $0x2;
	s21 =	spop (v2sf);
	(v2sf) =	vpush v2, $0x9  }
0x29e: {  	s14 =	sadd.s32 s28, s14;
	s19 =	sor.u32 s19, s20;
	s20 =	sand.u32 $0x7F, s21  }
0x29f: {  	s22 =	sshll.u32 s21, $0x2;
	s21 =	sadd.s32 $0x10, s21;
	[tilespmem:v12+s31+$0x0] =	vst.idx.msk $0xffff, v11;
	s19 =	sshra.s32 s19, $0x2  }
0x2a0: {  	[tilespmem:v13+s31+$0x0] =	vst.idx.msk $0xffff, v14;
	s23 =	sadd.s32 s28, s19;
	s19 =	sand.u32 $0xFFFFFE00, s22;
	s22 =	sand.u32 $0x7F, s21  }
0x2a1: {  	v12 =	vadd.s32 v0, v10;
	v11 =	vld [tilespmem:s11+$0xF600];
	s11 =	sshll.u32 s20, $0x2;
	s20 =	sshll.u32 s21, $0x2;
	s21 =	sshll.u32 s22, $0x2  }
0x2a2: {  	v10 =	vadd.s32 v1, v10;
	v13 =	vld [tilespmem:s15+$0xF600];
	s11 =	sor.u32 s11, s19;
	s15 =	sand.u32 $0xFFFFFE00, s20;
	s19 =	spop (v2sf)  }
0x2a3: {  	s11 =	sshra.s32 s11, $0x2;
	s15 =	sor.u32 s21, s15;
	s20 =	sand.u32 $0x7F, s19  }
0x2a4: {  	s22 =	sadd.s32 s28, s11;
	s11 =	sshll.u32 s19, $0x2;
	s19 =	sadd.s32 $0x10, s19;
	(v2sf) =	vpush v2, $0xA  }
0x2a5: {  	s20 =	sshll.u32 s20, $0x2;
	s11 =	sand.u32 $0xFFFFFE00, s11;
	s21 =	sand.u32 $0x7F, s19  }
0x2a6: {  	s19 =	sshll.u32 s19, $0x2;
	[tilespmem:v12+s31+$0x0] =	vst.idx.msk $0xffff, v11;
	s11 =	sor.u32 s20, s11;
	s20 =	sshll.u32 s21, $0x2  }
0x2a7: {  	v8 =	vor.u32 v8, v9;
	s21 =	sand.u32 $0xFFFFFE00, s19;
	[tilespmem:v10+s31+$0x0] =	vst.idx.msk $0xffff, v13;
	s11 =	sshra.s32 s11, $0x2;
	s26 =	spop (v2sf)  }
0x2a8: {  	v10 =	vadd.s32 v0, v8;
	v9 =	vld [tilespmem:s14+$0xF680];
	s19 =	sadd.s32 s28, s11;
	s11 =	sor.u32 s20, s21;
	s14 =	sand.u32 $0x7F, s26  }
0x2a9: {  	v8 =	vadd.s32 v1, v8;
	s20 =	sshll.u32 s26, $0x2;
	v11 =	vld [tilespmem:s23+$0xF680];
	s11 =	sshra.s32 s11, $0x2;
	s23 =	sadd.s32 $0x10, s26;
	(v2sf) =	vpush v2, $0xB  }
0x2aa: {  	s21 =	sadd.s32 s28, s11;
	s11 =	sand.u32 $0xFFFFFE00, s20;
	s20 =	sand.u32 $0x7F, s23  }
0x2ab: {  	s14 =	sshll.u32 s14, $0x2;
	s23 =	sshll.u32 s23, $0x2;
	s20 =	sshll.u32 s20, $0x2  }
0x2ac: {  	s11 =	sor.u32 s14, s11;
	s14 =	sand.u32 $0xFFFFFE00, s23;
	s23 =	spop (v2sf)  }
0x2ad: {  	s11 =	sshra.s32 s11, $0x2;
	s14 =	sor.u32 s20, s14;
	[tilespmem:v10+s31+$0x0] =	vst.idx.msk $0xffff, v9;
	s20 =	sand.u32 $0x7F, s23  }
0x2ae: {  	s15 =	sshra.s32 s15, $0x2;
	s11 =	sadd.s32 s28, s11;
	s14 =	sshra.s32 s14, $0x2;
	[tilespmem:v8+s31+$0x0] =	vst.idx.msk $0xffff, v11;
	(v2sf) =	vpush v2, $0xC  }
0x2af: {  	s15 =	sadd.s32 s28, s15;
	v9 =	vadd.s32 v0, v7;
	s14 =	sadd.s32 s28, s14;
	v8 =	vld [tilespmem:s22+$0xF700];
	s22 =	sshll.u32 s23, $0x2  }
0x2b0: {  	v7 =	vadd.s32 v1, v7;
	s20 =	sshll.u32 s20, $0x2;
	v10 =	vld [tilespmem:s15+$0xF700];
	s15 =	sand.u32 $0xFFFFFE00, s22;
	s22 =	sadd.s32 $0x10, s23  }
0x2b1: {  	s15 =	sor.u32 s20, s15;
	s20 =	sand.u32 $0x7F, s22;
	s22 =	sshll.u32 s22, $0x2  }
0x2b2: {  	s15 =	sshra.s32 s15, $0x2;
	s22 =	sand.u32 $0xFFFFFE00, s22;
	s20 =	sshll.u32 s20, $0x2  }
0x2b3: {  	s15 =	sadd.s32 s28, s15;
	s20 =	sor.u32 s20, s22;
	s22 =	spop (v2sf);
	(v2sf) =	vpush v2, $0xD  }
0x2b4: {  	[tilespmem:v9+s31+$0x0] =	vst.idx.msk $0xffff, v8;
	s20 =	sshra.s32 s20, $0x2;
	s23 =	sand.u32 $0x7F, s22;
	s26 =	sshll.u32 s22, $0x2  }
0x2b5: {  	s22 =	sadd.s32 $0x10, s22;
	[tilespmem:v7+s31+$0x0] =	vst.idx.msk $0xffff, v10;
	s20 =	sadd.s32 s28, s20;
	s26 =	sand.u32 $0xFFFFFE00, s26  }
0x2b6: {  	v8 =	vadd.s32 v0, v6;
	v7 =	vld [tilespmem:s19+$0xF780];
	s19 =	sshll.u32 s23, $0x2;
	s23 =	sand.u32 $0x7F, s22;
	s22 =	sshll.u32 s22, $0x2  }
0x2b7: {  	v6 =	vadd.s32 v1, v6;
	v9 =	vld [tilespmem:s21+$0xF780];
	s19 =	sor.u32 s19, s26;
	s21 =	sand.u32 $0xFFFFFE00, s22;
	s22 =	sshll.u32 s23, $0x2  }
0x2b8: {  	s19 =	sshra.s32 s19, $0x2;
	s21 =	sor.u32 s22, s21;
	s23 =	spop (v2sf);
	(v2sf) =	vpush v2, $0xE  }
0x2b9: {  	s22 =	sadd.s32 s28, s19;
	s19 =	sshra.s32 s21, $0x2;
	s26 =	sand.u32 $0x7F, s23  }
0x2ba: {  	s21 =	sadd.s32 s28, s19;
	s19 =	sshll.u32 s23, $0x2;
	s23 =	sadd.s32 $0x10, s23  }
0x2bb: {  	s26 =	sshll.u32 s26, $0x2;
	[tilespmem:v8+s31+$0x0] =	vst.idx.msk $0xffff, v7;
	s19 =	sand.u32 $0xFFFFFE00, s19;
	s29 =	sand.u32 $0x7F, s23  }
0x2bc: {  	s23 =	sshll.u32 s23, $0x2;
	[tilespmem:v6+s31+$0x0] =	vst.idx.msk $0xffff, v9;
	s19 =	sor.u32 s26, s19;
	s26 =	sshll.u32 s29, $0x2  }
0x2bd: {  	v7 =	vadd.s32 v0, v5;
	v6 =	vld [tilespmem:s11+$0xF800];
	s11 =	sshra.s32 s19, $0x2;
	s19 =	sand.u32 $0xFFFFFE00, s23;
	s23 =	spop (v2sf);
	(v2sf) =	vpush v2, $0xF  }
0x2be: {  	v5 =	vadd.s32 v1, v5;
	v2 =	vld [tilespmem:s14+$0xF800];
	s11 =	sadd.s32 s28, s11;
	s14 =	sor.u32 s26, s19;
	s26 =	sand.u32 $0x7F, s23  }
0x2bf: {  	s29 =	sshll.u32 s23, $0x2;
	s23 =	sadd.s32 $0x10, s23;
	s14 =	sshra.s32 s14, $0x2  }
0x2c0: {  	s19 =	sadd.s32 s28, s14;
	s14 =	sand.u32 $0xFFFFFE00, s29;
	s29 =	sand.u32 $0x7F, s23  }
0x2c1: {  	s26 =	sshll.u32 s26, $0x2;
	s23 =	sshll.u32 s23, $0x2;
	s29 =	sshll.u32 s29, $0x2  }
0x2c2: {  	s14 =	sor.u32 s26, s14;
	s23 =	sand.u32 $0xFFFFFE00, s23;
	[tilespmem:v7+s31+$0x0] =	vst.idx.msk $0xffff, v6;
	s26 =	spop (v2sf)  }
0x2c3: {  	s30 =	sshra.s32 s14, $0x2;
	s14 =	sor.u32 s29, s23;
	[tilespmem:v5+s31+$0x0] =	vst.idx.msk $0xffff, v2;
	s29 =	sand.u32 $0x7F, s26  }
0x2c4: {  	v5 =	vadd.s32 v0, v4;
	s23 =	sadd.s32 s28, s30;
	v2 =	vld [tilespmem:s15+$0xF880];
	s15 =	sshll.u32 s26, $0x2;
	s26 =	sadd.s32 $0x10, s26  }
0x2c5: {  	v4 =	vadd.s32 v1, v4;
	v6 =	vld [tilespmem:s20+$0xF880];
	s15 =	sand.u32 $0xFFFFFE00, s15;
	s20 =	sshll.u32 s29, $0x2;
	s29 =	sshll.u32 s26, $0x2  }
0x2c6: {  	s15 =	sor.u32 s20, s15;
	s20 =	sand.u32 $0x7F, s26;
	s26 =	sand.u32 $0xFFFFFE00, s29  }
0x2c7: {  	s15 =	sshra.s32 s15, $0x2;
	s20 =	sshll.u32 s20, $0x2;
	s29 =	spop (v2sf)  }
0x2c8: {  	s15 =	sadd.s32 s28, s15;
	s20 =	sor.u32 s20, s26;
	s26 =	sand.u32 $0x7F, s29  }
0x2c9: {  	s30 =	sshll.u32 s29, $0x2;
	s29 =	sadd.s32 $0x10, s29;
	[tilespmem:v5+s31+$0x0] =	vst.idx.msk $0xffff, v2;
	s20 =	sshra.s32 s20, $0x2  }
0x2ca: {  	s30 =	sand.u32 $0xFFFFFE00, s30;
	s0 =	sand.u32 $0x7F, s29;
	[tilespmem:v4+s31+$0x0] =	vst.idx.msk $0xffff, v6;
	s20 =	sadd.s32 s28, s20  }
0x2cb: {  	v4 =	vadd.s32 v0, v3;
	s0 =	sshll.u32 s0, $0x2;
	v2 =	vld [tilespmem:s22+$0xF900];
	s22 =	sshll.u32 s26, $0x2;
	s26 =	sshll.u32 s29, $0x2  }
0x2cc: {  	v3 =	vadd.s32 v1, v3;
	v5 =	vld [tilespmem:s21+$0xF900];
	s21 =	sor.u32 s22, s30;
	s22 =	sand.u32 $0xFFFFFE00, s26;
	s26 =	spop (v2sf)  }
0x2cd: {  	s29 =	sadd.s32 $0xFFFFFFFC, s2;
	s21 =	sshra.s32 s21, $0x2;
	s0 =	sor.u32 s0, s22  }
0x2ce: {  	v6 =	vmov s29;
	s29 =	sand.u32 $0x7F, s26;
	s21 =	sadd.s32 s28, s21;
	s0 =	sshra.s32 s0, $0x2  }
0x2cf: {  	v7 =	vshll.u32 v6, $0x3;
	s29 =	sshll.u32 s29, $0x2;
	s22 =	sadd.s32 s28, s0;
	s0 =	sshll.u32 s26, $0x2  }
0x2d0: {  	s26 =	sadd.s32 $0x10, s26;
	[tilespmem:v4+s31+$0x0] =	vst.idx.msk $0xffff, v2;
	v2 =	vand.u32 $0x7B, v6;
	v4 =	vand.u32 $0x400, v7;
	s0 =	sand.u32 $0xFFFFFE00, s0  }
0x2d1: {  	[tilespmem:v3+s31+$0x0] =	vst.idx.msk $0xffff, v5;
	v2 =	vor.u32 v2, v4;
	s0 =	sor.u32 s29, s0;
	s29 =	sand.u32 $0x7F, s26;
	s26 =	sshll.u32 s26, $0x2  }
0x2d2: {  	v3 =	vld [tilespmem:s11+$0xF980];
	v4 =	vadd.s32 v0, v2;
	s0 =	sshra.s32 s0, $0x2;
	s26 =	sand.u32 $0xFFFFFE00, s26;
	s29 =	sshll.u32 s29, $0x2  }
0x2d3: {  	v2 =	vadd.s32 v1, v2;
	v5 =	vld [tilespmem:s19+$0xF980];
	s11 =	sadd.s32 s28, s0;
	s0 =	sor.u32 s29, s26  }
0x2d4: {  	s19 =	sadd.s32 $0xFFFFFFFD, s2;
	s0 =	sshra.s32 s0, $0x2  }
0x2d5: {  	v6 =	vmov s19;
	s19 =	sadd.s32 s28, s0  }
0x2d6: {  	v7 =	vshll.u32 v6, $0x3  }
0x2d7: {  	[tilespmem:v4+s31+$0x0] =	vst.idx.msk $0xffff, v3;
	v3 =	vand.u32 $0x7C, v6;
	v4 =	vand.u32 $0x400, v7  }
0x2d8: {  	s0 =	sshra.s32 s14, $0x2;
	[tilespmem:v2+s31+$0x0] =	vst.idx.msk $0xffff, v5;
	v2 =	vor.u32 v3, v4  }
0x2d9: {  	s0 =	sadd.s32 s28, s0;
	v3 =	vld [tilespmem:s23+$0xFA00];
	v4 =	vadd.s32 v0, v2  }
0x2da: {  	v2 =	vadd.s32 v1, v2;
	v5 =	vld [tilespmem:s0+$0xFA00]  }
0x2db: {  	s0 =	sadd.s32 $0xFFFFFFFE, s2  }
0x2dc: {  	v6 =	vmov s0  }
0x2dd: {  	v7 =	vshll.u32 v6, $0x3  }
0x2de: {  	[tilespmem:v4+s31+$0x0] =	vst.idx.msk $0xffff, v3;
	v3 =	vand.u32 $0x7D, v6;
	v4 =	vand.u32 $0x400, v7  }
0x2df: {  	[tilespmem:v2+s31+$0x0] =	vst.idx.msk $0xffff, v5;
	v2 =	vor.u32 v3, v4  }
0x2e0: {  	v3 =	vld [tilespmem:s15+$0xFA80];
	v4 =	vadd.s32 v0, v2  }
0x2e1: {  	v2 =	vadd.s32 v1, v2;
	v5 =	vld [tilespmem:s20+$0xFA80]  }
0x2e2: {  	s0 =	sadd.s32 $0xFFFFFFFF, s2  }
0x2e3: {  	v6 =	vmov s0  }
0x2e4: {  	v7 =	vshll.u32 v6, $0x3  }
0x2e5: {  	[tilespmem:v4+s31+$0x0] =	vst.idx.msk $0xffff, v3;
	v3 =	vand.u32 $0x7E, v6;
	v4 =	vand.u32 $0x400, v7  }
0x2e6: {  	[tilespmem:v2+s31+$0x0] =	vst.idx.msk $0xffff, v5;
	v2 =	vor.u32 v3, v4  }
0x2e7: {  	v3 =	vld [tilespmem:s21+$0xFB00];
	v4 =	vadd.s32 v0, v2  }
0x2e8: {  	v2 =	vadd.s32 v1, v2;
	v5 =	vld [tilespmem:s22+$0xFB00];
	_ =	sdelay $0x1  }
0x2e9: {  	v6 =	vmov s2  }
.Ltmp1:
0x2ea: {  	v7 =	vshll.u32 v6, $0x3;
	(pc) =	sbr.rel @p0 .LBB2_5-.Ltmp1, $4  }
0x2eb: {  	[tilespmem:v4+s31+$0x0] =	vst.idx.msk $0xffff, v3;
	v3 =	vand.u32 $0x7F, v6;
	v4 =	vand.u32 $0x400, v7  }
0x2ec: {  	[tilespmem:v2+s31+$0x0] =	vst.idx.msk $0xffff, v5;
	v4 =	vor.u32 v3, v4  }
0x2ed: {  	v2 =	vld [tilespmem:s11+$0xFB80];
	v5 =	vadd.s32 v0, v4  }
0x2ee: {  	v4 =	vadd.s32 v1, v4;
	v3 =	vld [tilespmem:s19+$0xFB80]  }
0x2ef: {  	_ =	sdelay $0x3  }
0x2f0: {  	[tilespmem:v5+s31+$0x0] =	vst.idx.msk $0xffff, v2  }
0x2f1: {  	s0 =	sadd.s32 s16, s13;
	s12 =	sadd.s32 $0x1, s12;
	[tilespmem:v4+s31+$0x0] =	vst.idx.msk $0xffff, v3  }
0x2f2: {  	[hbm4b:s0+s3] =	stream.linear.scatter [tilespmem:s31], [sflag:$0x5], $0x800, $0x38;
	[tilespmem:$0x1D400] =	vst v63  }
0x2f3: {  	s29 =	simm.s32 $0x1B000;
	s2 =	sadd.s32 $0x4000, s0;
	p0 =	sne.s32 s12, $0x31  }
0x2f4: {  	[hbm4b:s2+s3] =	stream.linear.scatter [tilespmem:s29], [sflag:$0x5], $0x800, $0x38;
	[tilespmem:$0x1D400] =	vst v63  }
.Ltmp2:
0x2f5: {  	_ = 	snop;
	(pc) =	sbr.rel @p0 .LBB2_2-.Ltmp2, $4  }
0x2f6: {  	s30 =	sadd.s32 $0x8000, s0  }
0x2f7: {  	[hbm4b:s30+s3] =	stream.linear.scatter [tilespmem:s1], [sflag:$0x5], $0x800, $0x38;
	[tilespmem:$0x1D400] =	vst v63  }
0x2f8: {  	s0 =	sadd.s32 $0xC000, s0  }
0x2f9: {  	[hbm4b:s0+s3] =	stream.linear.scatter [tilespmem:s17], [sflag:$0x5], $0x800, $0x38;
	[tilespmem:$0x1D400] =	vst v63  }
0x2fa: {  	v2 =	vld [tilespmem:$0x6880];
	_ =	sdelay $0x1  }
0x2fb: {  	v3 =	vld [tilespmem:$0x6890];
	_ =	sdelay $0x1  }
0x2fc: {  	v4 =	vld [tilespmem:$0x68A0]  }
0x2fd: {  	v5 =	vshrl.u32 v2, $0x2;
	v2 =	vshll.u32 v2, $0x5  }
0x2fe: {  	[tilespmem:$0x7100] =	vst v5;
	v2 =	vand.u32 $0x60, v2;
	v5 =	vld [tilespmem:$0x68B0]  }
0x2ff: {  	[tilespmem:$0x7300] =	vst v2;
	v2 =	vshrl.u32 v3, $0x2;
	v3 =	vshll.u32 v3, $0x5  }
0x300: {  	[tilespmem:$0x7110] =	vst v2;
	v2 =	vand.u32 $0x60, v3;
	v3 =	vld [tilespmem:$0x68C0]  }
0x301: {  	[tilespmem:$0x7310] =	vst v2;
	v2 =	vshrl.u32 v4, $0x2;
	v4 =	vshll.u32 v4, $0x5  }
0x302: {  	[tilespmem:$0x7120] =	vst v2;
	v2 =	vand.u32 $0x60, v4;
	v4 =	vld [tilespmem:$0x68D0]  }
0x303: {  	[tilespmem:$0x7320] =	vst v2;
	v2 =	vshrl.u32 v5, $0x2;
	v5 =	vshll.u32 v5, $0x5  }
0x304: {  	[tilespmem:$0x7130] =	vst v2;
	v2 =	vand.u32 $0x60, v5;
	v5 =	vld [tilespmem:$0x68E0]  }
0x305: {  	[tilespmem:$0x7330] =	vst v2;
	v2 =	vshrl.u32 v3, $0x2;
	v3 =	vshll.u32 v3, $0x5  }
0x306: {  	[tilespmem:$0x7140] =	vst v2;
	v2 =	vand.u32 $0x60, v3;
	v3 =	vld [tilespmem:$0x68F0]  }
0x307: {  	[tilespmem:$0x7340] =	vst v2;
	v2 =	vshrl.u32 v4, $0x2;
	v4 =	vshll.u32 v4, $0x5  }
0x308: {  	[tilespmem:$0x7150] =	vst v2;
	v2 =	vand.u32 $0x60, v4;
	v4 =	vld [tilespmem:$0x6C80]  }
0x309: {  	[tilespmem:$0x7350] =	vst v2;
	v2 =	vshrl.u32 v5, $0x2;
	v5 =	vshll.u32 v5, $0x5  }
0x30a: {  	[tilespmem:$0x7160] =	vst v2;
	v2 =	vand.u32 $0x60, v5;
	v5 =	vld [tilespmem:$0x6C90]  }
0x30b: {  	[tilespmem:$0x7360] =	vst v2;
	v2 =	vshrl.u32 v3, $0x2;
	v3 =	vshll.u32 v3, $0x5  }
0x30c: {  	[tilespmem:$0x7170] =	vst v2;
	v2 =	vand.u32 $0x60, v3;
	v3 =	vld [tilespmem:$0x6CA0]  }
0x30d: {  	[tilespmem:$0x7370] =	vst v2;
	v2 =	vshrl.u32 v4, $0x2;
	v4 =	vshll.u32 v4, $0x5  }
0x30e: {  	[tilespmem:$0x7180] =	vst v2;
	v2 =	vand.u32 $0x60, v4;
	v4 =	vld [tilespmem:$0x6CB0]  }
0x30f: {  	[tilespmem:$0x7380] =	vst v2;
	v2 =	vshrl.u32 v5, $0x2;
	v5 =	vshll.u32 v5, $0x5  }
0x310: {  	[tilespmem:$0x7190] =	vst v2;
	v2 =	vand.u32 $0x60, v5;
	v5 =	vld [tilespmem:$0x6CC0]  }
0x311: {  	[tilespmem:$0x7390] =	vst v2;
	v2 =	vshrl.u32 v3, $0x2;
	v3 =	vshll.u32 v3, $0x5  }
0x312: {  	[tilespmem:$0x71A0] =	vst v2;
	v2 =	vand.u32 $0x60, v3;
	v3 =	vld [tilespmem:$0x6CD0]  }
0x313: {  	[tilespmem:$0x73A0] =	vst v2;
	v2 =	vshrl.u32 v4, $0x2;
	v4 =	vshll.u32 v4, $0x5  }
0x314: {  	[tilespmem:$0x71B0] =	vst v2;
	v2 =	vand.u32 $0x60, v4;
	v4 =	vld [tilespmem:$0x6CE0]  }
0x315: {  	[tilespmem:$0x73B0] =	vst v2;
	v2 =	vshrl.u32 v5, $0x2;
	v5 =	vshll.u32 v5, $0x5  }
0x316: {  	[tilespmem:$0x71C0] =	vst v2;
	v2 =	vand.u32 $0x60, v5;
	v5 =	vld [tilespmem:$0x6CF0]  }
0x317: {  	[tilespmem:$0x73C0] =	vst v2;
	v2 =	vshrl.u32 v3, $0x2;
	v3 =	vshll.u32 v3, $0x5  }
0x318: {  	[tilespmem:$0x71D0] =	vst v2;
	v2 =	vand.u32 $0x60, v3  }
0x319: {  	[tilespmem:$0x73D0] =	vst v2;
	v2 =	vshrl.u32 v4, $0x2;
	v3 =	vshll.u32 v4, $0x5  }
0x31a: {  	[tilespmem:$0x71E0] =	vst v2;
	v2 =	vand.u32 $0x60, v3  }
0x31b: {  	[tilespmem:$0x73E0] =	vst v2;
	v2 =	vshrl.u32 v5, $0x2;
	v3 =	vshll.u32 v5, $0x5  }
0x31c: {  	[tilespmem:$0x71F0] =	vst v2;
	v2 =	vand.u32 $0x60, v3  }
0x31d: {  	s0 =	simm.s32 $0x7100;
	s2 =	simm.s32 $0xF400;
	[tilespmem:$0x73F0] =	vst v2  }
0x31e: {  	[tilespmem:s2], [sflag:$0x3] =	stream.indirect.gather [hbm4b:s4+s18], $0x80, s0, s18, $0xb8;
	[tilespmem:$0x1D400] =	vst v63  }
0x31f: {  	_ =	swait.ge [sflag:s6], $0x8000  }
0x320: {  	[sflag:s6] =	ssyncset.done $0x0  }
0x321: {  	[sflag:s6] =	ssyncadd.s32 $0xFFFF8000  }
0x322: {  	_ =	swait.ge [sflag:s7], $0x2000  }
0x323: {  	[sflag:s7] =	ssyncset.done $0x0  }
0x324: {  	s5 =	simm.s32 $0x7200;
	[sflag:s7] =	ssyncadd.s32 $0xFFFFE000  }
0x325: {  	v2 =	vld [tilespmem:s5+$0x0];
	_ =	sdelay $0x4  }
0x326: {  	(v2sf) =	vpush v2, $0x0;
	_ =	sdelay $0x6  }
0x327: {  	(v2sf) =	vpush v2, $0x1;
	_ =	sdelay $0x6  }
0x328: {  	(v2sf) =	vpush v2, $0x2  }
0x329: {  	s15 =	spop (v2sf)  }
0x32a: {  	s16 =	simm.s32 $0x0;
	s11 =	sshll.u32 s15, $0x2  }
0x32b: {  	s12 =	sand.u32 $0x7F, s15;
	s0 =	sadd.s32 $0x10, s15;
	s11 =	sand.u32 $0xFFFFFE00, s11  }
0x32c: {  	v3 =	vmov s16;
	s19 =	sshll.u32 s12, $0x2;
	s20 =	sand.u32 $0x7F, s0;
	s0 =	sshll.u32 s0, $0x2  }
0x32d: {  	v4 =	vshll.u32 v3, $0x3;
	s2 =	sor.u32 s19, s11;
	s21 =	sshll.u32 s20, $0x2;
	s0 =	sand.u32 $0xFFFFFE00, s0  }
0x32e: {  	v3 =	vand.u32 $0x70, v3;
	v4 =	vand.u32 $0x400, v4;
	s2 =	sshra.s32 s2, $0x2;
	s0 =	sor.u32 s21, s0  }
0x32f: {  	v3 =	vor.u32 v3, v4;
	(v2sf) =	vpush v2, $0x3;
	s2 =	sadd.s32 $0x0, s2;
	s0 =	sshra.s32 s0, $0x2  }
0x330: {  	v5 =	vadd.s32 v0, v3;
	s22 =	spop (v2sf);
	v4 =	vld [tilespmem:s2+$0x7400];
	s0 =	sadd.s32 $0x0, s0  }
0x331: {  	s23 =	simm.s32 $0x1;
	v3 =	vadd.s32 v1, v3;
	s25 =	sshll.u32 s22, $0x2;
	v6 =	vld [tilespmem:s0+$0x7400]  }
0x332: {  	s26 =	sand.u32 $0x7F, s22;
	s11 =	sadd.s32 $0x10, s22;
	s12 =	sand.u32 $0xFFFFFE00, s25  }
0x333: {  	v7 =	vmov s23;
	s28 =	sand.u32 $0x7F, s11;
	s11 =	sshll.u32 s11, $0x2;
	s0 =	sshll.u32 s26, $0x2  }
0x334: {  	v8 =	vshll.u32 v7, $0x3;
	s11 =	sand.u32 $0xFFFFFE00, s11;
	s2 =	sshll.u32 s28, $0x2;
	s0 =	sor.u32 s0, s12  }
0x335: {  	v7 =	vand.u32 $0x71, v7;
	v8 =	vand.u32 $0x400, v8;
	s2 =	sor.u32 s2, s11;
	s0 =	sshra.s32 s0, $0x2;
	[tilespmem:v5+s24+$0x0] =	vst.idx.msk $0xffff, v4  }
0x336: {  	(v2sf) =	vpush v2, $0x4;
	s2 =	sshra.s32 s2, $0x2;
	s0 =	sadd.s32 $0x0, s0;
	[tilespmem:v3+s24+$0x0] =	vst.idx.msk $0xffff, v6;
	v3 =	vor.u32 v7, v8  }
0x337: {  	s30 =	spop (v2sf);
	s14 =	sadd.s32 $0x0, s2;
	v4 =	vld [tilespmem:s0+$0x7480];
	v5 =	vadd.s32 v0, v3  }
0x338: {  	s15 =	simm.s32 $0x2;
	s16 =	sshll.u32 s30, $0x2;
	v6 =	vld [tilespmem:s14+$0x7480];
	v3 =	vadd.s32 v1, v3  }
0x339: {  	s19 =	sand.u32 $0x7F, s30;
	s11 =	sadd.s32 $0x10, s30;
	s12 =	sand.u32 $0xFFFFFE00, s16  }
0x33a: {  	s20 =	sand.u32 $0x7F, s11;
	s11 =	sshll.u32 s11, $0x2;
	v7 =	vmov s15;
	s0 =	sshll.u32 s19, $0x2  }
0x33b: {  	s11 =	sand.u32 $0xFFFFFE00, s11;
	s2 =	sshll.u32 s20, $0x2;
	v53 =	vshll.u32 v7, $0x3;
	s0 =	sor.u32 s0, s12  }
0x33c: {  	s2 =	sor.u32 s2, s11;
	v7 =	vand.u32 $0x72, v7;
	v8 =	vand.u32 $0x400, v53;
	s0 =	sshra.s32 s0, $0x2;
	[tilespmem:v5+s24+$0x0] =	vst.idx.msk $0xffff, v4  }
0x33d: {  	(v2sf) =	vpush v2, $0x5;
	s2 =	sshra.s32 s2, $0x2;
	s0 =	sadd.s32 $0x0, s0;
	v4 =	vor.u32 v7, v8;
	[tilespmem:v3+s24+$0x0] =	vst.idx.msk $0xffff, v6  }
0x33e: {  	s22 =	sadd.s32 $0x0, s2;
	s21 =	spop (v2sf);
	v5 =	vadd.s32 v0, v4;
	v3 =	vld [tilespmem:s0+$0x7500]  }
0x33f: {  	s23 =	simm.s32 $0x3;
	s25 =	sand.u32 $0x7F, s21;
	v4 =	vadd.s32 v1, v4;
	v6 =	vld [tilespmem:s22+$0x7500]  }
0x340: {  	s26 =	sshll.u32 s21, $0x2;
	s11 =	sadd.s32 $0x10, s21;
	s12 =	sshll.u32 s25, $0x2  }
0x341: {  	s28 =	sand.u32 $0x7F, s11;
	s11 =	sshll.u32 s11, $0x2;
	v7 =	vmov s23;
	s0 =	sand.u32 $0xFFFFFE00, s26  }
0x342: {  	s11 =	sand.u32 $0xFFFFFE00, s11;
	s2 =	sshll.u32 s28, $0x2;
	v54 =	vshll.u32 v7, $0x3;
	s0 =	sor.u32 s12, s0  }
0x343: {  	v7 =	vand.u32 $0x73, v7;
	s2 =	sor.u32 s2, s11;
	v8 =	vand.u32 $0x400, v54;
	s0 =	sshra.s32 s0, $0x2;
	[tilespmem:v5+s24+$0x0] =	vst.idx.msk $0xffff, v3  }
0x344: {  	(v2sf) =	vpush v2, $0x6;
	s2 =	sshra.s32 s2, $0x2;
	s0 =	sadd.s32 $0x0, s0;
	v3 =	vor.u32 v7, v8;
	[tilespmem:v4+s24+$0x0] =	vst.idx.msk $0xffff, v6  }
0x345: {  	s30 =	spop (v2sf);
	s12 =	sadd.s32 $0x0, s2;
	v5 =	vadd.s32 v0, v3;
	v4 =	vld [tilespmem:s0+$0x7580]  }
0x346: {  	s14 =	simm.s32 $0x4;
	s11 =	sadd.s32 $0x10, s30;
	v3 =	vadd.s32 v1, v3;
	v6 =	vld [tilespmem:s12+$0x7580]  }
0x347: {  	s15 =	sshll.u32 s30, $0x2;
	s16 =	sand.u32 $0x7F, s30;
	s19 =	sand.u32 $0x7F, s11  }
0x348: {  	s11 =	sshll.u32 s11, $0x2;
	v7 =	vmov s14;
	s12 =	sand.u32 $0xFFFFFE00, s15;
	s0 =	sshll.u32 s16, $0x2  }
0x349: {  	s2 =	sshll.u32 s19, $0x2;
	s11 =	sand.u32 $0xFFFFFE00, s11;
	v55 =	vshll.u32 v7, $0x3;
	s0 =	sor.u32 s0, s12  }
0x34a: {  	s2 =	sor.u32 s2, s11;
	v7 =	vand.u32 $0x74, v7;
	v8 =	vand.u32 $0x400, v55;
	s0 =	sshra.s32 s0, $0x2;
	[tilespmem:v5+s24+$0x0] =	vst.idx.msk $0xffff, v4  }
0x34b: {  	(v2sf) =	vpush v2, $0x7;
	s2 =	sshra.s32 s2, $0x2;
	s0 =	sadd.s32 $0x0, s0;
	v4 =	vor.u32 v7, v8;
	[tilespmem:v3+s24+$0x0] =	vst.idx.msk $0xffff, v6  }
0x34c: {  	s20 =	spop (v2sf);
	s2 =	sadd.s32 $0x0, s2;
	v5 =	vadd.s32 v0, v4;
	v3 =	vld [tilespmem:s0+$0x7600]  }
0x34d: {  	s21 =	simm.s32 $0x5;
	s23 =	sadd.s32 $0x10, s20;
	v4 =	vadd.s32 v1, v4;
	v6 =	vld [tilespmem:s2+$0x7600]  }
0x34e: {  	s22 =	sshll.u32 s20, $0x2;
	s26 =	sshll.u32 s23, $0x2;
	s11 =	sand.u32 $0x7F, s20  }
0x34f: {  	s25 =	sshll.u32 s11, $0x2;
	s12 =	sand.u32 $0xFFFFFE00, s22;
	v7 =	vmov s21;
	s2 =	sand.u32 $0x7F, s23  }
0x350: {  	s11 =	sand.u32 $0xFFFFFE00, s26;
	v56 =	vshll.u32 v7, $0x3;
	s0 =	sor.u32 s25, s12;
	s2 =	sshll.u32 s2, $0x2  }
0x351: {  	v7 =	vand.u32 $0x75, v7;
	v8 =	vand.u32 $0x400, v56;
	s0 =	sshra.s32 s0, $0x2;
	s2 =	sor.u32 s2, s11;
	[tilespmem:v5+s24+$0x0] =	vst.idx.msk $0xffff, v3  }
0x352: {  	(v2sf) =	vpush v2, $0x8;
	s0 =	sadd.s32 $0x0, s0;
	s2 =	sshra.s32 s2, $0x2;
	v3 =	vor.u32 v7, v8;
	[tilespmem:v4+s24+$0x0] =	vst.idx.msk $0xffff, v6  }
0x353: {  	s28 =	spop (v2sf);
	s2 =	sadd.s32 $0x0, s2;
	v5 =	vadd.s32 v0, v3;
	v4 =	vld [tilespmem:s0+$0x7680]  }
0x354: {  	s30 =	simm.s32 $0x6;
	s14 =	sshll.u32 s28, $0x2;
	v3 =	vadd.s32 v1, v3;
	v6 =	vld [tilespmem:s2+$0x7680]  }
0x355: {  	s15 =	sand.u32 $0x7F, s28;
	s12 =	sand.u32 $0xFFFFFE00, s14;
	s11 =	sadd.s32 $0x10, s28  }
0x356: {  	s16 =	sand.u32 $0x7F, s11;
	s11 =	sshll.u32 s11, $0x2;
	v7 =	vmov s30;
	s2 =	sshll.u32 s15, $0x2  }
0x357: {  	s11 =	sand.u32 $0xFFFFFE00, s11;
	v57 =	vshll.u32 v7, $0x3;
	s0 =	sshll.u32 s16, $0x2;
	s2 =	sor.u32 s2, s12  }
0x358: {  	v7 =	vand.u32 $0x76, v7;
	v8 =	vand.u32 $0x400, v57;
	s0 =	sor.u32 s0, s11;
	s2 =	sshra.s32 s2, $0x2;
	[tilespmem:v5+s24+$0x0] =	vst.idx.msk $0xffff, v4  }
0x359: {  	(v2sf) =	vpush v2, $0x9;
	s0 =	sshra.s32 s0, $0x2;
	s2 =	sadd.s32 $0x0, s2;
	v4 =	vor.u32 v7, v8;
	[tilespmem:v3+s24+$0x0] =	vst.idx.msk $0xffff, v6  }
0x35a: {  	s19 =	spop (v2sf);
	s0 =	sadd.s32 $0x0, s0;
	v5 =	vadd.s32 v0, v4;
	v3 =	vld [tilespmem:s2+$0x7700]  }
0x35b: {  	s20 =	simm.s32 $0x7;
	s21 =	sshll.u32 s19, $0x2;
	v4 =	vadd.s32 v1, v4;
	v6 =	vld [tilespmem:s0+$0x7700]  }
0x35c: {  	s22 =	sand.u32 $0x7F, s19;
	s11 =	sadd.s32 $0x10, s19;
	s12 =	sand.u32 $0xFFFFFE00, s21  }
0x35d: {  	s23 =	sand.u32 $0x7F, s11;
	s11 =	sshll.u32 s11, $0x2;
	v7 =	vmov s20;
	s0 =	sshll.u32 s22, $0x2  }
0x35e: {  	s11 =	sand.u32 $0xFFFFFE00, s11;
	v58 =	vshll.u32 v7, $0x3;
	s2 =	sshll.u32 s23, $0x2;
	s0 =	sor.u32 s0, s12  }
0x35f: {  	v7 =	vand.u32 $0x77, v7;
	v8 =	vand.u32 $0x400, v58;
	s2 =	sor.u32 s2, s11;
	s0 =	sshra.s32 s0, $0x2;
	[tilespmem:v5+s24+$0x0] =	vst.idx.msk $0xffff, v3  }
0x360: {  	(v2sf) =	vpush v2, $0xA;
	s2 =	sshra.s32 s2, $0x2;
	s0 =	sadd.s32 $0x0, s0;
	v3 =	vor.u32 v7, v8;
	[tilespmem:v4+s24+$0x0] =	vst.idx.msk $0xffff, v6  }
0x361: {  	s25 =	spop (v2sf);
	s2 =	sadd.s32 $0x0, s2;
	v5 =	vadd.s32 v0, v3;
	v4 =	vld [tilespmem:s0+$0x7780]  }
0x362: {  	s26 =	simm.s32 $0x8;
	s28 =	sshll.u32 s25, $0x2;
	v3 =	vadd.s32 v1, v3;
	v6 =	vld [tilespmem:s2+$0x7780]  }
0x363: {  	s30 =	sand.u32 $0x7F, s25;
	s11 =	sadd.s32 $0x10, s25;
	s12 =	sand.u32 $0xFFFFFE00, s28  }
0x364: {  	s14 =	sand.u32 $0x7F, s11;
	s11 =	sshll.u32 s11, $0x2;
	v7 =	vmov s26;
	s2 =	sshll.u32 s30, $0x2  }
0x365: {  	s11 =	sand.u32 $0xFFFFFE00, s11;
	v59 =	vshll.u32 v7, $0x3;
	s0 =	sshll.u32 s14, $0x2;
	s2 =	sor.u32 s2, s12  }
0x366: {  	v7 =	vand.u32 $0x78, v7;
	v8 =	vand.u32 $0x400, v59;
	s0 =	sor.u32 s0, s11;
	s2 =	sshra.s32 s2, $0x2;
	[tilespmem:v5+s24+$0x0] =	vst.idx.msk $0xffff, v4  }
0x367: {  	(v2sf) =	vpush v2, $0xB;
	s0 =	sshra.s32 s0, $0x2;
	s2 =	sadd.s32 $0x0, s2;
	v4 =	vor.u32 v7, v8;
	[tilespmem:v3+s24+$0x0] =	vst.idx.msk $0xffff, v6  }
0x368: {  	s15 =	spop (v2sf);
	s0 =	sadd.s32 $0x0, s0;
	v5 =	vadd.s32 v0, v4;
	v3 =	vld [tilespmem:s2+$0x7800]  }
0x369: {  	s16 =	simm.s32 $0x9;
	s19 =	sshll.u32 s15, $0x2;
	v4 =	vadd.s32 v1, v4;
	v6 =	vld [tilespmem:s0+$0x7800]  }
0x36a: {  	s20 =	sand.u32 $0x7F, s15;
	s12 =	sand.u32 $0xFFFFFE00, s19;
	s11 =	sadd.s32 $0x10, s15  }
0x36b: {  	s21 =	sand.u32 $0x7F, s11;
	s11 =	sshll.u32 s11, $0x2;
	v7 =	vmov s16;
	s0 =	sshll.u32 s20, $0x2  }
0x36c: {  	s11 =	sand.u32 $0xFFFFFE00, s11;
	v60 =	vshll.u32 v7, $0x3;
	s2 =	sshll.u32 s21, $0x2;
	s0 =	sor.u32 s0, s12  }
0x36d: {  	v7 =	vand.u32 $0x79, v7;
	v8 =	vand.u32 $0x400, v60;
	s2 =	sor.u32 s2, s11;
	s0 =	sshra.s32 s0, $0x2;
	[tilespmem:v5+s24+$0x0] =	vst.idx.msk $0xffff, v3  }
0x36e: {  	(v2sf) =	vpush v2, $0xC;
	s2 =	sshra.s32 s2, $0x2;
	s0 =	sadd.s32 $0x0, s0;
	v3 =	vor.u32 v7, v8;
	[tilespmem:v4+s24+$0x0] =	vst.idx.msk $0xffff, v6  }
0x36f: {  	s22 =	spop (v2sf);
	s2 =	sadd.s32 $0x0, s2;
	v5 =	vadd.s32 v0, v3;
	v4 =	vld [tilespmem:s0+$0x7880]  }
0x370: {  	s23 =	simm.s32 $0xA;
	s26 =	sand.u32 $0x7F, s22;
	v3 =	vadd.s32 v1, v3;
	v6 =	vld [tilespmem:s2+$0x7880]  }
0x371: {  	s25 =	sshll.u32 s22, $0x2;
	s28 =	sshll.u32 s26, $0x2;
	s11 =	sadd.s32 $0x10, s22  }
0x372: {  	s12 =	sand.u32 $0xFFFFFE00, s25;
	s30 =	sand.u32 $0x7F, s11;
	s11 =	sshll.u32 s11, $0x2;
	v7 =	vmov s23  }
0x373: {  	s11 =	sand.u32 $0xFFFFFE00, s11;
	v61 =	vshll.u32 v7, $0x3;
	s0 =	sor.u32 s28, s12;
	s2 =	sshll.u32 s30, $0x2  }
0x374: {  	v7 =	vand.u32 $0x7A, v7;
	v8 =	vand.u32 $0x400, v61;
	s0 =	sshra.s32 s0, $0x2;
	s2 =	sor.u32 s2, s11;
	[tilespmem:v5+s24+$0x0] =	vst.idx.msk $0xffff, v4  }
0x375: {  	(v2sf) =	vpush v2, $0xD;
	s0 =	sadd.s32 $0x0, s0;
	s2 =	sshra.s32 s2, $0x2;
	v4 =	vor.u32 v7, v8;
	[tilespmem:v3+s24+$0x0] =	vst.idx.msk $0xffff, v6  }
0x376: {  	s14 =	spop (v2sf);
	s2 =	sadd.s32 $0x0, s2;
	v5 =	vadd.s32 v0, v4;
	v3 =	vld [tilespmem:s0+$0x7900]  }
0x377: {  	s15 =	sand.u32 $0x7F, s14;
	s19 =	sadd.s32 $0x10, s14;
	v4 =	vadd.s32 v1, v4;
	v6 =	vld [tilespmem:s2+$0x7900]  }
0x378: {  	s16 =	sshll.u32 s14, $0x2;
	s14 =	sand.u32 $0x7F, s19;
	s21 =	simm.s32 $0xB  }
0x379: {  	s20 =	sand.u32 $0xFFFFFE00, s16;
	v7 =	vmov s21;
	s0 =	sshll.u32 s15, $0x2;
	s2 =	sshll.u32 s19, $0x2  }
0x37a: {  	s22 =	sshll.u32 s14, $0x2;
	v62 =	vshll.u32 v7, $0x3;
	s0 =	sor.u32 s0, s20;
	s2 =	sand.u32 $0xFFFFFE00, s2  }
0x37b: {  	(v2sf) =	vpush v2, $0xE;
	s0 =	sshra.s32 s0, $0x2;
	s2 =	sor.u32 s22, s2;
	[tilespmem:v5+s24+$0x0] =	vst.idx.msk $0xffff, v3;
	v3 =	vand.u32 $0x7B, v7;
	v5 =	vand.u32 $0x400, v62  }
0x37c: {  	s0 =	sadd.s32 $0x0, s0;
	s2 =	sshra.s32 s2, $0x2;
	[tilespmem:v4+s24+$0x0] =	vst.idx.msk $0xffff, v6;
	v3 =	vor.u32 v3, v5  }
0x37d: {  	s23 =	spop (v2sf);
	s2 =	sadd.s32 $0x0, s2;
	v4 =	vld [tilespmem:s0+$0x7980];
	v5 =	vadd.s32 v0, v3  }
0x37e: {  	s14 =	simm.s32 $0xC;
	s26 =	sshll.u32 s23, $0x2;
	v6 =	vld [tilespmem:s2+$0x7980];
	v3 =	vadd.s32 v1, v3  }
0x37f: {  	s25 =	sand.u32 $0x7F, s23;
	s28 =	sadd.s32 $0x10, s23;
	s30 =	sand.u32 $0xFFFFFE00, s26  }
0x380: {  	s15 =	sand.u32 $0x7F, s28;
	v7 =	vmov s14;
	s0 =	sshll.u32 s25, $0x2;
	s2 =	sshll.u32 s28, $0x2  }
0x381: {  	s16 =	sshll.u32 s15, $0x2;
	v63 =	vshll.u32 v7, $0x3;
	s0 =	sor.u32 s0, s30;
	s2 =	sand.u32 $0xFFFFFE00, s2  }
0x382: {  	s0 =	sshra.s32 s0, $0x2;
	s2 =	sor.u32 s16, s2;
	[tilespmem:v5+s24+$0x0] =	vst.idx.msk $0xffff, v4;
	v4 =	vand.u32 $0x7C, v7;
	v5 =	vand.u32 $0x400, v63  }
0x383: {  	(v2sf) =	vpush v2, $0xF;
	s0 =	sadd.s32 $0x0, s0;
	s2 =	sshra.s32 s2, $0x2;
	[tilespmem:v3+s24+$0x0] =	vst.idx.msk $0xffff, v6;
	v2 =	vor.u32 v4, v5  }
0x384: {  	s19 =	spop (v2sf);
	s20 =	sadd.s32 $0x0, s2;
	v3 =	vld [tilespmem:s0+$0x7A00];
	v4 =	vadd.s32 v0, v2  }
0x385: {  	s26 =	simm.s32 $0xD;
	s22 =	sshll.u32 s19, $0x2;
	v5 =	vld [tilespmem:s20+$0x7A00];
	v2 =	vadd.s32 v1, v2  }
0x386: {  	s21 =	sand.u32 $0x7F, s19;
	s23 =	sadd.s32 $0x10, s19;
	s25 =	sand.u32 $0xFFFFFE00, s22  }
0x387: {  	s28 =	sshll.u32 s23, $0x2;
	s2 =	sshll.u32 s21, $0x2;
	v6 =	vmov s26;
	s0 =	sand.u32 $0x7F, s23  }
0x388: {  	s30 =	sand.u32 $0xFFFFFE00, s28;
	s2 =	sor.u32 s2, s25;
	v7 =	vshll.u32 v6, $0x3;
	s0 =	sshll.u32 s0, $0x2  }
0x389: {  	s2 =	sshra.s32 s2, $0x2;
	s0 =	sor.u32 s0, s30;
	[tilespmem:v4+s24+$0x0] =	vst.idx.msk $0xffff, v3;
	v3 =	vand.u32 $0x7D, v6;
	v4 =	vand.u32 $0x400, v7  }
0x38a: {  	s12 =	spop (v2sf);
	s2 =	sadd.s32 $0x0, s2;
	s0 =	sshra.s32 s0, $0x2;
	[tilespmem:v2+s24+$0x0] =	vst.idx.msk $0xffff, v5;
	v2 =	vor.u32 v3, v4  }
0x38b: {  	s15 =	sshll.u32 s12, $0x2;
	s0 =	sadd.s32 $0x0, s0;
	v3 =	vld [tilespmem:s2+$0x7A80];
	v4 =	vadd.s32 v0, v2  }
0x38c: {  	s19 =	sand.u32 $0xFFFFFE00, s15;
	v5 =	vld [tilespmem:s0+$0x7A80];
	v2 =	vadd.s32 v1, v2  }
0x38d: {  	s14 =	sand.u32 $0x7F, s12;
	s16 =	sadd.s32 $0x10, s12;
	s20 =	simm.s32 $0xE  }
0x38e: {  	s21 =	sand.u32 $0x7F, s16;
	v6 =	vmov s20;
	s2 =	sshll.u32 s14, $0x2;
	s0 =	sshll.u32 s16, $0x2  }
0x38f: {  	s22 =	sshll.u32 s21, $0x2;
	v7 =	vshll.u32 v6, $0x3;
	s2 =	sor.u32 s2, s19;
	s0 =	sand.u32 $0xFFFFFE00, s0  }
0x390: {  	s2 =	sshra.s32 s2, $0x2;
	s0 =	sor.u32 s22, s0;
	[tilespmem:v4+s24+$0x0] =	vst.idx.msk $0xffff, v3;
	v3 =	vand.u32 $0x7E, v6;
	v4 =	vand.u32 $0x400, v7  }
0x391: {  	s2 =	sadd.s32 $0x0, s2;
	s0 =	sshra.s32 s0, $0x2;
	[tilespmem:v2+s24+$0x0] =	vst.idx.msk $0xffff, v5;
	v2 =	vor.u32 v3, v4  }
0x392: {  	s23 =	spop (v2sf);
	s0 =	sadd.s32 $0x0, s0;
	v3 =	vld [tilespmem:s2+$0x7B00];
	v4 =	vadd.s32 v0, v2  }
0x393: {  	s25 =	sand.u32 $0x7F, s23;
	s26 =	sshll.u32 s23, $0x2;
	v5 =	vld [tilespmem:s0+$0x7B00];
	v2 =	vadd.s32 v1, v2  }
0x394: {  	s11 =	sadd.s32 $0x10, s23;
	s12 =	sshll.u32 s25, $0x2;
	s2 =	simm.s32 $0xF  }
0x395: {  	s28 =	sand.u32 $0x7F, s11;
	s11 =	sshll.u32 s11, $0x2;
	s0 =	sand.u32 $0xFFFFFE00, s26;
	v6 =	vmov s2  }
0x396: {  	s11 =	sand.u32 $0xFFFFFE00, s11;
	s30 =	sshll.u32 s28, $0x2;
	s0 =	sor.u32 s12, s0;
	v7 =	vshll.u32 v6, $0x3  }
0x397: {  	s11 =	sor.u32 s30, s11;
	s0 =	sshra.s32 s0, $0x2;
	[tilespmem:v4+s24+$0x0] =	vst.idx.msk $0xffff, v3;
	v3 =	vand.u32 $0x7F, v6;
	v4 =	vand.u32 $0x400, v7  }
0x398: {  	s11 =	sshra.s32 s11, $0x2;
	s0 =	sadd.s32 $0x0, s0;
	[tilespmem:v2+s24+$0x0] =	vst.idx.msk $0xffff, v5;
	v5 =	vor.u32 v3, v4  }
0x399: {  	s11 =	sadd.s32 $0x0, s11;
	v2 =	vld [tilespmem:s0+$0x7B80];
	v4 =	vadd.s32 v0, v5  }
0x39a: {  	s12 =	simm.s32 $0x2000;
	v3 =	vld [tilespmem:s11+$0x7B80];
	v5 =	vadd.s32 v1, v5  }
.LBB2_8:
0x39b: {  	_ =	sdelay $0x2  }
0x39c: {  	p0 =	sne.s32 s12, $0x1E000;
	s2 =	sadd.s32 $0x10, s2;
	s5 =	sadd.s32 $0x10, s5;
	[tilespmem:v4+s24+$0x0] =	vst.idx.msk $0xffff, v2  }
0x39d: {  	s0 =	smov.u32 s12;
	s12 =	sadd.s32 $0x2000, s12;
	[tilespmem:v5+s24+$0x0] =	vst.idx.msk $0xffff, v3  }
0x39e: {  	v2 =	vld [tilespmem:s5+$0x0];
	_ =	sdelay $0x4  }
0x39f: {  	(v2sf) =	vpush v2, $0x0;
	_ =	sdelay $0x3  }
0x3a0: {  	(v2sf) =	vpush v2, $0x1;
	_ =	sdelay $0x5  }
0x3a1: {  	(v2sf) =	vpush v2, $0x2;
	_ =	sdelay $0x1  }
0x3a2: {  	s11 =	sadd.s32 $0xFFFFFFF9, s2;
	s14 =	sadd.s32 $0xFFFFFFFA, s2;
	s15 =	sadd.s32 $0xFFFFFFFB, s2  }
0x3a3: {  	s16 =	sadd.s32 $0xFFFFFFF6, s2;
	s19 =	sadd.s32 $0xFFFFFFF7, s2;
	s20 =	sadd.s32 $0xFFFFFFF8, s2;
	v6 =	vmov s14;
	v5 =	vmov s11;
	v3 =	vmov s15  }
0x3a4: {  	s14 =	sadd.s32 $0xFFFFFFF4, s2;
	v7 =	vmov s16;
	v11 =	vmov s19;
	v4 =	vand.u32 $0x79, v6;
	s11 =	sadd.s32 $0xFFFFFFF2, s2;
	s15 =	sadd.s32 $0xFFFFFFF5, s2  }
0x3a5: {  	s19 =	sadd.s32 $0xFFFFFFF1, s2;
	s16 =	sshra.s32 s0, $0x2;
	v12 =	vmov s20;
	v8 =	vmov s11;
	s0 =	spop (v2sf);
	(v2sf) =	vpush v2, $0x3  }
0x3a6: {  	v9 =	vmov s19;
	v13 =	vand.u32 $0x78, v5;
	v10 =	vshll.u32 v8, $0x3;
	s11 =	sand.u32 $0x7F, s0;
	s19 =	sshll.u32 s0, $0x2;
	s0 =	sadd.s32 $0x10, s0  }
0x3a7: {  	v14 =	vshll.u32 v9, $0x3;
	v15 =	vand.u32 $0x400, v10;
	v10 =	vmov s14;
	s19 =	sand.u32 $0xFFFFFE00, s19;
	s11 =	sshll.u32 s11, $0x2;
	s20 =	sand.u32 $0x7F, s0  }
0x3a8: {  	v9 =	vand.u32 $0x70, v9;
	v14 =	vand.u32 $0x400, v14;
	v16 =	vand.u32 $0x73, v10;
	s0 =	sshll.u32 s0, $0x2;
	s11 =	sor.u32 s11, s19;
	s14 =	sshll.u32 s20, $0x2  }
0x3a9: {  	v18 =	vshll.u32 v6, $0x3;
	v14 =	vor.u32 v9, v14;
	v17 =	vand.u32 $0x71, v8;
	s0 =	sand.u32 $0xFFFFFE00, s0;
	s11 =	sshra.s32 s11, $0x2;
	s19 =	spop (v2sf)  }
0x3aa: {  	v6 =	vmov s15;
	v8 =	vand.u32 $0x75, v7;
	v7 =	vshll.u32 v7, $0x3;
	s0 =	sor.u32 s14, s0;
	s11 =	sadd.s32 s16, s11;
	s14 =	sand.u32 $0x7F, s19  }
0x3ab: {  	v20 =	vand.u32 $0x74, v6;
	v6 =	vshll.u32 v6, $0x3;
	s0 =	sshra.s32 s0, $0x2;
	s15 =	sadd.s32 $0x10, s19;
	v19 =	vld [tilespmem:s11+$0x7400];
	s11 =	sshll.u32 s19, $0x2;
	(v2sf) =	vpush v2, $0x4  }
0x3ac: {  	v21 =	vadd.s32 v0, v14;
	v6 =	vand.u32 $0x400, v6;
	v9 =	vand.u32 $0x400, v7;
	s0 =	sadd.s32 s16, s0;
	s14 =	sshll.u32 s14, $0x2;
	s11 =	sand.u32 $0xFFFFFE00, s11  }
0x3ad: {  	v14 =	vadd.s32 v1, v14;
	v23 =	vshll.u32 v10, $0x3;
	v10 =	vor.u32 v20, v6;
	v22 =	vld [tilespmem:s0+$0x7400];
	s0 =	sor.u32 s14, s11;
	s11 =	sand.u32 $0x7F, s15;
	s14 =	sshll.u32 s15, $0x2  }
0x3ae: {  	v6 =	vshll.u32 v11, $0x3;
	v20 =	vand.u32 $0x77, v12;
	v12 =	vshll.u32 v12, $0x3;
	s0 =	sshra.s32 s0, $0x2;
	s14 =	sand.u32 $0xFFFFFE00, s14;
	s11 =	sshll.u32 s11, $0x2  }
0x3af: {  	v7 =	vand.u32 $0x76, v11;
	v6 =	vand.u32 $0x400, v6;
	s11 =	sor.u32 s11, s14;
	s14 =	sadd.s32 $0xFFFFFFF3, s2;
	s15 =	spop (v2sf);
	(v2sf) =	vpush v2, $0x5  }
0x3b0: {  	v7 =	vor.u32 v7, v6;
	v6 =	vand.u32 $0x400, v12;
	s11 =	sshra.s32 s11, $0x2;
	v11 =	vmov s14;
	s14 =	sand.u32 $0x7F, s15;
	s19 =	sshll.u32 s15, $0x2  }
0x3b1: {  	v5 =	vshll.u32 v5, $0x3;
	v6 =	vor.u32 v20, v6;
	s15 =	sadd.s32 $0x10, s15;
	[tilespmem:v21+s24+$0x0] =	vst.idx.msk $0xffff, v19;
	s19 =	sand.u32 $0xFFFFFE00, s19;
	s14 =	sshll.u32 s14, $0x2;
	v12 =	vshll.u32 v11, $0x3  }
0x3b2: {  	s0 =	sadd.s32 s16, s0;
	s20 =	sand.u32 $0x7F, s15;
	s15 =	sshll.u32 s15, $0x2;
	v11 =	vand.u32 $0x72, v11;
	[tilespmem:v14+s24+$0x0] =	vst.idx.msk $0xffff, v22;
	v14 =	vor.u32 v17, v15;
	v12 =	vand.u32 $0x400, v12  }
0x3b3: {  	v5 =	vand.u32 $0x400, v5;
	v15 =	vld [tilespmem:s0+$0x7480];
	s0 =	sadd.s32 s16, s11;
	v17 =	vadd.s32 v0, v14;
	s11 =	sand.u32 $0xFFFFFE00, s15;
	s15 =	sshll.u32 s20, $0x2;
	v11 =	vor.u32 v11, v12  }
0x3b4: {  	v5 =	vor.u32 v13, v5;
	v19 =	vand.u32 $0x400, v23;
	v14 =	vadd.s32 v1, v14;
	v12 =	vld [tilespmem:s0+$0x7480];
	s0 =	sor.u32 s14, s19;
	s11 =	sor.u32 s15, s11;
	s14 =	spop (v2sf)  }
0x3b5: {  	v13 =	vor.u32 v16, v19;
	v16 =	vand.u32 $0x400, v18;
	s0 =	sshra.s32 s0, $0x2;
	s11 =	sshra.s32 s11, $0x2;
	s15 =	sand.u32 $0x7F, s14;
	(v2sf) =	vpush v2, $0x6  }
0x3b6: {  	v4 =	vor.u32 v4, v16;
	v16 =	vshll.u32 v3, $0x3;
	s19 =	sshll.u32 s14, $0x2;
	s14 =	sadd.s32 $0x10, s14;
	s15 =	sshll.u32 s15, $0x2  }
0x3b7: {  	v3 =	vand.u32 $0x7A, v3;
	v16 =	vand.u32 $0x400, v16;
	s19 =	sand.u32 $0xFFFFFE00, s19;
	s20 =	sand.u32 $0x7F, s14;
	s14 =	sshll.u32 s14, $0x2  }
0x3b8: {  	v3 =	vor.u32 v3, v16;
	s15 =	sor.u32 s15, s19;
	s14 =	sand.u32 $0xFFFFFE00, s14;
	s19 =	sshll.u32 s20, $0x2;
	[tilespmem:v17+s24+$0x0] =	vst.idx.msk $0xffff, v15  }
0x3b9: {  	s0 =	sadd.s32 s16, s0;
	s15 =	sshra.s32 s15, $0x2;
	s14 =	sor.u32 s19, s14;
	[tilespmem:v14+s24+$0x0] =	vst.idx.msk $0xffff, v12  }
0x3ba: {  	v14 =	vadd.s32 v0, v11;
	v12 =	vld [tilespmem:s0+$0x7500];
	s0 =	sadd.s32 s16, s11;
	s11 =	sshra.s32 s14, $0x2;
	s14 =	spop (v2sf);
	(v2sf) =	vpush v2, $0x7  }
0x3bb: {  	v11 =	vadd.s32 v1, v11;
	v15 =	vld [tilespmem:s0+$0x7500];
	s0 =	sand.u32 $0x7F, s14;
	s19 =	sshll.u32 s14, $0x2;
	s14 =	sadd.s32 $0x10, s14  }
0x3bc: {  	s19 =	sand.u32 $0xFFFFFE00, s19;
	s0 =	sshll.u32 s0, $0x2;
	s20 =	sand.u32 $0x7F, s14  }
0x3bd: {  	s14 =	sshll.u32 s14, $0x2;
	s0 =	sor.u32 s0, s19;
	s19 =	sshll.u32 s20, $0x2  }
0x3be: {  	s14 =	sand.u32 $0xFFFFFE00, s14;
	s0 =	sshra.s32 s0, $0x2;
	s20 =	spop (v2sf)  }
0x3bf: {  	s14 =	sor.u32 s19, s14;
	[tilespmem:v14+s24+$0x0] =	vst.idx.msk $0xffff, v12;
	s0 =	sadd.s32 s16, s0;
	s19 =	sadd.s32 $0x10, s20;
	(v2sf) =	vpush v2, $0x8  }
0x3c0: {  	s15 =	sadd.s32 s16, s15;
	s14 =	sshra.s32 s14, $0x2;
	s21 =	sand.u32 $0x7F, s20;
	[tilespmem:v11+s24+$0x0] =	vst.idx.msk $0xffff, v15  }
0x3c1: {  	s11 =	sadd.s32 s16, s11;
	v12 =	vadd.s32 v0, v13;
	s14 =	sadd.s32 s16, s14;
	v11 =	vld [tilespmem:s15+$0x7580];
	s15 =	sshll.u32 s20, $0x2  }
0x3c2: {  	v13 =	vadd.s32 v1, v13;
	s20 =	sshll.u32 s19, $0x2;
	v14 =	vld [tilespmem:s11+$0x7580];
	s11 =	sand.u32 $0xFFFFFE00, s15;
	s15 =	sshll.u32 s21, $0x2  }
0x3c3: {  	s11 =	sor.u32 s15, s11;
	s15 =	sand.u32 $0x7F, s19;
	s19 =	sand.u32 $0xFFFFFE00, s20  }
0x3c4: {  	s11 =	sshra.s32 s11, $0x2;
	s15 =	sshll.u32 s15, $0x2;
	s20 =	spop (v2sf);
	(v2sf) =	vpush v2, $0x9  }
0x3c5: {  	s11 =	sadd.s32 s16, s11;
	s15 =	sor.u32 s15, s19;
	s19 =	sand.u32 $0x7F, s20  }
0x3c6: {  	s21 =	sshll.u32 s20, $0x2;
	s20 =	sadd.s32 $0x10, s20;
	[tilespmem:v12+s24+$0x0] =	vst.idx.msk $0xffff, v11;
	s15 =	sshra.s32 s15, $0x2  }
0x3c7: {  	s21 =	sand.u32 $0xFFFFFE00, s21;
	s22 =	sand.u32 $0x7F, s20;
	[tilespmem:v13+s24+$0x0] =	vst.idx.msk $0xffff, v14;
	s15 =	sadd.s32 s16, s15  }
0x3c8: {  	v12 =	vadd.s32 v0, v10;
	v11 =	vld [tilespmem:s0+$0x7600];
	s0 =	sshll.u32 s19, $0x2;
	s19 =	sshll.u32 s20, $0x2;
	s20 =	sshll.u32 s22, $0x2  }
0x3c9: {  	v10 =	vadd.s32 v1, v10;
	v13 =	vld [tilespmem:s14+$0x7600];
	s0 =	sor.u32 s0, s21;
	s14 =	sand.u32 $0xFFFFFE00, s19;
	s19 =	spop (v2sf)  }
0x3ca: {  	s0 =	sshra.s32 s0, $0x2;
	s14 =	sor.u32 s20, s14;
	s20 =	sand.u32 $0x7F, s19  }
0x3cb: {  	s21 =	sshll.u32 s19, $0x2;
	s19 =	sadd.s32 $0x10, s19;
	s0 =	sadd.s32 s16, s0;
	(v2sf) =	vpush v2, $0xA  }
0x3cc: {  	s21 =	sand.u32 $0xFFFFFE00, s21;
	s20 =	sshll.u32 s20, $0x2;
	s22 =	sand.u32 $0x7F, s19  }
0x3cd: {  	s19 =	sshll.u32 s19, $0x2;
	s20 =	sor.u32 s20, s21;
	s21 =	sshll.u32 s22, $0x2;
	[tilespmem:v12+s24+$0x0] =	vst.idx.msk $0xffff, v11  }
0x3ce: {  	v8 =	vor.u32 v8, v9;
	s22 =	sand.u32 $0xFFFFFE00, s19;
	s20 =	sshra.s32 s20, $0x2;
	[tilespmem:v10+s24+$0x0] =	vst.idx.msk $0xffff, v13;
	s23 =	spop (v2sf)  }
0x3cf: {  	v10 =	vadd.s32 v0, v8;
	s19 =	sadd.s32 s16, s20;
	v9 =	vld [tilespmem:s11+$0x7680];
	s11 =	sor.u32 s21, s22;
	s20 =	sand.u32 $0x7F, s23  }
0x3d0: {  	v8 =	vadd.s32 v1, v8;
	s22 =	sadd.s32 $0x10, s23;
	v11 =	vld [tilespmem:s15+$0x7680];
	s11 =	sshra.s32 s11, $0x2;
	s15 =	sshll.u32 s23, $0x2;
	(v2sf) =	vpush v2, $0xB  }
0x3d1: {  	s21 =	sadd.s32 s16, s11;
	s11 =	sand.u32 $0xFFFFFE00, s15;
	s15 =	sand.u32 $0x7F, s22  }
0x3d2: {  	s20 =	sshll.u32 s20, $0x2;
	s22 =	sshll.u32 s22, $0x2;
	s15 =	sshll.u32 s15, $0x2  }
0x3d3: {  	s11 =	sor.u32 s20, s11;
	s20 =	sand.u32 $0xFFFFFE00, s22;
	s22 =	spop (v2sf)  }
0x3d4: {  	s11 =	sshra.s32 s11, $0x2;
	s15 =	sor.u32 s15, s20;
	[tilespmem:v10+s24+$0x0] =	vst.idx.msk $0xffff, v9;
	s20 =	sand.u32 $0x7F, s22  }
0x3d5: {  	s14 =	sshra.s32 s14, $0x2;
	s11 =	sadd.s32 s16, s11;
	s15 =	sshra.s32 s15, $0x2;
	[tilespmem:v8+s24+$0x0] =	vst.idx.msk $0xffff, v11;
	(v2sf) =	vpush v2, $0xC  }
0x3d6: {  	v9 =	vadd.s32 v0, v7;
	v8 =	vld [tilespmem:s0+$0x7700];
	s0 =	sadd.s32 s16, s14;
	s14 =	sadd.s32 s16, s15;
	s15 =	sshll.u32 s22, $0x2  }
0x3d7: {  	v7 =	vadd.s32 v1, v7;
	v10 =	vld [tilespmem:s0+$0x7700];
	s0 =	sand.u32 $0xFFFFFE00, s15;
	s15 =	sshll.u32 s20, $0x2;
	s20 =	sadd.s32 $0x10, s22  }
0x3d8: {  	s0 =	sor.u32 s15, s0;
	s15 =	sand.u32 $0x7F, s20;
	s20 =	sshll.u32 s20, $0x2  }
0x3d9: {  	s0 =	sshra.s32 s0, $0x2;
	s20 =	sand.u32 $0xFFFFFE00, s20;
	s22 =	sshll.u32 s15, $0x2  }
0x3da: {  	s15 =	sadd.s32 s16, s0;
	s0 =	sor.u32 s22, s20;
	s22 =	spop (v2sf);
	(v2sf) =	vpush v2, $0xD  }
0x3db: {  	[tilespmem:v9+s24+$0x0] =	vst.idx.msk $0xffff, v8;
	s0 =	sshra.s32 s0, $0x2;
	s23 =	sand.u32 $0x7F, s22;
	s25 =	sshll.u32 s22, $0x2  }
0x3dc: {  	s22 =	sadd.s32 $0x10, s22;
	[tilespmem:v7+s24+$0x0] =	vst.idx.msk $0xffff, v10;
	s20 =	sadd.s32 s16, s0;
	s0 =	sand.u32 $0xFFFFFE00, s25  }
0x3dd: {  	v8 =	vadd.s32 v0, v6;
	v7 =	vld [tilespmem:s19+$0x7780];
	s19 =	sshll.u32 s23, $0x2;
	s23 =	sand.u32 $0x7F, s22;
	s22 =	sshll.u32 s22, $0x2  }
0x3de: {  	v6 =	vadd.s32 v1, v6;
	v9 =	vld [tilespmem:s21+$0x7780];
	s0 =	sor.u32 s19, s0;
	s19 =	sand.u32 $0xFFFFFE00, s22;
	s21 =	sshll.u32 s23, $0x2  }
0x3df: {  	s0 =	sshra.s32 s0, $0x2;
	s19 =	sor.u32 s21, s19;
	s23 =	spop (v2sf);
	(v2sf) =	vpush v2, $0xE  }
0x3e0: {  	s22 =	sadd.s32 s16, s0;
	s0 =	sshra.s32 s19, $0x2;
	s19 =	sand.u32 $0x7F, s23  }
0x3e1: {  	s21 =	sadd.s32 s16, s0;
	s0 =	sshll.u32 s23, $0x2;
	s23 =	sadd.s32 $0x10, s23  }
0x3e2: {  	s19 =	sshll.u32 s19, $0x2;
	[tilespmem:v8+s24+$0x0] =	vst.idx.msk $0xffff, v7;
	s0 =	sand.u32 $0xFFFFFE00, s0;
	s25 =	sand.u32 $0x7F, s23  }
0x3e3: {  	[tilespmem:v6+s24+$0x0] =	vst.idx.msk $0xffff, v9;
	s0 =	sor.u32 s19, s0;
	s19 =	sshll.u32 s23, $0x2;
	s23 =	sshll.u32 s25, $0x2  }
0x3e4: {  	v7 =	vadd.s32 v0, v5;
	v6 =	vld [tilespmem:s11+$0x7800];
	s0 =	sshra.s32 s0, $0x2;
	s19 =	sand.u32 $0xFFFFFE00, s19;
	s25 =	spop (v2sf);
	(v2sf) =	vpush v2, $0xF  }
0x3e5: {  	v5 =	vadd.s32 v1, v5;
	v2 =	vld [tilespmem:s14+$0x7800];
	s11 =	sadd.s32 s16, s0;
	s0 =	sor.u32 s23, s19;
	s14 =	sand.u32 $0x7F, s25  }
0x3e6: {  	s23 =	sshll.u32 s25, $0x2;
	s25 =	sadd.s32 $0x10, s25;
	s0 =	sshra.s32 s0, $0x2  }
0x3e7: {  	s19 =	sadd.s32 s16, s0;
	s0 =	sand.u32 $0xFFFFFE00, s23;
	s23 =	sand.u32 $0x7F, s25  }
0x3e8: {  	s14 =	sshll.u32 s14, $0x2;
	s25 =	sshll.u32 s25, $0x2;
	s23 =	sshll.u32 s23, $0x2  }
0x3e9: {  	s0 =	sor.u32 s14, s0;
	s14 =	sand.u32 $0xFFFFFE00, s25;
	[tilespmem:v7+s24+$0x0] =	vst.idx.msk $0xffff, v6;
	s25 =	spop (v2sf)  }
0x3ea: {  	s0 =	sshra.s32 s0, $0x2;
	s14 =	sor.u32 s23, s14;
	[tilespmem:v5+s24+$0x0] =	vst.idx.msk $0xffff, v2;
	s26 =	sand.u32 $0x7F, s25  }
0x3eb: {  	v5 =	vadd.s32 v0, v4;
	s23 =	sadd.s32 s16, s0;
	s0 =	sshll.u32 s25, $0x2;
	v2 =	vld [tilespmem:s15+$0x7880];
	s15 =	sadd.s32 $0x10, s25  }
0x3ec: {  	v4 =	vadd.s32 v1, v4;
	s0 =	sand.u32 $0xFFFFFE00, s0;
	v6 =	vld [tilespmem:s20+$0x7880];
	s20 =	sshll.u32 s26, $0x2;
	s25 =	sshll.u32 s15, $0x2  }
0x3ed: {  	s15 =	sand.u32 $0x7F, s15;
	s0 =	sor.u32 s20, s0;
	s20 =	sand.u32 $0xFFFFFE00, s25  }
0x3ee: {  	s25 =	sshll.u32 s15, $0x2;
	s0 =	sshra.s32 s0, $0x2;
	s26 =	spop (v2sf)  }
0x3ef: {  	s15 =	sadd.s32 s16, s0;
	s0 =	sor.u32 s25, s20;
	s25 =	sand.u32 $0x7F, s26  }
0x3f0: {  	s28 =	sshll.u32 s26, $0x2;
	s26 =	sadd.s32 $0x10, s26;
	[tilespmem:v5+s24+$0x0] =	vst.idx.msk $0xffff, v2;
	s0 =	sshra.s32 s0, $0x2  }
0x3f1: {  	[tilespmem:v4+s24+$0x0] =	vst.idx.msk $0xffff, v6;
	s20 =	sadd.s32 s16, s0;
	s0 =	sand.u32 $0xFFFFFE00, s28;
	s28 =	sand.u32 $0x7F, s26  }
0x3f2: {  	v4 =	vadd.s32 v0, v3;
	v2 =	vld [tilespmem:s22+$0x7900];
	s22 =	sshll.u32 s25, $0x2;
	s25 =	sshll.u32 s26, $0x2;
	s26 =	sshll.u32 s28, $0x2  }
0x3f3: {  	v3 =	vadd.s32 v1, v3;
	v5 =	vld [tilespmem:s21+$0x7900];
	s0 =	sor.u32 s22, s0;
	s21 =	sand.u32 $0xFFFFFE00, s25;
	s25 =	spop (v2sf)  }
0x3f4: {  	s22 =	sadd.s32 $0xFFFFFFFC, s2;
	s0 =	sshra.s32 s0, $0x2;
	s26 =	sor.u32 s26, s21  }
0x3f5: {  	v6 =	vmov s22;
	s21 =	sadd.s32 s16, s0;
	s0 =	sshra.s32 s26, $0x2;
	s26 =	sand.u32 $0x7F, s25  }
0x3f6: {  	v7 =	vshll.u32 v6, $0x3;
	s22 =	sadd.s32 s16, s0;
	s0 =	sshll.u32 s25, $0x2;
	s26 =	sshll.u32 s26, $0x2  }
0x3f7: {  	s25 =	sadd.s32 $0x10, s25;
	[tilespmem:v4+s24+$0x0] =	vst.idx.msk $0xffff, v2;
	v2 =	vand.u32 $0x7B, v6;
	v4 =	vand.u32 $0x400, v7;
	s0 =	sand.u32 $0xFFFFFE00, s0  }
0x3f8: {  	[tilespmem:v3+s24+$0x0] =	vst.idx.msk $0xffff, v5;
	v2 =	vor.u32 v2, v4;
	s0 =	sor.u32 s26, s0;
	s26 =	sand.u32 $0x7F, s25;
	s25 =	sshll.u32 s25, $0x2  }
0x3f9: {  	v3 =	vld [tilespmem:s11+$0x7980];
	v4 =	vadd.s32 v0, v2;
	s0 =	sshra.s32 s0, $0x2;
	s25 =	sand.u32 $0xFFFFFE00, s25;
	s26 =	sshll.u32 s26, $0x2  }
0x3fa: {  	v2 =	vadd.s32 v1, v2;
	v5 =	vld [tilespmem:s19+$0x7980];
	s11 =	sadd.s32 s16, s0;
	s0 =	sor.u32 s26, s25  }
0x3fb: {  	s19 =	sadd.s32 $0xFFFFFFFD, s2;
	s0 =	sshra.s32 s0, $0x2  }
0x3fc: {  	v6 =	vmov s19;
	s19 =	sadd.s32 s16, s0  }
0x3fd: {  	v7 =	vshll.u32 v6, $0x3  }
0x3fe: {  	[tilespmem:v4+s24+$0x0] =	vst.idx.msk $0xffff, v3;
	v3 =	vand.u32 $0x7C, v6;
	v4 =	vand.u32 $0x400, v7  }
0x3ff: {  	s0 =	sshra.s32 s14, $0x2;
	[tilespmem:v2+s24+$0x0] =	vst.idx.msk $0xffff, v5;
	v2 =	vor.u32 v3, v4  }
0x400: {  	s0 =	sadd.s32 s16, s0;
	v3 =	vld [tilespmem:s23+$0x7A00];
	v4 =	vadd.s32 v0, v2  }
0x401: {  	v2 =	vadd.s32 v1, v2;
	v5 =	vld [tilespmem:s0+$0x7A00]  }
0x402: {  	s0 =	sadd.s32 $0xFFFFFFFE, s2  }
0x403: {  	v6 =	vmov s0  }
0x404: {  	v7 =	vshll.u32 v6, $0x3  }
0x405: {  	[tilespmem:v4+s24+$0x0] =	vst.idx.msk $0xffff, v3;
	v3 =	vand.u32 $0x7D, v6;
	v4 =	vand.u32 $0x400, v7  }
0x406: {  	[tilespmem:v2+s24+$0x0] =	vst.idx.msk $0xffff, v5;
	v2 =	vor.u32 v3, v4  }
0x407: {  	v3 =	vld [tilespmem:s15+$0x7A80];
	v4 =	vadd.s32 v0, v2  }
0x408: {  	v2 =	vadd.s32 v1, v2;
	v5 =	vld [tilespmem:s20+$0x7A80]  }
0x409: {  	s0 =	sadd.s32 $0xFFFFFFFF, s2  }
0x40a: {  	v6 =	vmov s0  }
0x40b: {  	v7 =	vshll.u32 v6, $0x3  }
0x40c: {  	[tilespmem:v4+s24+$0x0] =	vst.idx.msk $0xffff, v3;
	v3 =	vand.u32 $0x7E, v6;
	v4 =	vand.u32 $0x400, v7  }
0x40d: {  	[tilespmem:v2+s24+$0x0] =	vst.idx.msk $0xffff, v5;
	v2 =	vor.u32 v3, v4  }
0x40e: {  	v3 =	vld [tilespmem:s21+$0x7B00];
	v4 =	vadd.s32 v0, v2  }
0x40f: {  	v2 =	vadd.s32 v1, v2;
	v5 =	vld [tilespmem:s22+$0x7B00];
	_ =	sdelay $0x1  }
0x410: {  	v6 =	vmov s2  }
.Ltmp3:
0x411: {  	v7 =	vshll.u32 v6, $0x3;
	(pc) =	sbr.rel @p0 .LBB2_8-.Ltmp3, $4  }
0x412: {  	[tilespmem:v4+s24+$0x0] =	vst.idx.msk $0xffff, v3;
	v3 =	vand.u32 $0x7F, v6;
	v4 =	vand.u32 $0x400, v7  }
0x413: {  	[tilespmem:v2+s24+$0x0] =	vst.idx.msk $0xffff, v5;
	v5 =	vor.u32 v3, v4  }
0x414: {  	v2 =	vld [tilespmem:s11+$0x7B80];
	v4 =	vadd.s32 v0, v5  }
0x415: {  	v5 =	vadd.s32 v1, v5;
	v3 =	vld [tilespmem:s19+$0x7B80]  }
0x416: {  	_ =	sdelay $0x3  }
0x417: {  	[tilespmem:v4+s24+$0x0] =	vst.idx.msk $0xffff, v2  }
0x418: {  	s0 =	simm.s32 $0x0;
	s5 =	rddreg [dreg:$0xc];
	[tilespmem:v5+s24+$0x0] =	vst.idx.msk $0xffff, v3  }
0x419: {  	[hbm4b:s5+s0] =	stream.linear.scatter [tilespmem:s24], [sflag:$0x4], $0x800, $0x38;
	[tilespmem:$0x1D400] =	vst v63  }
0x41a: {  	s11 =	simm.s32 $0x18000;
	s2 =	sadd.s32 $0x4000, s5  }
0x41b: {  	[hbm4b:s2+s0] =	stream.linear.scatter [tilespmem:s11], [sflag:$0x4], $0x800, $0x38;
	[tilespmem:$0x1D400] =	vst v63  }
0x41c: {  	s30 =	simm.s32 $0x18C00;
	s28 =	sadd.s32 $0x8000, s5  }
0x41d: {  	[hbm4b:s28+s0] =	stream.linear.scatter [tilespmem:s30], [sflag:$0x4], $0x800, $0x38;
	[tilespmem:$0x1D400] =	vst v63  }
0x41e: {  	s12 =	simm.s32 $0x19800;
	s11 =	sadd.s32 $0xC000, s5  }
0x41f: {  	[hbm4b:s11+s0] =	stream.linear.scatter [tilespmem:s12], [sflag:$0x4], $0x800, $0x38;
	[tilespmem:$0x1D400] =	vst v63  }
0x420: {  	_ =	swait.ge [sflag:s8], $0x8000  }
0x421: {  	[sflag:s8] =	ssyncset.done $0x0  }
0x422: {  	[sflag:s8] =	ssyncadd.s32 $0xFFFF8000  }
0x423: {  	_ =	swait.ge [sflag:s9], $0x2000  }
0x424: {  	[sflag:s9] =	ssyncset.done $0x0  }
0x425: {  	s5 =	simm.s32 $0x7300;
	[sflag:s9] =	ssyncadd.s32 $0xFFFFE000  }
0x426: {  	v2 =	vld [tilespmem:s5+$0x0];
	_ =	sdelay $0x4  }
0x427: {  	(v2sf) =	vpush v2, $0x0;
	_ =	sdelay $0x6  }
0x428: {  	(v2sf) =	vpush v2, $0x1;
	_ =	sdelay $0x6  }
0x429: {  	(v2sf) =	vpush v2, $0x2  }
0x42a: {  	s14 =	spop (v2sf)  }
0x42b: {  	s15 =	simm.s32 $0x0;
	s16 =	sshll.u32 s14, $0x2  }
0x42c: {  	s12 =	sand.u32 $0x7F, s14;
	s0 =	sadd.s32 $0x10, s14;
	s11 =	sand.u32 $0xFFFFFE00, s16  }
0x42d: {  	v3 =	vmov s15;
	s19 =	sshll.u32 s12, $0x2;
	s20 =	sand.u32 $0x7F, s0;
	s0 =	sshll.u32 s0, $0x2  }
0x42e: {  	v4 =	vshll.u32 v3, $0x3;
	s2 =	sor.u32 s19, s11;
	s21 =	sshll.u32 s20, $0x2;
	s0 =	sand.u32 $0xFFFFFE00, s0  }
0x42f: {  	v3 =	vand.u32 $0x70, v3;
	v4 =	vand.u32 $0x400, v4;
	s2 =	sshra.s32 s2, $0x2;
	s0 =	sor.u32 s21, s0  }
0x430: {  	v3 =	vor.u32 v3, v4;
	(v2sf) =	vpush v2, $0x3;
	s2 =	sadd.s32 $0x0, s2;
	s0 =	sshra.s32 s0, $0x2  }
0x431: {  	v5 =	vadd.s32 v0, v3;
	s22 =	spop (v2sf);
	v4 =	vld [tilespmem:s2+$0xF400];
	s0 =	sadd.s32 $0x0, s0  }
0x432: {  	s23 =	simm.s32 $0x1;
	v3 =	vadd.s32 v1, v3;
	s25 =	sshll.u32 s22, $0x2;
	v6 =	vld [tilespmem:s0+$0xF400]  }
0x433: {  	s26 =	sand.u32 $0x7F, s22;
	s11 =	sadd.s32 $0x10, s22;
	s12 =	sand.u32 $0xFFFFFE00, s25  }
0x434: {  	v7 =	vmov s23;
	s28 =	sand.u32 $0x7F, s11;
	s11 =	sshll.u32 s11, $0x2;
	s0 =	sshll.u32 s26, $0x2  }
0x435: {  	v8 =	vshll.u32 v7, $0x3;
	s11 =	sand.u32 $0xFFFFFE00, s11;
	s2 =	sshll.u32 s28, $0x2;
	s0 =	sor.u32 s0, s12  }
0x436: {  	v7 =	vand.u32 $0x71, v7;
	v8 =	vand.u32 $0x400, v8;
	s2 =	sor.u32 s2, s11;
	s0 =	sshra.s32 s0, $0x2;
	[tilespmem:v5+s31+$0x0] =	vst.idx.msk $0xffff, v4  }
0x437: {  	(v2sf) =	vpush v2, $0x4;
	s2 =	sshra.s32 s2, $0x2;
	s0 =	sadd.s32 $0x0, s0;
	[tilespmem:v3+s31+$0x0] =	vst.idx.msk $0xffff, v6;
	v3 =	vor.u32 v7, v8  }
0x438: {  	s30 =	spop (v2sf);
	s14 =	sadd.s32 $0x0, s2;
	v4 =	vld [tilespmem:s0+$0xF480];
	v5 =	vadd.s32 v0, v3  }
0x439: {  	s15 =	simm.s32 $0x2;
	s16 =	sshll.u32 s30, $0x2;
	v6 =	vld [tilespmem:s14+$0xF480];
	v3 =	vadd.s32 v1, v3  }
0x43a: {  	s19 =	sand.u32 $0x7F, s30;
	s11 =	sadd.s32 $0x10, s30;
	s12 =	sand.u32 $0xFFFFFE00, s16  }
0x43b: {  	s20 =	sand.u32 $0x7F, s11;
	s11 =	sshll.u32 s11, $0x2;
	v7 =	vmov s15;
	s0 =	sshll.u32 s19, $0x2  }
0x43c: {  	s11 =	sand.u32 $0xFFFFFE00, s11;
	s2 =	sshll.u32 s20, $0x2;
	v53 =	vshll.u32 v7, $0x3;
	s0 =	sor.u32 s0, s12  }
0x43d: {  	s2 =	sor.u32 s2, s11;
	v7 =	vand.u32 $0x72, v7;
	v8 =	vand.u32 $0x400, v53;
	s0 =	sshra.s32 s0, $0x2;
	[tilespmem:v5+s31+$0x0] =	vst.idx.msk $0xffff, v4  }
0x43e: {  	(v2sf) =	vpush v2, $0x5;
	s2 =	sshra.s32 s2, $0x2;
	s0 =	sadd.s32 $0x0, s0;
	v4 =	vor.u32 v7, v8;
	[tilespmem:v3+s31+$0x0] =	vst.idx.msk $0xffff, v6  }
0x43f: {  	s22 =	sadd.s32 $0x0, s2;
	s21 =	spop (v2sf);
	v5 =	vadd.s32 v0, v4;
	v3 =	vld [tilespmem:s0+$0xF500]  }
0x440: {  	s23 =	simm.s32 $0x3;
	s25 =	sand.u32 $0x7F, s21;
	v4 =	vadd.s32 v1, v4;
	v6 =	vld [tilespmem:s22+$0xF500]  }
0x441: {  	s26 =	sshll.u32 s21, $0x2;
	s11 =	sadd.s32 $0x10, s21;
	s12 =	sshll.u32 s25, $0x2  }
0x442: {  	s28 =	sand.u32 $0x7F, s11;
	s11 =	sshll.u32 s11, $0x2;
	v7 =	vmov s23;
	s0 =	sand.u32 $0xFFFFFE00, s26  }
0x443: {  	s11 =	sand.u32 $0xFFFFFE00, s11;
	s2 =	sshll.u32 s28, $0x2;
	v54 =	vshll.u32 v7, $0x3;
	s0 =	sor.u32 s12, s0  }
0x444: {  	v7 =	vand.u32 $0x73, v7;
	s2 =	sor.u32 s2, s11;
	v8 =	vand.u32 $0x400, v54;
	s0 =	sshra.s32 s0, $0x2;
	[tilespmem:v5+s31+$0x0] =	vst.idx.msk $0xffff, v3  }
0x445: {  	(v2sf) =	vpush v2, $0x6;
	s2 =	sshra.s32 s2, $0x2;
	s0 =	sadd.s32 $0x0, s0;
	v3 =	vor.u32 v7, v8;
	[tilespmem:v4+s31+$0x0] =	vst.idx.msk $0xffff, v6  }
0x446: {  	s30 =	spop (v2sf);
	s12 =	sadd.s32 $0x0, s2;
	v5 =	vadd.s32 v0, v3;
	v4 =	vld [tilespmem:s0+$0xF580]  }
0x447: {  	s14 =	simm.s32 $0x4;
	s11 =	sadd.s32 $0x10, s30;
	v3 =	vadd.s32 v1, v3;
	v6 =	vld [tilespmem:s12+$0xF580]  }
0x448: {  	s15 =	sshll.u32 s30, $0x2;
	s16 =	sand.u32 $0x7F, s30;
	s19 =	sand.u32 $0x7F, s11  }
0x449: {  	s11 =	sshll.u32 s11, $0x2;
	v7 =	vmov s14;
	s12 =	sand.u32 $0xFFFFFE00, s15;
	s0 =	sshll.u32 s16, $0x2  }
0x44a: {  	s2 =	sshll.u32 s19, $0x2;
	s11 =	sand.u32 $0xFFFFFE00, s11;
	v55 =	vshll.u32 v7, $0x3;
	s0 =	sor.u32 s0, s12  }
0x44b: {  	s2 =	sor.u32 s2, s11;
	v7 =	vand.u32 $0x74, v7;
	v8 =	vand.u32 $0x400, v55;
	s0 =	sshra.s32 s0, $0x2;
	[tilespmem:v5+s31+$0x0] =	vst.idx.msk $0xffff, v4  }
0x44c: {  	(v2sf) =	vpush v2, $0x7;
	s2 =	sshra.s32 s2, $0x2;
	s0 =	sadd.s32 $0x0, s0;
	v4 =	vor.u32 v7, v8;
	[tilespmem:v3+s31+$0x0] =	vst.idx.msk $0xffff, v6  }
0x44d: {  	s20 =	spop (v2sf);
	s2 =	sadd.s32 $0x0, s2;
	v5 =	vadd.s32 v0, v4;
	v3 =	vld [tilespmem:s0+$0xF600]  }
0x44e: {  	s21 =	simm.s32 $0x5;
	s23 =	sadd.s32 $0x10, s20;
	v4 =	vadd.s32 v1, v4;
	v6 =	vld [tilespmem:s2+$0xF600]  }
0x44f: {  	s22 =	sshll.u32 s20, $0x2;
	s26 =	sshll.u32 s23, $0x2;
	s11 =	sand.u32 $0x7F, s20  }
0x450: {  	s25 =	sshll.u32 s11, $0x2;
	s12 =	sand.u32 $0xFFFFFE00, s22;
	v7 =	vmov s21;
	s2 =	sand.u32 $0x7F, s23  }
0x451: {  	s11 =	sand.u32 $0xFFFFFE00, s26;
	v56 =	vshll.u32 v7, $0x3;
	s0 =	sor.u32 s25, s12;
	s2 =	sshll.u32 s2, $0x2  }
0x452: {  	v7 =	vand.u32 $0x75, v7;
	v8 =	vand.u32 $0x400, v56;
	s0 =	sshra.s32 s0, $0x2;
	s2 =	sor.u32 s2, s11;
	[tilespmem:v5+s31+$0x0] =	vst.idx.msk $0xffff, v3  }
0x453: {  	(v2sf) =	vpush v2, $0x8;
	s0 =	sadd.s32 $0x0, s0;
	s2 =	sshra.s32 s2, $0x2;
	v3 =	vor.u32 v7, v8;
	[tilespmem:v4+s31+$0x0] =	vst.idx.msk $0xffff, v6  }
0x454: {  	s28 =	spop (v2sf);
	s2 =	sadd.s32 $0x0, s2;
	v5 =	vadd.s32 v0, v3;
	v4 =	vld [tilespmem:s0+$0xF680]  }
0x455: {  	s30 =	simm.s32 $0x6;
	s14 =	sshll.u32 s28, $0x2;
	v3 =	vadd.s32 v1, v3;
	v6 =	vld [tilespmem:s2+$0xF680]  }
0x456: {  	s15 =	sand.u32 $0x7F, s28;
	s12 =	sand.u32 $0xFFFFFE00, s14;
	s11 =	sadd.s32 $0x10, s28  }
0x457: {  	s16 =	sand.u32 $0x7F, s11;
	s11 =	sshll.u32 s11, $0x2;
	v7 =	vmov s30;
	s2 =	sshll.u32 s15, $0x2  }
0x458: {  	s11 =	sand.u32 $0xFFFFFE00, s11;
	v57 =	vshll.u32 v7, $0x3;
	s0 =	sshll.u32 s16, $0x2;
	s2 =	sor.u32 s2, s12  }
0x459: {  	v7 =	vand.u32 $0x76, v7;
	v8 =	vand.u32 $0x400, v57;
	s0 =	sor.u32 s0, s11;
	s2 =	sshra.s32 s2, $0x2;
	[tilespmem:v5+s31+$0x0] =	vst.idx.msk $0xffff, v4  }
0x45a: {  	(v2sf) =	vpush v2, $0x9;
	s0 =	sshra.s32 s0, $0x2;
	s2 =	sadd.s32 $0x0, s2;
	v4 =	vor.u32 v7, v8;
	[tilespmem:v3+s31+$0x0] =	vst.idx.msk $0xffff, v6  }
0x45b: {  	s19 =	spop (v2sf);
	s0 =	sadd.s32 $0x0, s0;
	v5 =	vadd.s32 v0, v4;
	v3 =	vld [tilespmem:s2+$0xF700]  }
0x45c: {  	s20 =	simm.s32 $0x7;
	s21 =	sshll.u32 s19, $0x2;
	v4 =	vadd.s32 v1, v4;
	v6 =	vld [tilespmem:s0+$0xF700]  }
0x45d: {  	s22 =	sand.u32 $0x7F, s19;
	s11 =	sadd.s32 $0x10, s19;
	s12 =	sand.u32 $0xFFFFFE00, s21  }
0x45e: {  	s23 =	sand.u32 $0x7F, s11;
	s11 =	sshll.u32 s11, $0x2;
	v7 =	vmov s20;
	s0 =	sshll.u32 s22, $0x2  }
0x45f: {  	s11 =	sand.u32 $0xFFFFFE00, s11;
	v58 =	vshll.u32 v7, $0x3;
	s2 =	sshll.u32 s23, $0x2;
	s0 =	sor.u32 s0, s12  }
0x460: {  	v7 =	vand.u32 $0x77, v7;
	v8 =	vand.u32 $0x400, v58;
	s2 =	sor.u32 s2, s11;
	s0 =	sshra.s32 s0, $0x2;
	[tilespmem:v5+s31+$0x0] =	vst.idx.msk $0xffff, v3  }
0x461: {  	(v2sf) =	vpush v2, $0xA;
	s2 =	sshra.s32 s2, $0x2;
	s0 =	sadd.s32 $0x0, s0;
	v3 =	vor.u32 v7, v8;
	[tilespmem:v4+s31+$0x0] =	vst.idx.msk $0xffff, v6  }
0x462: {  	s25 =	spop (v2sf);
	s2 =	sadd.s32 $0x0, s2;
	v5 =	vadd.s32 v0, v3;
	v4 =	vld [tilespmem:s0+$0xF780]  }
0x463: {  	s26 =	simm.s32 $0x8;
	s28 =	sshll.u32 s25, $0x2;
	v3 =	vadd.s32 v1, v3;
	v6 =	vld [tilespmem:s2+$0xF780]  }
0x464: {  	s30 =	sand.u32 $0x7F, s25;
	s11 =	sadd.s32 $0x10, s25;
	s12 =	sand.u32 $0xFFFFFE00, s28  }
0x465: {  	s14 =	sand.u32 $0x7F, s11;
	s11 =	sshll.u32 s11, $0x2;
	v7 =	vmov s26;
	s2 =	sshll.u32 s30, $0x2  }
0x466: {  	s11 =	sand.u32 $0xFFFFFE00, s11;
	v59 =	vshll.u32 v7, $0x3;
	s0 =	sshll.u32 s14, $0x2;
	s2 =	sor.u32 s2, s12  }
0x467: {  	v7 =	vand.u32 $0x78, v7;
	v8 =	vand.u32 $0x400, v59;
	s0 =	sor.u32 s0, s11;
	s2 =	sshra.s32 s2, $0x2;
	[tilespmem:v5+s31+$0x0] =	vst.idx.msk $0xffff, v4  }
0x468: {  	(v2sf) =	vpush v2, $0xB;
	s0 =	sshra.s32 s0, $0x2;
	s2 =	sadd.s32 $0x0, s2;
	v4 =	vor.u32 v7, v8;
	[tilespmem:v3+s31+$0x0] =	vst.idx.msk $0xffff, v6  }
0x469: {  	s15 =	spop (v2sf);
	s0 =	sadd.s32 $0x0, s0;
	v5 =	vadd.s32 v0, v4;
	v3 =	vld [tilespmem:s2+$0xF800]  }
0x46a: {  	s16 =	simm.s32 $0x9;
	s19 =	sshll.u32 s15, $0x2;
	v4 =	vadd.s32 v1, v4;
	v6 =	vld [tilespmem:s0+$0xF800]  }
0x46b: {  	s20 =	sand.u32 $0x7F, s15;
	s12 =	sand.u32 $0xFFFFFE00, s19;
	s11 =	sadd.s32 $0x10, s15  }
0x46c: {  	s21 =	sand.u32 $0x7F, s11;
	s11 =	sshll.u32 s11, $0x2;
	v7 =	vmov s16;
	s0 =	sshll.u32 s20, $0x2  }
0x46d: {  	s11 =	sand.u32 $0xFFFFFE00, s11;
	v60 =	vshll.u32 v7, $0x3;
	s2 =	sshll.u32 s21, $0x2;
	s0 =	sor.u32 s0, s12  }
0x46e: {  	v7 =	vand.u32 $0x79, v7;
	v8 =	vand.u32 $0x400, v60;
	s2 =	sor.u32 s2, s11;
	s0 =	sshra.s32 s0, $0x2;
	[tilespmem:v5+s31+$0x0] =	vst.idx.msk $0xffff, v3  }
0x46f: {  	(v2sf) =	vpush v2, $0xC;
	s2 =	sshra.s32 s2, $0x2;
	s0 =	sadd.s32 $0x0, s0;
	v3 =	vor.u32 v7, v8;
	[tilespmem:v4+s31+$0x0] =	vst.idx.msk $0xffff, v6  }
0x470: {  	s22 =	spop (v2sf);
	s2 =	sadd.s32 $0x0, s2;
	v5 =	vadd.s32 v0, v3;
	v4 =	vld [tilespmem:s0+$0xF880]  }
0x471: {  	s23 =	simm.s32 $0xA;
	s26 =	sand.u32 $0x7F, s22;
	v3 =	vadd.s32 v1, v3;
	v6 =	vld [tilespmem:s2+$0xF880]  }
0x472: {  	s25 =	sshll.u32 s22, $0x2;
	s28 =	sshll.u32 s26, $0x2;
	s11 =	sadd.s32 $0x10, s22  }
0x473: {  	s12 =	sand.u32 $0xFFFFFE00, s25;
	s30 =	sand.u32 $0x7F, s11;
	s11 =	sshll.u32 s11, $0x2;
	v7 =	vmov s23  }
0x474: {  	s11 =	sand.u32 $0xFFFFFE00, s11;
	v61 =	vshll.u32 v7, $0x3;
	s0 =	sor.u32 s28, s12;
	s2 =	sshll.u32 s30, $0x2  }
0x475: {  	v7 =	vand.u32 $0x7A, v7;
	v8 =	vand.u32 $0x400, v61;
	s0 =	sshra.s32 s0, $0x2;
	s2 =	sor.u32 s2, s11;
	[tilespmem:v5+s31+$0x0] =	vst.idx.msk $0xffff, v4  }
0x476: {  	(v2sf) =	vpush v2, $0xD;
	s0 =	sadd.s32 $0x0, s0;
	s2 =	sshra.s32 s2, $0x2;
	v4 =	vor.u32 v7, v8;
	[tilespmem:v3+s31+$0x0] =	vst.idx.msk $0xffff, v6  }
0x477: {  	s14 =	spop (v2sf);
	s2 =	sadd.s32 $0x0, s2;
	v5 =	vadd.s32 v0, v4;
	v3 =	vld [tilespmem:s0+$0xF900]  }
0x478: {  	s15 =	sand.u32 $0x7F, s14;
	s19 =	sadd.s32 $0x10, s14;
	v4 =	vadd.s32 v1, v4;
	v6 =	vld [tilespmem:s2+$0xF900]  }
0x479: {  	s16 =	sshll.u32 s14, $0x2;
	s14 =	sand.u32 $0x7F, s19;
	s21 =	simm.s32 $0xB  }
0x47a: {  	s20 =	sand.u32 $0xFFFFFE00, s16;
	v7 =	vmov s21;
	s0 =	sshll.u32 s15, $0x2;
	s2 =	sshll.u32 s19, $0x2  }
0x47b: {  	s22 =	sshll.u32 s14, $0x2;
	v62 =	vshll.u32 v7, $0x3;
	s0 =	sor.u32 s0, s20;
	s2 =	sand.u32 $0xFFFFFE00, s2  }
0x47c: {  	(v2sf) =	vpush v2, $0xE;
	s0 =	sshra.s32 s0, $0x2;
	s2 =	sor.u32 s22, s2;
	[tilespmem:v5+s31+$0x0] =	vst.idx.msk $0xffff, v3;
	v3 =	vand.u32 $0x7B, v7;
	v5 =	vand.u32 $0x400, v62  }
0x47d: {  	s0 =	sadd.s32 $0x0, s0;
	s2 =	sshra.s32 s2, $0x2;
	[tilespmem:v4+s31+$0x0] =	vst.idx.msk $0xffff, v6;
	v3 =	vor.u32 v3, v5  }
0x47e: {  	s23 =	spop (v2sf);
	s2 =	sadd.s32 $0x0, s2;
	v4 =	vld [tilespmem:s0+$0xF980];
	v5 =	vadd.s32 v0, v3  }
0x47f: {  	s14 =	simm.s32 $0xC;
	s26 =	sshll.u32 s23, $0x2;
	v6 =	vld [tilespmem:s2+$0xF980];
	v3 =	vadd.s32 v1, v3  }
0x480: {  	s25 =	sand.u32 $0x7F, s23;
	s28 =	sadd.s32 $0x10, s23;
	s30 =	sand.u32 $0xFFFFFE00, s26  }
0x481: {  	s15 =	sand.u32 $0x7F, s28;
	v7 =	vmov s14;
	s0 =	sshll.u32 s25, $0x2;
	s2 =	sshll.u32 s28, $0x2  }
0x482: {  	s16 =	sshll.u32 s15, $0x2;
	v63 =	vshll.u32 v7, $0x3;
	s0 =	sor.u32 s0, s30;
	s2 =	sand.u32 $0xFFFFFE00, s2  }
0x483: {  	s0 =	sshra.s32 s0, $0x2;
	s2 =	sor.u32 s16, s2;
	[tilespmem:v5+s31+$0x0] =	vst.idx.msk $0xffff, v4;
	v4 =	vand.u32 $0x7C, v7;
	v5 =	vand.u32 $0x400, v63  }
0x484: {  	(v2sf) =	vpush v2, $0xF;
	s0 =	sadd.s32 $0x0, s0;
	s2 =	sshra.s32 s2, $0x2;
	[tilespmem:v3+s31+$0x0] =	vst.idx.msk $0xffff, v6;
	v2 =	vor.u32 v4, v5  }
0x485: {  	s19 =	spop (v2sf);
	s20 =	sadd.s32 $0x0, s2;
	v3 =	vld [tilespmem:s0+$0xFA00];
	v4 =	vadd.s32 v0, v2  }
0x486: {  	s26 =	simm.s32 $0xD;
	s22 =	sshll.u32 s19, $0x2;
	v5 =	vld [tilespmem:s20+$0xFA00];
	v2 =	vadd.s32 v1, v2  }
0x487: {  	s21 =	sand.u32 $0x7F, s19;
	s23 =	sadd.s32 $0x10, s19;
	s25 =	sand.u32 $0xFFFFFE00, s22  }
0x488: {  	s28 =	sshll.u32 s23, $0x2;
	s2 =	sshll.u32 s21, $0x2;
	v6 =	vmov s26;
	s0 =	sand.u32 $0x7F, s23  }
0x489: {  	s30 =	sand.u32 $0xFFFFFE00, s28;
	s2 =	sor.u32 s2, s25;
	v7 =	vshll.u32 v6, $0x3;
	s0 =	sshll.u32 s0, $0x2  }
0x48a: {  	s2 =	sshra.s32 s2, $0x2;
	s0 =	sor.u32 s0, s30;
	[tilespmem:v4+s31+$0x0] =	vst.idx.msk $0xffff, v3;
	v3 =	vand.u32 $0x7D, v6;
	v4 =	vand.u32 $0x400, v7  }
0x48b: {  	s12 =	spop (v2sf);
	s2 =	sadd.s32 $0x0, s2;
	s0 =	sshra.s32 s0, $0x2;
	[tilespmem:v2+s31+$0x0] =	vst.idx.msk $0xffff, v5;
	v2 =	vor.u32 v3, v4  }
0x48c: {  	s15 =	sshll.u32 s12, $0x2;
	s0 =	sadd.s32 $0x0, s0;
	v3 =	vld [tilespmem:s2+$0xFA80];
	v4 =	vadd.s32 v0, v2  }
0x48d: {  	s19 =	sand.u32 $0xFFFFFE00, s15;
	v5 =	vld [tilespmem:s0+$0xFA80];
	v2 =	vadd.s32 v1, v2  }
0x48e: {  	s14 =	sand.u32 $0x7F, s12;
	s16 =	sadd.s32 $0x10, s12;
	s20 =	simm.s32 $0xE  }
0x48f: {  	s21 =	sand.u32 $0x7F, s16;
	v6 =	vmov s20;
	s2 =	sshll.u32 s14, $0x2;
	s0 =	sshll.u32 s16, $0x2  }
0x490: {  	s22 =	sshll.u32 s21, $0x2;
	v7 =	vshll.u32 v6, $0x3;
	s2 =	sor.u32 s2, s19;
	s0 =	sand.u32 $0xFFFFFE00, s0  }
0x491: {  	s2 =	sshra.s32 s2, $0x2;
	s0 =	sor.u32 s22, s0;
	[tilespmem:v4+s31+$0x0] =	vst.idx.msk $0xffff, v3;
	v3 =	vand.u32 $0x7E, v6;
	v4 =	vand.u32 $0x400, v7  }
0x492: {  	s2 =	sadd.s32 $0x0, s2;
	s0 =	sshra.s32 s0, $0x2;
	[tilespmem:v2+s31+$0x0] =	vst.idx.msk $0xffff, v5;
	v2 =	vor.u32 v3, v4  }
0x493: {  	s23 =	spop (v2sf);
	s0 =	sadd.s32 $0x0, s0;
	v3 =	vld [tilespmem:s2+$0xFB00];
	v4 =	vadd.s32 v0, v2  }
0x494: {  	s25 =	sand.u32 $0x7F, s23;
	s26 =	sshll.u32 s23, $0x2;
	v5 =	vld [tilespmem:s0+$0xFB00];
	v2 =	vadd.s32 v1, v2  }
0x495: {  	s11 =	sadd.s32 $0x10, s23;
	s12 =	sshll.u32 s25, $0x2;
	s2 =	simm.s32 $0xF  }
0x496: {  	s28 =	sand.u32 $0x7F, s11;
	s11 =	sshll.u32 s11, $0x2;
	s0 =	sand.u32 $0xFFFFFE00, s26;
	v6 =	vmov s2  }
0x497: {  	s11 =	sand.u32 $0xFFFFFE00, s11;
	s30 =	sshll.u32 s28, $0x2;
	s0 =	sor.u32 s12, s0;
	v7 =	vshll.u32 v6, $0x3  }
0x498: {  	s11 =	sor.u32 s30, s11;
	s0 =	sshra.s32 s0, $0x2;
	[tilespmem:v4+s31+$0x0] =	vst.idx.msk $0xffff, v3;
	v3 =	vand.u32 $0x7F, v6;
	v4 =	vand.u32 $0x400, v7  }
0x499: {  	s11 =	sshra.s32 s11, $0x2;
	s0 =	sadd.s32 $0x0, s0;
	[tilespmem:v2+s31+$0x0] =	vst.idx.msk $0xffff, v5;
	v5 =	vor.u32 v3, v4  }
0x49a: {  	s11 =	sadd.s32 $0x0, s11;
	v2 =	vld [tilespmem:s0+$0xFB80];
	v4 =	vadd.s32 v0, v5  }
0x49b: {  	s12 =	simm.s32 $0x2000;
	v3 =	vld [tilespmem:s11+$0xFB80];
	v5 =	vadd.s32 v1, v5  }
.LBB2_10:
0x49c: {  	_ =	sdelay $0x2  }
0x49d: {  	p0 =	sne.s32 s12, $0x1E000;
	s2 =	sadd.s32 $0x10, s2;
	s5 =	sadd.s32 $0x10, s5;
	[tilespmem:v4+s31+$0x0] =	vst.idx.msk $0xffff, v2  }
0x49e: {  	s0 =	smov.u32 s12;
	s12 =	sadd.s32 $0x2000, s12;
	[tilespmem:v5+s31+$0x0] =	vst.idx.msk $0xffff, v3  }
0x49f: {  	v2 =	vld [tilespmem:s5+$0x0];
	_ =	sdelay $0x4  }
0x4a0: {  	(v2sf) =	vpush v2, $0x0;
	_ =	sdelay $0x3  }
0x4a1: {  	(v2sf) =	vpush v2, $0x1;
	_ =	sdelay $0x5  }
0x4a2: {  	(v2sf) =	vpush v2, $0x2;
	_ =	sdelay $0x1  }
0x4a3: {  	s11 =	sadd.s32 $0xFFFFFFF9, s2;
	s14 =	sadd.s32 $0xFFFFFFFA, s2;
	s15 =	sadd.s32 $0xFFFFFFFB, s2  }
0x4a4: {  	s16 =	sadd.s32 $0xFFFFFFF6, s2;
	s19 =	sadd.s32 $0xFFFFFFF7, s2;
	s20 =	sadd.s32 $0xFFFFFFF8, s2;
	v6 =	vmov s14;
	v5 =	vmov s11;
	v3 =	vmov s15  }
0x4a5: {  	s14 =	sadd.s32 $0xFFFFFFF4, s2;
	v7 =	vmov s16;
	v11 =	vmov s19;
	v4 =	vand.u32 $0x79, v6;
	s11 =	sadd.s32 $0xFFFFFFF2, s2;
	s15 =	sadd.s32 $0xFFFFFFF5, s2  }
0x4a6: {  	s19 =	sadd.s32 $0xFFFFFFF1, s2;
	s16 =	sshra.s32 s0, $0x2;
	v12 =	vmov s20;
	v8 =	vmov s11;
	s0 =	spop (v2sf);
	(v2sf) =	vpush v2, $0x3  }
0x4a7: {  	v9 =	vmov s19;
	v13 =	vand.u32 $0x78, v5;
	v10 =	vshll.u32 v8, $0x3;
	s11 =	sand.u32 $0x7F, s0;
	s19 =	sshll.u32 s0, $0x2;
	s0 =	sadd.s32 $0x10, s0  }
0x4a8: {  	v14 =	vshll.u32 v9, $0x3;
	v15 =	vand.u32 $0x400, v10;
	v10 =	vmov s14;
	s19 =	sand.u32 $0xFFFFFE00, s19;
	s11 =	sshll.u32 s11, $0x2;
	s20 =	sand.u32 $0x7F, s0  }
0x4a9: {  	v9 =	vand.u32 $0x70, v9;
	v14 =	vand.u32 $0x400, v14;
	v16 =	vand.u32 $0x73, v10;
	s0 =	sshll.u32 s0, $0x2;
	s11 =	sor.u32 s11, s19;
	s14 =	sshll.u32 s20, $0x2  }
0x4aa: {  	v18 =	vshll.u32 v6, $0x3;
	v14 =	vor.u32 v9, v14;
	v17 =	vand.u32 $0x71, v8;
	s0 =	sand.u32 $0xFFFFFE00, s0;
	s11 =	sshra.s32 s11, $0x2;
	s19 =	spop (v2sf)  }
0x4ab: {  	v6 =	vmov s15;
	v8 =	vand.u32 $0x75, v7;
	v7 =	vshll.u32 v7, $0x3;
	s0 =	sor.u32 s14, s0;
	s11 =	sadd.s32 s16, s11;
	s14 =	sand.u32 $0x7F, s19  }
0x4ac: {  	v20 =	vand.u32 $0x74, v6;
	v6 =	vshll.u32 v6, $0x3;
	s0 =	sshra.s32 s0, $0x2;
	s15 =	sadd.s32 $0x10, s19;
	v19 =	vld [tilespmem:s11+$0xF400];
	s11 =	sshll.u32 s19, $0x2;
	(v2sf) =	vpush v2, $0x4  }
0x4ad: {  	v21 =	vadd.s32 v0, v14;
	v6 =	vand.u32 $0x400, v6;
	v9 =	vand.u32 $0x400, v7;
	s0 =	sadd.s32 s16, s0;
	s14 =	sshll.u32 s14, $0x2;
	s11 =	sand.u32 $0xFFFFFE00, s11  }
0x4ae: {  	v14 =	vadd.s32 v1, v14;
	v23 =	vshll.u32 v10, $0x3;
	v10 =	vor.u32 v20, v6;
	v22 =	vld [tilespmem:s0+$0xF400];
	s0 =	sor.u32 s14, s11;
	s11 =	sand.u32 $0x7F, s15;
	s14 =	sshll.u32 s15, $0x2  }
0x4af: {  	v6 =	vshll.u32 v11, $0x3;
	v20 =	vand.u32 $0x77, v12;
	v12 =	vshll.u32 v12, $0x3;
	s0 =	sshra.s32 s0, $0x2;
	s14 =	sand.u32 $0xFFFFFE00, s14;
	s11 =	sshll.u32 s11, $0x2  }
0x4b0: {  	v7 =	vand.u32 $0x76, v11;
	v6 =	vand.u32 $0x400, v6;
	s11 =	sor.u32 s11, s14;
	s14 =	sadd.s32 $0xFFFFFFF3, s2;
	s15 =	spop (v2sf);
	(v2sf) =	vpush v2, $0x5  }
0x4b1: {  	v7 =	vor.u32 v7, v6;
	v6 =	vand.u32 $0x400, v12;
	s11 =	sshra.s32 s11, $0x2;
	v11 =	vmov s14;
	s14 =	sand.u32 $0x7F, s15;
	s19 =	sshll.u32 s15, $0x2  }
0x4b2: {  	v5 =	vshll.u32 v5, $0x3;
	v6 =	vor.u32 v20, v6;
	s15 =	sadd.s32 $0x10, s15;
	[tilespmem:v21+s31+$0x0] =	vst.idx.msk $0xffff, v19;
	s19 =	sand.u32 $0xFFFFFE00, s19;
	s14 =	sshll.u32 s14, $0x2;
	v12 =	vshll.u32 v11, $0x3  }
0x4b3: {  	s0 =	sadd.s32 s16, s0;
	s20 =	sand.u32 $0x7F, s15;
	s15 =	sshll.u32 s15, $0x2;
	v11 =	vand.u32 $0x72, v11;
	[tilespmem:v14+s31+$0x0] =	vst.idx.msk $0xffff, v22;
	v14 =	vor.u32 v17, v15;
	v12 =	vand.u32 $0x400, v12  }
0x4b4: {  	v5 =	vand.u32 $0x400, v5;
	v15 =	vld [tilespmem:s0+$0xF480];
	s0 =	sadd.s32 s16, s11;
	v17 =	vadd.s32 v0, v14;
	s11 =	sand.u32 $0xFFFFFE00, s15;
	s15 =	sshll.u32 s20, $0x2;
	v11 =	vor.u32 v11, v12  }
0x4b5: {  	v5 =	vor.u32 v13, v5;
	v19 =	vand.u32 $0x400, v23;
	v14 =	vadd.s32 v1, v14;
	v12 =	vld [tilespmem:s0+$0xF480];
	s0 =	sor.u32 s14, s19;
	s11 =	sor.u32 s15, s11;
	s14 =	spop (v2sf)  }
0x4b6: {  	v13 =	vor.u32 v16, v19;
	v16 =	vand.u32 $0x400, v18;
	s0 =	sshra.s32 s0, $0x2;
	s11 =	sshra.s32 s11, $0x2;
	s15 =	sand.u32 $0x7F, s14;
	(v2sf) =	vpush v2, $0x6  }
0x4b7: {  	v4 =	vor.u32 v4, v16;
	v16 =	vshll.u32 v3, $0x3;
	s19 =	sshll.u32 s14, $0x2;
	s14 =	sadd.s32 $0x10, s14;
	s15 =	sshll.u32 s15, $0x2  }
0x4b8: {  	v3 =	vand.u32 $0x7A, v3;
	v16 =	vand.u32 $0x400, v16;
	s19 =	sand.u32 $0xFFFFFE00, s19;
	s20 =	sand.u32 $0x7F, s14;
	s14 =	sshll.u32 s14, $0x2  }
0x4b9: {  	v3 =	vor.u32 v3, v16;
	s15 =	sor.u32 s15, s19;
	s14 =	sand.u32 $0xFFFFFE00, s14;
	s19 =	sshll.u32 s20, $0x2;
	[tilespmem:v17+s31+$0x0] =	vst.idx.msk $0xffff, v15  }
0x4ba: {  	s0 =	sadd.s32 s16, s0;
	s15 =	sshra.s32 s15, $0x2;
	s14 =	sor.u32 s19, s14;
	[tilespmem:v14+s31+$0x0] =	vst.idx.msk $0xffff, v12  }
0x4bb: {  	v14 =	vadd.s32 v0, v11;
	v12 =	vld [tilespmem:s0+$0xF500];
	s0 =	sadd.s32 s16, s11;
	s11 =	sshra.s32 s14, $0x2;
	s14 =	spop (v2sf);
	(v2sf) =	vpush v2, $0x7  }
0x4bc: {  	v11 =	vadd.s32 v1, v11;
	v15 =	vld [tilespmem:s0+$0xF500];
	s0 =	sand.u32 $0x7F, s14;
	s19 =	sshll.u32 s14, $0x2;
	s14 =	sadd.s32 $0x10, s14  }
0x4bd: {  	s19 =	sand.u32 $0xFFFFFE00, s19;
	s0 =	sshll.u32 s0, $0x2;
	s20 =	sand.u32 $0x7F, s14  }
0x4be: {  	s14 =	sshll.u32 s14, $0x2;
	s0 =	sor.u32 s0, s19;
	s19 =	sshll.u32 s20, $0x2  }
0x4bf: {  	s14 =	sand.u32 $0xFFFFFE00, s14;
	s0 =	sshra.s32 s0, $0x2;
	s20 =	spop (v2sf)  }
0x4c0: {  	s14 =	sor.u32 s19, s14;
	[tilespmem:v14+s31+$0x0] =	vst.idx.msk $0xffff, v12;
	s0 =	sadd.s32 s16, s0;
	s19 =	sadd.s32 $0x10, s20;
	(v2sf) =	vpush v2, $0x8  }
0x4c1: {  	s15 =	sadd.s32 s16, s15;
	s14 =	sshra.s32 s14, $0x2;
	s21 =	sand.u32 $0x7F, s20;
	[tilespmem:v11+s31+$0x0] =	vst.idx.msk $0xffff, v15  }
0x4c2: {  	s11 =	sadd.s32 s16, s11;
	v12 =	vadd.s32 v0, v13;
	s14 =	sadd.s32 s16, s14;
	v11 =	vld [tilespmem:s15+$0xF580];
	s15 =	sshll.u32 s20, $0x2  }
0x4c3: {  	v13 =	vadd.s32 v1, v13;
	s20 =	sshll.u32 s19, $0x2;
	v14 =	vld [tilespmem:s11+$0xF580];
	s11 =	sand.u32 $0xFFFFFE00, s15;
	s15 =	sshll.u32 s21, $0x2  }
0x4c4: {  	s11 =	sor.u32 s15, s11;
	s15 =	sand.u32 $0x7F, s19;
	s19 =	sand.u32 $0xFFFFFE00, s20  }
0x4c5: {  	s11 =	sshra.s32 s11, $0x2;
	s15 =	sshll.u32 s15, $0x2;
	s20 =	spop (v2sf);
	(v2sf) =	vpush v2, $0x9  }
0x4c6: {  	s11 =	sadd.s32 s16, s11;
	s15 =	sor.u32 s15, s19;
	s19 =	sand.u32 $0x7F, s20  }
0x4c7: {  	s21 =	sshll.u32 s20, $0x2;
	s20 =	sadd.s32 $0x10, s20;
	[tilespmem:v12+s31+$0x0] =	vst.idx.msk $0xffff, v11;
	s15 =	sshra.s32 s15, $0x2  }
0x4c8: {  	s21 =	sand.u32 $0xFFFFFE00, s21;
	s22 =	sand.u32 $0x7F, s20;
	[tilespmem:v13+s31+$0x0] =	vst.idx.msk $0xffff, v14;
	s15 =	sadd.s32 s16, s15  }
0x4c9: {  	v12 =	vadd.s32 v0, v10;
	v11 =	vld [tilespmem:s0+$0xF600];
	s0 =	sshll.u32 s19, $0x2;
	s19 =	sshll.u32 s20, $0x2;
	s20 =	sshll.u32 s22, $0x2  }
0x4ca: {  	v10 =	vadd.s32 v1, v10;
	v13 =	vld [tilespmem:s14+$0xF600];
	s0 =	sor.u32 s0, s21;
	s14 =	sand.u32 $0xFFFFFE00, s19;
	s19 =	spop (v2sf)  }
0x4cb: {  	s0 =	sshra.s32 s0, $0x2;
	s14 =	sor.u32 s20, s14;
	s20 =	sand.u32 $0x7F, s19  }
0x4cc: {  	s21 =	sshll.u32 s19, $0x2;
	s19 =	sadd.s32 $0x10, s19;
	s0 =	sadd.s32 s16, s0;
	(v2sf) =	vpush v2, $0xA  }
0x4cd: {  	s21 =	sand.u32 $0xFFFFFE00, s21;
	s20 =	sshll.u32 s20, $0x2;
	s22 =	sand.u32 $0x7F, s19  }
0x4ce: {  	s19 =	sshll.u32 s19, $0x2;
	s20 =	sor.u32 s20, s21;
	s21 =	sshll.u32 s22, $0x2;
	[tilespmem:v12+s31+$0x0] =	vst.idx.msk $0xffff, v11  }
0x4cf: {  	v8 =	vor.u32 v8, v9;
	s22 =	sand.u32 $0xFFFFFE00, s19;
	s20 =	sshra.s32 s20, $0x2;
	[tilespmem:v10+s31+$0x0] =	vst.idx.msk $0xffff, v13;
	s23 =	spop (v2sf)  }
0x4d0: {  	v10 =	vadd.s32 v0, v8;
	s19 =	sadd.s32 s16, s20;
	v9 =	vld [tilespmem:s11+$0xF680];
	s11 =	sor.u32 s21, s22;
	s20 =	sand.u32 $0x7F, s23  }
0x4d1: {  	v8 =	vadd.s32 v1, v8;
	s22 =	sadd.s32 $0x10, s23;
	v11 =	vld [tilespmem:s15+$0xF680];
	s11 =	sshra.s32 s11, $0x2;
	s15 =	sshll.u32 s23, $0x2;
	(v2sf) =	vpush v2, $0xB  }
0x4d2: {  	s21 =	sadd.s32 s16, s11;
	s11 =	sand.u32 $0xFFFFFE00, s15;
	s15 =	sand.u32 $0x7F, s22  }
0x4d3: {  	s20 =	sshll.u32 s20, $0x2;
	s22 =	sshll.u32 s22, $0x2;
	s15 =	sshll.u32 s15, $0x2  }
0x4d4: {  	s11 =	sor.u32 s20, s11;
	s20 =	sand.u32 $0xFFFFFE00, s22;
	s22 =	spop (v2sf)  }
0x4d5: {  	s11 =	sshra.s32 s11, $0x2;
	s15 =	sor.u32 s15, s20;
	[tilespmem:v10+s31+$0x0] =	vst.idx.msk $0xffff, v9;
	s20 =	sand.u32 $0x7F, s22  }
0x4d6: {  	s14 =	sshra.s32 s14, $0x2;
	s11 =	sadd.s32 s16, s11;
	s15 =	sshra.s32 s15, $0x2;
	[tilespmem:v8+s31+$0x0] =	vst.idx.msk $0xffff, v11;
	(v2sf) =	vpush v2, $0xC  }
0x4d7: {  	v9 =	vadd.s32 v0, v7;
	v8 =	vld [tilespmem:s0+$0xF700];
	s0 =	sadd.s32 s16, s14;
	s14 =	sadd.s32 s16, s15;
	s15 =	sshll.u32 s22, $0x2  }
0x4d8: {  	v7 =	vadd.s32 v1, v7;
	v10 =	vld [tilespmem:s0+$0xF700];
	s0 =	sand.u32 $0xFFFFFE00, s15;
	s15 =	sshll.u32 s20, $0x2;
	s20 =	sadd.s32 $0x10, s22  }
0x4d9: {  	s0 =	sor.u32 s15, s0;
	s15 =	sand.u32 $0x7F, s20;
	s20 =	sshll.u32 s20, $0x2  }
0x4da: {  	s0 =	sshra.s32 s0, $0x2;
	s20 =	sand.u32 $0xFFFFFE00, s20;
	s22 =	sshll.u32 s15, $0x2  }
0x4db: {  	s15 =	sadd.s32 s16, s0;
	s0 =	sor.u32 s22, s20;
	s22 =	spop (v2sf);
	(v2sf) =	vpush v2, $0xD  }
0x4dc: {  	[tilespmem:v9+s31+$0x0] =	vst.idx.msk $0xffff, v8;
	s0 =	sshra.s32 s0, $0x2;
	s23 =	sand.u32 $0x7F, s22;
	s25 =	sshll.u32 s22, $0x2  }
0x4dd: {  	s22 =	sadd.s32 $0x10, s22;
	[tilespmem:v7+s31+$0x0] =	vst.idx.msk $0xffff, v10;
	s20 =	sadd.s32 s16, s0;
	s0 =	sand.u32 $0xFFFFFE00, s25  }
0x4de: {  	v8 =	vadd.s32 v0, v6;
	v7 =	vld [tilespmem:s19+$0xF780];
	s19 =	sshll.u32 s23, $0x2;
	s23 =	sand.u32 $0x7F, s22;
	s22 =	sshll.u32 s22, $0x2  }
0x4df: {  	v6 =	vadd.s32 v1, v6;
	v9 =	vld [tilespmem:s21+$0xF780];
	s0 =	sor.u32 s19, s0;
	s19 =	sand.u32 $0xFFFFFE00, s22;
	s21 =	sshll.u32 s23, $0x2  }
0x4e0: {  	s0 =	sshra.s32 s0, $0x2;
	s19 =	sor.u32 s21, s19;
	s23 =	spop (v2sf);
	(v2sf) =	vpush v2, $0xE  }
0x4e1: {  	s22 =	sadd.s32 s16, s0;
	s0 =	sshra.s32 s19, $0x2;
	s19 =	sand.u32 $0x7F, s23  }
0x4e2: {  	s21 =	sadd.s32 s16, s0;
	s0 =	sshll.u32 s23, $0x2;
	s23 =	sadd.s32 $0x10, s23  }
0x4e3: {  	s19 =	sshll.u32 s19, $0x2;
	[tilespmem:v8+s31+$0x0] =	vst.idx.msk $0xffff, v7;
	s0 =	sand.u32 $0xFFFFFE00, s0;
	s25 =	sand.u32 $0x7F, s23  }
0x4e4: {  	[tilespmem:v6+s31+$0x0] =	vst.idx.msk $0xffff, v9;
	s0 =	sor.u32 s19, s0;
	s19 =	sshll.u32 s23, $0x2;
	s23 =	sshll.u32 s25, $0x2  }
0x4e5: {  	v7 =	vadd.s32 v0, v5;
	v6 =	vld [tilespmem:s11+$0xF800];
	s0 =	sshra.s32 s0, $0x2;
	s19 =	sand.u32 $0xFFFFFE00, s19;
	s25 =	spop (v2sf);
	(v2sf) =	vpush v2, $0xF  }
0x4e6: {  	v5 =	vadd.s32 v1, v5;
	v2 =	vld [tilespmem:s14+$0xF800];
	s11 =	sadd.s32 s16, s0;
	s0 =	sor.u32 s23, s19;
	s14 =	sand.u32 $0x7F, s25  }
0x4e7: {  	s23 =	sshll.u32 s25, $0x2;
	s25 =	sadd.s32 $0x10, s25;
	s0 =	sshra.s32 s0, $0x2  }
0x4e8: {  	s19 =	sadd.s32 s16, s0;
	s0 =	sand.u32 $0xFFFFFE00, s23;
	s23 =	sand.u32 $0x7F, s25  }
0x4e9: {  	s14 =	sshll.u32 s14, $0x2;
	s25 =	sshll.u32 s25, $0x2;
	s23 =	sshll.u32 s23, $0x2  }
0x4ea: {  	s0 =	sor.u32 s14, s0;
	s14 =	sand.u32 $0xFFFFFE00, s25;
	[tilespmem:v7+s31+$0x0] =	vst.idx.msk $0xffff, v6;
	s25 =	spop (v2sf)  }
0x4eb: {  	s0 =	sshra.s32 s0, $0x2;
	s14 =	sor.u32 s23, s14;
	[tilespmem:v5+s31+$0x0] =	vst.idx.msk $0xffff, v2;
	s26 =	sand.u32 $0x7F, s25  }
0x4ec: {  	v5 =	vadd.s32 v0, v4;
	s23 =	sadd.s32 s16, s0;
	s0 =	sshll.u32 s25, $0x2;
	v2 =	vld [tilespmem:s15+$0xF880];
	s15 =	sadd.s32 $0x10, s25  }
0x4ed: {  	v4 =	vadd.s32 v1, v4;
	s0 =	sand.u32 $0xFFFFFE00, s0;
	v6 =	vld [tilespmem:s20+$0xF880];
	s20 =	sshll.u32 s26, $0x2;
	s25 =	sshll.u32 s15, $0x2  }
0x4ee: {  	s15 =	sand.u32 $0x7F, s15;
	s0 =	sor.u32 s20, s0;
	s20 =	sand.u32 $0xFFFFFE00, s25  }
0x4ef: {  	s25 =	sshll.u32 s15, $0x2;
	s0 =	sshra.s32 s0, $0x2;
	s26 =	spop (v2sf)  }
0x4f0: {  	s15 =	sadd.s32 s16, s0;
	s0 =	sor.u32 s25, s20;
	s25 =	sand.u32 $0x7F, s26  }
0x4f1: {  	s28 =	sshll.u32 s26, $0x2;
	s26 =	sadd.s32 $0x10, s26;
	[tilespmem:v5+s31+$0x0] =	vst.idx.msk $0xffff, v2;
	s0 =	sshra.s32 s0, $0x2  }
0x4f2: {  	[tilespmem:v4+s31+$0x0] =	vst.idx.msk $0xffff, v6;
	s20 =	sadd.s32 s16, s0;
	s0 =	sand.u32 $0xFFFFFE00, s28;
	s28 =	sand.u32 $0x7F, s26  }
0x4f3: {  	v4 =	vadd.s32 v0, v3;
	v2 =	vld [tilespmem:s22+$0xF900];
	s22 =	sshll.u32 s25, $0x2;
	s25 =	sshll.u32 s26, $0x2;
	s26 =	sshll.u32 s28, $0x2  }
0x4f4: {  	v3 =	vadd.s32 v1, v3;
	v5 =	vld [tilespmem:s21+$0xF900];
	s0 =	sor.u32 s22, s0;
	s21 =	sand.u32 $0xFFFFFE00, s25;
	s25 =	spop (v2sf)  }
0x4f5: {  	s22 =	sadd.s32 $0xFFFFFFFC, s2;
	s0 =	sshra.s32 s0, $0x2;
	s26 =	sor.u32 s26, s21  }
0x4f6: {  	v6 =	vmov s22;
	s21 =	sadd.s32 s16, s0;
	s0 =	sshra.s32 s26, $0x2;
	s26 =	sand.u32 $0x7F, s25  }
0x4f7: {  	v7 =	vshll.u32 v6, $0x3;
	s22 =	sadd.s32 s16, s0;
	s0 =	sshll.u32 s25, $0x2;
	s26 =	sshll.u32 s26, $0x2  }
0x4f8: {  	s25 =	sadd.s32 $0x10, s25;
	[tilespmem:v4+s31+$0x0] =	vst.idx.msk $0xffff, v2;
	v2 =	vand.u32 $0x7B, v6;
	v4 =	vand.u32 $0x400, v7;
	s0 =	sand.u32 $0xFFFFFE00, s0  }
0x4f9: {  	[tilespmem:v3+s31+$0x0] =	vst.idx.msk $0xffff, v5;
	v2 =	vor.u32 v2, v4;
	s0 =	sor.u32 s26, s0;
	s26 =	sand.u32 $0x7F, s25;
	s25 =	sshll.u32 s25, $0x2  }
0x4fa: {  	v3 =	vld [tilespmem:s11+$0xF980];
	v4 =	vadd.s32 v0, v2;
	s0 =	sshra.s32 s0, $0x2;
	s25 =	sand.u32 $0xFFFFFE00, s25;
	s26 =	sshll.u32 s26, $0x2  }
0x4fb: {  	v2 =	vadd.s32 v1, v2;
	v5 =	vld [tilespmem:s19+$0xF980];
	s11 =	sadd.s32 s16, s0;
	s0 =	sor.u32 s26, s25  }
0x4fc: {  	s19 =	sadd.s32 $0xFFFFFFFD, s2;
	s0 =	sshra.s32 s0, $0x2  }
0x4fd: {  	v6 =	vmov s19;
	s19 =	sadd.s32 s16, s0  }
0x4fe: {  	v7 =	vshll.u32 v6, $0x3  }
0x4ff: {  	[tilespmem:v4+s31+$0x0] =	vst.idx.msk $0xffff, v3;
	v3 =	vand.u32 $0x7C, v6;
	v4 =	vand.u32 $0x400, v7  }
0x500: {  	s0 =	sshra.s32 s14, $0x2;
	[tilespmem:v2+s31+$0x0] =	vst.idx.msk $0xffff, v5;
	v2 =	vor.u32 v3, v4  }
0x501: {  	s0 =	sadd.s32 s16, s0;
	v3 =	vld [tilespmem:s23+$0xFA00];
	v4 =	vadd.s32 v0, v2  }
0x502: {  	v2 =	vadd.s32 v1, v2;
	v5 =	vld [tilespmem:s0+$0xFA00]  }
0x503: {  	s0 =	sadd.s32 $0xFFFFFFFE, s2  }
0x504: {  	v6 =	vmov s0  }
0x505: {  	v7 =	vshll.u32 v6, $0x3  }
0x506: {  	[tilespmem:v4+s31+$0x0] =	vst.idx.msk $0xffff, v3;
	v3 =	vand.u32 $0x7D, v6;
	v4 =	vand.u32 $0x400, v7  }
0x507: {  	[tilespmem:v2+s31+$0x0] =	vst.idx.msk $0xffff, v5;
	v2 =	vor.u32 v3, v4  }
0x508: {  	v3 =	vld [tilespmem:s15+$0xFA80];
	v4 =	vadd.s32 v0, v2  }
0x509: {  	v2 =	vadd.s32 v1, v2;
	v5 =	vld [tilespmem:s20+$0xFA80]  }
0x50a: {  	s0 =	sadd.s32 $0xFFFFFFFF, s2  }
0x50b: {  	v6 =	vmov s0  }
0x50c: {  	v7 =	vshll.u32 v6, $0x3  }
0x50d: {  	[tilespmem:v4+s31+$0x0] =	vst.idx.msk $0xffff, v3;
	v3 =	vand.u32 $0x7E, v6;
	v4 =	vand.u32 $0x400, v7  }
0x50e: {  	[tilespmem:v2+s31+$0x0] =	vst.idx.msk $0xffff, v5;
	v2 =	vor.u32 v3, v4  }
0x50f: {  	v3 =	vld [tilespmem:s21+$0xFB00];
	v4 =	vadd.s32 v0, v2  }
0x510: {  	v2 =	vadd.s32 v1, v2;
	v5 =	vld [tilespmem:s22+$0xFB00];
	_ =	sdelay $0x1  }
0x511: {  	v6 =	vmov s2  }
.Ltmp4:
0x512: {  	v7 =	vshll.u32 v6, $0x3;
	(pc) =	sbr.rel @p0 .LBB2_10-.Ltmp4, $4  }
0x513: {  	[tilespmem:v4+s31+$0x0] =	vst.idx.msk $0xffff, v3;
	v3 =	vand.u32 $0x7F, v6;
	v4 =	vand.u32 $0x400, v7  }
0x514: {  	[tilespmem:v2+s31+$0x0] =	vst.idx.msk $0xffff, v5;
	v5 =	vor.u32 v3, v4  }
0x515: {  	v2 =	vld [tilespmem:s11+$0xFB80];
	v4 =	vadd.s32 v0, v5  }
0x516: {  	v5 =	vadd.s32 v1, v5;
	v3 =	vld [tilespmem:s19+$0xFB80]  }
0x517: {  	_ =	sdelay $0x3  }
0x518: {  	[tilespmem:v4+s31+$0x0] =	vst.idx.msk $0xffff, v2  }
0x519: {  	s2 =	rddreg [dreg:$0xd];
	[tilespmem:v5+s31+$0x0] =	vst.idx.msk $0xffff, v3  }
0x51a: {  	[hbm4b:s2+s3] =	stream.linear.scatter [tilespmem:s31], [sflag:$0x5], $0x800, $0x38;
	[tilespmem:$0x1D400] =	vst v63  }
0x51b: {  	s0 =	sadd.s32 $0x4000, s2  }
0x51c: {  	[hbm4b:s0+s3] =	stream.linear.scatter [tilespmem:s29], [sflag:$0x5], $0x800, $0x38;
	[tilespmem:$0x1D400] =	vst v63  }
0x51d: {  	s25 =	sadd.s32 $0x8000, s2  }
0x51e: {  	[hbm4b:s25+s3] =	stream.linear.scatter [tilespmem:s1], [sflag:$0x5], $0x800, $0x38;
	[tilespmem:$0x1D400] =	vst v63  }
0x51f: {  	s26 =	sadd.s32 $0xC000, s2  }
0x520: {  	[hbm4b:s26+s3] =	stream.linear.scatter [tilespmem:s17], [sflag:$0x5], $0x800, $0x38;
	[tilespmem:$0x1D400] =	vst v63  }
0x521: {  	_ =	swait.ge [sflag:s7], $0x2000  }
0x522: {  	[sflag:s7] =	ssyncset.done $0x0  }
0x523: {  	[sflag:s7] =	ssyncadd.s32 $0xFFFFE000  }
0x524: {  	_ =	swait.ge [sflag:s9], $0x2000  }
0x525: {  	s28 =	rddreg [dreg:$0x11]  }
0x526: {  	s30 =	rddreg [dreg:$0xe];
	s2 =	sadd.s32 $0x1, s28  }
0x527: {  	p0 =	sne.s32 s2, s30  }
.Ltmp5:
0x528: {  	_ = 	snop;
	(pc) =	sbr.rel @p0 .LBB2_1-.Ltmp5, $3  }
0x529: {  	_ =	sdelay $0x1  }
0x52a: {  	[sflag:s9] =	ssyncset.done $0x0  }
0x52b: {  	[sflag:s9] =	ssyncadd.s32 $0xFFFFE000  }
0x52c: {  	_ =	sfence.sel $0x180000  }
0x52d: {  	[bflag:$0x0] =	sbarrier.arrive $0xFFFF  }
0x52e: {  	_ =	strace $0x90000047  }
0x52f: {  	s0 =	stileid.u32;
	[bflag:$0x2] =	sbarrier.arrive $0xFFFF  }
0x530: {  	p0 =	sne.s32 s0, $0x0;
	s0 =	rddreg [dreg:$0x4]  }
0x531: {  	s0 =	sadd.s32 @!p0 $0x100000, s0  }
0x532: {  	[sflag:s0] =	ssyncadd.tile.s32 @!p0 $0x1;
	_ =	shalt  }
.Lfunc_end2:
_tile_overlayer_lowered:
.L_overlay_start_2:
0x533: {  	(tag) =	ssettag $0x2  }
0x534: {  	s0 =	rddreg [dreg:$0x0];
	s2 =	stileid.u32  }
0x535: {  	s1 =	rddreg [dreg:$0x1];
	p0 =	sne.s32 s2, $0x0  }
0x536: {  	s3 =	rddreg [dreg:$0x2];
	[bflag:$0x3] =	sbarrier.arrive $0xFFFF;
	s2 =	simm.s32 @!p0 $0x1C06  }
0x537: {  	[timem:s3], [sflag:s2] =	dma.local @!p0 [hbm:s0], s1  }
0x538: {  	s0 =	simm.s32 @!p0 $0x6  }
0x539: {  	_ =	swait.ge @!p0 [sflag:s0], s1  }
0x53a: {  	s1 =	ssub.s32 @!p0 $0x0, s1;
	[sflag:s0] =	ssyncset.done @!p0 $0x0  }
0x53b: {  	[sflag:s0] =	ssyncadd.s32 @!p0 s1  }
0x53c: {  	[bflag:$0x3] =	sbarrier.arrive $0xFFFF  }
0x53d: {  	_ =	shalt  }

</sc_bundles>
